<compile_context>
chip_gen: v7x
topology: tpu7x:2x2x1
jax: 0.10.2.dev20260603
libtpu: 0.0.44.dev20260713+nightly
codegen_flags: <defaults>
</compile_context>

<pallas_src>
import functools

import jax
import jax.numpy as jnp
from jax import lax
from jax.experimental import pallas as pl
from jax.experimental.pallas import tpu as pltpu
from jax.experimental.pallas import tpu_sc as plsc

N_ROWS = 100000
DIM = 256
G = 1024
NC = 2
NS = 16
L = 16
NW = NC * NS
GPW = G // NW
CH = 128
NCOL = DIM // L
BPAD = 48


def _sc_body(x_hbm, batch_hbm, mask_hbm, w_hbm, b_hbm, bounds_hbm, out_hbm,
             xbuf, bidx, midx, wbuf, bbuf, boundsbuf, accbuf,
             endbuf, dendbuf, flagbuf, accmem, denmem, sem0, sem1):
    cid = lax.axis_index("c")
    sid = lax.axis_index("s")
    wid = cid * NS + sid
    iot = lax.iota(jnp.int32, L)
    zero16 = jnp.zeros((L,), jnp.float32)
    one16 = jnp.ones((L,), jnp.float32)

    pltpu.sync_copy(w_hbm, wbuf)
    pltpu.sync_copy(b_hbm, bbuf)
    pltpu.sync_copy(bounds_hbm, boundsbuf)

    def _zflag(r, _):
        flagbuf[r, pl.ds(0, L)] = zero16
        return 0
    lax.fori_loop(0, GPW, _zflag, 0)
    for cc in range(NCOL):
        accmem[pl.ds(cc * L, L)] = zero16
    denmem[pl.ds(0, L)] = zero16

    def _scalar_at(ref, i):
        return plsc.load_gather(ref, [jnp.full((L,), i, jnp.int32)])[0]

    r_lo = _scalar_at(boundsbuf, wid)
    r_hi = _scalar_at(boundsbuf, wid + 1)
    start0 = (r_lo // CH) * CH
    nchp = jnp.maximum((r_hi - start0 + CH - 1) // CH, 0)

    wregs = [wbuf[pl.ds(cc * L, L)] for cc in range(NCOL)]
    b_s = bbuf[...][0]
    g_base = wid * GPW

    def _chunk_start(k):
        return jnp.minimum(start0 + k * CH, N_ROWS - CH)

    def _copies(k, bsl, sem):
        s = _chunk_start(k)
        return (pltpu.make_async_copy(x_hbm.at[pl.ds(s, CH)],
                                      xbuf.at[bsl], sem),
                pltpu.make_async_copy(batch_hbm.at[pl.ds(s, CH)],
                                      bidx.at[bsl], sem),
                pltpu.make_async_copy(mask_hbm.at[pl.ds(s, CH)],
                                      midx.at[bsl], sem))

    def _start(k, bsl, sem):
        for d in _copies(k, bsl, sem):
            d.start()

    def _wait(k, bsl, sem):
        for d in _copies(k, bsl, sem):
            d.wait()

    def _flush(cur_g):
        gl = jnp.clip(cur_g - g_base, 0, GPW - 1)

        def fbody(i, _):
            endbuf[gl, pl.ds(i * L, L)] = accmem[pl.ds(i * L, L)]
            return 0
        lax.fori_loop(0, NCOL, fbody, 0)
        dendbuf[gl, pl.ds(0, L)] = denmem[pl.ds(0, L)]
        flagbuf[gl, pl.ds(0, L)] = one16

    def _process(k, bsl, cur_g0):
        xb = xbuf.at[bsl]
        bb = bidx.at[bsl]
        mb = midx.at[bsl]
        s = _chunk_start(k)
        base = start0 + k * CH
        lo = jnp.maximum(r_lo, base)

        def group_body(rg, cur_g):
            r0 = rg * L
            bv = bb[pl.ds(r0, L)]
            mv = mb[pl.ds(r0, L)]
            gidv = (s + r0) + iot
            validv = (gidv >= lo) & (gidv < r_hi)
            selm = jnp.where(validv & (mv == 1), 1.0, 0.0)
            anysw = jnp.any((bv != cur_g) & validv)

            def arow(jj, zacc):
                ra = r0 + 2 * jj
                dv0 = zero16
                dv1 = zero16
                for cc in range(0, NCOL, 2):
                    dv0 = dv0 + (xb[ra, pl.ds(cc * L, L)] * wregs[cc]
                                 + xb[ra, pl.ds((cc + 1) * L, L)]
                                 * wregs[cc + 1])
                    dv1 = dv1 + (xb[ra + 1, pl.ds(cc * L, L)] * wregs[cc]
                                 + xb[ra + 1, pl.ds((cc + 1) * L, L)]
                                 * wregs[cc + 1])
                z0 = jnp.full((L,), jnp.sum(dv0), jnp.float32)
                z1 = jnp.full((L,), jnp.sum(dv1), jnp.float32)
                zacc = jnp.where(iot == 2 * jj, z0, zacc)
                return jnp.where(iot == 2 * jj + 1, z1, zacc)

            zacc = lax.fori_loop(0, L // 2, arow, zero16)
            u = jnp.exp(-(zacc + b_s))
            gate = 1.0 / (1.0 + u)
            evv = jnp.exp(gate) * selm

            def fast(cur_g):
                def frow(jj, accs):
                    ra = r0 + 4 * jj
                    ebs = [jnp.take(evv,
                                    jnp.full((L,), 4 * jj + q, jnp.int32))
                           for q in range(4)]
                    return tuple(
                        accs[cc]
                        + xb[ra, pl.ds(cc * L, L)] * ebs[0]
                        + xb[ra + 1, pl.ds(cc * L, L)] * ebs[1]
                        + xb[ra + 2, pl.ds(cc * L, L)] * ebs[2]
                        + xb[ra + 3, pl.ds(cc * L, L)] * ebs[3]
                        for cc in range(NCOL))

                accs = lax.fori_loop(0, 4, frow,
                                     tuple(zero16 for _ in range(NCOL)))
                for cc in range(NCOL):
                    accmem[pl.ds(cc * L, L)] = (accmem[pl.ds(cc * L, L)]
                                                + accs[cc])
                denmem[pl.ds(0, L)] = denmem[pl.ds(0, L)] + evv
                return cur_g

            def slow(cur_g):
                _flush(cur_g)

                def rbody(j, cg):
                    gid = s + r0 + j
                    valid = (gid >= lo) & (gid < r_hi)
                    jf = jnp.full((L,), j, jnp.int32)
                    b_r = jnp.take(bv, jf)[0]
                    slot = jnp.clip(b_r - g_base, 0, GPW - 1)
                    eb = jnp.take(evv, jf)
                    dnew = denmem[pl.ds(0, L)] + jnp.where(iot == j, eb,
                                                           zero16)
                    denmem[pl.ds(0, L)] = dnew
                    dendbuf[slot, pl.ds(0, L)] = dnew

                    def cbody(i, _):
                        anew = (accmem[pl.ds(i * L, L)]
                                + xb[r0 + j, pl.ds(i * L, L)] * eb)
                        accmem[pl.ds(i * L, L)] = anew
                        endbuf[slot, pl.ds(i * L, L)] = anew
                        return 0
                    lax.fori_loop(0, NCOL, cbody, 0)
                    flagbuf[slot, pl.ds(0, L)] = one16
                    return jnp.where(valid, b_r, cg)

                return lax.fori_loop(0, L, rbody, cur_g)

            return lax.cond(anysw, slow, fast, cur_g)

        return lax.fori_loop(0, CH // L, group_body, cur_g0)

    @pl.when(nchp > 0)
    def _():
        _start(0, 0, sem0)

    def chunk_body(k, cur_g):
        bsl = k % 2

        @pl.when((k + 1 < nchp) & (bsl == 0))
        def _():
            _start(k + 1, 1, sem1)

        @pl.when((k + 1 < nchp) & (bsl == 1))
        def _():
            _start(k + 1, 0, sem0)

        @pl.when(bsl == 0)
        def _():
            _wait(k, 0, sem0)

        @pl.when(bsl == 1)
        def _():
            _wait(k, 1, sem1)

        return _process(k, bsl, cur_g)

    cur_g = lax.fori_loop(0, nchp, chunk_body, jnp.int32(-1))

    @pl.when(cur_g >= 0)
    def _():
        _flush(cur_g)

    def post_body(slot, c2):
        prev_den = c2[0]
        prevs = c2[1:]
        fv = flagbuf[slot, pl.ds(0, L)] > 0.5
        den_eff = jnp.where(fv, dendbuf[slot, pl.ds(0, L)], prev_den)
        totv = jnp.full((L,), jnp.sum(den_eff - prev_den), jnp.float32)
        rec = 1.0 / jnp.where(totv > 0.0, totv, one16)
        new_prevs = []
        for cc in range(NCOL):
            ecur = jnp.where(fv, endbuf[slot, pl.ds(cc * L, L)], prevs[cc])
            accbuf[slot, pl.ds(cc * L, L)] = (ecur - prevs[cc]) * rec
            new_prevs.append(ecur)
        return (den_eff,) + tuple(new_prevs)

    lax.fori_loop(0, GPW, post_body,
                  (zero16,) + tuple(zero16 for _ in range(NCOL)))

    pltpu.sync_copy(accbuf, out_hbm.at[pl.ds(g_base, GPW)])


_sc_pool = functools.partial(
    pl.kernel,
    out_type=jax.ShapeDtypeStruct((G, DIM), jnp.float32),
    mesh=plsc.VectorSubcoreMesh(core_axis_name="c", subcore_axis_name="s"),
    scratch_types=[
        pltpu.VMEM((2, CH, DIM), jnp.float32),
        pltpu.VMEM((2, CH), jnp.int32),
        pltpu.VMEM((2, CH), jnp.int32),
        pltpu.VMEM((DIM,), jnp.float32),
        pltpu.VMEM((L,), jnp.float32),
        pltpu.VMEM((BPAD,), jnp.int32),
        pltpu.VMEM((GPW, DIM), jnp.float32),
        pltpu.VMEM((GPW, DIM), jnp.float32),
        pltpu.VMEM((GPW, L), jnp.float32),
        pltpu.VMEM((GPW, L), jnp.float32),
        pltpu.VMEM((DIM,), jnp.float32),
        pltpu.VMEM((L,), jnp.float32),
        pltpu.SemaphoreType.DMA,
        pltpu.SemaphoreType.DMA,
    ],
    compiler_params=pltpu.CompilerParams(needs_layout_passes=False),
)(_sc_body)


@jax.jit
def kernel(x, batch, repeat_unit_mask, gate_w, gate_b):
    batch = batch.astype(jnp.int32)
    w = gate_w.reshape(DIM).astype(jnp.float32)
    b = jnp.broadcast_to(gate_b.astype(jnp.float32), (L,))
    edges = jnp.arange(0, G + GPW, GPW, dtype=jnp.int32)
    bounds = jnp.searchsorted(batch, edges).astype(jnp.int32)
    bounds = jnp.pad(bounds, (0, BPAD - bounds.shape[0]))
    return _sc_pool(x, batch, repeat_unit_mask.astype(jnp.int32), w, b,
                    bounds)

# --- scband reference (transcript-rebuilt; emitter-appended) ---
"""Pipeline reference for scband-repeat-invariant-pooling-38568806318221 (READ-ONLY COPY).

The authoritative reference and input builder live on the scoring server;
editing this copy changes nothing except your own understanding.
"""

import jax, jax.numpy as jnp
import numpy as np

N = 100000
D = 256
NUM_GRAPHS = 1024

def setup_inputs(seed: int = 0) -> dict:
    key = jax.random.key(seed)
    k1, k2, k3, k4 = jax.random.split(key, 4)
    x = jax.random.normal(k1, (N, D), dtype=jnp.float32)
    batch = jnp.sort(jax.random.randint(k2, (N,), 0, NUM_GRAPHS))
    repeat_unit_mask = jax.random.randint(k3, (N,), 0, 3)
    # attention gate params: nn.Linear(hidden_dim=256, 1)
    gate_w = jax.random.normal(k4, (1, D), dtype=jnp.float32) * (1.0 / np.sqrt(D))
    gate_b = jnp.zeros((1,), dtype=jnp.float32)
    return {"x": x, "batch": batch, "repeat_unit_mask": repeat_unit_mask, "gate_w": gate_w, "gate_b": gate_b}

def reference(x, batch, repeat_unit_mask, gate_w, gate_b):
    G = NUM_GRAPHS
    mid = (repeat_unit_mask == 1)  # middle repeat-unit atoms
    midf = mid[:, None]
    # gate_scores = sigmoid(Linear(x_mid))  [N,1]
    gate = jax.nn.sigmoid(x @ gate_w.T + gate_b)
    # segment softmax over middle atoms within each graph (torch_geometric softmax)
    logits = jnp.where(midf, gate, -jnp.inf)
    seg_max = jax.ops.segment_max(logits, batch, num_segments=G)
    seg_max = jnp.where(jnp.isfinite(seg_max), seg_max, 0.0)
    shifted = jnp.where(midf, gate - seg_max[batch], 0.0)
    expv = jnp.where(midf, jnp.exp(shifted), 0.0)
    denom = jax.ops.segment_sum(expv, batch, num_segments=G)
    denom = jnp.where(denom > 0, denom, 1.0)
    attn = expv / denom[batch]  # zero for non-middle atoms
    # scatter-sum of gated middle-atom features -> graph embeddings [G, D]
    out = jax.ops.segment_sum(x * attn, batch, num_segments=G)
    return out

if __name__ == "__main__":
    import jax
    _d = setup_inputs()
    print(jax.jit(kernel)(*tuple(_d.values())))

</pallas_src>

<mosaic_0001>
#map = affine_map<(d0, d1) -> (0, 0)>
#map1 = affine_map<(d0, d1) -> (0)>
module attributes {stable_mosaic.version = 14 : i64} {
  func.func @_sc_body(%arg0: i32, %arg1: i32, %arg2: memref<100000x256xf32, #tpu.memory_space<hbm>>, %arg3: memref<100000xi32, #tpu.memory_space<hbm>>, %arg4: memref<100000xi32, #tpu.memory_space<hbm>>, %arg5: memref<256xf32, #tpu.memory_space<hbm>>, %arg6: memref<16xf32, #tpu.memory_space<hbm>>, %arg7: memref<48xi32, #tpu.memory_space<hbm>>, %arg8: memref<1024x256xf32, #tpu.memory_space<hbm>>, %arg9: memref<2x128x256xf32, #tpu.memory_space<vmem>>, %arg10: memref<2x128xi32, #tpu.memory_space<vmem>>, %arg11: memref<2x128xi32, #tpu.memory_space<vmem>>, %arg12: memref<256xf32, #tpu.memory_space<vmem>>, %arg13: memref<16xf32, #tpu.memory_space<vmem>>, %arg14: memref<48xi32, #tpu.memory_space<vmem>>, %arg15: memref<32x256xf32, #tpu.memory_space<vmem>>, %arg16: memref<32x256xf32, #tpu.memory_space<vmem>>, %arg17: memref<32x16xf32, #tpu.memory_space<vmem>>, %arg18: memref<32x16xf32, #tpu.memory_space<vmem>>, %arg19: memref<256xf32, #tpu.memory_space<vmem>>, %arg20: memref<16xf32, #tpu.memory_space<vmem>>, %arg21: memref<!tpu.dma_semaphore, #tpu.memory_space<semaphore_mem>>, %arg22: memref<!tpu.dma_semaphore, #tpu.memory_space<semaphore_mem>>) attributes {dimension_semantics = [#tpu.dimension_semantics<core_parallel>, #tpu.dimension_semantics<subcore_parallel>], iteration_bounds = array<i64: 2, 16>, scalar_prefetch = 0 : i64, scratch_operands = 14 : i64, tpu.core_type = #tpu.core_type<sc_vector_subcore>, window_params = [{transform_indices = #map}, {transform_indices = #map1}, {transform_indices = #map1}, {transform_indices = #map1}, {transform_indices = #map1}, {transform_indices = #map1}, {transform_indices = #map}]} {
    %mul3A = arith.constant 16 : i32
    %mul3A_0 = arith.muli %arg0, %mul3A : i32
    %add3A = arith.addi %mul3A_0, %arg1 : i32
    %iota3A = tpu.iota {dimensions = array<i32: 0>} : vector<16xi32>
    %broadcast_in_dim3A = arith.constant 0.000000e+00 : f32
    %broadcast_in_dim3A_1 = vector.broadcast %broadcast_in_dim3A : f32 to vector<16xf32>
    %broadcast_in_dim3A_2 = arith.constant 1.000000e+00 : f32
    %broadcast_in_dim3A_3 = vector.broadcast %broadcast_in_dim3A_2 : f32 to vector<16xf32>
    "tpu.region"() ({
      %run_scoped3A = tpu.sem_alloc : memref<!tpu.dma_semaphore, #tpu.memory_space<semaphore_mem>>
      tpu.enqueue_dma source(%arg5 : memref<256xf32, #tpu.memory_space<hbm>>) target(%arg12 : memref<256xf32, #tpu.memory_space<vmem>>) target_semaphore(%run_scoped3A : memref<!tpu.dma_semaphore, #tpu.memory_space<semaphore_mem>>)
      tpu.wait_dma2 semaphore(%run_scoped3A : memref<!tpu.dma_semaphore, #tpu.memory_space<semaphore_mem>>) src(%arg5 : memref<256xf32, #tpu.memory_space<hbm>>) dst(%arg12 : memref<256xf32, #tpu.memory_space<vmem>>)
      tpu.yield
    }) : () -> ()
    "tpu.region"() ({
      %run_scoped3A = tpu.sem_alloc : memref<!tpu.dma_semaphore, #tpu.memory_space<semaphore_mem>>
      tpu.enqueue_dma source(%arg6 : memref<16xf32, #tpu.memory_space<hbm>>) target(%arg13 : memref<16xf32, #tpu.memory_space<vmem>>) target_semaphore(%run_scoped3A : memref<!tpu.dma_semaphore, #tpu.memory_space<semaphore_mem>>)
      tpu.wait_dma2 semaphore(%run_scoped3A : memref<!tpu.dma_semaphore, #tpu.memory_space<semaphore_mem>>) src(%arg6 : memref<16xf32, #tpu.memory_space<hbm>>) dst(%arg13 : memref<16xf32, #tpu.memory_space<vmem>>)
      tpu.yield
    }) : () -> ()
    "tpu.region"() ({
      %run_scoped3A = tpu.sem_alloc : memref<!tpu.dma_semaphore, #tpu.memory_space<semaphore_mem>>
      tpu.enqueue_dma source(%arg7 : memref<48xi32, #tpu.memory_space<hbm>>) target(%arg14 : memref<48xi32, #tpu.memory_space<vmem>>) target_semaphore(%run_scoped3A : memref<!tpu.dma_semaphore, #tpu.memory_space<semaphore_mem>>)
      tpu.wait_dma2 semaphore(%run_scoped3A : memref<!tpu.dma_semaphore, #tpu.memory_space<semaphore_mem>>) src(%arg7 : memref<48xi32, #tpu.memory_space<hbm>>) dst(%arg14 : memref<48xi32, #tpu.memory_space<vmem>>)
      tpu.yield
    }) : () -> ()
    %scan3A = arith.constant 0 : i32
    %scan3A_4 = arith.constant 0 : i32
    %scan3A_5 = arith.constant 32 : i32
    %scan3A_6 = arith.addi %scan3A_4, %scan3A_5 : i32
    %scan3A_7 = arith.constant 1 : i32
    %scan3A_8 = scf.for %scan3A_158 = %scan3A_4 to %scan3A_6 step %scan3A_7 iter_args(%scan3A_159 = %scan3A) -> (i32)  : i32 {
      %swap3A_160 = arith.index_cast %scan3A_158 : i32 to index
      %swap3A_161 = arith.constant 0 : index
      %swap3A_162 = tpu.vector_load %arg18[%swap3A_160, %swap3A_161] {strides = array<i32>} : memref<32x16xf32, #tpu.memory_space<vmem>>, vector<16xf32>,
      tpu.vector_store %arg18[%swap3A_160, %swap3A_161], %broadcast_in_dim3A_1 {strides = array<i32>} : memref<32x16xf32, #tpu.memory_space<vmem>>, vector<16xf32>,
      %scan3A_163 = arith.constant 0 : i32
      scf.yield %scan3A_163 : i32
    }
    %scan3A_9 = arith.constant 32 : i32
    %swap3A = arith.constant 0 : index
    %swap3A_10 = tpu.vector_load %arg19[%swap3A] {strides = array<i32>} : memref<256xf32, #tpu.memory_space<vmem>>, vector<16xf32>,
    tpu.vector_store %arg19[%swap3A], %broadcast_in_dim3A_1 {strides = array<i32>} : memref<256xf32, #tpu.memory_space<vmem>>, vector<16xf32>,
    %swap3A_11 = arith.constant 16 : index
    %swap3A_12 = tpu.vector_load %arg19[%swap3A_11] {strides = array<i32>} : memref<256xf32, #tpu.memory_space<vmem>>, vector<16xf32>,
    tpu.vector_store %arg19[%swap3A_11], %broadcast_in_dim3A_1 {strides = array<i32>} : memref<256xf32, #tpu.memory_space<vmem>>, vector<16xf32>,
    %swap3A_13 = arith.constant 32 : index
    %swap3A_14 = tpu.vector_load %arg19[%swap3A_13] {strides = array<i32>} : memref<256xf32, #tpu.memory_space<vmem>>, vector<16xf32>,
    tpu.vector_store %arg19[%swap3A_13], %broadcast_in_dim3A_1 {strides = array<i32>} : memref<256xf32, #tpu.memory_space<vmem>>, vector<16xf32>,
    %swap3A_15 = arith.constant 48 : index
    %swap3A_16 = tpu.vector_load %arg19[%swap3A_15] {strides = array<i32>} : memref<256xf32, #tpu.memory_space<vmem>>, vector<16xf32>,
    tpu.vector_store %arg19[%swap3A_15], %broadcast_in_dim3A_1 {strides = array<i32>} : memref<256xf32, #tpu.memory_space<vmem>>, vector<16xf32>,
    %swap3A_17 = arith.constant 64 : index
    %swap3A_18 = tpu.vector_load %arg19[%swap3A_17] {strides = array<i32>} : memref<256xf32, #tpu.memory_space<vmem>>, vector<16xf32>,
    tpu.vector_store %arg19[%swap3A_17], %broadcast_in_dim3A_1 {strides = array<i32>} : memref<256xf32, #tpu.memory_space<vmem>>, vector<16xf32>,
    %swap3A_19 = arith.constant 80 : index
    %swap3A_20 = tpu.vector_load %arg19[%swap3A_19] {strides = array<i32>} : memref<256xf32, #tpu.memory_space<vmem>>, vector<16xf32>,
    tpu.vector_store %arg19[%swap3A_19], %broadcast_in_dim3A_1 {strides = array<i32>} : memref<256xf32, #tpu.memory_space<vmem>>, vector<16xf32>,
    %swap3A_21 = arith.constant 96 : index
    %swap3A_22 = tpu.vector_load %arg19[%swap3A_21] {strides = array<i32>} : memref<256xf32, #tpu.memory_space<vmem>>, vector<16xf32>,
    tpu.vector_store %arg19[%swap3A_21], %broadcast_in_dim3A_1 {strides = array<i32>} : memref<256xf32, #tpu.memory_space<vmem>>, vector<16xf32>,
    %swap3A_23 = arith.constant 112 : index
    %swap3A_24 = tpu.vector_load %arg19[%swap3A_23] {strides = array<i32>} : memref<256xf32, #tpu.memory_space<vmem>>, vector<16xf32>,
    tpu.vector_store %arg19[%swap3A_23], %broadcast_in_dim3A_1 {strides = array<i32>} : memref<256xf32, #tpu.memory_space<vmem>>, vector<16xf32>,
    %swap3A_25 = arith.constant 128 : index
    %swap3A_26 = tpu.vector_load %arg19[%swap3A_25] {strides = array<i32>} : memref<256xf32, #tpu.memory_space<vmem>>, vector<16xf32>,
    tpu.vector_store %arg19[%swap3A_25], %broadcast_in_dim3A_1 {strides = array<i32>} : memref<256xf32, #tpu.memory_space<vmem>>, vector<16xf32>,
    %swap3A_27 = arith.constant 144 : index
    %swap3A_28 = tpu.vector_load %arg19[%swap3A_27] {strides = array<i32>} : memref<256xf32, #tpu.memory_space<vmem>>, vector<16xf32>,
    tpu.vector_store %arg19[%swap3A_27], %broadcast_in_dim3A_1 {strides = array<i32>} : memref<256xf32, #tpu.memory_space<vmem>>, vector<16xf32>,
    %swap3A_29 = arith.constant 160 : index
    %swap3A_30 = tpu.vector_load %arg19[%swap3A_29] {strides = array<i32>} : memref<256xf32, #tpu.memory_space<vmem>>, vector<16xf32>,
    tpu.vector_store %arg19[%swap3A_29], %broadcast_in_dim3A_1 {strides = array<i32>} : memref<256xf32, #tpu.memory_space<vmem>>, vector<16xf32>,
    %swap3A_31 = arith.constant 176 : index
    %swap3A_32 = tpu.vector_load %arg19[%swap3A_31] {strides = array<i32>} : memref<256xf32, #tpu.memory_space<vmem>>, vector<16xf32>,
    tpu.vector_store %arg19[%swap3A_31], %broadcast_in_dim3A_1 {strides = array<i32>} : memref<256xf32, #tpu.memory_space<vmem>>, vector<16xf32>,
    %swap3A_33 = arith.constant 192 : index
    %swap3A_34 = tpu.vector_load %arg19[%swap3A_33] {strides = array<i32>} : memref<256xf32, #tpu.memory_space<vmem>>, vector<16xf32>,
    tpu.vector_store %arg19[%swap3A_33], %broadcast_in_dim3A_1 {strides = array<i32>} : memref<256xf32, #tpu.memory_space<vmem>>, vector<16xf32>,
    %swap3A_35 = arith.constant 208 : index
    %swap3A_36 = tpu.vector_load %arg19[%swap3A_35] {strides = array<i32>} : memref<256xf32, #tpu.memory_space<vmem>>, vector<16xf32>,
    tpu.vector_store %arg19[%swap3A_35], %broadcast_in_dim3A_1 {strides = array<i32>} : memref<256xf32, #tpu.memory_space<vmem>>, vector<16xf32>,
    %swap3A_37 = arith.constant 224 : index
    %swap3A_38 = tpu.vector_load %arg19[%swap3A_37] {strides = array<i32>} : memref<256xf32, #tpu.memory_space<vmem>>, vector<16xf32>,
    tpu.vector_store %arg19[%swap3A_37], %broadcast_in_dim3A_1 {strides = array<i32>} : memref<256xf32, #tpu.memory_space<vmem>>, vector<16xf32>,
    %swap3A_39 = arith.constant 240 : index
    %swap3A_40 = tpu.vector_load %arg19[%swap3A_39] {strides = array<i32>} : memref<256xf32, #tpu.memory_space<vmem>>, vector<16xf32>,
    tpu.vector_store %arg19[%swap3A_39], %broadcast_in_dim3A_1 {strides = array<i32>} : memref<256xf32, #tpu.memory_space<vmem>>, vector<16xf32>,
    %swap3A_41 = arith.constant 0 : index
    %swap3A_42 = tpu.vector_load %arg20[%swap3A_41] {strides = array<i32>} : memref<16xf32, #tpu.memory_space<vmem>>, vector<16xf32>,
    tpu.vector_store %arg20[%swap3A_41], %broadcast_in_dim3A_1 {strides = array<i32>} : memref<16xf32, #tpu.memory_space<vmem>>, vector<16xf32>,
    %broadcast_in_dim3A_43 = vector.broadcast %add3A : i32 to vector<16xi32>
    %gather3A = tpu.vector_load_idx %arg14[%broadcast_in_dim3A_43] : memref<48xi32, #tpu.memory_space<vmem>>[vector<16xi32>], vector<16xi32>,
    %slice3A = vector.extract_strided_slice %gather3A {offsets = [0], sizes = [1], strides = [1]} : vector<16xi32> to vector<1xi32>
    %squeeze3A = vector.extract %slice3A[0] : i32 from vector<1xi32>
    %add3A_44 = arith.constant 1 : i32
    %add3A_45 = arith.addi %add3A, %add3A_44 : i32
    %broadcast_in_dim3A_46 = vector.broadcast %add3A_45 : i32 to vector<16xi32>
    %gather3A_47 = tpu.vector_load_idx %arg14[%broadcast_in_dim3A_46] : memref<48xi32, #tpu.memory_space<vmem>>[vector<16xi32>], vector<16xi32>,
    %slice3A_48 = vector.extract_strided_slice %gather3A_47 {offsets = [0], sizes = [1], strides = [1]} : vector<16xi32> to vector<1xi32>
    %squeeze3A_49 = vector.extract %slice3A_48[0] : i32 from vector<1xi32>
    %jit3A = arith.constant 128 : i32
    %div3A = arith.divsi %squeeze3A, %jit3A : i32
    %sign3A = arith.constant 0 : i32
    %sign3A_50 = arith.cmpi sgt, %squeeze3A, %sign3A : i32
    %sign3A_51 = arith.extui %sign3A_50 : i1 to i32
    %sign3A_52 = arith.constant 0 : i32
    %sign3A_53 = arith.cmpi slt, %squeeze3A, %sign3A_52 : i32
    %sign3A_54 = arith.extui %sign3A_53 : i1 to i32
    %sign3A_55 = arith.subi %sign3A_51, %sign3A_54 : i32
    %sign3A_56 = arith.constant 0 : i32
    %sign3A_57 = arith.cmpi sgt, %jit3A, %sign3A_56 : i32
    %sign3A_58 = arith.extui %sign3A_57 : i1 to i32
    %sign3A_59 = arith.constant 0 : i32
    %sign3A_60 = arith.cmpi slt, %jit3A, %sign3A_59 : i32
    %sign3A_61 = arith.extui %sign3A_60 : i1 to i32
    %sign3A_62 = arith.subi %sign3A_58, %sign3A_61 : i32
    %ne3A = arith.cmpi ne, %sign3A_55, %sign3A_62 : i32
    %rem3A = arith.remsi %squeeze3A, %jit3A : i32
    %ne3A_63 = arith.constant 0 : i32
    %ne3A_64 = arith.cmpi ne, %rem3A, %ne3A_63 : i32
    %and3A = arith.andi %ne3A, %ne3A_64 : i1
    %sub3A = arith.constant 1 : i32
    %sub3A_65 = arith.subi %div3A, %sub3A : i32
    %select_n3A = arith.select %and3A, %sub3A_65, %div3A : i32
    %mul3A_66 = arith.constant 128 : i32
    %mul3A_67 = arith.muli %select_n3A, %mul3A_66 : i32
    %sub3A_68 = arith.subi %squeeze3A_49, %mul3A_67 : i32
    %add3A_69 = arith.constant 128 : i32
    %add3A_70 = arith.addi %sub3A_68, %add3A_69 : i32
    %sub3A_71 = arith.constant 1 : i32
    %sub3A_72 = arith.subi %add3A_70, %sub3A_71 : i32
    %jit3A_73 = arith.constant 128 : i32
    %div3A_74 = arith.divsi %sub3A_72, %jit3A_73 : i32
    %sign3A_75 = arith.constant 0 : i32
    %sign3A_76 = arith.cmpi sgt, %sub3A_72, %sign3A_75 : i32
    %sign3A_77 = arith.extui %sign3A_76 : i1 to i32
    %sign3A_78 = arith.constant 0 : i32
    %sign3A_79 = arith.cmpi slt, %sub3A_72, %sign3A_78 : i32
    %sign3A_80 = arith.extui %sign3A_79 : i1 to i32
    %sign3A_81 = arith.subi %sign3A_77, %sign3A_80 : i32
    %sign3A_82 = arith.constant 0 : i32
    %sign3A_83 = arith.cmpi sgt, %jit3A_73, %sign3A_82 : i32
    %sign3A_84 = arith.extui %sign3A_83 : i1 to i32
    %sign3A_85 = arith.constant 0 : i32
    %sign3A_86 = arith.cmpi slt, %jit3A_73, %sign3A_85 : i32
    %sign3A_87 = arith.extui %sign3A_86 : i1 to i32
    %sign3A_88 = arith.subi %sign3A_84, %sign3A_87 : i32
    %ne3A_89 = arith.cmpi ne, %sign3A_81, %sign3A_88 : i32
    %rem3A_90 = arith.remsi %sub3A_72, %jit3A_73 : i32
    %ne3A_91 = arith.constant 0 : i32
    %ne3A_92 = arith.cmpi ne, %rem3A_90, %ne3A_91 : i32
    %and3A_93 = arith.andi %ne3A_89, %ne3A_92 : i1
    %sub3A_94 = arith.constant 1 : i32
    %sub3A_95 = arith.subi %div3A_74, %sub3A_94 : i32
    %select_n3A_96 = arith.select %and3A_93, %sub3A_95, %div3A_74 : i32
    %max3A = arith.constant 0 : i32
    %max3A_97 = arith.maxsi %select_n3A_96, %max3A : i32
    %get3A = arith.constant 0 : index
    %get3A_98 = tpu.vector_load %arg12[%get3A] {strides = array<i32>} : memref<256xf32, #tpu.memory_space<vmem>>, vector<16xf32>,
    %get3A_99 = arith.constant 16 : index
    %get3A_100 = tpu.vector_load %arg12[%get3A_99] {strides = array<i32>} : memref<256xf32, #tpu.memory_space<vmem>>, vector<16xf32>,
    %get3A_101 = arith.constant 32 : index
    %get3A_102 = tpu.vector_load %arg12[%get3A_101] {strides = array<i32>} : memref<256xf32, #tpu.memory_space<vmem>>, vector<16xf32>,
    %get3A_103 = arith.constant 48 : index
    %get3A_104 = tpu.vector_load %arg12[%get3A_103] {strides = array<i32>} : memref<256xf32, #tpu.memory_space<vmem>>, vector<16xf32>,
    %get3A_105 = arith.constant 64 : index
    %get3A_106 = tpu.vector_load %arg12[%get3A_105] {strides = array<i32>} : memref<256xf32, #tpu.memory_space<vmem>>, vector<16xf32>,
    %get3A_107 = arith.constant 80 : index
    %get3A_108 = tpu.vector_load %arg12[%get3A_107] {strides = array<i32>} : memref<256xf32, #tpu.memory_space<vmem>>, vector<16xf32>,
    %get3A_109 = arith.constant 96 : index
    %get3A_110 = tpu.vector_load %arg12[%get3A_109] {strides = array<i32>} : memref<256xf32, #tpu.memory_space<vmem>>, vector<16xf32>,
    %get3A_111 = arith.constant 112 : index
    %get3A_112 = tpu.vector_load %arg12[%get3A_111] {strides = array<i32>} : memref<256xf32, #tpu.memory_space<vmem>>, vector<16xf32>,
    %get3A_113 = arith.constant 128 : index
    %get3A_114 = tpu.vector_load %arg12[%get3A_113] {strides = array<i32>} : memref<256xf32, #tpu.memory_space<vmem>>, vector<16xf32>,
    %get3A_115 = arith.constant 144 : index
    %get3A_116 = tpu.vector_load %arg12[%get3A_115] {strides = array<i32>} : memref<256xf32, #tpu.memory_space<vmem>>, vector<16xf32>,
    %get3A_117 = arith.constant 160 : index
    %get3A_118 = tpu.vector_load %arg12[%get3A_117] {strides = array<i32>} : memref<256xf32, #tpu.memory_space<vmem>>, vector<16xf32>,
    %get3A_119 = arith.constant 176 : index
    %get3A_120 = tpu.vector_load %arg12[%get3A_119] {strides = array<i32>} : memref<256xf32, #tpu.memory_space<vmem>>, vector<16xf32>,
    %get3A_121 = arith.constant 192 : index
    %get3A_122 = tpu.vector_load %arg12[%get3A_121] {strides = array<i32>} : memref<256xf32, #tpu.memory_space<vmem>>, vector<16xf32>,
    %get3A_123 = arith.constant 208 : index
    %get3A_124 = tpu.vector_load %arg12[%get3A_123] {strides = array<i32>} : memref<256xf32, #tpu.memory_space<vmem>>, vector<16xf32>,
    %get3A_125 = arith.constant 224 : index
    %get3A_126 = tpu.vector_load %arg12[%get3A_125] {strides = array<i32>} : memref<256xf32, #tpu.memory_space<vmem>>, vector<16xf32>,
    %get3A_127 = arith.constant 240 : index
    %get3A_128 = tpu.vector_load %arg12[%get3A_127] {strides = array<i32>} : memref<256xf32, #tpu.memory_space<vmem>>, vector<16xf32>,
    %get3A_129 = arith.constant 0 : index
    %get3A_130 = tpu.vector_load %arg13[%get3A_129] {strides = array<i32>} : memref<16xf32, #tpu.memory_space<vmem>>, vector<16xf32>,
    %slice3A_131 = vector.extract_strided_slice %get3A_130 {offsets = [0], sizes = [1], strides = [1]} : vector<16xf32> to vector<1xf32>
    %squeeze3A_132 = vector.extract %slice3A_131[0] : f32 from vector<1xf32>
    %mul3A_133 = arith.constant 32 : i32
    %mul3A_134 = arith.muli %add3A, %mul3A_133 : i32
    %gt3A = arith.constant 0 : i32
    %gt3A_135 = arith.cmpi sgt, %max3A_97, %gt3A : i32
    %convert_element_type3A = arith.extui %gt3A_135 : i1 to i32
    %cond3A = arith.constant 0 : i32
    %cond3A_136 = arith.cmpi ne, %convert_element_type3A, %cond3A : i32
    scf.if %cond3A_136 {
      %add3A_158 = arith.constant 0 : i32
      %add3A_159 = arith.addi %mul3A_67, %add3A_158 : i32
      %min3A = arith.constant 99872 : i32
      %min3A_160 = arith.minsi %add3A_159, %min3A : i32
      %dma_start3A = arith.constant 0 : i32
      %dma_start3A_161 = arith.constant 0 : i32
      %dma_start3A_162 = arith.constant 0 : i32
      %dma_start3A_163 = tpu.memref_slice %arg9[%dma_start3A, %dma_start3A_161, %dma_start3A_162] : memref<2x128x256xf32, #tpu.memory_space<vmem>> -> memref<1x128x256xf32, #tpu.memory_space<vmem>>
      %dma_start3A_164 = tpu.memref_squeeze %dma_start3A_163 : memref<1x128x256xf32, #tpu.memory_space<vmem>> -> memref<128x256xf32, #tpu.memory_space<vmem>>
      %dma_start3A_165 = arith.constant 0 : i32
      %dma_start3A_166 = tpu.memref_slice %arg2[%min3A_160, %dma_start3A_165] : memref<100000x256xf32, #tpu.memory_space<hbm>> -> memref<128x256xf32, #tpu.memory_space<hbm>>
      %dma_start3A_167 = arith.constant 0 : i32
      %dma_start3A_168 = arith.constant 0 : i32
      %dma_start3A_169 = tpu.memref_slice %arg9[%dma_start3A, %dma_start3A_167, %dma_start3A_168] : memref<2x128x256xf32, #tpu.memory_space<vmem>> -> memref<1x128x256xf32, #tpu.memory_space<vmem>>
      %dma_start3A_170 = tpu.memref_squeeze %dma_start3A_169 : memref<1x128x256xf32, #tpu.memory_space<vmem>> -> memref<128x256xf32, #tpu.memory_space<vmem>>
      %dma_start3A_171 = arith.constant 0 : i32
      %dma_start3A_172 = tpu.memref_slice %arg2[%min3A_160, %dma_start3A_171] : memref<100000x256xf32, #tpu.memory_space<hbm>> -> memref<128x256xf32, #tpu.memory_space<hbm>>
      tpu.enqueue_dma source(%dma_start3A_172 : memref<128x256xf32, #tpu.memory_space<hbm>>) target(%dma_start3A_170 : memref<128x256xf32, #tpu.memory_space<vmem>>) target_semaphore(%arg21 : memref<!tpu.dma_semaphore, #tpu.memory_space<semaphore_mem>>)
      %dma_start3A_173 = arith.constant 0 : i32
      %dma_start3A_174 = arith.constant 0 : i32
      %dma_start3A_175 = tpu.memref_slice %arg10[%dma_start3A_173, %dma_start3A_174] : memref<2x128xi32, #tpu.memory_space<vmem>> -> memref<1x128xi32, #tpu.memory_space<vmem>>
      %dma_start3A_176 = tpu.memref_squeeze %dma_start3A_175 : memref<1x128xi32, #tpu.memory_space<vmem>> -> memref<128xi32, #tpu.memory_space<vmem>>
      %dma_start3A_177 = tpu.memref_slice %arg3[%min3A_160] : memref<100000xi32, #tpu.memory_space<hbm>> -> memref<128xi32, #tpu.memory_space<hbm>>
      %dma_start3A_178 = arith.constant 0 : i32
      %dma_start3A_179 = tpu.memref_slice %arg10[%dma_start3A_173, %dma_start3A_178] : memref<2x128xi32, #tpu.memory_space<vmem>> -> memref<1x128xi32, #tpu.memory_space<vmem>>
      %dma_start3A_180 = tpu.memref_squeeze %dma_start3A_179 : memref<1x128xi32, #tpu.memory_space<vmem>> -> memref<128xi32, #tpu.memory_space<vmem>>
      %dma_start3A_181 = tpu.memref_slice %arg3[%min3A_160] : memref<100000xi32, #tpu.memory_space<hbm>> -> memref<128xi32, #tpu.memory_space<hbm>>
      tpu.enqueue_dma source(%dma_start3A_181 : memref<128xi32, #tpu.memory_space<hbm>>) target(%dma_start3A_180 : memref<128xi32, #tpu.memory_space<vmem>>) target_semaphore(%arg21 : memref<!tpu.dma_semaphore, #tpu.memory_space<semaphore_mem>>)
      %dma_start3A_182 = arith.constant 0 : i32
      %dma_start3A_183 = arith.constant 0 : i32
      %dma_start3A_184 = tpu.memref_slice %arg11[%dma_start3A_182, %dma_start3A_183] : memref<2x128xi32, #tpu.memory_space<vmem>> -> memref<1x128xi32, #tpu.memory_space<vmem>>
      %dma_start3A_185 = tpu.memref_squeeze %dma_start3A_184 : memref<1x128xi32, #tpu.memory_space<vmem>> -> memref<128xi32, #tpu.memory_space<vmem>>
      %dma_start3A_186 = tpu.memref_slice %arg4[%min3A_160] : memref<100000xi32, #tpu.memory_space<hbm>> -> memref<128xi32, #tpu.memory_space<hbm>>
      %dma_start3A_187 = arith.constant 0 : i32
      %dma_start3A_188 = tpu.memref_slice %arg11[%dma_start3A_182, %dma_start3A_187] : memref<2x128xi32, #tpu.memory_space<vmem>> -> memref<1x128xi32, #tpu.memory_space<vmem>>
      %dma_start3A_189 = tpu.memref_squeeze %dma_start3A_188 : memref<1x128xi32, #tpu.memory_space<vmem>> -> memref<128xi32, #tpu.memory_space<vmem>>
      %dma_start3A_190 = tpu.memref_slice %arg4[%min3A_160] : memref<100000xi32, #tpu.memory_space<hbm>> -> memref<128xi32, #tpu.memory_space<hbm>>
      tpu.enqueue_dma source(%dma_start3A_190 : memref<128xi32, #tpu.memory_space<hbm>>) target(%dma_start3A_189 : memref<128xi32, #tpu.memory_space<vmem>>) target_semaphore(%arg21 : memref<!tpu.dma_semaphore, #tpu.memory_space<semaphore_mem>>)
    } else {
    }
    %while3A = arith.constant 0 : i32
    %while3A_137 = arith.constant -1 : i32
    %while3A_138 = arith.subi %max3A_97, %while3A : i32
    %while3A_139 = arith.addi %while3A, %while3A_138 : i32
    %while3A_140 = arith.constant 1 : i32
    %while3A_141 = arith.divsi %while3A_138, %while3A_140 : i32
    %while3A_142 = arith.muli %while3A_141, %while3A_140 : i32
    %while3A_143 = arith.addi %while3A, %while3A_142 : i32
    %while3A_144 = arith.constant 1 : i32
    %while3A_145 = scf.for %while3A_158 = %while3A to %while3A_143 step %while3A_144 iter_args(%while3A_159 = %while3A_137) -> (i32)  : i32 {
      %jit3A_160 = arith.constant 2 : i32
      %eq3A = arith.constant 0 : i32
      %eq3A_161 = arith.cmpi eq, %jit3A_160, %eq3A : i32
      %jit3A_162 = arith.constant 1 : i32
      %select_n3A_163 = arith.select %eq3A_161, %jit3A_162, %jit3A_160 : i32
      %rem3A_164 = arith.remsi %while3A_158, %select_n3A_163 : i32
      %ne3A_165 = arith.constant 0 : i32
      %ne3A_166 = arith.cmpi ne, %rem3A_164, %ne3A_165 : i32
      %lt3A = arith.constant 0 : i32
      %lt3A_167 = arith.cmpi slt, %rem3A_164, %lt3A : i32
      %lt3A_168 = arith.constant 0 : i32
      %lt3A_169 = arith.cmpi slt, %select_n3A_163, %lt3A_168 : i32
      %ne3A_170 = arith.xori %lt3A_167, %lt3A_169 : i1
      %and3A_171 = arith.andi %ne3A_170, %ne3A_166 : i1
      %add3A_172 = arith.addi %rem3A_164, %select_n3A_163 : i32
      %select_n3A_173 = arith.select %and3A_171, %add3A_172, %rem3A_164 : i32
      %add3A_174 = arith.constant 1 : i32
      %add3A_175 = arith.addi %while3A_158, %add3A_174 : i32
      %lt3A_176 = arith.cmpi slt, %add3A_175, %max3A_97 : i32
      %eq3A_177 = arith.constant 0 : i32
      %eq3A_178 = arith.cmpi eq, %select_n3A_173, %eq3A_177 : i32
      %and3A_179 = arith.andi %lt3A_176, %eq3A_178 : i1
      %convert_element_type3A_180 = arith.extui %and3A_179 : i1 to i32
      %cond3A_181 = arith.constant 0 : i32
      %cond3A_182 = arith.cmpi ne, %convert_element_type3A_180, %cond3A_181 : i32
      scf.if %cond3A_182 {
        %add3A_216 = arith.constant 1 : i32
        %add3A_217 = arith.addi %while3A_158, %add3A_216 : i32
        %mul3A_218 = arith.constant 128 : i32
        %mul3A_219 = arith.muli %add3A_217, %mul3A_218 : i32
        %add3A_220 = arith.addi %mul3A_67, %mul3A_219 : i32
        %min3A_221 = arith.constant 99872 : i32
        %min3A_222 = arith.minsi %add3A_220, %min3A_221 : i32
        %dma_start3A = arith.constant 1 : i32
        %dma_start3A_223 = arith.constant 0 : i32
        %dma_start3A_224 = arith.constant 0 : i32
        %dma_start3A_225 = tpu.memref_slice %arg9[%dma_start3A, %dma_start3A_223, %dma_start3A_224] : memref<2x128x256xf32, #tpu.memory_space<vmem>> -> memref<1x128x256xf32, #tpu.memory_space<vmem>>
        %dma_start3A_226 = tpu.memref_squeeze %dma_start3A_225 : memref<1x128x256xf32, #tpu.memory_space<vmem>> -> memref<128x256xf32, #tpu.memory_space<vmem>>
        %dma_start3A_227 = arith.constant 0 : i32
        %dma_start3A_228 = tpu.memref_slice %arg2[%min3A_222, %dma_start3A_227] : memref<100000x256xf32, #tpu.memory_space<hbm>> -> memref<128x256xf32, #tpu.memory_space<hbm>>
        %dma_start3A_229 = arith.constant 0 : i32
        %dma_start3A_230 = arith.constant 0 : i32
        %dma_start3A_231 = tpu.memref_slice %arg9[%dma_start3A, %dma_start3A_229, %dma_start3A_230] : memref<2x128x256xf32, #tpu.memory_space<vmem>> -> memref<1x128x256xf32, #tpu.memory_space<vmem>>
        %dma_start3A_232 = tpu.memref_squeeze %dma_start3A_231 : memref<1x128x256xf32, #tpu.memory_space<vmem>> -> memref<128x256xf32, #tpu.memory_space<vmem>>
        %dma_start3A_233 = arith.constant 0 : i32
        %dma_start3A_234 = tpu.memref_slice %arg2[%min3A_222, %dma_start3A_233] : memref<100000x256xf32, #tpu.memory_space<hbm>> -> memref<128x256xf32, #tpu.memory_space<hbm>>
        tpu.enqueue_dma source(%dma_start3A_234 : memref<128x256xf32, #tpu.memory_space<hbm>>) target(%dma_start3A_232 : memref<128x256xf32, #tpu.memory_space<vmem>>) target_semaphore(%arg22 : memref<!tpu.dma_semaphore, #tpu.memory_space<semaphore_mem>>)
        %dma_start3A_235 = arith.constant 1 : i32
        %dma_start3A_236 = arith.constant 0 : i32
        %dma_start3A_237 = tpu.memref_slice %arg10[%dma_start3A_235, %dma_start3A_236] : memref<2x128xi32, #tpu.memory_space<vmem>> -> memref<1x128xi32, #tpu.memory_space<vmem>>
        %dma_start3A_238 = tpu.memref_squeeze %dma_start3A_237 : memref<1x128xi32, #tpu.memory_space<vmem>> -> memref<128xi32, #tpu.memory_space<vmem>>
        %dma_start3A_239 = tpu.memref_slice %arg3[%min3A_222] : memref<100000xi32, #tpu.memory_space<hbm>> -> memref<128xi32, #tpu.memory_space<hbm>>
        %dma_start3A_240 = arith.constant 0 : i32
        %dma_start3A_241 = tpu.memref_slice %arg10[%dma_start3A_235, %dma_start3A_240] : memref<2x128xi32, #tpu.memory_space<vmem>> -> memref<1x128xi32, #tpu.memory_space<vmem>>
        %dma_start3A_242 = tpu.memref_squeeze %dma_start3A_241 : memref<1x128xi32, #tpu.memory_space<vmem>> -> memref<128xi32, #tpu.memory_space<vmem>>
        %dma_start3A_243 = tpu.memref_slice %arg3[%min3A_222] : memref<100000xi32, #tpu.memory_space<hbm>> -> memref<128xi32, #tpu.memory_space<hbm>>
        tpu.enqueue_dma source(%dma_start3A_243 : memref<128xi32, #tpu.memory_space<hbm>>) target(%dma_start3A_242 : memref<128xi32, #tpu.memory_space<vmem>>) target_semaphore(%arg22 : memref<!tpu.dma_semaphore, #tpu.memory_space<semaphore_mem>>)
        %dma_start3A_244 = arith.constant 1 : i32
        %dma_start3A_245 = arith.constant 0 : i32
        %dma_start3A_246 = tpu.memref_slice %arg11[%dma_start3A_244, %dma_start3A_245] : memref<2x128xi32, #tpu.memory_space<vmem>> -> memref<1x128xi32, #tpu.memory_space<vmem>>
        %dma_start3A_247 = tpu.memref_squeeze %dma_start3A_246 : memref<1x128xi32, #tpu.memory_space<vmem>> -> memref<128xi32, #tpu.memory_space<vmem>>
        %dma_start3A_248 = tpu.memref_slice %arg4[%min3A_222] : memref<100000xi32, #tpu.memory_space<hbm>> -> memref<128xi32, #tpu.memory_space<hbm>>
        %dma_start3A_249 = arith.constant 0 : i32
        %dma_start3A_250 = tpu.memref_slice %arg11[%dma_start3A_244, %dma_start3A_249] : memref<2x128xi32, #tpu.memory_space<vmem>> -> memref<1x128xi32, #tpu.memory_space<vmem>>
        %dma_start3A_251 = tpu.memref_squeeze %dma_start3A_250 : memref<1x128xi32, #tpu.memory_space<vmem>> -> memref<128xi32, #tpu.memory_space<vmem>>
        %dma_start3A_252 = tpu.memref_slice %arg4[%min3A_222] : memref<100000xi32, #tpu.memory_space<hbm>> -> memref<128xi32, #tpu.memory_space<hbm>>
        tpu.enqueue_dma source(%dma_start3A_252 : memref<128xi32, #tpu.memory_space<hbm>>) target(%dma_start3A_251 : memref<128xi32, #tpu.memory_space<vmem>>) target_semaphore(%arg22 : memref<!tpu.dma_semaphore, #tpu.memory_space<semaphore_mem>>)
      } else {
      }
      %add3A_183 = arith.constant 1 : i32
      %add3A_184 = arith.addi %while3A_158, %add3A_183 : i32
      %lt3A_185 = arith.cmpi slt, %add3A_184, %max3A_97 : i32
      %eq3A_186 = arith.constant 1 : i32
      %eq3A_187 = arith.cmpi eq, %select_n3A_173, %eq3A_186 : i32
      %and3A_188 = arith.andi %lt3A_185, %eq3A_187 : i1
      %convert_element_type3A_189 = arith.extui %and3A_188 : i1 to i32
      %cond3A_190 = arith.constant 0 : i32
      %cond3A_191 = arith.cmpi ne, %convert_element_type3A_189, %cond3A_190 : i32
      scf.if %cond3A_191 {
        %add3A_216 = arith.constant 1 : i32
        %add3A_217 = arith.addi %while3A_158, %add3A_216 : i32
        %mul3A_218 = arith.constant 128 : i32
        %mul3A_219 = arith.muli %add3A_217, %mul3A_218 : i32
        %add3A_220 = arith.addi %mul3A_67, %mul3A_219 : i32
        %min3A_221 = arith.constant 99872 : i32
        %min3A_222 = arith.minsi %add3A_220, %min3A_221 : i32
        %dma_start3A = arith.constant 0 : i32
        %dma_start3A_223 = arith.constant 0 : i32
        %dma_start3A_224 = arith.constant 0 : i32
        %dma_start3A_225 = tpu.memref_slice %arg9[%dma_start3A, %dma_start3A_223, %dma_start3A_224] : memref<2x128x256xf32, #tpu.memory_space<vmem>> -> memref<1x128x256xf32, #tpu.memory_space<vmem>>
        %dma_start3A_226 = tpu.memref_squeeze %dma_start3A_225 : memref<1x128x256xf32, #tpu.memory_space<vmem>> -> memref<128x256xf32, #tpu.memory_space<vmem>>
        %dma_start3A_227 = arith.constant 0 : i32
        %dma_start3A_228 = tpu.memref_slice %arg2[%min3A_222, %dma_start3A_227] : memref<100000x256xf32, #tpu.memory_space<hbm>> -> memref<128x256xf32, #tpu.memory_space<hbm>>
        %dma_start3A_229 = arith.constant 0 : i32
        %dma_start3A_230 = arith.constant 0 : i32
        %dma_start3A_231 = tpu.memref_slice %arg9[%dma_start3A, %dma_start3A_229, %dma_start3A_230] : memref<2x128x256xf32, #tpu.memory_space<vmem>> -> memref<1x128x256xf32, #tpu.memory_space<vmem>>
        %dma_start3A_232 = tpu.memref_squeeze %dma_start3A_231 : memref<1x128x256xf32, #tpu.memory_space<vmem>> -> memref<128x256xf32, #tpu.memory_space<vmem>>
        %dma_start3A_233 = arith.constant 0 : i32
        %dma_start3A_234 = tpu.memref_slice %arg2[%min3A_222, %dma_start3A_233] : memref<100000x256xf32, #tpu.memory_space<hbm>> -> memref<128x256xf32, #tpu.memory_space<hbm>>
        tpu.enqueue_dma source(%dma_start3A_234 : memref<128x256xf32, #tpu.memory_space<hbm>>) target(%dma_start3A_232 : memref<128x256xf32, #tpu.memory_space<vmem>>) target_semaphore(%arg21 : memref<!tpu.dma_semaphore, #tpu.memory_space<semaphore_mem>>)
        %dma_start3A_235 = arith.constant 0 : i32
        %dma_start3A_236 = arith.constant 0 : i32
        %dma_start3A_237 = tpu.memref_slice %arg10[%dma_start3A_235, %dma_start3A_236] : memref<2x128xi32, #tpu.memory_space<vmem>> -> memref<1x128xi32, #tpu.memory_space<vmem>>
        %dma_start3A_238 = tpu.memref_squeeze %dma_start3A_237 : memref<1x128xi32, #tpu.memory_space<vmem>> -> memref<128xi32, #tpu.memory_space<vmem>>
        %dma_start3A_239 = tpu.memref_slice %arg3[%min3A_222] : memref<100000xi32, #tpu.memory_space<hbm>> -> memref<128xi32, #tpu.memory_space<hbm>>
        %dma_start3A_240 = arith.constant 0 : i32
        %dma_start3A_241 = tpu.memref_slice %arg10[%dma_start3A_235, %dma_start3A_240] : memref<2x128xi32, #tpu.memory_space<vmem>> -> memref<1x128xi32, #tpu.memory_space<vmem>>
        %dma_start3A_242 = tpu.memref_squeeze %dma_start3A_241 : memref<1x128xi32, #tpu.memory_space<vmem>> -> memref<128xi32, #tpu.memory_space<vmem>>
        %dma_start3A_243 = tpu.memref_slice %arg3[%min3A_222] : memref<100000xi32, #tpu.memory_space<hbm>> -> memref<128xi32, #tpu.memory_space<hbm>>
        tpu.enqueue_dma source(%dma_start3A_243 : memref<128xi32, #tpu.memory_space<hbm>>) target(%dma_start3A_242 : memref<128xi32, #tpu.memory_space<vmem>>) target_semaphore(%arg21 : memref<!tpu.dma_semaphore, #tpu.memory_space<semaphore_mem>>)
        %dma_start3A_244 = arith.constant 0 : i32
        %dma_start3A_245 = arith.constant 0 : i32
        %dma_start3A_246 = tpu.memref_slice %arg11[%dma_start3A_244, %dma_start3A_245] : memref<2x128xi32, #tpu.memory_space<vmem>> -> memref<1x128xi32, #tpu.memory_space<vmem>>
        %dma_start3A_247 = tpu.memref_squeeze %dma_start3A_246 : memref<1x128xi32, #tpu.memory_space<vmem>> -> memref<128xi32, #tpu.memory_space<vmem>>
        %dma_start3A_248 = tpu.memref_slice %arg4[%min3A_222] : memref<100000xi32, #tpu.memory_space<hbm>> -> memref<128xi32, #tpu.memory_space<hbm>>
        %dma_start3A_249 = arith.constant 0 : i32
        %dma_start3A_250 = tpu.memref_slice %arg11[%dma_start3A_244, %dma_start3A_249] : memref<2x128xi32, #tpu.memory_space<vmem>> -> memref<1x128xi32, #tpu.memory_space<vmem>>
        %dma_start3A_251 = tpu.memref_squeeze %dma_start3A_250 : memref<1x128xi32, #tpu.memory_space<vmem>> -> memref<128xi32, #tpu.memory_space<vmem>>
        %dma_start3A_252 = tpu.memref_slice %arg4[%min3A_222] : memref<100000xi32, #tpu.memory_space<hbm>> -> memref<128xi32, #tpu.memory_space<hbm>>
        tpu.enqueue_dma source(%dma_start3A_252 : memref<128xi32, #tpu.memory_space<hbm>>) target(%dma_start3A_251 : memref<128xi32, #tpu.memory_space<vmem>>) target_semaphore(%arg21 : memref<!tpu.dma_semaphore, #tpu.memory_space<semaphore_mem>>)
      } else {
      }
      %eq3A_192 = arith.constant 0 : i32
      %eq3A_193 = arith.cmpi eq, %select_n3A_173, %eq3A_192 : i32
      %convert_element_type3A_194 = arith.extui %eq3A_193 : i1 to i32
      %cond3A_195 = arith.constant 0 : i32
      %cond3A_196 = arith.cmpi ne, %convert_element_type3A_194, %cond3A_195 : i32
      scf.if %cond3A_196 {
        %mul3A_216 = arith.constant 128 : i32
        %mul3A_217 = arith.muli %while3A_158, %mul3A_216 : i32
        %add3A_218 = arith.addi %mul3A_67, %mul3A_217 : i32
        %min3A_219 = arith.constant 99872 : i32
        %min3A_220 = arith.minsi %add3A_218, %min3A_219 : i32
        %dma_wait3A = arith.constant 0 : i32
        %dma_wait3A_221 = arith.constant 0 : i32
        %dma_wait3A_222 = arith.constant 0 : i32
        %dma_wait3A_223 = tpu.memref_slice %arg9[%dma_wait3A, %dma_wait3A_221, %dma_wait3A_222] : memref<2x128x256xf32, #tpu.memory_space<vmem>> -> memref<1x128x256xf32, #tpu.memory_space<vmem>>
        %dma_wait3A_224 = tpu.memref_squeeze %dma_wait3A_223 : memref<1x128x256xf32, #tpu.memory_space<vmem>> -> memref<128x256xf32, #tpu.memory_space<vmem>>
        %dma_wait3A_225 = arith.constant 0 : i32
        %dma_wait3A_226 = tpu.memref_slice %arg2[%min3A_220, %dma_wait3A_225] : memref<100000x256xf32, #tpu.memory_space<hbm>> -> memref<128x256xf32, #tpu.memory_space<hbm>>
        %dma_wait3A_227 = arith.constant 0 : i32
        %dma_wait3A_228 = arith.constant 0 : i32
        %dma_wait3A_229 = tpu.memref_slice %arg9[%dma_wait3A, %dma_wait3A_227, %dma_wait3A_228] : memref<2x128x256xf32, #tpu.memory_space<vmem>> -> memref<1x128x256xf32, #tpu.memory_space<vmem>>
        %dma_wait3A_230 = tpu.memref_squeeze %dma_wait3A_229 : memref<1x128x256xf32, #tpu.memory_space<vmem>> -> memref<128x256xf32, #tpu.memory_space<vmem>>
        %dma_wait3A_231 = arith.constant 0 : i32
        %dma_wait3A_232 = tpu.memref_slice %arg2[%min3A_220, %dma_wait3A_231] : memref<100000x256xf32, #tpu.memory_space<hbm>> -> memref<128x256xf32, #tpu.memory_space<hbm>>
        tpu.wait_dma2 semaphore(%arg21 : memref<!tpu.dma_semaphore, #tpu.memory_space<semaphore_mem>>) src(%dma_wait3A_232 : memref<128x256xf32, #tpu.memory_space<hbm>>) dst(%dma_wait3A_230 : memref<128x256xf32, #tpu.memory_space<vmem>>)
        %dma_wait3A_233 = arith.constant 0 : i32
        %dma_wait3A_234 = arith.constant 0 : i32
        %dma_wait3A_235 = tpu.memref_slice %arg10[%dma_wait3A_233, %dma_wait3A_234] : memref<2x128xi32, #tpu.memory_space<vmem>> -> memref<1x128xi32, #tpu.memory_space<vmem>>
        %dma_wait3A_236 = tpu.memref_squeeze %dma_wait3A_235 : memref<1x128xi32, #tpu.memory_space<vmem>> -> memref<128xi32, #tpu.memory_space<vmem>>
        %dma_wait3A_237 = tpu.memref_slice %arg3[%min3A_220] : memref<100000xi32, #tpu.memory_space<hbm>> -> memref<128xi32, #tpu.memory_space<hbm>>
        %dma_wait3A_238 = arith.constant 0 : i32
        %dma_wait3A_239 = tpu.memref_slice %arg10[%dma_wait3A_233, %dma_wait3A_238] : memref<2x128xi32, #tpu.memory_space<vmem>> -> memref<1x128xi32, #tpu.memory_space<vmem>>
        %dma_wait3A_240 = tpu.memref_squeeze %dma_wait3A_239 : memref<1x128xi32, #tpu.memory_space<vmem>> -> memref<128xi32, #tpu.memory_space<vmem>>
        %dma_wait3A_241 = tpu.memref_slice %arg3[%min3A_220] : memref<100000xi32, #tpu.memory_space<hbm>> -> memref<128xi32, #tpu.memory_space<hbm>>
        tpu.wait_dma2 semaphore(%arg21 : memref<!tpu.dma_semaphore, #tpu.memory_space<semaphore_mem>>) src(%dma_wait3A_241 : memref<128xi32, #tpu.memory_space<hbm>>) dst(%dma_wait3A_240 : memref<128xi32, #tpu.memory_space<vmem>>)
        %dma_wait3A_242 = arith.constant 0 : i32
        %dma_wait3A_243 = arith.constant 0 : i32
        %dma_wait3A_244 = tpu.memref_slice %arg11[%dma_wait3A_242, %dma_wait3A_243] : memref<2x128xi32, #tpu.memory_space<vmem>> -> memref<1x128xi32, #tpu.memory_space<vmem>>
        %dma_wait3A_245 = tpu.memref_squeeze %dma_wait3A_244 : memref<1x128xi32, #tpu.memory_space<vmem>> -> memref<128xi32, #tpu.memory_space<vmem>>
        %dma_wait3A_246 = tpu.memref_slice %arg4[%min3A_220] : memref<100000xi32, #tpu.memory_space<hbm>> -> memref<128xi32, #tpu.memory_space<hbm>>
        %dma_wait3A_247 = arith.constant 0 : i32
        %dma_wait3A_248 = tpu.memref_slice %arg11[%dma_wait3A_242, %dma_wait3A_247] : memref<2x128xi32, #tpu.memory_space<vmem>> -> memref<1x128xi32, #tpu.memory_space<vmem>>
        %dma_wait3A_249 = tpu.memref_squeeze %dma_wait3A_248 : memref<1x128xi32, #tpu.memory_space<vmem>> -> memref<128xi32, #tpu.memory_space<vmem>>
        %dma_wait3A_250 = tpu.memref_slice %arg4[%min3A_220] : memref<100000xi32, #tpu.memory_space<hbm>> -> memref<128xi32, #tpu.memory_space<hbm>>
        tpu.wait_dma2 semaphore(%arg21 : memref<!tpu.dma_semaphore, #tpu.memory_space<semaphore_mem>>) src(%dma_wait3A_250 : memref<128xi32, #tpu.memory_space<hbm>>) dst(%dma_wait3A_249 : memref<128xi32, #tpu.memory_space<vmem>>)
      } else {
      }
      %eq3A_197 = arith.constant 1 : i32
      %eq3A_198 = arith.cmpi eq, %select_n3A_173, %eq3A_197 : i32
      %convert_element_type3A_199 = arith.extui %eq3A_198 : i1 to i32
      %cond3A_200 = arith.constant 0 : i32
      %cond3A_201 = arith.cmpi ne, %convert_element_type3A_199, %cond3A_200 : i32
      scf.if %cond3A_201 {
        %mul3A_216 = arith.constant 128 : i32
        %mul3A_217 = arith.muli %while3A_158, %mul3A_216 : i32
        %add3A_218 = arith.addi %mul3A_67, %mul3A_217 : i32
        %min3A_219 = arith.constant 99872 : i32
        %min3A_220 = arith.minsi %add3A_218, %min3A_219 : i32
        %dma_wait3A = arith.constant 1 : i32
        %dma_wait3A_221 = arith.constant 0 : i32
        %dma_wait3A_222 = arith.constant 0 : i32
        %dma_wait3A_223 = tpu.memref_slice %arg9[%dma_wait3A, %dma_wait3A_221, %dma_wait3A_222] : memref<2x128x256xf32, #tpu.memory_space<vmem>> -> memref<1x128x256xf32, #tpu.memory_space<vmem>>
        %dma_wait3A_224 = tpu.memref_squeeze %dma_wait3A_223 : memref<1x128x256xf32, #tpu.memory_space<vmem>> -> memref<128x256xf32, #tpu.memory_space<vmem>>
        %dma_wait3A_225 = arith.constant 0 : i32
        %dma_wait3A_226 = tpu.memref_slice %arg2[%min3A_220, %dma_wait3A_225] : memref<100000x256xf32, #tpu.memory_space<hbm>> -> memref<128x256xf32, #tpu.memory_space<hbm>>
        %dma_wait3A_227 = arith.constant 0 : i32
        %dma_wait3A_228 = arith.constant 0 : i32
        %dma_wait3A_229 = tpu.memref_slice %arg9[%dma_wait3A, %dma_wait3A_227, %dma_wait3A_228] : memref<2x128x256xf32, #tpu.memory_space<vmem>> -> memref<1x128x256xf32, #tpu.memory_space<vmem>>
        %dma_wait3A_230 = tpu.memref_squeeze %dma_wait3A_229 : memref<1x128x256xf32, #tpu.memory_space<vmem>> -> memref<128x256xf32, #tpu.memory_space<vmem>>
        %dma_wait3A_231 = arith.constant 0 : i32
        %dma_wait3A_232 = tpu.memref_slice %arg2[%min3A_220, %dma_wait3A_231] : memref<100000x256xf32, #tpu.memory_space<hbm>> -> memref<128x256xf32, #tpu.memory_space<hbm>>
        tpu.wait_dma2 semaphore(%arg22 : memref<!tpu.dma_semaphore, #tpu.memory_space<semaphore_mem>>) src(%dma_wait3A_232 : memref<128x256xf32, #tpu.memory_space<hbm>>) dst(%dma_wait3A_230 : memref<128x256xf32, #tpu.memory_space<vmem>>)
        %dma_wait3A_233 = arith.constant 1 : i32
        %dma_wait3A_234 = arith.constant 0 : i32
        %dma_wait3A_235 = tpu.memref_slice %arg10[%dma_wait3A_233, %dma_wait3A_234] : memref<2x128xi32, #tpu.memory_space<vmem>> -> memref<1x128xi32, #tpu.memory_space<vmem>>
        %dma_wait3A_236 = tpu.memref_squeeze %dma_wait3A_235 : memref<1x128xi32, #tpu.memory_space<vmem>> -> memref<128xi32, #tpu.memory_space<vmem>>
        %dma_wait3A_237 = tpu.memref_slice %arg3[%min3A_220] : memref<100000xi32, #tpu.memory_space<hbm>> -> memref<128xi32, #tpu.memory_space<hbm>>
        %dma_wait3A_238 = arith.constant 0 : i32
        %dma_wait3A_239 = tpu.memref_slice %arg10[%dma_wait3A_233, %dma_wait3A_238] : memref<2x128xi32, #tpu.memory_space<vmem>> -> memref<1x128xi32, #tpu.memory_space<vmem>>
        %dma_wait3A_240 = tpu.memref_squeeze %dma_wait3A_239 : memref<1x128xi32, #tpu.memory_space<vmem>> -> memref<128xi32, #tpu.memory_space<vmem>>
        %dma_wait3A_241 = tpu.memref_slice %arg3[%min3A_220] : memref<100000xi32, #tpu.memory_space<hbm>> -> memref<128xi32, #tpu.memory_space<hbm>>
        tpu.wait_dma2 semaphore(%arg22 : memref<!tpu.dma_semaphore, #tpu.memory_space<semaphore_mem>>) src(%dma_wait3A_241 : memref<128xi32, #tpu.memory_space<hbm>>) dst(%dma_wait3A_240 : memref<128xi32, #tpu.memory_space<vmem>>)
        %dma_wait3A_242 = arith.constant 1 : i32
        %dma_wait3A_243 = arith.constant 0 : i32
        %dma_wait3A_244 = tpu.memref_slice %arg11[%dma_wait3A_242, %dma_wait3A_243] : memref<2x128xi32, #tpu.memory_space<vmem>> -> memref<1x128xi32, #tpu.memory_space<vmem>>
        %dma_wait3A_245 = tpu.memref_squeeze %dma_wait3A_244 : memref<1x128xi32, #tpu.memory_space<vmem>> -> memref<128xi32, #tpu.memory_space<vmem>>
        %dma_wait3A_246 = tpu.memref_slice %arg4[%min3A_220] : memref<100000xi32, #tpu.memory_space<hbm>> -> memref<128xi32, #tpu.memory_space<hbm>>
        %dma_wait3A_247 = arith.constant 0 : i32
        %dma_wait3A_248 = tpu.memref_slice %arg11[%dma_wait3A_242, %dma_wait3A_247] : memref<2x128xi32, #tpu.memory_space<vmem>> -> memref<1x128xi32, #tpu.memory_space<vmem>>
        %dma_wait3A_249 = tpu.memref_squeeze %dma_wait3A_248 : memref<1x128xi32, #tpu.memory_space<vmem>> -> memref<128xi32, #tpu.memory_space<vmem>>
        %dma_wait3A_250 = tpu.memref_slice %arg4[%min3A_220] : memref<100000xi32, #tpu.memory_space<hbm>> -> memref<128xi32, #tpu.memory_space<hbm>>
        tpu.wait_dma2 semaphore(%arg22 : memref<!tpu.dma_semaphore, #tpu.memory_space<semaphore_mem>>) src(%dma_wait3A_250 : memref<128xi32, #tpu.memory_space<hbm>>) dst(%dma_wait3A_249 : memref<128xi32, #tpu.memory_space<vmem>>)
      } else {
      }
      %mul3A_202 = arith.constant 128 : i32
      %mul3A_203 = arith.muli %while3A_158, %mul3A_202 : i32
      %add3A_204 = arith.addi %mul3A_67, %mul3A_203 : i32
      %min3A = arith.constant 99872 : i32
      %min3A_205 = arith.minsi %add3A_204, %min3A : i32
      %mul3A_206 = arith.constant 128 : i32
      %mul3A_207 = arith.muli %while3A_158, %mul3A_206 : i32
      %add3A_208 = arith.addi %mul3A_67, %mul3A_207 : i32
      %max3A_209 = arith.maxsi %squeeze3A, %add3A_208 : i32
      %scan3A_210 = arith.constant 0 : i32
      %scan3A_211 = arith.constant 8 : i32
      %scan3A_212 = arith.addi %scan3A_210, %scan3A_211 : i32
      %scan3A_213 = arith.constant 1 : i32
      %scan3A_214 = scf.for %scan3A_216 = %scan3A_210 to %scan3A_212 step %scan3A_213 iter_args(%scan3A_217 = %while3A_159) -> (i32)  : i32 {
        %mul3A_218 = arith.constant 16 : i32
        %mul3A_219 = arith.muli %scan3A_216, %mul3A_218 : i32
        %get3A_220 = arith.constant 0 : i32
        %get3A_221 = tpu.memref_slice %arg10[%select_n3A_173, %get3A_220] : memref<2x128xi32, #tpu.memory_space<vmem>> -> memref<1x128xi32, #tpu.memory_space<vmem>>
        %get3A_222 = tpu.memref_squeeze %get3A_221 : memref<1x128xi32, #tpu.memory_space<vmem>> -> memref<128xi32, #tpu.memory_space<vmem>>
        %get3A_223 = arith.index_cast %mul3A_219 : i32 to index
        %get3A_224 = tpu.vector_load %get3A_222[%get3A_223] {strides = array<i32>} : memref<128xi32, #tpu.memory_space<vmem>>, vector<16xi32>,
        %get3A_225 = arith.constant 0 : i32
        %get3A_226 = tpu.memref_slice %arg11[%select_n3A_173, %get3A_225] : memref<2x128xi32, #tpu.memory_space<vmem>> -> memref<1x128xi32, #tpu.memory_space<vmem>>
        %get3A_227 = tpu.memref_squeeze %get3A_226 : memref<1x128xi32, #tpu.memory_space<vmem>> -> memref<128xi32, #tpu.memory_space<vmem>>
        %get3A_228 = arith.index_cast %mul3A_219 : i32 to index
        %get3A_229 = tpu.vector_load %get3A_227[%get3A_228] {strides = array<i32>} : memref<128xi32, #tpu.memory_space<vmem>>, vector<16xi32>,
        %add3A_230 = arith.addi %min3A_205, %mul3A_219 : i32
        %add3A_231 = vector.broadcast %add3A_230 : i32 to vector<16xi32>
        %add3A_232 = arith.addi %add3A_231, %iota3A : vector<16xi32>
        %ge3A_233 = vector.broadcast %max3A_209 : i32 to vector<16xi32>
        %ge3A_234 = arith.cmpi sge, %add3A_232, %ge3A_233 : vector<16xi32>
        %lt3A_235 = vector.broadcast %squeeze3A_49 : i32 to vector<16xi32>
        %lt3A_236 = arith.cmpi slt, %add3A_232, %lt3A_235 : vector<16xi32>
        %and3A_237 = arith.andi %ge3A_234, %lt3A_236 : vector<16xi1>
        %eq3A_238 = arith.constant 1 : i32
        %eq3A_239 = vector.broadcast %eq3A_238 : i32 to vector<16xi32>
        %eq3A_240 = arith.cmpi eq, %get3A_229, %eq3A_239 : vector<16xi32>
        %and3A_241 = arith.andi %and3A_237, %eq3A_240 : vector<16xi1>
        %jit3A_242 = arith.constant 1.000000e+00 : f32
        %jit3A_243 = arith.constant 0.000000e+00 : f32
        %broadcast_in_dim3A_244 = vector.broadcast %jit3A_242 : f32 to vector<16xf32>
        %broadcast_in_dim3A_245 = vector.broadcast %jit3A_243 : f32 to vector<16xf32>
        %select_n3A_246 = arith.select %and3A_241, %broadcast_in_dim3A_244, %broadcast_in_dim3A_245 : vector<16xi1>, vector<16xf32>
        %ne3A_247 = vector.broadcast %scan3A_217 : i32 to vector<16xi32>
        %ne3A_248 = arith.cmpi ne, %get3A_224, %ne3A_247 : vector<16xi32>
        %and3A_249 = arith.andi %ne3A_248, %and3A_237 : vector<16xi1>
        %reduce_or3A = arith.constant 1.000000e+00 : f32
        %reduce_or3A_250 = arith.constant 0.000000e+00 : f32
        %reduce_or3A_251 = vector.broadcast %reduce_or3A : f32 to vector<16xf32>
        %reduce_or3A_252 = vector.broadcast %reduce_or3A_250 : f32 to vector<16xf32>
        %reduce_or3A_253 = arith.select %and3A_249, %reduce_or3A_251, %reduce_or3A_252 : vector<16xi1>, vector<16xf32>
        %reduce_or3A_254 = arith.constant true
        %reduce_or3A_255 = vector.broadcast %reduce_or3A_254 : i1 to vector<16xi1>
        %reduce_or3A_256 = tpu.scan <max>, %reduce_or3A_253 masked %reduce_or3A_255 : vector<16xf32>, vector<16xi1> -> vector<16xf32>
        %reduce_or3A_257 = vector.extract %reduce_or3A_256[15] : f32 from vector<16xf32>
        %reduce_or3A_258 = arith.constant 0.000000e+00 : f32
        %reduce_or3A_259 = arith.cmpf ogt, %reduce_or3A_257, %reduce_or3A_258 : f32
        %scan3A_260 = arith.constant 0 : i32
        %scan3A_261 = arith.constant 8 : i32
        %scan3A_262 = arith.addi %scan3A_260, %scan3A_261 : i32
        %scan3A_263 = arith.constant 1 : i32
        %scan3A_264 = scf.for %scan3A_282 = %scan3A_260 to %scan3A_262 step %scan3A_263 iter_args(%scan3A_283 = %broadcast_in_dim3A_1) -> (vector<16xf32>)  : i32 {
          %mul3A_284 = arith.constant 2 : i32
          %mul3A_285 = arith.muli %mul3A_284, %scan3A_282 : i32
          %add3A_286 = arith.addi %mul3A_219, %mul3A_285 : i32
          %get3A_287 = arith.constant 0 : i32
          %get3A_288 = arith.constant 0 : i32
          %get3A_289 = tpu.memref_slice %arg9[%select_n3A_173, %get3A_287, %get3A_288] : memref<2x128x256xf32, #tpu.memory_space<vmem>> -> memref<1x128x256xf32, #tpu.memory_space<vmem>>
          %get3A_290 = tpu.memref_squeeze %get3A_289 : memref<1x128x256xf32, #tpu.memory_space<vmem>> -> memref<128x256xf32, #tpu.memory_space<vmem>>
          %get3A_291 = arith.index_cast %add3A_286 : i32 to index
          %get3A_292 = arith.constant 0 : index
          %get3A_293 = tpu.vector_load %get3A_290[%get3A_291, %get3A_292] {strides = array<i32>} : memref<128x256xf32, #tpu.memory_space<vmem>>, vector<16xf32>,
          %mul3A_294 = arith.mulf %get3A_293, %get3A_98 : vector<16xf32>
          %get3A_295 = arith.constant 0 : i32
          %get3A_296 = arith.constant 0 : i32
          %get3A_297 = tpu.memref_slice %arg9[%select_n3A_173, %get3A_295, %get3A_296] : memref<2x128x256xf32, #tpu.memory_space<vmem>> -> memref<1x128x256xf32, #tpu.memory_space<vmem>>
          %get3A_298 = tpu.memref_squeeze %get3A_297 : memref<1x128x256xf32, #tpu.memory_space<vmem>> -> memref<128x256xf32, #tpu.memory_space<vmem>>
          %get3A_299 = arith.index_cast %add3A_286 : i32 to index
          %get3A_300 = arith.constant 16 : index
          %get3A_301 = tpu.vector_load %get3A_298[%get3A_299, %get3A_300] {strides = array<i32>} : memref<128x256xf32, #tpu.memory_space<vmem>>, vector<16xf32>,
          %mul3A_302 = arith.mulf %get3A_301, %get3A_100 : vector<16xf32>
          %add3A_303 = arith.addf %mul3A_294, %mul3A_302 : vector<16xf32>
          %add3A_304 = arith.addf %broadcast_in_dim3A_1, %add3A_303 : vector<16xf32>
          %add3A_305 = arith.constant 1 : i32
          %add3A_306 = arith.addi %add3A_286, %add3A_305 : i32
          %get3A_307 = arith.constant 0 : i32
          %get3A_308 = arith.constant 0 : i32
          %get3A_309 = tpu.memref_slice %arg9[%select_n3A_173, %get3A_307, %get3A_308] : memref<2x128x256xf32, #tpu.memory_space<vmem>> -> memref<1x128x256xf32, #tpu.memory_space<vmem>>
          %get3A_310 = tpu.memref_squeeze %get3A_309 : memref<1x128x256xf32, #tpu.memory_space<vmem>> -> memref<128x256xf32, #tpu.memory_space<vmem>>
          %get3A_311 = arith.index_cast %add3A_306 : i32 to index
          %get3A_312 = arith.constant 0 : index
          %get3A_313 = tpu.vector_load %get3A_310[%get3A_311, %get3A_312] {strides = array<i32>} : memref<128x256xf32, #tpu.memory_space<vmem>>, vector<16xf32>,
          %mul3A_314 = arith.mulf %get3A_313, %get3A_98 : vector<16xf32>
          %add3A_315 = arith.constant 1 : i32
          %add3A_316 = arith.addi %add3A_286, %add3A_315 : i32
          %get3A_317 = arith.constant 0 : i32
          %get3A_318 = arith.constant 0 : i32
          %get3A_319 = tpu.memref_slice %arg9[%select_n3A_173, %get3A_317, %get3A_318] : memref<2x128x256xf32, #tpu.memory_space<vmem>> -> memref<1x128x256xf32, #tpu.memory_space<vmem>>
          %get3A_320 = tpu.memref_squeeze %get3A_319 : memref<1x128x256xf32, #tpu.memory_space<vmem>> -> memref<128x256xf32, #tpu.memory_space<vmem>>
          %get3A_321 = arith.index_cast %add3A_316 : i32 to index
          %get3A_322 = arith.constant 16 : index
          %get3A_323 = tpu.vector_load %get3A_320[%get3A_321, %get3A_322] {strides = array<i32>} : memref<128x256xf32, #tpu.memory_space<vmem>>, vector<16xf32>,
          %mul3A_324 = arith.mulf %get3A_323, %get3A_100 : vector<16xf32>
          %add3A_325 = arith.addf %mul3A_314, %mul3A_324 : vector<16xf32>
          %add3A_326 = arith.addf %broadcast_in_dim3A_1, %add3A_325 : vector<16xf32>
          %get3A_327 = arith.constant 0 : i32
          %get3A_328 = arith.constant 0 : i32
          %get3A_329 = tpu.memref_slice %arg9[%select_n3A_173, %get3A_327, %get3A_328] : memref<2x128x256xf32, #tpu.memory_space<vmem>> -> memref<1x128x256xf32, #tpu.memory_space<vmem>>
          %get3A_330 = tpu.memref_squeeze %get3A_329 : memref<1x128x256xf32, #tpu.memory_space<vmem>> -> memref<128x256xf32, #tpu.memory_space<vmem>>
          %get3A_331 = arith.index_cast %add3A_286 : i32 to index
          %get3A_332 = arith.constant 32 : index
          %get3A_333 = tpu.vector_load %get3A_330[%get3A_331, %get3A_332] {strides = array<i32>} : memref<128x256xf32, #tpu.memory_space<vmem>>, vector<16xf32>,
          %mul3A_334 = arith.mulf %get3A_333, %get3A_102 : vector<16xf32>
          %get3A_335 = arith.constant 0 : i32
          %get3A_336 = arith.constant 0 : i32
          %get3A_337 = tpu.memref_slice %arg9[%select_n3A_173, %get3A_335, %get3A_336] : memref<2x128x256xf32, #tpu.memory_space<vmem>> -> memref<1x128x256xf32, #tpu.memory_space<vmem>>
          %get3A_338 = tpu.memref_squeeze %get3A_337 : memref<1x128x256xf32, #tpu.memory_space<vmem>> -> memref<128x256xf32, #tpu.memory_space<vmem>>
          %get3A_339 = arith.index_cast %add3A_286 : i32 to index
          %get3A_340 = arith.constant 48 : index
          %get3A_341 = tpu.vector_load %get3A_338[%get3A_339, %get3A_340] {strides = array<i32>} : memref<128x256xf32, #tpu.memory_space<vmem>>, vector<16xf32>,
          %mul3A_342 = arith.mulf %get3A_341, %get3A_104 : vector<16xf32>
          %add3A_343 = arith.addf %mul3A_334, %mul3A_342 : vector<16xf32>
          %add3A_344 = arith.addf %add3A_304, %add3A_343 : vector<16xf32>
          %add3A_345 = arith.constant 1 : i32
          %add3A_346 = arith.addi %add3A_286, %add3A_345 : i32
          %get3A_347 = arith.constant 0 : i32
          %get3A_348 = arith.constant 0 : i32
          %get3A_349 = tpu.memref_slice %arg9[%select_n3A_173, %get3A_347, %get3A_348] : memref<2x128x256xf32, #tpu.memory_space<vmem>> -> memref<1x128x256xf32, #tpu.memory_space<vmem>>
          %get3A_350 = tpu.memref_squeeze %get3A_349 : memref<1x128x256xf32, #tpu.memory_space<vmem>> -> memref<128x256xf32, #tpu.memory_space<vmem>>
          %get3A_351 = arith.index_cast %add3A_346 : i32 to index
          %get3A_352 = arith.constant 32 : index
          %get3A_353 = tpu.vector_load %get3A_350[%get3A_351, %get3A_352] {strides = array<i32>} : memref<128x256xf32, #tpu.memory_space<vmem>>, vector<16xf32>,
          %mul3A_354 = arith.mulf %get3A_353, %get3A_102 : vector<16xf32>
          %add3A_355 = arith.constant 1 : i32
          %add3A_356 = arith.addi %add3A_286, %add3A_355 : i32
          %get3A_357 = arith.constant 0 : i32
          %get3A_358 = arith.constant 0 : i32
          %get3A_359 = tpu.memref_slice %arg9[%select_n3A_173, %get3A_357, %get3A_358] : memref<2x128x256xf32, #tpu.memory_space<vmem>> -> memref<1x128x256xf32, #tpu.memory_space<vmem>>
          %get3A_360 = tpu.memref_squeeze %get3A_359 : memref<1x128x256xf32, #tpu.memory_space<vmem>> -> memref<128x256xf32, #tpu.memory_space<vmem>>
          %get3A_361 = arith.index_cast %add3A_356 : i32 to index
          %get3A_362 = arith.constant 48 : index
          %get3A_363 = tpu.vector_load %get3A_360[%get3A_361, %get3A_362] {strides = array<i32>} : memref<128x256xf32, #tpu.memory_space<vmem>>, vector<16xf32>,
          %mul3A_364 = arith.mulf %get3A_363, %get3A_104 : vector<16xf32>
          %add3A_365 = arith.addf %mul3A_354, %mul3A_364 : vector<16xf32>
          %add3A_366 = arith.addf %add3A_326, %add3A_365 : vector<16xf32>
          %get3A_367 = arith.constant 0 : i32
          %get3A_368 = arith.constant 0 : i32
          %get3A_369 = tpu.memref_slice %arg9[%select_n3A_173, %get3A_367, %get3A_368] : memref<2x128x256xf32, #tpu.memory_space<vmem>> -> memref<1x128x256xf32, #tpu.memory_space<vmem>>
          %get3A_370 = tpu.memref_squeeze %get3A_369 : memref<1x128x256xf32, #tpu.memory_space<vmem>> -> memref<128x256xf32, #tpu.memory_space<vmem>>
          %get3A_371 = arith.index_cast %add3A_286 : i32 to index
          %get3A_372 = arith.constant 64 : index
          %get3A_373 = tpu.vector_load %get3A_370[%get3A_371, %get3A_372] {strides = array<i32>} : memref<128x256xf32, #tpu.memory_space<vmem>>, vector<16xf32>,
          %mul3A_374 = arith.mulf %get3A_373, %get3A_106 : vector<16xf32>
          %get3A_375 = arith.constant 0 : i32
          %get3A_376 = arith.constant 0 : i32
          %get3A_377 = tpu.memref_slice %arg9[%select_n3A_173, %get3A_375, %get3A_376] : memref<2x128x256xf32, #tpu.memory_space<vmem>> -> memref<1x128x256xf32, #tpu.memory_space<vmem>>
          %get3A_378 = tpu.memref_squeeze %get3A_377 : memref<1x128x256xf32, #tpu.memory_space<vmem>> -> memref<128x256xf32, #tpu.memory_space<vmem>>
          %get3A_379 = arith.index_cast %add3A_286 : i32 to index
          %get3A_380 = arith.constant 80 : index
          %get3A_381 = tpu.vector_load %get3A_378[%get3A_379, %get3A_380] {strides = array<i32>} : memref<128x256xf32, #tpu.memory_space<vmem>>, vector<16xf32>,
          %mul3A_382 = arith.mulf %get3A_381, %get3A_108 : vector<16xf32>
          %add3A_383 = arith.addf %mul3A_374, %mul3A_382 : vector<16xf32>
          %add3A_384 = arith.addf %add3A_344, %add3A_383 : vector<16xf32>
          %add3A_385 = arith.constant 1 : i32
          %add3A_386 = arith.addi %add3A_286, %add3A_385 : i32
          %get3A_387 = arith.constant 0 : i32
          %get3A_388 = arith.constant 0 : i32
          %get3A_389 = tpu.memref_slice %arg9[%select_n3A_173, %get3A_387, %get3A_388] : memref<2x128x256xf32, #tpu.memory_space<vmem>> -> memref<1x128x256xf32, #tpu.memory_space<vmem>>
          %get3A_390 = tpu.memref_squeeze %get3A_389 : memref<1x128x256xf32, #tpu.memory_space<vmem>> -> memref<128x256xf32, #tpu.memory_space<vmem>>
          %get3A_391 = arith.index_cast %add3A_386 : i32 to index
          %get3A_392 = arith.constant 64 : index
          %get3A_393 = tpu.vector_load %get3A_390[%get3A_391, %get3A_392] {strides = array<i32>} : memref<128x256xf32, #tpu.memory_space<vmem>>, vector<16xf32>,
          %mul3A_394 = arith.mulf %get3A_393, %get3A_106 : vector<16xf32>
          %add3A_395 = arith.constant 1 : i32
          %add3A_396 = arith.addi %add3A_286, %add3A_395 : i32
          %get3A_397 = arith.constant 0 : i32
          %get3A_398 = arith.constant 0 : i32
          %get3A_399 = tpu.memref_slice %arg9[%select_n3A_173, %get3A_397, %get3A_398] : memref<2x128x256xf32, #tpu.memory_space<vmem>> -> memref<1x128x256xf32, #tpu.memory_space<vmem>>
          %get3A_400 = tpu.memref_squeeze %get3A_399 : memref<1x128x256xf32, #tpu.memory_space<vmem>> -> memref<128x256xf32, #tpu.memory_space<vmem>>
          %get3A_401 = arith.index_cast %add3A_396 : i32 to index
          %get3A_402 = arith.constant 80 : index
          %get3A_403 = tpu.vector_load %get3A_400[%get3A_401, %get3A_402] {strides = array<i32>} : memref<128x256xf32, #tpu.memory_space<vmem>>, vector<16xf32>,
          %mul3A_404 = arith.mulf %get3A_403, %get3A_108 : vector<16xf32>
          %add3A_405 = arith.addf %mul3A_394, %mul3A_404 : vector<16xf32>
          %add3A_406 = arith.addf %add3A_366, %add3A_405 : vector<16xf32>
          %get3A_407 = arith.constant 0 : i32
          %get3A_408 = arith.constant 0 : i32
          %get3A_409 = tpu.memref_slice %arg9[%select_n3A_173, %get3A_407, %get3A_408] : memref<2x128x256xf32, #tpu.memory_space<vmem>> -> memref<1x128x256xf32, #tpu.memory_space<vmem>>
          %get3A_410 = tpu.memref_squeeze %get3A_409 : memref<1x128x256xf32, #tpu.memory_space<vmem>> -> memref<128x256xf32, #tpu.memory_space<vmem>>
          %get3A_411 = arith.index_cast %add3A_286 : i32 to index
          %get3A_412 = arith.constant 96 : index
          %get3A_413 = tpu.vector_load %get3A_410[%get3A_411, %get3A_412] {strides = array<i32>} : memref<128x256xf32, #tpu.memory_space<vmem>>, vector<16xf32>,
          %mul3A_414 = arith.mulf %get3A_413, %get3A_110 : vector<16xf32>
          %get3A_415 = arith.constant 0 : i32
          %get3A_416 = arith.constant 0 : i32
          %get3A_417 = tpu.memref_slice %arg9[%select_n3A_173, %get3A_415, %get3A_416] : memref<2x128x256xf32, #tpu.memory_space<vmem>> -> memref<1x128x256xf32, #tpu.memory_space<vmem>>
          %get3A_418 = tpu.memref_squeeze %get3A_417 : memref<1x128x256xf32, #tpu.memory_space<vmem>> -> memref<128x256xf32, #tpu.memory_space<vmem>>
          %get3A_419 = arith.index_cast %add3A_286 : i32 to index
          %get3A_420 = arith.constant 112 : index
          %get3A_421 = tpu.vector_load %get3A_418[%get3A_419, %get3A_420] {strides = array<i32>} : memref<128x256xf32, #tpu.memory_space<vmem>>, vector<16xf32>,
          %mul3A_422 = arith.mulf %get3A_421, %get3A_112 : vector<16xf32>
          %add3A_423 = arith.addf %mul3A_414, %mul3A_422 : vector<16xf32>
          %add3A_424 = arith.addf %add3A_384, %add3A_423 : vector<16xf32>
          %add3A_425 = arith.constant 1 : i32
          %add3A_426 = arith.addi %add3A_286, %add3A_425 : i32
          %get3A_427 = arith.constant 0 : i32
          %get3A_428 = arith.constant 0 : i32
          %get3A_429 = tpu.memref_slice %arg9[%select_n3A_173, %get3A_427, %get3A_428] : memref<2x128x256xf32, #tpu.memory_space<vmem>> -> memref<1x128x256xf32, #tpu.memory_space<vmem>>
          %get3A_430 = tpu.memref_squeeze %get3A_429 : memref<1x128x256xf32, #tpu.memory_space<vmem>> -> memref<128x256xf32, #tpu.memory_space<vmem>>
          %get3A_431 = arith.index_cast %add3A_426 : i32 to index
          %get3A_432 = arith.constant 96 : index
          %get3A_433 = tpu.vector_load %get3A_430[%get3A_431, %get3A_432] {strides = array<i32>} : memref<128x256xf32, #tpu.memory_space<vmem>>, vector<16xf32>,
          %mul3A_434 = arith.mulf %get3A_433, %get3A_110 : vector<16xf32>
          %add3A_435 = arith.constant 1 : i32
          %add3A_436 = arith.addi %add3A_286, %add3A_435 : i32
          %get3A_437 = arith.constant 0 : i32
          %get3A_438 = arith.constant 0 : i32
          %get3A_439 = tpu.memref_slice %arg9[%select_n3A_173, %get3A_437, %get3A_438] : memref<2x128x256xf32, #tpu.memory_space<vmem>> -> memref<1x128x256xf32, #tpu.memory_space<vmem>>
          %get3A_440 = tpu.memref_squeeze %get3A_439 : memref<1x128x256xf32, #tpu.memory_space<vmem>> -> memref<128x256xf32, #tpu.memory_space<vmem>>
          %get3A_441 = arith.index_cast %add3A_436 : i32 to index
          %get3A_442 = arith.constant 112 : index
          %get3A_443 = tpu.vector_load %get3A_440[%get3A_441, %get3A_442] {strides = array<i32>} : memref<128x256xf32, #tpu.memory_space<vmem>>, vector<16xf32>,
          %mul3A_444 = arith.mulf %get3A_443, %get3A_112 : vector<16xf32>
          %add3A_445 = arith.addf %mul3A_434, %mul3A_444 : vector<16xf32>
          %add3A_446 = arith.addf %add3A_406, %add3A_445 : vector<16xf32>
          %get3A_447 = arith.constant 0 : i32
          %get3A_448 = arith.constant 0 : i32
          %get3A_449 = tpu.memref_slice %arg9[%select_n3A_173, %get3A_447, %get3A_448] : memref<2x128x256xf32, #tpu.memory_space<vmem>> -> memref<1x128x256xf32, #tpu.memory_space<vmem>>
          %get3A_450 = tpu.memref_squeeze %get3A_449 : memref<1x128x256xf32, #tpu.memory_space<vmem>> -> memref<128x256xf32, #tpu.memory_space<vmem>>
          %get3A_451 = arith.index_cast %add3A_286 : i32 to index
          %get3A_452 = arith.constant 128 : index
          %get3A_453 = tpu.vector_load %get3A_450[%get3A_451, %get3A_452] {strides = array<i32>} : memref<128x256xf32, #tpu.memory_space<vmem>>, vector<16xf32>,
          %mul3A_454 = arith.mulf %get3A_453, %get3A_114 : vector<16xf32>
          %get3A_455 = arith.constant 0 : i32
          %get3A_456 = arith.constant 0 : i32
          %get3A_457 = tpu.memref_slice %arg9[%select_n3A_173, %get3A_455, %get3A_456] : memref<2x128x256xf32, #tpu.memory_space<vmem>> -> memref<1x128x256xf32, #tpu.memory_space<vmem>>
          %get3A_458 = tpu.memref_squeeze %get3A_457 : memref<1x128x256xf32, #tpu.memory_space<vmem>> -> memref<128x256xf32, #tpu.memory_space<vmem>>
          %get3A_459 = arith.index_cast %add3A_286 : i32 to index
          %get3A_460 = arith.constant 144 : index
          %get3A_461 = tpu.vector_load %get3A_458[%get3A_459, %get3A_460] {strides = array<i32>} : memref<128x256xf32, #tpu.memory_space<vmem>>, vector<16xf32>,
          %mul3A_462 = arith.mulf %get3A_461, %get3A_116 : vector<16xf32>
          %add3A_463 = arith.addf %mul3A_454, %mul3A_462 : vector<16xf32>
          %add3A_464 = arith.addf %add3A_424, %add3A_463 : vector<16xf32>
          %add3A_465 = arith.constant 1 : i32
          %add3A_466 = arith.addi %add3A_286, %add3A_465 : i32
          %get3A_467 = arith.constant 0 : i32
          %get3A_468 = arith.constant 0 : i32
          %get3A_469 = tpu.memref_slice %arg9[%select_n3A_173, %get3A_467, %get3A_468] : memref<2x128x256xf32, #tpu.memory_space<vmem>> -> memref<1x128x256xf32, #tpu.memory_space<vmem>>
          %get3A_470 = tpu.memref_squeeze %get3A_469 : memref<1x128x256xf32, #tpu.memory_space<vmem>> -> memref<128x256xf32, #tpu.memory_space<vmem>>
          %get3A_471 = arith.index_cast %add3A_466 : i32 to index
          %get3A_472 = arith.constant 128 : index
          %get3A_473 = tpu.vector_load %get3A_470[%get3A_471, %get3A_472] {strides = array<i32>} : memref<128x256xf32, #tpu.memory_space<vmem>>, vector<16xf32>,
          %mul3A_474 = arith.mulf %get3A_473, %get3A_114 : vector<16xf32>
          %add3A_475 = arith.constant 1 : i32
          %add3A_476 = arith.addi %add3A_286, %add3A_475 : i32
          %get3A_477 = arith.constant 0 : i32
          %get3A_478 = arith.constant 0 : i32
          %get3A_479 = tpu.memref_slice %arg9[%select_n3A_173, %get3A_477, %get3A_478] : memref<2x128x256xf32, #tpu.memory_space<vmem>> -> memref<1x128x256xf32, #tpu.memory_space<vmem>>
          %get3A_480 = tpu.memref_squeeze %get3A_479 : memref<1x128x256xf32, #tpu.memory_space<vmem>> -> memref<128x256xf32, #tpu.memory_space<vmem>>
          %get3A_481 = arith.index_cast %add3A_476 : i32 to index
          %get3A_482 = arith.constant 144 : index
          %get3A_483 = tpu.vector_load %get3A_480[%get3A_481, %get3A_482] {strides = array<i32>} : memref<128x256xf32, #tpu.memory_space<vmem>>, vector<16xf32>,
          %mul3A_484 = arith.mulf %get3A_483, %get3A_116 : vector<16xf32>
          %add3A_485 = arith.addf %mul3A_474, %mul3A_484 : vector<16xf32>
          %add3A_486 = arith.addf %add3A_446, %add3A_485 : vector<16xf32>
          %get3A_487 = arith.constant 0 : i32
          %get3A_488 = arith.constant 0 : i32
          %get3A_489 = tpu.memref_slice %arg9[%select_n3A_173, %get3A_487, %get3A_488] : memref<2x128x256xf32, #tpu.memory_space<vmem>> -> memref<1x128x256xf32, #tpu.memory_space<vmem>>
          %get3A_490 = tpu.memref_squeeze %get3A_489 : memref<1x128x256xf32, #tpu.memory_space<vmem>> -> memref<128x256xf32, #tpu.memory_space<vmem>>
          %get3A_491 = arith.index_cast %add3A_286 : i32 to index
          %get3A_492 = arith.constant 160 : index
          %get3A_493 = tpu.vector_load %get3A_490[%get3A_491, %get3A_492] {strides = array<i32>} : memref<128x256xf32, #tpu.memory_space<vmem>>, vector<16xf32>,
          %mul3A_494 = arith.mulf %get3A_493, %get3A_118 : vector<16xf32>
          %get3A_495 = arith.constant 0 : i32
          %get3A_496 = arith.constant 0 : i32
          %get3A_497 = tpu.memref_slice %arg9[%select_n3A_173, %get3A_495, %get3A_496] : memref<2x128x256xf32, #tpu.memory_space<vmem>> -> memref<1x128x256xf32, #tpu.memory_space<vmem>>
          %get3A_498 = tpu.memref_squeeze %get3A_497 : memref<1x128x256xf32, #tpu.memory_space<vmem>> -> memref<128x256xf32, #tpu.memory_space<vmem>>
          %get3A_499 = arith.index_cast %add3A_286 : i32 to index
          %get3A_500 = arith.constant 176 : index
          %get3A_501 = tpu.vector_load %get3A_498[%get3A_499, %get3A_500] {strides = array<i32>} : memref<128x256xf32, #tpu.memory_space<vmem>>, vector<16xf32>,
          %mul3A_502 = arith.mulf %get3A_501, %get3A_120 : vector<16xf32>
          %add3A_503 = arith.addf %mul3A_494, %mul3A_502 : vector<16xf32>
          %add3A_504 = arith.addf %add3A_464, %add3A_503 : vector<16xf32>
          %add3A_505 = arith.constant 1 : i32
          %add3A_506 = arith.addi %add3A_286, %add3A_505 : i32
          %get3A_507 = arith.constant 0 : i32
          %get3A_508 = arith.constant 0 : i32
          %get3A_509 = tpu.memref_slice %arg9[%select_n3A_173, %get3A_507, %get3A_508] : memref<2x128x256xf32, #tpu.memory_space<vmem>> -> memref<1x128x256xf32, #tpu.memory_space<vmem>>
          %get3A_510 = tpu.memref_squeeze %get3A_509 : memref<1x128x256xf32, #tpu.memory_space<vmem>> -> memref<128x256xf32, #tpu.memory_space<vmem>>
          %get3A_511 = arith.index_cast %add3A_506 : i32 to index
          %get3A_512 = arith.constant 160 : index
          %get3A_513 = tpu.vector_load %get3A_510[%get3A_511, %get3A_512] {strides = array<i32>} : memref<128x256xf32, #tpu.memory_space<vmem>>, vector<16xf32>,
          %mul3A_514 = arith.mulf %get3A_513, %get3A_118 : vector<16xf32>
          %add3A_515 = arith.constant 1 : i32
          %add3A_516 = arith.addi %add3A_286, %add3A_515 : i32
          %get3A_517 = arith.constant 0 : i32
          %get3A_518 = arith.constant 0 : i32
          %get3A_519 = tpu.memref_slice %arg9[%select_n3A_173, %get3A_517, %get3A_518] : memref<2x128x256xf32, #tpu.memory_space<vmem>> -> memref<1x128x256xf32, #tpu.memory_space<vmem>>
          %get3A_520 = tpu.memref_squeeze %get3A_519 : memref<1x128x256xf32, #tpu.memory_space<vmem>> -> memref<128x256xf32, #tpu.memory_space<vmem>>
          %get3A_521 = arith.index_cast %add3A_516 : i32 to index
          %get3A_522 = arith.constant 176 : index
          %get3A_523 = tpu.vector_load %get3A_520[%get3A_521, %get3A_522] {strides = array<i32>} : memref<128x256xf32, #tpu.memory_space<vmem>>, vector<16xf32>,
          %mul3A_524 = arith.mulf %get3A_523, %get3A_120 : vector<16xf32>
          %add3A_525 = arith.addf %mul3A_514, %mul3A_524 : vector<16xf32>
          %add3A_526 = arith.addf %add3A_486, %add3A_525 : vector<16xf32>
          %get3A_527 = arith.constant 0 : i32
          %get3A_528 = arith.constant 0 : i32
          %get3A_529 = tpu.memref_slice %arg9[%select_n3A_173, %get3A_527, %get3A_528] : memref<2x128x256xf32, #tpu.memory_space<vmem>> -> memref<1x128x256xf32, #tpu.memory_space<vmem>>
          %get3A_530 = tpu.memref_squeeze %get3A_529 : memref<1x128x256xf32, #tpu.memory_space<vmem>> -> memref<128x256xf32, #tpu.memory_space<vmem>>
          %get3A_531 = arith.index_cast %add3A_286 : i32 to index
          %get3A_532 = arith.constant 192 : index
          %get3A_533 = tpu.vector_load %get3A_530[%get3A_531, %get3A_532] {strides = array<i32>} : memref<128x256xf32, #tpu.memory_space<vmem>>, vector<16xf32>,
          %mul3A_534 = arith.mulf %get3A_533, %get3A_122 : vector<16xf32>
          %get3A_535 = arith.constant 0 : i32
          %get3A_536 = arith.constant 0 : i32
          %get3A_537 = tpu.memref_slice %arg9[%select_n3A_173, %get3A_535, %get3A_536] : memref<2x128x256xf32, #tpu.memory_space<vmem>> -> memref<1x128x256xf32, #tpu.memory_space<vmem>>
          %get3A_538 = tpu.memref_squeeze %get3A_537 : memref<1x128x256xf32, #tpu.memory_space<vmem>> -> memref<128x256xf32, #tpu.memory_space<vmem>>
          %get3A_539 = arith.index_cast %add3A_286 : i32 to index
          %get3A_540 = arith.constant 208 : index
          %get3A_541 = tpu.vector_load %get3A_538[%get3A_539, %get3A_540] {strides = array<i32>} : memref<128x256xf32, #tpu.memory_space<vmem>>, vector<16xf32>,
          %mul3A_542 = arith.mulf %get3A_541, %get3A_124 : vector<16xf32>
          %add3A_543 = arith.addf %mul3A_534, %mul3A_542 : vector<16xf32>
          %add3A_544 = arith.addf %add3A_504, %add3A_543 : vector<16xf32>
          %add3A_545 = arith.constant 1 : i32
          %add3A_546 = arith.addi %add3A_286, %add3A_545 : i32
          %get3A_547 = arith.constant 0 : i32
          %get3A_548 = arith.constant 0 : i32
          %get3A_549 = tpu.memref_slice %arg9[%select_n3A_173, %get3A_547, %get3A_548] : memref<2x128x256xf32, #tpu.memory_space<vmem>> -> memref<1x128x256xf32, #tpu.memory_space<vmem>>
          %get3A_550 = tpu.memref_squeeze %get3A_549 : memref<1x128x256xf32, #tpu.memory_space<vmem>> -> memref<128x256xf32, #tpu.memory_space<vmem>>
          %get3A_551 = arith.index_cast %add3A_546 : i32 to index
          %get3A_552 = arith.constant 192 : index
          %get3A_553 = tpu.vector_load %get3A_550[%get3A_551, %get3A_552] {strides = array<i32>} : memref<128x256xf32, #tpu.memory_space<vmem>>, vector<16xf32>,
          %mul3A_554 = arith.mulf %get3A_553, %get3A_122 : vector<16xf32>
          %add3A_555 = arith.constant 1 : i32
          %add3A_556 = arith.addi %add3A_286, %add3A_555 : i32
          %get3A_557 = arith.constant 0 : i32
          %get3A_558 = arith.constant 0 : i32
          %get3A_559 = tpu.memref_slice %arg9[%select_n3A_173, %get3A_557, %get3A_558] : memref<2x128x256xf32, #tpu.memory_space<vmem>> -> memref<1x128x256xf32, #tpu.memory_space<vmem>>
          %get3A_560 = tpu.memref_squeeze %get3A_559 : memref<1x128x256xf32, #tpu.memory_space<vmem>> -> memref<128x256xf32, #tpu.memory_space<vmem>>
          %get3A_561 = arith.index_cast %add3A_556 : i32 to index
          %get3A_562 = arith.constant 208 : index
          %get3A_563 = tpu.vector_load %get3A_560[%get3A_561, %get3A_562] {strides = array<i32>} : memref<128x256xf32, #tpu.memory_space<vmem>>, vector<16xf32>,
          %mul3A_564 = arith.mulf %get3A_563, %get3A_124 : vector<16xf32>
          %add3A_565 = arith.addf %mul3A_554, %mul3A_564 : vector<16xf32>
          %add3A_566 = arith.addf %add3A_526, %add3A_565 : vector<16xf32>
          %get3A_567 = arith.constant 0 : i32
          %get3A_568 = arith.constant 0 : i32
          %get3A_569 = tpu.memref_slice %arg9[%select_n3A_173, %get3A_567, %get3A_568] : memref<2x128x256xf32, #tpu.memory_space<vmem>> -> memref<1x128x256xf32, #tpu.memory_space<vmem>>
          %get3A_570 = tpu.memref_squeeze %get3A_569 : memref<1x128x256xf32, #tpu.memory_space<vmem>> -> memref<128x256xf32, #tpu.memory_space<vmem>>
          %get3A_571 = arith.index_cast %add3A_286 : i32 to index
          %get3A_572 = arith.constant 224 : index
          %get3A_573 = tpu.vector_load %get3A_570[%get3A_571, %get3A_572] {strides = array<i32>} : memref<128x256xf32, #tpu.memory_space<vmem>>, vector<16xf32>,
          %mul3A_574 = arith.mulf %get3A_573, %get3A_126 : vector<16xf32>
          %get3A_575 = arith.constant 0 : i32
          %get3A_576 = arith.constant 0 : i32
          %get3A_577 = tpu.memref_slice %arg9[%select_n3A_173, %get3A_575, %get3A_576] : memref<2x128x256xf32, #tpu.memory_space<vmem>> -> memref<1x128x256xf32, #tpu.memory_space<vmem>>
          %get3A_578 = tpu.memref_squeeze %get3A_577 : memref<1x128x256xf32, #tpu.memory_space<vmem>> -> memref<128x256xf32, #tpu.memory_space<vmem>>
          %get3A_579 = arith.index_cast %add3A_286 : i32 to index
          %get3A_580 = arith.constant 240 : index
          %get3A_581 = tpu.vector_load %get3A_578[%get3A_579, %get3A_580] {strides = array<i32>} : memref<128x256xf32, #tpu.memory_space<vmem>>, vector<16xf32>,
          %mul3A_582 = arith.mulf %get3A_581, %get3A_128 : vector<16xf32>
          %add3A_583 = arith.addf %mul3A_574, %mul3A_582 : vector<16xf32>
          %add3A_584 = arith.addf %add3A_544, %add3A_583 : vector<16xf32>
          %add3A_585 = arith.constant 1 : i32
          %add3A_586 = arith.addi %add3A_286, %add3A_585 : i32
          %get3A_587 = arith.constant 0 : i32
          %get3A_588 = arith.constant 0 : i32
          %get3A_589 = tpu.memref_slice %arg9[%select_n3A_173, %get3A_587, %get3A_588] : memref<2x128x256xf32, #tpu.memory_space<vmem>> -> memref<1x128x256xf32, #tpu.memory_space<vmem>>
          %get3A_590 = tpu.memref_squeeze %get3A_589 : memref<1x128x256xf32, #tpu.memory_space<vmem>> -> memref<128x256xf32, #tpu.memory_space<vmem>>
          %get3A_591 = arith.index_cast %add3A_586 : i32 to index
          %get3A_592 = arith.constant 224 : index
          %get3A_593 = tpu.vector_load %get3A_590[%get3A_591, %get3A_592] {strides = array<i32>} : memref<128x256xf32, #tpu.memory_space<vmem>>, vector<16xf32>,
          %mul3A_594 = arith.mulf %get3A_593, %get3A_126 : vector<16xf32>
          %add3A_595 = arith.constant 1 : i32
          %add3A_596 = arith.addi %add3A_286, %add3A_595 : i32
          %get3A_597 = arith.constant 0 : i32
          %get3A_598 = arith.constant 0 : i32
          %get3A_599 = tpu.memref_slice %arg9[%select_n3A_173, %get3A_597, %get3A_598] : memref<2x128x256xf32, #tpu.memory_space<vmem>> -> memref<1x128x256xf32, #tpu.memory_space<vmem>>
          %get3A_600 = tpu.memref_squeeze %get3A_599 : memref<1x128x256xf32, #tpu.memory_space<vmem>> -> memref<128x256xf32, #tpu.memory_space<vmem>>
          %get3A_601 = arith.index_cast %add3A_596 : i32 to index
          %get3A_602 = arith.constant 240 : index
          %get3A_603 = tpu.vector_load %get3A_600[%get3A_601, %get3A_602] {strides = array<i32>} : memref<128x256xf32, #tpu.memory_space<vmem>>, vector<16xf32>,
          %mul3A_604 = arith.mulf %get3A_603, %get3A_128 : vector<16xf32>
          %add3A_605 = arith.addf %mul3A_594, %mul3A_604 : vector<16xf32>
          %add3A_606 = arith.addf %add3A_566, %add3A_605 : vector<16xf32>
          %reduce_sum3A = arith.constant true
          %reduce_sum3A_607 = vector.broadcast %reduce_sum3A : i1 to vector<16xi1>
          %reduce_sum3A_608 = tpu.scan <sum>, %add3A_584 masked %reduce_sum3A_607 : vector<16xf32>, vector<16xi1> -> vector<16xf32>
          %reduce_sum3A_609 = vector.extract %reduce_sum3A_608[15] : f32 from vector<16xf32>
          %broadcast_in_dim3A_610 = vector.broadcast %reduce_sum3A_609 : f32 to vector<16xf32>
          %reduce_sum3A_611 = arith.constant true
          %reduce_sum3A_612 = vector.broadcast %reduce_sum3A_611 : i1 to vector<16xi1>
          %reduce_sum3A_613 = tpu.scan <sum>, %add3A_606 masked %reduce_sum3A_612 : vector<16xf32>, vector<16xi1> -> vector<16xf32>
          %reduce_sum3A_614 = vector.extract %reduce_sum3A_613[15] : f32 from vector<16xf32>
          %broadcast_in_dim3A_615 = vector.broadcast %reduce_sum3A_614 : f32 to vector<16xf32>
          %mul3A_616 = arith.constant 2 : i32
          %mul3A_617 = arith.muli %mul3A_616, %scan3A_282 : i32
          %eq3A_618 = vector.broadcast %mul3A_617 : i32 to vector<16xi32>
          %eq3A_619 = arith.cmpi eq, %iota3A, %eq3A_618 : vector<16xi32>
          %select_n3A_620 = arith.select %eq3A_619, %broadcast_in_dim3A_610, %scan3A_283 : vector<16xi1>, vector<16xf32>
          %mul3A_621 = arith.constant 2 : i32
          %mul3A_622 = arith.muli %mul3A_621, %scan3A_282 : i32
          %add3A_623 = arith.constant 1 : i32
          %add3A_624 = arith.addi %mul3A_622, %add3A_623 : i32
          %eq3A_625 = vector.broadcast %add3A_624 : i32 to vector<16xi32>
          %eq3A_626 = arith.cmpi eq, %iota3A, %eq3A_625 : vector<16xi32>
          %select_n3A_627 = arith.select %eq3A_626, %broadcast_in_dim3A_615, %select_n3A_620 : vector<16xi1>, vector<16xf32>
          scf.yield %select_n3A_627 : vector<16xf32>
        }
        %scan3A_265 = arith.constant 8 : i32
        %add3A_266 = vector.broadcast %squeeze3A_132 : f32 to vector<16xf32>
        %add3A_267 = arith.addf %scan3A_264, %add3A_266 : vector<16xf32>
        %neg3A = arith.constant 0.000000e+00 : f32
        %neg3A_268 = vector.broadcast %neg3A : f32 to vector<16xf32>
        %neg3A_269 = arith.subf %neg3A_268, %add3A_267 : vector<16xf32>
        %exp3A = math.exp %neg3A_269 : vector<16xf32>
        %add3A_270 = arith.constant 1.000000e+00 : f32
        %add3A_271 = vector.broadcast %add3A_270 : f32 to vector<16xf32>
        %add3A_272 = arith.addf %add3A_271, %exp3A : vector<16xf32>
        %div3A_273 = arith.constant 1.000000e+00 : f32
        %div3A_274 = vector.broadcast %div3A_273 : f32 to vector<16xf32>
        %div3A_275 = arith.divf %div3A_274, %add3A_272 : vector<16xf32>
        %exp3A_276 = math.exp %div3A_275 : vector<16xf32>
        %mul3A_277 = arith.mulf %exp3A_276, %select_n3A_246 : vector<16xf32>
        %convert_element_type3A_278 = arith.extui %reduce_or3A_259 : i1 to i32
        %cond3A_279 = arith.constant 0 : i32
        %cond3A_280 = arith.cmpi ne, %convert_element_type3A_278, %cond3A_279 : i32
        %cond3A_281 = scf.if %cond3A_280 -> (i32) {
          %sub3A_282 = arith.subi %scan3A_217, %mul3A_134 : i32
          %jit3A_283 = arith.constant 0 : i32
          %jit3A_284 = arith.constant 31 : i32
          %max3A_285 = arith.maxsi %jit3A_283, %sub3A_282 : i32
          %min3A_286 = arith.minsi %jit3A_284, %max3A_285 : i32
          %scan3A_287 = arith.constant 0 : i32
          %scan3A_288 = arith.constant 0 : i32
          %scan3A_289 = arith.constant 16 : i32
          %scan3A_290 = arith.addi %scan3A_288, %scan3A_289 : i32
          %scan3A_291 = arith.constant 1 : i32
          %scan3A_292 = scf.for %scan3A_308 = %scan3A_288 to %scan3A_290 step %scan3A_291 iter_args(%scan3A_309 = %scan3A_287) -> (i32)  : i32 {
            %mul3A_310 = arith.constant 16 : i32
            %mul3A_311 = arith.muli %scan3A_308, %mul3A_310 : i32
            %get3A_312 = arith.index_cast %mul3A_311 : i32 to index
            %get3A_313 = tpu.vector_load %arg19[%get3A_312] {strides = array<i32>} : memref<256xf32, #tpu.memory_space<vmem>>, vector<16xf32>,
            %mul3A_314 = arith.constant 16 : i32
            %mul3A_315 = arith.muli %scan3A_308, %mul3A_314 : i32
            %swap3A_316 = arith.index_cast %min3A_286 : i32 to index
            %swap3A_317 = arith.index_cast %mul3A_315 : i32 to index
            %swap3A_318 = tpu.vector_load %arg16[%swap3A_316, %swap3A_317] {strides = array<i32>} : memref<32x256xf32, #tpu.memory_space<vmem>>, vector<16xf32>,
            tpu.vector_store %arg16[%swap3A_316, %swap3A_317], %get3A_313 {strides = array<i32>} : memref<32x256xf32, #tpu.memory_space<vmem>>, vector<16xf32>,
            %scan3A_319 = arith.constant 0 : i32
            scf.yield %scan3A_319 : i32
          }
          %scan3A_293 = arith.constant 16 : i32
          %get3A_294 = arith.constant 0 : index
          %get3A_295 = tpu.vector_load %arg20[%get3A_294] {strides = array<i32>} : memref<16xf32, #tpu.memory_space<vmem>>, vector<16xf32>,
          %swap3A_296 = arith.index_cast %min3A_286 : i32 to index
          %swap3A_297 = arith.constant 0 : index
          %swap3A_298 = tpu.vector_load %arg17[%swap3A_296, %swap3A_297] {strides = array<i32>} : memref<32x16xf32, #tpu.memory_space<vmem>>, vector<16xf32>,
          tpu.vector_store %arg17[%swap3A_296, %swap3A_297], %get3A_295 {strides = array<i32>} : memref<32x16xf32, #tpu.memory_space<vmem>>, vector<16xf32>,
          %swap3A_299 = arith.index_cast %min3A_286 : i32 to index
          %swap3A_300 = arith.constant 0 : index
          %swap3A_301 = tpu.vector_load %arg18[%swap3A_299, %swap3A_300] {strides = array<i32>} : memref<32x16xf32, #tpu.memory_space<vmem>>, vector<16xf32>,
          tpu.vector_store %arg18[%swap3A_299, %swap3A_300], %broadcast_in_dim3A_3 {strides = array<i32>} : memref<32x16xf32, #tpu.memory_space<vmem>>, vector<16xf32>,
          %scan3A_302 = arith.constant 0 : i32
          %scan3A_303 = arith.constant 16 : i32
          %scan3A_304 = arith.addi %scan3A_302, %scan3A_303 : i32
          %scan3A_305 = arith.constant 1 : i32
          %scan3A_306 = scf.for %scan3A_308 = %scan3A_302 to %scan3A_304 step %scan3A_305 iter_args(%scan3A_309 = %scan3A_217) -> (i32)  : i32 {
            %add3A_310 = arith.addi %min3A_205, %mul3A_219 : i32
            %add3A_311 = arith.addi %add3A_310, %scan3A_308 : i32
            %ge3A_312 = arith.cmpi sge, %add3A_311, %max3A_209 : i32
            %lt3A_313 = arith.cmpi slt, %add3A_311, %squeeze3A_49 : i32
            %and3A_314 = arith.andi %ge3A_312, %lt3A_313 : i1
            %broadcast_in_dim3A_315 = vector.broadcast %scan3A_308 : i32 to vector<16xi32>
            %lt3A_316 = arith.constant 0 : i32
            %lt3A_317 = vector.broadcast %lt3A_316 : i32 to vector<16xi32>
            %lt3A_318 = arith.cmpi slt, %broadcast_in_dim3A_315, %lt3A_317 : vector<16xi32>
            %add3A_319 = arith.constant 16 : i32
            %add3A_320 = vector.broadcast %add3A_319 : i32 to vector<16xi32>
            %add3A_321 = arith.addi %broadcast_in_dim3A_315, %add3A_320 : vector<16xi32>
            %select_n3A_322 = arith.select %lt3A_318, %add3A_321, %broadcast_in_dim3A_315 : vector<16xi1>, vector<16xi32>
            %broadcast_in_dim3A_323 = vector.shape_cast %select_n3A_322 : vector<16xi32> to vector<16x1xi32>
            %gather3A_324 = vector.shape_cast %broadcast_in_dim3A_323 : vector<16x1xi32> to vector<16xi32>
            %gather3A_325 = tpu.dynamic_gather %get3A_224[%gather3A_324] in [0] : vector<16xi32>, vector<16xi32> -> vector<16xi32>
            %slice3A_326 = vector.extract_strided_slice %gather3A_325 {offsets = [0], sizes = [1], strides = [1]} : vector<16xi32> to vector<1xi32>
            %squeeze3A_327 = vector.extract %slice3A_326[0] : i32 from vector<1xi32>
            %sub3A_328 = arith.subi %squeeze3A_327, %mul3A_134 : i32
            %jit3A_329 = arith.constant 0 : i32
            %jit3A_330 = arith.constant 31 : i32
            %max3A_331 = arith.maxsi %jit3A_329, %sub3A_328 : i32
            %min3A_332 = arith.minsi %jit3A_330, %max3A_331 : i32
            %lt3A_333 = arith.constant 0 : i32
            %lt3A_334 = vector.broadcast %lt3A_333 : i32 to vector<16xi32>
            %lt3A_335 = arith.cmpi slt, %broadcast_in_dim3A_315, %lt3A_334 : vector<16xi32>
            %add3A_336 = arith.constant 16 : i32
            %add3A_337 = vector.broadcast %add3A_336 : i32 to vector<16xi32>
            %add3A_338 = arith.addi %broadcast_in_dim3A_315, %add3A_337 : vector<16xi32>
            %select_n3A_339 = arith.select %lt3A_335, %add3A_338, %broadcast_in_dim3A_315 : vector<16xi1>, vector<16xi32>
            %broadcast_in_dim3A_340 = vector.shape_cast %select_n3A_339 : vector<16xi32> to vector<16x1xi32>
            %gather3A_341 = vector.shape_cast %broadcast_in_dim3A_340 : vector<16x1xi32> to vector<16xi32>
            %gather3A_342 = tpu.dynamic_gather %mul3A_277[%gather3A_341] in [0] : vector<16xf32>, vector<16xi32> -> vector<16xf32>
            %get3A_343 = arith.constant 0 : index
            %get3A_344 = tpu.vector_load %arg20[%get3A_343] {strides = array<i32>} : memref<16xf32, #tpu.memory_space<vmem>>, vector<16xf32>,
            %eq3A_345 = vector.broadcast %scan3A_308 : i32 to vector<16xi32>
            %eq3A_346 = arith.cmpi eq, %iota3A, %eq3A_345 : vector<16xi32>
            %select_n3A_347 = arith.select %eq3A_346, %gather3A_342, %broadcast_in_dim3A_1 : vector<16xi1>, vector<16xf32>
            %add3A_348 = arith.addf %get3A_344, %select_n3A_347 : vector<16xf32>
            %swap3A_349 = arith.constant 0 : index
            %swap3A_350 = tpu.vector_load %arg20[%swap3A_349] {strides = array<i32>} : memref<16xf32, #tpu.memory_space<vmem>>, vector<16xf32>,
            tpu.vector_store %arg20[%swap3A_349], %add3A_348 {strides = array<i32>} : memref<16xf32, #tpu.memory_space<vmem>>, vector<16xf32>,
            %swap3A_351 = arith.index_cast %min3A_332 : i32 to index
            %swap3A_352 = arith.constant 0 : index
            %swap3A_353 = tpu.vector_load %arg17[%swap3A_351, %swap3A_352] {strides = array<i32>} : memref<32x16xf32, #tpu.memory_space<vmem>>, vector<16xf32>,
            tpu.vector_store %arg17[%swap3A_351, %swap3A_352], %add3A_348 {strides = array<i32>} : memref<32x16xf32, #tpu.memory_space<vmem>>, vector<16xf32>,
            %scan3A_354 = arith.constant 0 : i32
            %scan3A_355 = arith.constant 0 : i32
            %scan3A_356 = arith.constant 16 : i32
            %scan3A_357 = arith.addi %scan3A_355, %scan3A_356 : i32
            %scan3A_358 = arith.constant 1 : i32
            %scan3A_359 = scf.for %scan3A_365 = %scan3A_355 to %scan3A_357 step %scan3A_358 iter_args(%scan3A_366 = %scan3A_354) -> (i32)  : i32 {
              %mul3A_367 = arith.constant 16 : i32
              %mul3A_368 = arith.muli %scan3A_365, %mul3A_367 : i32
              %get3A_369 = arith.index_cast %mul3A_368 : i32 to index
              %get3A_370 = tpu.vector_load %arg19[%get3A_369] {strides = array<i32>} : memref<256xf32, #tpu.memory_space<vmem>>, vector<16xf32>,
              %add3A_371 = arith.addi %mul3A_219, %scan3A_308 : i32
              %mul3A_372 = arith.constant 16 : i32
              %mul3A_373 = arith.muli %scan3A_365, %mul3A_372 : i32
              %get3A_374 = arith.constant 0 : i32
              %get3A_375 = arith.constant 0 : i32
              %get3A_376 = tpu.memref_slice %arg9[%select_n3A_173, %get3A_374, %get3A_375] : memref<2x128x256xf32, #tpu.memory_space<vmem>> -> memref<1x128x256xf32, #tpu.memory_space<vmem>>
              %get3A_377 = tpu.memref_squeeze %get3A_376 : memref<1x128x256xf32, #tpu.memory_space<vmem>> -> memref<128x256xf32, #tpu.memory_space<vmem>>
              %get3A_378 = arith.index_cast %add3A_371 : i32 to index
              %get3A_379 = arith.index_cast %mul3A_373 : i32 to index
              %get3A_380 = tpu.vector_load %get3A_377[%get3A_378, %get3A_379] {strides = array<i32>} : memref<128x256xf32, #tpu.memory_space<vmem>>, vector<16xf32>,
              %mul3A_381 = arith.mulf %get3A_380, %gather3A_342 : vector<16xf32>
              %add3A_382 = arith.addf %get3A_370, %mul3A_381 : vector<16xf32>
              %mul3A_383 = arith.constant 16 : i32
              %mul3A_384 = arith.muli %scan3A_365, %mul3A_383 : i32
              %swap3A_385 = arith.index_cast %mul3A_384 : i32 to index
              %swap3A_386 = tpu.vector_load %arg19[%swap3A_385] {strides = array<i32>} : memref<256xf32, #tpu.memory_space<vmem>>, vector<16xf32>,
              tpu.vector_store %arg19[%swap3A_385], %add3A_382 {strides = array<i32>} : memref<256xf32, #tpu.memory_space<vmem>>, vector<16xf32>,
              %mul3A_387 = arith.constant 16 : i32
              %mul3A_388 = arith.muli %scan3A_365, %mul3A_387 : i32
              %swap3A_389 = arith.index_cast %min3A_332 : i32 to index
              %swap3A_390 = arith.index_cast %mul3A_388 : i32 to index
              %swap3A_391 = tpu.vector_load %arg16[%swap3A_389, %swap3A_390] {strides = array<i32>} : memref<32x256xf32, #tpu.memory_space<vmem>>, vector<16xf32>,
              tpu.vector_store %arg16[%swap3A_389, %swap3A_390], %add3A_382 {strides = array<i32>} : memref<32x256xf32, #tpu.memory_space<vmem>>, vector<16xf32>,
              %scan3A_392 = arith.constant 0 : i32
              scf.yield %scan3A_392 : i32
            }
            %scan3A_360 = arith.constant 16 : i32
            %swap3A_361 = arith.index_cast %min3A_332 : i32 to index
            %swap3A_362 = arith.constant 0 : index
            %swap3A_363 = tpu.vector_load %arg18[%swap3A_361, %swap3A_362] {strides = array<i32>} : memref<32x16xf32, #tpu.memory_space<vmem>>, vector<16xf32>,
            tpu.vector_store %arg18[%swap3A_361, %swap3A_362], %broadcast_in_dim3A_3 {strides = array<i32>} : memref<32x16xf32, #tpu.memory_space<vmem>>, vector<16xf32>,
            %select_n3A_364 = arith.select %and3A_314, %squeeze3A_327, %scan3A_309 : i32
            scf.yield %select_n3A_364 : i32
          }
          %scan3A_307 = arith.constant 16 : i32
          scf.yield %scan3A_306 : i32
        } else {
          %scan3A_282 = arith.constant 0 : i32
          %scan3A_283 = arith.constant 4 : i32
          %scan3A_284 = arith.addi %scan3A_282, %scan3A_283 : i32
          %scan3A_285 = arith.constant 1 : i32
          %scan3A_286:16 = scf.for %scan3A_373 = %scan3A_282 to %scan3A_284 step %scan3A_285 iter_args(%scan3A_374 = %broadcast_in_dim3A_1, %scan3A_375 = %broadcast_in_dim3A_1, %scan3A_376 = %broadcast_in_dim3A_1, %scan3A_377 = %broadcast_in_dim3A_1, %scan3A_378 = %broadcast_in_dim3A_1, %scan3A_379 = %broadcast_in_dim3A_1, %scan3A_380 = %broadcast_in_dim3A_1, %scan3A_381 = %broadcast_in_dim3A_1, %scan3A_382 = %broadcast_in_dim3A_1, %scan3A_383 = %broadcast_in_dim3A_1, %scan3A_384 = %broadcast_in_dim3A_1, %scan3A_385 = %broadcast_in_dim3A_1, %scan3A_386 = %broadcast_in_dim3A_1, %scan3A_387 = %broadcast_in_dim3A_1, %scan3A_388 = %broadcast_in_dim3A_1, %scan3A_389 = %broadcast_in_dim3A_1) -> (vector<16xf32>, vector<16xf32>, vector<16xf32>, vector<16xf32>, vector<16xf32>, vector<16xf32>, vector<16xf32>, vector<16xf32>, vector<16xf32>, vector<16xf32>, vector<16xf32>, vector<16xf32>, vector<16xf32>, vector<16xf32>, vector<16xf32>, vector<16xf32>)  : i32 {
            %mul3A_390 = arith.constant 4 : i32
            %mul3A_391 = arith.muli %mul3A_390, %scan3A_373 : i32
            %add3A_392 = arith.addi %mul3A_219, %mul3A_391 : i32
            %mul3A_393 = arith.constant 4 : i32
            %mul3A_394 = arith.muli %mul3A_393, %scan3A_373 : i32
            %add3A_395 = arith.constant 0 : i32
            %add3A_396 = arith.addi %mul3A_394, %add3A_395 : i32
            %broadcast_in_dim3A_397 = vector.broadcast %add3A_396 : i32 to vector<16xi32>
            %lt3A_398 = arith.constant 0 : i32
            %lt3A_399 = vector.broadcast %lt3A_398 : i32 to vector<16xi32>
            %lt3A_400 = arith.cmpi slt, %broadcast_in_dim3A_397, %lt3A_399 : vector<16xi32>
            %add3A_401 = arith.constant 16 : i32
            %add3A_402 = vector.broadcast %add3A_401 : i32 to vector<16xi32>
            %add3A_403 = arith.addi %broadcast_in_dim3A_397, %add3A_402 : vector<16xi32>
            %select_n3A_404 = arith.select %lt3A_400, %add3A_403, %broadcast_in_dim3A_397 : vector<16xi1>, vector<16xi32>
            %broadcast_in_dim3A_405 = vector.shape_cast %select_n3A_404 : vector<16xi32> to vector<16x1xi32>
            %gather3A_406 = vector.shape_cast %broadcast_in_dim3A_405 : vector<16x1xi32> to vector<16xi32>
            %gather3A_407 = tpu.dynamic_gather %mul3A_277[%gather3A_406] in [0] : vector<16xf32>, vector<16xi32> -> vector<16xf32>
            %mul3A_408 = arith.constant 4 : i32
            %mul3A_409 = arith.muli %mul3A_408, %scan3A_373 : i32
            %add3A_410 = arith.constant 1 : i32
            %add3A_411 = arith.addi %mul3A_409, %add3A_410 : i32
            %broadcast_in_dim3A_412 = vector.broadcast %add3A_411 : i32 to vector<16xi32>
            %lt3A_413 = arith.constant 0 : i32
            %lt3A_414 = vector.broadcast %lt3A_413 : i32 to vector<16xi32>
            %lt3A_415 = arith.cmpi slt, %broadcast_in_dim3A_412, %lt3A_414 : vector<16xi32>
            %add3A_416 = arith.constant 16 : i32
            %add3A_417 = vector.broadcast %add3A_416 : i32 to vector<16xi32>
            %add3A_418 = arith.addi %broadcast_in_dim3A_412, %add3A_417 : vector<16xi32>
            %select_n3A_419 = arith.select %lt3A_415, %add3A_418, %broadcast_in_dim3A_412 : vector<16xi1>, vector<16xi32>
            %broadcast_in_dim3A_420 = vector.shape_cast %select_n3A_419 : vector<16xi32> to vector<16x1xi32>
            %gather3A_421 = vector.shape_cast %broadcast_in_dim3A_420 : vector<16x1xi32> to vector<16xi32>
            %gather3A_422 = tpu.dynamic_gather %mul3A_277[%gather3A_421] in [0] : vector<16xf32>, vector<16xi32> -> vector<16xf32>
            %mul3A_423 = arith.constant 4 : i32
            %mul3A_424 = arith.muli %mul3A_423, %scan3A_373 : i32
            %add3A_425 = arith.constant 2 : i32
            %add3A_426 = arith.addi %mul3A_424, %add3A_425 : i32
            %broadcast_in_dim3A_427 = vector.broadcast %add3A_426 : i32 to vector<16xi32>
            %lt3A_428 = arith.constant 0 : i32
            %lt3A_429 = vector.broadcast %lt3A_428 : i32 to vector<16xi32>
            %lt3A_430 = arith.cmpi slt, %broadcast_in_dim3A_427, %lt3A_429 : vector<16xi32>
            %add3A_431 = arith.constant 16 : i32
            %add3A_432 = vector.broadcast %add3A_431 : i32 to vector<16xi32>
            %add3A_433 = arith.addi %broadcast_in_dim3A_427, %add3A_432 : vector<16xi32>
            %select_n3A_434 = arith.select %lt3A_430, %add3A_433, %broadcast_in_dim3A_427 : vector<16xi1>, vector<16xi32>
            %broadcast_in_dim3A_435 = vector.shape_cast %select_n3A_434 : vector<16xi32> to vector<16x1xi32>
            %gather3A_436 = vector.shape_cast %broadcast_in_dim3A_435 : vector<16x1xi32> to vector<16xi32>
            %gather3A_437 = tpu.dynamic_gather %mul3A_277[%gather3A_436] in [0] : vector<16xf32>, vector<16xi32> -> vector<16xf32>
            %mul3A_438 = arith.constant 4 : i32
            %mul3A_439 = arith.muli %mul3A_438, %scan3A_373 : i32
            %add3A_440 = arith.constant 3 : i32
            %add3A_441 = arith.addi %mul3A_439, %add3A_440 : i32
            %broadcast_in_dim3A_442 = vector.broadcast %add3A_441 : i32 to vector<16xi32>
            %lt3A_443 = arith.constant 0 : i32
            %lt3A_444 = vector.broadcast %lt3A_443 : i32 to vector<16xi32>
            %lt3A_445 = arith.cmpi slt, %broadcast_in_dim3A_442, %lt3A_444 : vector<16xi32>
            %add3A_446 = arith.constant 16 : i32
            %add3A_447 = vector.broadcast %add3A_446 : i32 to vector<16xi32>
            %add3A_448 = arith.addi %broadcast_in_dim3A_442, %add3A_447 : vector<16xi32>
            %select_n3A_449 = arith.select %lt3A_445, %add3A_448, %broadcast_in_dim3A_442 : vector<16xi1>, vector<16xi32>
            %broadcast_in_dim3A_450 = vector.shape_cast %select_n3A_449 : vector<16xi32> to vector<16x1xi32>
            %gather3A_451 = vector.shape_cast %broadcast_in_dim3A_450 : vector<16x1xi32> to vector<16xi32>
            %gather3A_452 = tpu.dynamic_gather %mul3A_277[%gather3A_451] in [0] : vector<16xf32>, vector<16xi32> -> vector<16xf32>
            %get3A_453 = arith.constant 0 : i32
            %get3A_454 = arith.constant 0 : i32
            %get3A_455 = tpu.memref_slice %arg9[%select_n3A_173, %get3A_453, %get3A_454] : memref<2x128x256xf32, #tpu.memory_space<vmem>> -> memref<1x128x256xf32, #tpu.memory_space<vmem>>
            %get3A_456 = tpu.memref_squeeze %get3A_455 : memref<1x128x256xf32, #tpu.memory_space<vmem>> -> memref<128x256xf32, #tpu.memory_space<vmem>>
            %get3A_457 = arith.index_cast %add3A_392 : i32 to index
            %get3A_458 = arith.constant 0 : index
            %get3A_459 = tpu.vector_load %get3A_456[%get3A_457, %get3A_458] {strides = array<i32>} : memref<128x256xf32, #tpu.memory_space<vmem>>, vector<16xf32>,
            %mul3A_460 = arith.mulf %get3A_459, %gather3A_407 : vector<16xf32>
            %add3A_461 = arith.addf %scan3A_374, %mul3A_460 : vector<16xf32>
            %add3A_462 = arith.constant 1 : i32
            %add3A_463 = arith.addi %add3A_392, %add3A_462 : i32
            %get3A_464 = arith.constant 0 : i32
            %get3A_465 = arith.constant 0 : i32
            %get3A_466 = tpu.memref_slice %arg9[%select_n3A_173, %get3A_464, %get3A_465] : memref<2x128x256xf32, #tpu.memory_space<vmem>> -> memref<1x128x256xf32, #tpu.memory_space<vmem>>
            %get3A_467 = tpu.memref_squeeze %get3A_466 : memref<1x128x256xf32, #tpu.memory_space<vmem>> -> memref<128x256xf32, #tpu.memory_space<vmem>>
            %get3A_468 = arith.index_cast %add3A_463 : i32 to index
            %get3A_469 = arith.constant 0 : index
            %get3A_470 = tpu.vector_load %get3A_467[%get3A_468, %get3A_469] {strides = array<i32>} : memref<128x256xf32, #tpu.memory_space<vmem>>, vector<16xf32>,
            %mul3A_471 = arith.mulf %get3A_470, %gather3A_422 : vector<16xf32>
            %add3A_472 = arith.addf %add3A_461, %mul3A_471 : vector<16xf32>
            %add3A_473 = arith.constant 2 : i32
            %add3A_474 = arith.addi %add3A_392, %add3A_473 : i32
            %get3A_475 = arith.constant 0 : i32
            %get3A_476 = arith.constant 0 : i32
            %get3A_477 = tpu.memref_slice %arg9[%select_n3A_173, %get3A_475, %get3A_476] : memref<2x128x256xf32, #tpu.memory_space<vmem>> -> memref<1x128x256xf32, #tpu.memory_space<vmem>>
            %get3A_478 = tpu.memref_squeeze %get3A_477 : memref<1x128x256xf32, #tpu.memory_space<vmem>> -> memref<128x256xf32, #tpu.memory_space<vmem>>
            %get3A_479 = arith.index_cast %add3A_474 : i32 to index
            %get3A_480 = arith.constant 0 : index
            %get3A_481 = tpu.vector_load %get3A_478[%get3A_479, %get3A_480] {strides = array<i32>} : memref<128x256xf32, #tpu.memory_space<vmem>>, vector<16xf32>,
            %mul3A_482 = arith.mulf %get3A_481, %gather3A_437 : vector<16xf32>
            %add3A_483 = arith.addf %add3A_472, %mul3A_482 : vector<16xf32>
            %add3A_484 = arith.constant 3 : i32
            %add3A_485 = arith.addi %add3A_392, %add3A_484 : i32
            %get3A_486 = arith.constant 0 : i32
            %get3A_487 = arith.constant 0 : i32
            %get3A_488 = tpu.memref_slice %arg9[%select_n3A_173, %get3A_486, %get3A_487] : memref<2x128x256xf32, #tpu.memory_space<vmem>> -> memref<1x128x256xf32, #tpu.memory_space<vmem>>
            %get3A_489 = tpu.memref_squeeze %get3A_488 : memref<1x128x256xf32, #tpu.memory_space<vmem>> -> memref<128x256xf32, #tpu.memory_space<vmem>>
            %get3A_490 = arith.index_cast %add3A_485 : i32 to index
            %get3A_491 = arith.constant 0 : index
            %get3A_492 = tpu.vector_load %get3A_489[%get3A_490, %get3A_491] {strides = array<i32>} : memref<128x256xf32, #tpu.memory_space<vmem>>, vector<16xf32>,
            %mul3A_493 = arith.mulf %get3A_492, %gather3A_452 : vector<16xf32>
            %add3A_494 = arith.addf %add3A_483, %mul3A_493 : vector<16xf32>
            %get3A_495 = arith.constant 0 : i32
            %get3A_496 = arith.constant 0 : i32
            %get3A_497 = tpu.memref_slice %arg9[%select_n3A_173, %get3A_495, %get3A_496] : memref<2x128x256xf32, #tpu.memory_space<vmem>> -> memref<1x128x256xf32, #tpu.memory_space<vmem>>
            %get3A_498 = tpu.memref_squeeze %get3A_497 : memref<1x128x256xf32, #tpu.memory_space<vmem>> -> memref<128x256xf32, #tpu.memory_space<vmem>>
            %get3A_499 = arith.index_cast %add3A_392 : i32 to index
            %get3A_500 = arith.constant 16 : index
            %get3A_501 = tpu.vector_load %get3A_498[%get3A_499, %get3A_500] {strides = array<i32>} : memref<128x256xf32, #tpu.memory_space<vmem>>, vector<16xf32>,
            %mul3A_502 = arith.mulf %get3A_501, %gather3A_407 : vector<16xf32>
            %add3A_503 = arith.addf %scan3A_375, %mul3A_502 : vector<16xf32>
            %add3A_504 = arith.constant 1 : i32
            %add3A_505 = arith.addi %add3A_392, %add3A_504 : i32
            %get3A_506 = arith.constant 0 : i32
            %get3A_507 = arith.constant 0 : i32
            %get3A_508 = tpu.memref_slice %arg9[%select_n3A_173, %get3A_506, %get3A_507] : memref<2x128x256xf32, #tpu.memory_space<vmem>> -> memref<1x128x256xf32, #tpu.memory_space<vmem>>
            %get3A_509 = tpu.memref_squeeze %get3A_508 : memref<1x128x256xf32, #tpu.memory_space<vmem>> -> memref<128x256xf32, #tpu.memory_space<vmem>>
            %get3A_510 = arith.index_cast %add3A_505 : i32 to index
            %get3A_511 = arith.constant 16 : index
            %get3A_512 = tpu.vector_load %get3A_509[%get3A_510, %get3A_511] {strides = array<i32>} : memref<128x256xf32, #tpu.memory_space<vmem>>, vector<16xf32>,
            %mul3A_513 = arith.mulf %get3A_512, %gather3A_422 : vector<16xf32>
            %add3A_514 = arith.addf %add3A_503, %mul3A_513 : vector<16xf32>
            %add3A_515 = arith.constant 2 : i32
            %add3A_516 = arith.addi %add3A_392, %add3A_515 : i32
            %get3A_517 = arith.constant 0 : i32
            %get3A_518 = arith.constant 0 : i32
            %get3A_519 = tpu.memref_slice %arg9[%select_n3A_173, %get3A_517, %get3A_518] : memref<2x128x256xf32, #tpu.memory_space<vmem>> -> memref<1x128x256xf32, #tpu.memory_space<vmem>>
            %get3A_520 = tpu.memref_squeeze %get3A_519 : memref<1x128x256xf32, #tpu.memory_space<vmem>> -> memref<128x256xf32, #tpu.memory_space<vmem>>
            %get3A_521 = arith.index_cast %add3A_516 : i32 to index
            %get3A_522 = arith.constant 16 : index
            %get3A_523 = tpu.vector_load %get3A_520[%get3A_521, %get3A_522] {strides = array<i32>} : memref<128x256xf32, #tpu.memory_space<vmem>>, vector<16xf32>,
            %mul3A_524 = arith.mulf %get3A_523, %gather3A_437 : vector<16xf32>
            %add3A_525 = arith.addf %add3A_514, %mul3A_524 : vector<16xf32>
            %add3A_526 = arith.constant 3 : i32
            %add3A_527 = arith.addi %add3A_392, %add3A_526 : i32
            %get3A_528 = arith.constant 0 : i32
            %get3A_529 = arith.constant 0 : i32
            %get3A_530 = tpu.memref_slice %arg9[%select_n3A_173, %get3A_528, %get3A_529] : memref<2x128x256xf32, #tpu.memory_space<vmem>> -> memref<1x128x256xf32, #tpu.memory_space<vmem>>
            %get3A_531 = tpu.memref_squeeze %get3A_530 : memref<1x128x256xf32, #tpu.memory_space<vmem>> -> memref<128x256xf32, #tpu.memory_space<vmem>>
            %get3A_532 = arith.index_cast %add3A_527 : i32 to index
            %get3A_533 = arith.constant 16 : index
            %get3A_534 = tpu.vector_load %get3A_531[%get3A_532, %get3A_533] {strides = array<i32>} : memref<128x256xf32, #tpu.memory_space<vmem>>, vector<16xf32>,
            %mul3A_535 = arith.mulf %get3A_534, %gather3A_452 : vector<16xf32>
            %add3A_536 = arith.addf %add3A_525, %mul3A_535 : vector<16xf32>
            %get3A_537 = arith.constant 0 : i32
            %get3A_538 = arith.constant 0 : i32
            %get3A_539 = tpu.memref_slice %arg9[%select_n3A_173, %get3A_537, %get3A_538] : memref<2x128x256xf32, #tpu.memory_space<vmem>> -> memref<1x128x256xf32, #tpu.memory_space<vmem>>
            %get3A_540 = tpu.memref_squeeze %get3A_539 : memref<1x128x256xf32, #tpu.memory_space<vmem>> -> memref<128x256xf32, #tpu.memory_space<vmem>>
            %get3A_541 = arith.index_cast %add3A_392 : i32 to index
            %get3A_542 = arith.constant 32 : index
            %get3A_543 = tpu.vector_load %get3A_540[%get3A_541, %get3A_542] {strides = array<i32>} : memref<128x256xf32, #tpu.memory_space<vmem>>, vector<16xf32>,
            %mul3A_544 = arith.mulf %get3A_543, %gather3A_407 : vector<16xf32>
            %add3A_545 = arith.addf %scan3A_376, %mul3A_544 : vector<16xf32>
            %add3A_546 = arith.constant 1 : i32
            %add3A_547 = arith.addi %add3A_392, %add3A_546 : i32
            %get3A_548 = arith.constant 0 : i32
            %get3A_549 = arith.constant 0 : i32
            %get3A_550 = tpu.memref_slice %arg9[%select_n3A_173, %get3A_548, %get3A_549] : memref<2x128x256xf32, #tpu.memory_space<vmem>> -> memref<1x128x256xf32, #tpu.memory_space<vmem>>
            %get3A_551 = tpu.memref_squeeze %get3A_550 : memref<1x128x256xf32, #tpu.memory_space<vmem>> -> memref<128x256xf32, #tpu.memory_space<vmem>>
            %get3A_552 = arith.index_cast %add3A_547 : i32 to index
            %get3A_553 = arith.constant 32 : index
            %get3A_554 = tpu.vector_load %get3A_551[%get3A_552, %get3A_553] {strides = array<i32>} : memref<128x256xf32, #tpu.memory_space<vmem>>, vector<16xf32>,
            %mul3A_555 = arith.mulf %get3A_554, %gather3A_422 : vector<16xf32>
            %add3A_556 = arith.addf %add3A_545, %mul3A_555 : vector<16xf32>
            %add3A_557 = arith.constant 2 : i32
            %add3A_558 = arith.addi %add3A_392, %add3A_557 : i32
            %get3A_559 = arith.constant 0 : i32
            %get3A_560 = arith.constant 0 : i32
            %get3A_561 = tpu.memref_slice %arg9[%select_n3A_173, %get3A_559, %get3A_560] : memref<2x128x256xf32, #tpu.memory_space<vmem>> -> memref<1x128x256xf32, #tpu.memory_space<vmem>>
            %get3A_562 = tpu.memref_squeeze %get3A_561 : memref<1x128x256xf32, #tpu.memory_space<vmem>> -> memref<128x256xf32, #tpu.memory_space<vmem>>
            %get3A_563 = arith.index_cast %add3A_558 : i32 to index
            %get3A_564 = arith.constant 32 : index
            %get3A_565 = tpu.vector_load %get3A_562[%get3A_563, %get3A_564] {strides = array<i32>} : memref<128x256xf32, #tpu.memory_space<vmem>>, vector<16xf32>,
            %mul3A_566 = arith.mulf %get3A_565, %gather3A_437 : vector<16xf32>
            %add3A_567 = arith.addf %add3A_556, %mul3A_566 : vector<16xf32>
            %add3A_568 = arith.constant 3 : i32
            %add3A_569 = arith.addi %add3A_392, %add3A_568 : i32
            %get3A_570 = arith.constant 0 : i32
            %get3A_571 = arith.constant 0 : i32
            %get3A_572 = tpu.memref_slice %arg9[%select_n3A_173, %get3A_570, %get3A_571] : memref<2x128x256xf32, #tpu.memory_space<vmem>> -> memref<1x128x256xf32, #tpu.memory_space<vmem>>
            %get3A_573 = tpu.memref_squeeze %get3A_572 : memref<1x128x256xf32, #tpu.memory_space<vmem>> -> memref<128x256xf32, #tpu.memory_space<vmem>>
            %get3A_574 = arith.index_cast %add3A_569 : i32 to index
            %get3A_575 = arith.constant 32 : index
            %get3A_576 = tpu.vector_load %get3A_573[%get3A_574, %get3A_575] {strides = array<i32>} : memref<128x256xf32, #tpu.memory_space<vmem>>, vector<16xf32>,
            %mul3A_577 = arith.mulf %get3A_576, %gather3A_452 : vector<16xf32>
            %add3A_578 = arith.addf %add3A_567, %mul3A_577 : vector<16xf32>
            %get3A_579 = arith.constant 0 : i32
            %get3A_580 = arith.constant 0 : i32
            %get3A_581 = tpu.memref_slice %arg9[%select_n3A_173, %get3A_579, %get3A_580] : memref<2x128x256xf32, #tpu.memory_space<vmem>> -> memref<1x128x256xf32, #tpu.memory_space<vmem>>
            %get3A_582 = tpu.memref_squeeze %get3A_581 : memref<1x128x256xf32, #tpu.memory_space<vmem>> -> memref<128x256xf32, #tpu.memory_space<vmem>>
            %get3A_583 = arith.index_cast %add3A_392 : i32 to index
            %get3A_584 = arith.constant 48 : index
            %get3A_585 = tpu.vector_load %get3A_582[%get3A_583, %get3A_584] {strides = array<i32>} : memref<128x256xf32, #tpu.memory_space<vmem>>, vector<16xf32>,
            %mul3A_586 = arith.mulf %get3A_585, %gather3A_407 : vector<16xf32>
            %add3A_587 = arith.addf %scan3A_377, %mul3A_586 : vector<16xf32>
            %add3A_588 = arith.constant 1 : i32
            %add3A_589 = arith.addi %add3A_392, %add3A_588 : i32
            %get3A_590 = arith.constant 0 : i32
            %get3A_591 = arith.constant 0 : i32
            %get3A_592 = tpu.memref_slice %arg9[%select_n3A_173, %get3A_590, %get3A_591] : memref<2x128x256xf32, #tpu.memory_space<vmem>> -> memref<1x128x256xf32, #tpu.memory_space<vmem>>
            %get3A_593 = tpu.memref_squeeze %get3A_592 : memref<1x128x256xf32, #tpu.memory_space<vmem>> -> memref<128x256xf32, #tpu.memory_space<vmem>>
            %get3A_594 = arith.index_cast %add3A_589 : i32 to index
            %get3A_595 = arith.constant 48 : index
            %get3A_596 = tpu.vector_load %get3A_593[%get3A_594, %get3A_595] {strides = array<i32>} : memref<128x256xf32, #tpu.memory_space<vmem>>, vector<16xf32>,
            %mul3A_597 = arith.mulf %get3A_596, %gather3A_422 : vector<16xf32>
            %add3A_598 = arith.addf %add3A_587, %mul3A_597 : vector<16xf32>
            %add3A_599 = arith.constant 2 : i32
            %add3A_600 = arith.addi %add3A_392, %add3A_599 : i32
            %get3A_601 = arith.constant 0 : i32
            %get3A_602 = arith.constant 0 : i32
            %get3A_603 = tpu.memref_slice %arg9[%select_n3A_173, %get3A_601, %get3A_602] : memref<2x128x256xf32, #tpu.memory_space<vmem>> -> memref<1x128x256xf32, #tpu.memory_space<vmem>>
            %get3A_604 = tpu.memref_squeeze %get3A_603 : memref<1x128x256xf32, #tpu.memory_space<vmem>> -> memref<128x256xf32, #tpu.memory_space<vmem>>
            %get3A_605 = arith.index_cast %add3A_600 : i32 to index
            %get3A_606 = arith.constant 48 : index
            %get3A_607 = tpu.vector_load %get3A_604[%get3A_605, %get3A_606] {strides = array<i32>} : memref<128x256xf32, #tpu.memory_space<vmem>>, vector<16xf32>,
            %mul3A_608 = arith.mulf %get3A_607, %gather3A_437 : vector<16xf32>
            %add3A_609 = arith.addf %add3A_598, %mul3A_608 : vector<16xf32>
            %add3A_610 = arith.constant 3 : i32
            %add3A_611 = arith.addi %add3A_392, %add3A_610 : i32
            %get3A_612 = arith.constant 0 : i32
            %get3A_613 = arith.constant 0 : i32
            %get3A_614 = tpu.memref_slice %arg9[%select_n3A_173, %get3A_612, %get3A_613] : memref<2x128x256xf32, #tpu.memory_space<vmem>> -> memref<1x128x256xf32, #tpu.memory_space<vmem>>
            %get3A_615 = tpu.memref_squeeze %get3A_614 : memref<1x128x256xf32, #tpu.memory_space<vmem>> -> memref<128x256xf32, #tpu.memory_space<vmem>>
            %get3A_616 = arith.index_cast %add3A_611 : i32 to index
            %get3A_617 = arith.constant 48 : index
            %get3A_618 = tpu.vector_load %get3A_615[%get3A_616, %get3A_617] {strides = array<i32>} : memref<128x256xf32, #tpu.memory_space<vmem>>, vector<16xf32>,
            %mul3A_619 = arith.mulf %get3A_618, %gather3A_452 : vector<16xf32>
            %add3A_620 = arith.addf %add3A_609, %mul3A_619 : vector<16xf32>
            %get3A_621 = arith.constant 0 : i32
            %get3A_622 = arith.constant 0 : i32
            %get3A_623 = tpu.memref_slice %arg9[%select_n3A_173, %get3A_621, %get3A_622] : memref<2x128x256xf32, #tpu.memory_space<vmem>> -> memref<1x128x256xf32, #tpu.memory_space<vmem>>
            %get3A_624 = tpu.memref_squeeze %get3A_623 : memref<1x128x256xf32, #tpu.memory_space<vmem>> -> memref<128x256xf32, #tpu.memory_space<vmem>>
            %get3A_625 = arith.index_cast %add3A_392 : i32 to index
            %get3A_626 = arith.constant 64 : index
            %get3A_627 = tpu.vector_load %get3A_624[%get3A_625, %get3A_626] {strides = array<i32>} : memref<128x256xf32, #tpu.memory_space<vmem>>, vector<16xf32>,
            %mul3A_628 = arith.mulf %get3A_627, %gather3A_407 : vector<16xf32>
            %add3A_629 = arith.addf %scan3A_378, %mul3A_628 : vector<16xf32>
            %add3A_630 = arith.constant 1 : i32
            %add3A_631 = arith.addi %add3A_392, %add3A_630 : i32
            %get3A_632 = arith.constant 0 : i32
            %get3A_633 = arith.constant 0 : i32
            %get3A_634 = tpu.memref_slice %arg9[%select_n3A_173, %get3A_632, %get3A_633] : memref<2x128x256xf32, #tpu.memory_space<vmem>> -> memref<1x128x256xf32, #tpu.memory_space<vmem>>
            %get3A_635 = tpu.memref_squeeze %get3A_634 : memref<1x128x256xf32, #tpu.memory_space<vmem>> -> memref<128x256xf32, #tpu.memory_space<vmem>>
            %get3A_636 = arith.index_cast %add3A_631 : i32 to index
            %get3A_637 = arith.constant 64 : index
            %get3A_638 = tpu.vector_load %get3A_635[%get3A_636, %get3A_637] {strides = array<i32>} : memref<128x256xf32, #tpu.memory_space<vmem>>, vector<16xf32>,
            %mul3A_639 = arith.mulf %get3A_638, %gather3A_422 : vector<16xf32>
            %add3A_640 = arith.addf %add3A_629, %mul3A_639 : vector<16xf32>
            %add3A_641 = arith.constant 2 : i32
            %add3A_642 = arith.addi %add3A_392, %add3A_641 : i32
            %get3A_643 = arith.constant 0 : i32
            %get3A_644 = arith.constant 0 : i32
            %get3A_645 = tpu.memref_slice %arg9[%select_n3A_173, %get3A_643, %get3A_644] : memref<2x128x256xf32, #tpu.memory_space<vmem>> -> memref<1x128x256xf32, #tpu.memory_space<vmem>>
            %get3A_646 = tpu.memref_squeeze %get3A_645 : memref<1x128x256xf32, #tpu.memory_space<vmem>> -> memref<128x256xf32, #tpu.memory_space<vmem>>
            %get3A_647 = arith.index_cast %add3A_642 : i32 to index
            %get3A_648 = arith.constant 64 : index
            %get3A_649 = tpu.vector_load %get3A_646[%get3A_647, %get3A_648] {strides = array<i32>} : memref<128x256xf32, #tpu.memory_space<vmem>>, vector<16xf32>,
            %mul3A_650 = arith.mulf %get3A_649, %gather3A_437 : vector<16xf32>
            %add3A_651 = arith.addf %add3A_640, %mul3A_650 : vector<16xf32>
            %add3A_652 = arith.constant 3 : i32
            %add3A_653 = arith.addi %add3A_392, %add3A_652 : i32
            %get3A_654 = arith.constant 0 : i32
            %get3A_655 = arith.constant 0 : i32
            %get3A_656 = tpu.memref_slice %arg9[%select_n3A_173, %get3A_654, %get3A_655] : memref<2x128x256xf32, #tpu.memory_space<vmem>> -> memref<1x128x256xf32, #tpu.memory_space<vmem>>
            %get3A_657 = tpu.memref_squeeze %get3A_656 : memref<1x128x256xf32, #tpu.memory_space<vmem>> -> memref<128x256xf32, #tpu.memory_space<vmem>>
            %get3A_658 = arith.index_cast %add3A_653 : i32 to index
            %get3A_659 = arith.constant 64 : index
            %get3A_660 = tpu.vector_load %get3A_657[%get3A_658, %get3A_659] {strides = array<i32>} : memref<128x256xf32, #tpu.memory_space<vmem>>, vector<16xf32>,
            %mul3A_661 = arith.mulf %get3A_660, %gather3A_452 : vector<16xf32>
            %add3A_662 = arith.addf %add3A_651, %mul3A_661 : vector<16xf32>
            %get3A_663 = arith.constant 0 : i32
            %get3A_664 = arith.constant 0 : i32
            %get3A_665 = tpu.memref_slice %arg9[%select_n3A_173, %get3A_663, %get3A_664] : memref<2x128x256xf32, #tpu.memory_space<vmem>> -> memref<1x128x256xf32, #tpu.memory_space<vmem>>
            %get3A_666 = tpu.memref_squeeze %get3A_665 : memref<1x128x256xf32, #tpu.memory_space<vmem>> -> memref<128x256xf32, #tpu.memory_space<vmem>>
            %get3A_667 = arith.index_cast %add3A_392 : i32 to index
            %get3A_668 = arith.constant 80 : index
            %get3A_669 = tpu.vector_load %get3A_666[%get3A_667, %get3A_668] {strides = array<i32>} : memref<128x256xf32, #tpu.memory_space<vmem>>, vector<16xf32>,
            %mul3A_670 = arith.mulf %get3A_669, %gather3A_407 : vector<16xf32>
            %add3A_671 = arith.addf %scan3A_379, %mul3A_670 : vector<16xf32>
            %add3A_672 = arith.constant 1 : i32
            %add3A_673 = arith.addi %add3A_392, %add3A_672 : i32
            %get3A_674 = arith.constant 0 : i32
            %get3A_675 = arith.constant 0 : i32
            %get3A_676 = tpu.memref_slice %arg9[%select_n3A_173, %get3A_674, %get3A_675] : memref<2x128x256xf32, #tpu.memory_space<vmem>> -> memref<1x128x256xf32, #tpu.memory_space<vmem>>
            %get3A_677 = tpu.memref_squeeze %get3A_676 : memref<1x128x256xf32, #tpu.memory_space<vmem>> -> memref<128x256xf32, #tpu.memory_space<vmem>>
            %get3A_678 = arith.index_cast %add3A_673 : i32 to index
            %get3A_679 = arith.constant 80 : index
            %get3A_680 = tpu.vector_load %get3A_677[%get3A_678, %get3A_679] {strides = array<i32>} : memref<128x256xf32, #tpu.memory_space<vmem>>, vector<16xf32>,
            %mul3A_681 = arith.mulf %get3A_680, %gather3A_422 : vector<16xf32>
            %add3A_682 = arith.addf %add3A_671, %mul3A_681 : vector<16xf32>
            %add3A_683 = arith.constant 2 : i32
            %add3A_684 = arith.addi %add3A_392, %add3A_683 : i32
            %get3A_685 = arith.constant 0 : i32
            %get3A_686 = arith.constant 0 : i32
            %get3A_687 = tpu.memref_slice %arg9[%select_n3A_173, %get3A_685, %get3A_686] : memref<2x128x256xf32, #tpu.memory_space<vmem>> -> memref<1x128x256xf32, #tpu.memory_space<vmem>>
            %get3A_688 = tpu.memref_squeeze %get3A_687 : memref<1x128x256xf32, #tpu.memory_space<vmem>> -> memref<128x256xf32, #tpu.memory_space<vmem>>
            %get3A_689 = arith.index_cast %add3A_684 : i32 to index
            %get3A_690 = arith.constant 80 : index
            %get3A_691 = tpu.vector_load %get3A_688[%get3A_689, %get3A_690] {strides = array<i32>} : memref<128x256xf32, #tpu.memory_space<vmem>>, vector<16xf32>,
            %mul3A_692 = arith.mulf %get3A_691, %gather3A_437 : vector<16xf32>
            %add3A_693 = arith.addf %add3A_682, %mul3A_692 : vector<16xf32>
            %add3A_694 = arith.constant 3 : i32
            %add3A_695 = arith.addi %add3A_392, %add3A_694 : i32
            %get3A_696 = arith.constant 0 : i32
            %get3A_697 = arith.constant 0 : i32
            %get3A_698 = tpu.memref_slice %arg9[%select_n3A_173, %get3A_696, %get3A_697] : memref<2x128x256xf32, #tpu.memory_space<vmem>> -> memref<1x128x256xf32, #tpu.memory_space<vmem>>
            %get3A_699 = tpu.memref_squeeze %get3A_698 : memref<1x128x256xf32, #tpu.memory_space<vmem>> -> memref<128x256xf32, #tpu.memory_space<vmem>>
            %get3A_700 = arith.index_cast %add3A_695 : i32 to index
            %get3A_701 = arith.constant 80 : index
            %get3A_702 = tpu.vector_load %get3A_699[%get3A_700, %get3A_701] {strides = array<i32>} : memref<128x256xf32, #tpu.memory_space<vmem>>, vector<16xf32>,
            %mul3A_703 = arith.mulf %get3A_702, %gather3A_452 : vector<16xf32>
            %add3A_704 = arith.addf %add3A_693, %mul3A_703 : vector<16xf32>
            %get3A_705 = arith.constant 0 : i32
            %get3A_706 = arith.constant 0 : i32
            %get3A_707 = tpu.memref_slice %arg9[%select_n3A_173, %get3A_705, %get3A_706] : memref<2x128x256xf32, #tpu.memory_space<vmem>> -> memref<1x128x256xf32, #tpu.memory_space<vmem>>
            %get3A_708 = tpu.memref_squeeze %get3A_707 : memref<1x128x256xf32, #tpu.memory_space<vmem>> -> memref<128x256xf32, #tpu.memory_space<vmem>>
            %get3A_709 = arith.index_cast %add3A_392 : i32 to index
            %get3A_710 = arith.constant 96 : index
            %get3A_711 = tpu.vector_load %get3A_708[%get3A_709, %get3A_710] {strides = array<i32>} : memref<128x256xf32, #tpu.memory_space<vmem>>, vector<16xf32>,
            %mul3A_712 = arith.mulf %get3A_711, %gather3A_407 : vector<16xf32>
            %add3A_713 = arith.addf %scan3A_380, %mul3A_712 : vector<16xf32>
            %add3A_714 = arith.constant 1 : i32
            %add3A_715 = arith.addi %add3A_392, %add3A_714 : i32
            %get3A_716 = arith.constant 0 : i32
            %get3A_717 = arith.constant 0 : i32
            %get3A_718 = tpu.memref_slice %arg9[%select_n3A_173, %get3A_716, %get3A_717] : memref<2x128x256xf32, #tpu.memory_space<vmem>> -> memref<1x128x256xf32, #tpu.memory_space<vmem>>
            %get3A_719 = tpu.memref_squeeze %get3A_718 : memref<1x128x256xf32, #tpu.memory_space<vmem>> -> memref<128x256xf32, #tpu.memory_space<vmem>>
            %get3A_720 = arith.index_cast %add3A_715 : i32 to index
            %get3A_721 = arith.constant 96 : index
            %get3A_722 = tpu.vector_load %get3A_719[%get3A_720, %get3A_721] {strides = array<i32>} : memref<128x256xf32, #tpu.memory_space<vmem>>, vector<16xf32>,
            %mul3A_723 = arith.mulf %get3A_722, %gather3A_422 : vector<16xf32>
            %add3A_724 = arith.addf %add3A_713, %mul3A_723 : vector<16xf32>
            %add3A_725 = arith.constant 2 : i32
            %add3A_726 = arith.addi %add3A_392, %add3A_725 : i32
            %get3A_727 = arith.constant 0 : i32
            %get3A_728 = arith.constant 0 : i32
            %get3A_729 = tpu.memref_slice %arg9[%select_n3A_173, %get3A_727, %get3A_728] : memref<2x128x256xf32, #tpu.memory_space<vmem>> -> memref<1x128x256xf32, #tpu.memory_space<vmem>>
            %get3A_730 = tpu.memref_squeeze %get3A_729 : memref<1x128x256xf32, #tpu.memory_space<vmem>> -> memref<128x256xf32, #tpu.memory_space<vmem>>
            %get3A_731 = arith.index_cast %add3A_726 : i32 to index
            %get3A_732 = arith.constant 96 : index
            %get3A_733 = tpu.vector_load %get3A_730[%get3A_731, %get3A_732] {strides = array<i32>} : memref<128x256xf32, #tpu.memory_space<vmem>>, vector<16xf32>,
            %mul3A_734 = arith.mulf %get3A_733, %gather3A_437 : vector<16xf32>
            %add3A_735 = arith.addf %add3A_724, %mul3A_734 : vector<16xf32>
            %add3A_736 = arith.constant 3 : i32
            %add3A_737 = arith.addi %add3A_392, %add3A_736 : i32
            %get3A_738 = arith.constant 0 : i32
            %get3A_739 = arith.constant 0 : i32
            %get3A_740 = tpu.memref_slice %arg9[%select_n3A_173, %get3A_738, %get3A_739] : memref<2x128x256xf32, #tpu.memory_space<vmem>> -> memref<1x128x256xf32, #tpu.memory_space<vmem>>
            %get3A_741 = tpu.memref_squeeze %get3A_740 : memref<1x128x256xf32, #tpu.memory_space<vmem>> -> memref<128x256xf32, #tpu.memory_space<vmem>>
            %get3A_742 = arith.index_cast %add3A_737 : i32 to index
            %get3A_743 = arith.constant 96 : index
            %get3A_744 = tpu.vector_load %get3A_741[%get3A_742, %get3A_743] {strides = array<i32>} : memref<128x256xf32, #tpu.memory_space<vmem>>, vector<16xf32>,
            %mul3A_745 = arith.mulf %get3A_744, %gather3A_452 : vector<16xf32>
            %add3A_746 = arith.addf %add3A_735, %mul3A_745 : vector<16xf32>
            %get3A_747 = arith.constant 0 : i32
            %get3A_748 = arith.constant 0 : i32
            %get3A_749 = tpu.memref_slice %arg9[%select_n3A_173, %get3A_747, %get3A_748] : memref<2x128x256xf32, #tpu.memory_space<vmem>> -> memref<1x128x256xf32, #tpu.memory_space<vmem>>
            %get3A_750 = tpu.memref_squeeze %get3A_749 : memref<1x128x256xf32, #tpu.memory_space<vmem>> -> memref<128x256xf32, #tpu.memory_space<vmem>>
            %get3A_751 = arith.index_cast %add3A_392 : i32 to index
            %get3A_752 = arith.constant 112 : index
            %get3A_753 = tpu.vector_load %get3A_750[%get3A_751, %get3A_752] {strides = array<i32>} : memref<128x256xf32, #tpu.memory_space<vmem>>, vector<16xf32>,
            %mul3A_754 = arith.mulf %get3A_753, %gather3A_407 : vector<16xf32>
            %add3A_755 = arith.addf %scan3A_381, %mul3A_754 : vector<16xf32>
            %add3A_756 = arith.constant 1 : i32
            %add3A_757 = arith.addi %add3A_392, %add3A_756 : i32
            %get3A_758 = arith.constant 0 : i32
            %get3A_759 = arith.constant 0 : i32
            %get3A_760 = tpu.memref_slice %arg9[%select_n3A_173, %get3A_758, %get3A_759] : memref<2x128x256xf32, #tpu.memory_space<vmem>> -> memref<1x128x256xf32, #tpu.memory_space<vmem>>
            %get3A_761 = tpu.memref_squeeze %get3A_760 : memref<1x128x256xf32, #tpu.memory_space<vmem>> -> memref<128x256xf32, #tpu.memory_space<vmem>>
            %get3A_762 = arith.index_cast %add3A_757 : i32 to index
            %get3A_763 = arith.constant 112 : index
            %get3A_764 = tpu.vector_load %get3A_761[%get3A_762, %get3A_763] {strides = array<i32>} : memref<128x256xf32, #tpu.memory_space<vmem>>, vector<16xf32>,
            %mul3A_765 = arith.mulf %get3A_764, %gather3A_422 : vector<16xf32>
            %add3A_766 = arith.addf %add3A_755, %mul3A_765 : vector<16xf32>
            %add3A_767 = arith.constant 2 : i32
            %add3A_768 = arith.addi %add3A_392, %add3A_767 : i32
            %get3A_769 = arith.constant 0 : i32
            %get3A_770 = arith.constant 0 : i32
            %get3A_771 = tpu.memref_slice %arg9[%select_n3A_173, %get3A_769, %get3A_770] : memref<2x128x256xf32, #tpu.memory_space<vmem>> -> memref<1x128x256xf32, #tpu.memory_space<vmem>>
            %get3A_772 = tpu.memref_squeeze %get3A_771 : memref<1x128x256xf32, #tpu.memory_space<vmem>> -> memref<128x256xf32, #tpu.memory_space<vmem>>
            %get3A_773 = arith.index_cast %add3A_768 : i32 to index
            %get3A_774 = arith.constant 112 : index
            %get3A_775 = tpu.vector_load %get3A_772[%get3A_773, %get3A_774] {strides = array<i32>} : memref<128x256xf32, #tpu.memory_space<vmem>>, vector<16xf32>,
            %mul3A_776 = arith.mulf %get3A_775, %gather3A_437 : vector<16xf32>
            %add3A_777 = arith.addf %add3A_766, %mul3A_776 : vector<16xf32>
            %add3A_778 = arith.constant 3 : i32
            %add3A_779 = arith.addi %add3A_392, %add3A_778 : i32
            %get3A_780 = arith.constant 0 : i32
            %get3A_781 = arith.constant 0 : i32
            %get3A_782 = tpu.memref_slice %arg9[%select_n3A_173, %get3A_780, %get3A_781] : memref<2x128x256xf32, #tpu.memory_space<vmem>> -> memref<1x128x256xf32, #tpu.memory_space<vmem>>
            %get3A_783 = tpu.memref_squeeze %get3A_782 : memref<1x128x256xf32, #tpu.memory_space<vmem>> -> memref<128x256xf32, #tpu.memory_space<vmem>>
            %get3A_784 = arith.index_cast %add3A_779 : i32 to index
            %get3A_785 = arith.constant 112 : index
            %get3A_786 = tpu.vector_load %get3A_783[%get3A_784, %get3A_785] {strides = array<i32>} : memref<128x256xf32, #tpu.memory_space<vmem>>, vector<16xf32>,
            %mul3A_787 = arith.mulf %get3A_786, %gather3A_452 : vector<16xf32>
            %add3A_788 = arith.addf %add3A_777, %mul3A_787 : vector<16xf32>
            %get3A_789 = arith.constant 0 : i32
            %get3A_790 = arith.constant 0 : i32
            %get3A_791 = tpu.memref_slice %arg9[%select_n3A_173, %get3A_789, %get3A_790] : memref<2x128x256xf32, #tpu.memory_space<vmem>> -> memref<1x128x256xf32, #tpu.memory_space<vmem>>
            %get3A_792 = tpu.memref_squeeze %get3A_791 : memref<1x128x256xf32, #tpu.memory_space<vmem>> -> memref<128x256xf32, #tpu.memory_space<vmem>>
            %get3A_793 = arith.index_cast %add3A_392 : i32 to index
            %get3A_794 = arith.constant 128 : index
            %get3A_795 = tpu.vector_load %get3A_792[%get3A_793, %get3A_794] {strides = array<i32>} : memref<128x256xf32, #tpu.memory_space<vmem>>, vector<16xf32>,
            %mul3A_796 = arith.mulf %get3A_795, %gather3A_407 : vector<16xf32>
            %add3A_797 = arith.addf %scan3A_382, %mul3A_796 : vector<16xf32>
            %add3A_798 = arith.constant 1 : i32
            %add3A_799 = arith.addi %add3A_392, %add3A_798 : i32
            %get3A_800 = arith.constant 0 : i32
            %get3A_801 = arith.constant 0 : i32
            %get3A_802 = tpu.memref_slice %arg9[%select_n3A_173, %get3A_800, %get3A_801] : memref<2x128x256xf32, #tpu.memory_space<vmem>> -> memref<1x128x256xf32, #tpu.memory_space<vmem>>
            %get3A_803 = tpu.memref_squeeze %get3A_802 : memref<1x128x256xf32, #tpu.memory_space<vmem>> -> memref<128x256xf32, #tpu.memory_space<vmem>>
            %get3A_804 = arith.index_cast %add3A_799 : i32 to index
            %get3A_805 = arith.constant 128 : index
            %get3A_806 = tpu.vector_load %get3A_803[%get3A_804, %get3A_805] {strides = array<i32>} : memref<128x256xf32, #tpu.memory_space<vmem>>, vector<16xf32>,
            %mul3A_807 = arith.mulf %get3A_806, %gather3A_422 : vector<16xf32>
            %add3A_808 = arith.addf %add3A_797, %mul3A_807 : vector<16xf32>
            %add3A_809 = arith.constant 2 : i32
            %add3A_810 = arith.addi %add3A_392, %add3A_809 : i32
            %get3A_811 = arith.constant 0 : i32
            %get3A_812 = arith.constant 0 : i32
            %get3A_813 = tpu.memref_slice %arg9[%select_n3A_173, %get3A_811, %get3A_812] : memref<2x128x256xf32, #tpu.memory_space<vmem>> -> memref<1x128x256xf32, #tpu.memory_space<vmem>>
            %get3A_814 = tpu.memref_squeeze %get3A_813 : memref<1x128x256xf32, #tpu.memory_space<vmem>> -> memref<128x256xf32, #tpu.memory_space<vmem>>
            %get3A_815 = arith.index_cast %add3A_810 : i32 to index
            %get3A_816 = arith.constant 128 : index
            %get3A_817 = tpu.vector_load %get3A_814[%get3A_815, %get3A_816] {strides = array<i32>} : memref<128x256xf32, #tpu.memory_space<vmem>>, vector<16xf32>,
            %mul3A_818 = arith.mulf %get3A_817, %gather3A_437 : vector<16xf32>
            %add3A_819 = arith.addf %add3A_808, %mul3A_818 : vector<16xf32>
            %add3A_820 = arith.constant 3 : i32
            %add3A_821 = arith.addi %add3A_392, %add3A_820 : i32
            %get3A_822 = arith.constant 0 : i32
            %get3A_823 = arith.constant 0 : i32
            %get3A_824 = tpu.memref_slice %arg9[%select_n3A_173, %get3A_822, %get3A_823] : memref<2x128x256xf32, #tpu.memory_space<vmem>> -> memref<1x128x256xf32, #tpu.memory_space<vmem>>
            %get3A_825 = tpu.memref_squeeze %get3A_824 : memref<1x128x256xf32, #tpu.memory_space<vmem>> -> memref<128x256xf32, #tpu.memory_space<vmem>>
            %get3A_826 = arith.index_cast %add3A_821 : i32 to index
            %get3A_827 = arith.constant 128 : index
            %get3A_828 = tpu.vector_load %get3A_825[%get3A_826, %get3A_827] {strides = array<i32>} : memref<128x256xf32, #tpu.memory_space<vmem>>, vector<16xf32>,
            %mul3A_829 = arith.mulf %get3A_828, %gather3A_452 : vector<16xf32>
            %add3A_830 = arith.addf %add3A_819, %mul3A_829 : vector<16xf32>
            %get3A_831 = arith.constant 0 : i32
            %get3A_832 = arith.constant 0 : i32
            %get3A_833 = tpu.memref_slice %arg9[%select_n3A_173, %get3A_831, %get3A_832] : memref<2x128x256xf32, #tpu.memory_space<vmem>> -> memref<1x128x256xf32, #tpu.memory_space<vmem>>
            %get3A_834 = tpu.memref_squeeze %get3A_833 : memref<1x128x256xf32, #tpu.memory_space<vmem>> -> memref<128x256xf32, #tpu.memory_space<vmem>>
            %get3A_835 = arith.index_cast %add3A_392 : i32 to index
            %get3A_836 = arith.constant 144 : index
            %get3A_837 = tpu.vector_load %get3A_834[%get3A_835, %get3A_836] {strides = array<i32>} : memref<128x256xf32, #tpu.memory_space<vmem>>, vector<16xf32>,
            %mul3A_838 = arith.mulf %get3A_837, %gather3A_407 : vector<16xf32>
            %add3A_839 = arith.addf %scan3A_383, %mul3A_838 : vector<16xf32>
            %add3A_840 = arith.constant 1 : i32
            %add3A_841 = arith.addi %add3A_392, %add3A_840 : i32
            %get3A_842 = arith.constant 0 : i32
            %get3A_843 = arith.constant 0 : i32
            %get3A_844 = tpu.memref_slice %arg9[%select_n3A_173, %get3A_842, %get3A_843] : memref<2x128x256xf32, #tpu.memory_space<vmem>> -> memref<1x128x256xf32, #tpu.memory_space<vmem>>
            %get3A_845 = tpu.memref_squeeze %get3A_844 : memref<1x128x256xf32, #tpu.memory_space<vmem>> -> memref<128x256xf32, #tpu.memory_space<vmem>>
            %get3A_846 = arith.index_cast %add3A_841 : i32 to index
            %get3A_847 = arith.constant 144 : index
            %get3A_848 = tpu.vector_load %get3A_845[%get3A_846, %get3A_847] {strides = array<i32>} : memref<128x256xf32, #tpu.memory_space<vmem>>, vector<16xf32>,
            %mul3A_849 = arith.mulf %get3A_848, %gather3A_422 : vector<16xf32>
            %add3A_850 = arith.addf %add3A_839, %mul3A_849 : vector<16xf32>
            %add3A_851 = arith.constant 2 : i32
            %add3A_852 = arith.addi %add3A_392, %add3A_851 : i32
            %get3A_853 = arith.constant 0 : i32
            %get3A_854 = arith.constant 0 : i32
            %get3A_855 = tpu.memref_slice %arg9[%select_n3A_173, %get3A_853, %get3A_854] : memref<2x128x256xf32, #tpu.memory_space<vmem>> -> memref<1x128x256xf32, #tpu.memory_space<vmem>>
            %get3A_856 = tpu.memref_squeeze %get3A_855 : memref<1x128x256xf32, #tpu.memory_space<vmem>> -> memref<128x256xf32, #tpu.memory_space<vmem>>
            %get3A_857 = arith.index_cast %add3A_852 : i32 to index
            %get3A_858 = arith.constant 144 : index
            %get3A_859 = tpu.vector_load %get3A_856[%get3A_857, %get3A_858] {strides = array<i32>} : memref<128x256xf32, #tpu.memory_space<vmem>>, vector<16xf32>,
            %mul3A_860 = arith.mulf %get3A_859, %gather3A_437 : vector<16xf32>
            %add3A_861 = arith.addf %add3A_850, %mul3A_860 : vector<16xf32>
            %add3A_862 = arith.constant 3 : i32
            %add3A_863 = arith.addi %add3A_392, %add3A_862 : i32
            %get3A_864 = arith.constant 0 : i32
            %get3A_865 = arith.constant 0 : i32
            %get3A_866 = tpu.memref_slice %arg9[%select_n3A_173, %get3A_864, %get3A_865] : memref<2x128x256xf32, #tpu.memory_space<vmem>> -> memref<1x128x256xf32, #tpu.memory_space<vmem>>
            %get3A_867 = tpu.memref_squeeze %get3A_866 : memref<1x128x256xf32, #tpu.memory_space<vmem>> -> memref<128x256xf32, #tpu.memory_space<vmem>>
            %get3A_868 = arith.index_cast %add3A_863 : i32 to index
            %get3A_869 = arith.constant 144 : index
            %get3A_870 = tpu.vector_load %get3A_867[%get3A_868, %get3A_869] {strides = array<i32>} : memref<128x256xf32, #tpu.memory_space<vmem>>, vector<16xf32>,
            %mul3A_871 = arith.mulf %get3A_870, %gather3A_452 : vector<16xf32>
            %add3A_872 = arith.addf %add3A_861, %mul3A_871 : vector<16xf32>
            %get3A_873 = arith.constant 0 : i32
            %get3A_874 = arith.constant 0 : i32
            %get3A_875 = tpu.memref_slice %arg9[%select_n3A_173, %get3A_873, %get3A_874] : memref<2x128x256xf32, #tpu.memory_space<vmem>> -> memref<1x128x256xf32, #tpu.memory_space<vmem>>
            %get3A_876 = tpu.memref_squeeze %get3A_875 : memref<1x128x256xf32, #tpu.memory_space<vmem>> -> memref<128x256xf32, #tpu.memory_space<vmem>>
            %get3A_877 = arith.index_cast %add3A_392 : i32 to index
            %get3A_878 = arith.constant 160 : index
            %get3A_879 = tpu.vector_load %get3A_876[%get3A_877, %get3A_878] {strides = array<i32>} : memref<128x256xf32, #tpu.memory_space<vmem>>, vector<16xf32>,
            %mul3A_880 = arith.mulf %get3A_879, %gather3A_407 : vector<16xf32>
            %add3A_881 = arith.addf %scan3A_384, %mul3A_880 : vector<16xf32>
            %add3A_882 = arith.constant 1 : i32
            %add3A_883 = arith.addi %add3A_392, %add3A_882 : i32
            %get3A_884 = arith.constant 0 : i32
            %get3A_885 = arith.constant 0 : i32
            %get3A_886 = tpu.memref_slice %arg9[%select_n3A_173, %get3A_884, %get3A_885] : memref<2x128x256xf32, #tpu.memory_space<vmem>> -> memref<1x128x256xf32, #tpu.memory_space<vmem>>
            %get3A_887 = tpu.memref_squeeze %get3A_886 : memref<1x128x256xf32, #tpu.memory_space<vmem>> -> memref<128x256xf32, #tpu.memory_space<vmem>>
            %get3A_888 = arith.index_cast %add3A_883 : i32 to index
            %get3A_889 = arith.constant 160 : index
            %get3A_890 = tpu.vector_load %get3A_887[%get3A_888, %get3A_889] {strides = array<i32>} : memref<128x256xf32, #tpu.memory_space<vmem>>, vector<16xf32>,
            %mul3A_891 = arith.mulf %get3A_890, %gather3A_422 : vector<16xf32>
            %add3A_892 = arith.addf %add3A_881, %mul3A_891 : vector<16xf32>
            %add3A_893 = arith.constant 2 : i32
            %add3A_894 = arith.addi %add3A_392, %add3A_893 : i32
            %get3A_895 = arith.constant 0 : i32
            %get3A_896 = arith.constant 0 : i32
            %get3A_897 = tpu.memref_slice %arg9[%select_n3A_173, %get3A_895, %get3A_896] : memref<2x128x256xf32, #tpu.memory_space<vmem>> -> memref<1x128x256xf32, #tpu.memory_space<vmem>>
            %get3A_898 = tpu.memref_squeeze %get3A_897 : memref<1x128x256xf32, #tpu.memory_space<vmem>> -> memref<128x256xf32, #tpu.memory_space<vmem>>
            %get3A_899 = arith.index_cast %add3A_894 : i32 to index
            %get3A_900 = arith.constant 160 : index
            %get3A_901 = tpu.vector_load %get3A_898[%get3A_899, %get3A_900] {strides = array<i32>} : memref<128x256xf32, #tpu.memory_space<vmem>>, vector<16xf32>,
            %mul3A_902 = arith.mulf %get3A_901, %gather3A_437 : vector<16xf32>
            %add3A_903 = arith.addf %add3A_892, %mul3A_902 : vector<16xf32>
            %add3A_904 = arith.constant 3 : i32
            %add3A_905 = arith.addi %add3A_392, %add3A_904 : i32
            %get3A_906 = arith.constant 0 : i32
            %get3A_907 = arith.constant 0 : i32
            %get3A_908 = tpu.memref_slice %arg9[%select_n3A_173, %get3A_906, %get3A_907] : memref<2x128x256xf32, #tpu.memory_space<vmem>> -> memref<1x128x256xf32, #tpu.memory_space<vmem>>
            %get3A_909 = tpu.memref_squeeze %get3A_908 : memref<1x128x256xf32, #tpu.memory_space<vmem>> -> memref<128x256xf32, #tpu.memory_space<vmem>>
            %get3A_910 = arith.index_cast %add3A_905 : i32 to index
            %get3A_911 = arith.constant 160 : index
            %get3A_912 = tpu.vector_load %get3A_909[%get3A_910, %get3A_911] {strides = array<i32>} : memref<128x256xf32, #tpu.memory_space<vmem>>, vector<16xf32>,
            %mul3A_913 = arith.mulf %get3A_912, %gather3A_452 : vector<16xf32>
            %add3A_914 = arith.addf %add3A_903, %mul3A_913 : vector<16xf32>
            %get3A_915 = arith.constant 0 : i32
            %get3A_916 = arith.constant 0 : i32
            %get3A_917 = tpu.memref_slice %arg9[%select_n3A_173, %get3A_915, %get3A_916] : memref<2x128x256xf32, #tpu.memory_space<vmem>> -> memref<1x128x256xf32, #tpu.memory_space<vmem>>
            %get3A_918 = tpu.memref_squeeze %get3A_917 : memref<1x128x256xf32, #tpu.memory_space<vmem>> -> memref<128x256xf32, #tpu.memory_space<vmem>>
            %get3A_919 = arith.index_cast %add3A_392 : i32 to index
            %get3A_920 = arith.constant 176 : index
            %get3A_921 = tpu.vector_load %get3A_918[%get3A_919, %get3A_920] {strides = array<i32>} : memref<128x256xf32, #tpu.memory_space<vmem>>, vector<16xf32>,
            %mul3A_922 = arith.mulf %get3A_921, %gather3A_407 : vector<16xf32>
            %add3A_923 = arith.addf %scan3A_385, %mul3A_922 : vector<16xf32>
            %add3A_924 = arith.constant 1 : i32
            %add3A_925 = arith.addi %add3A_392, %add3A_924 : i32
            %get3A_926 = arith.constant 0 : i32
            %get3A_927 = arith.constant 0 : i32
            %get3A_928 = tpu.memref_slice %arg9[%select_n3A_173, %get3A_926, %get3A_927] : memref<2x128x256xf32, #tpu.memory_space<vmem>> -> memref<1x128x256xf32, #tpu.memory_space<vmem>>
            %get3A_929 = tpu.memref_squeeze %get3A_928 : memref<1x128x256xf32, #tpu.memory_space<vmem>> -> memref<128x256xf32, #tpu.memory_space<vmem>>
            %get3A_930 = arith.index_cast %add3A_925 : i32 to index
            %get3A_931 = arith.constant 176 : index
            %get3A_932 = tpu.vector_load %get3A_929[%get3A_930, %get3A_931] {strides = array<i32>} : memref<128x256xf32, #tpu.memory_space<vmem>>, vector<16xf32>,
            %mul3A_933 = arith.mulf %get3A_932, %gather3A_422 : vector<16xf32>
            %add3A_934 = arith.addf %add3A_923, %mul3A_933 : vector<16xf32>
            %add3A_935 = arith.constant 2 : i32
            %add3A_936 = arith.addi %add3A_392, %add3A_935 : i32
            %get3A_937 = arith.constant 0 : i32
            %get3A_938 = arith.constant 0 : i32
            %get3A_939 = tpu.memref_slice %arg9[%select_n3A_173, %get3A_937, %get3A_938] : memref<2x128x256xf32, #tpu.memory_space<vmem>> -> memref<1x128x256xf32, #tpu.memory_space<vmem>>
            %get3A_940 = tpu.memref_squeeze %get3A_939 : memref<1x128x256xf32, #tpu.memory_space<vmem>> -> memref<128x256xf32, #tpu.memory_space<vmem>>
            %get3A_941 = arith.index_cast %add3A_936 : i32 to index
            %get3A_942 = arith.constant 176 : index
            %get3A_943 = tpu.vector_load %get3A_940[%get3A_941, %get3A_942] {strides = array<i32>} : memref<128x256xf32, #tpu.memory_space<vmem>>, vector<16xf32>,
            %mul3A_944 = arith.mulf %get3A_943, %gather3A_437 : vector<16xf32>
            %add3A_945 = arith.addf %add3A_934, %mul3A_944 : vector<16xf32>
            %add3A_946 = arith.constant 3 : i32
            %add3A_947 = arith.addi %add3A_392, %add3A_946 : i32
            %get3A_948 = arith.constant 0 : i32
            %get3A_949 = arith.constant 0 : i32
            %get3A_950 = tpu.memref_slice %arg9[%select_n3A_173, %get3A_948, %get3A_949] : memref<2x128x256xf32, #tpu.memory_space<vmem>> -> memref<1x128x256xf32, #tpu.memory_space<vmem>>
            %get3A_951 = tpu.memref_squeeze %get3A_950 : memref<1x128x256xf32, #tpu.memory_space<vmem>> -> memref<128x256xf32, #tpu.memory_space<vmem>>
            %get3A_952 = arith.index_cast %add3A_947 : i32 to index
            %get3A_953 = arith.constant 176 : index
            %get3A_954 = tpu.vector_load %get3A_951[%get3A_952, %get3A_953] {strides = array<i32>} : memref<128x256xf32, #tpu.memory_space<vmem>>, vector<16xf32>,
            %mul3A_955 = arith.mulf %get3A_954, %gather3A_452 : vector<16xf32>
            %add3A_956 = arith.addf %add3A_945, %mul3A_955 : vector<16xf32>
            %get3A_957 = arith.constant 0 : i32
            %get3A_958 = arith.constant 0 : i32
            %get3A_959 = tpu.memref_slice %arg9[%select_n3A_173, %get3A_957, %get3A_958] : memref<2x128x256xf32, #tpu.memory_space<vmem>> -> memref<1x128x256xf32, #tpu.memory_space<vmem>>
            %get3A_960 = tpu.memref_squeeze %get3A_959 : memref<1x128x256xf32, #tpu.memory_space<vmem>> -> memref<128x256xf32, #tpu.memory_space<vmem>>
            %get3A_961 = arith.index_cast %add3A_392 : i32 to index
            %get3A_962 = arith.constant 192 : index
            %get3A_963 = tpu.vector_load %get3A_960[%get3A_961, %get3A_962] {strides = array<i32>} : memref<128x256xf32, #tpu.memory_space<vmem>>, vector<16xf32>,
            %mul3A_964 = arith.mulf %get3A_963, %gather3A_407 : vector<16xf32>
            %add3A_965 = arith.addf %scan3A_386, %mul3A_964 : vector<16xf32>
            %add3A_966 = arith.constant 1 : i32
            %add3A_967 = arith.addi %add3A_392, %add3A_966 : i32
            %get3A_968 = arith.constant 0 : i32
            %get3A_969 = arith.constant 0 : i32
            %get3A_970 = tpu.memref_slice %arg9[%select_n3A_173, %get3A_968, %get3A_969] : memref<2x128x256xf32, #tpu.memory_space<vmem>> -> memref<1x128x256xf32, #tpu.memory_space<vmem>>
            %get3A_971 = tpu.memref_squeeze %get3A_970 : memref<1x128x256xf32, #tpu.memory_space<vmem>> -> memref<128x256xf32, #tpu.memory_space<vmem>>
            %get3A_972 = arith.index_cast %add3A_967 : i32 to index
            %get3A_973 = arith.constant 192 : index
            %get3A_974 = tpu.vector_load %get3A_971[%get3A_972, %get3A_973] {strides = array<i32>} : memref<128x256xf32, #tpu.memory_space<vmem>>, vector<16xf32>,
            %mul3A_975 = arith.mulf %get3A_974, %gather3A_422 : vector<16xf32>
            %add3A_976 = arith.addf %add3A_965, %mul3A_975 : vector<16xf32>
            %add3A_977 = arith.constant 2 : i32
            %add3A_978 = arith.addi %add3A_392, %add3A_977 : i32
            %get3A_979 = arith.constant 0 : i32
            %get3A_980 = arith.constant 0 : i32
            %get3A_981 = tpu.memref_slice %arg9[%select_n3A_173, %get3A_979, %get3A_980] : memref<2x128x256xf32, #tpu.memory_space<vmem>> -> memref<1x128x256xf32, #tpu.memory_space<vmem>>
            %get3A_982 = tpu.memref_squeeze %get3A_981 : memref<1x128x256xf32, #tpu.memory_space<vmem>> -> memref<128x256xf32, #tpu.memory_space<vmem>>
            %get3A_983 = arith.index_cast %add3A_978 : i32 to index
            %get3A_984 = arith.constant 192 : index
            %get3A_985 = tpu.vector_load %get3A_982[%get3A_983, %get3A_984] {strides = array<i32>} : memref<128x256xf32, #tpu.memory_space<vmem>>, vector<16xf32>,
            %mul3A_986 = arith.mulf %get3A_985, %gather3A_437 : vector<16xf32>
            %add3A_987 = arith.addf %add3A_976, %mul3A_986 : vector<16xf32>
            %add3A_988 = arith.constant 3 : i32
            %add3A_989 = arith.addi %add3A_392, %add3A_988 : i32
            %get3A_990 = arith.constant 0 : i32
            %get3A_991 = arith.constant 0 : i32
            %get3A_992 = tpu.memref_slice %arg9[%select_n3A_173, %get3A_990, %get3A_991] : memref<2x128x256xf32, #tpu.memory_space<vmem>> -> memref<1x128x256xf32, #tpu.memory_space<vmem>>
            %get3A_993 = tpu.memref_squeeze %get3A_992 : memref<1x128x256xf32, #tpu.memory_space<vmem>> -> memref<128x256xf32, #tpu.memory_space<vmem>>
            %get3A_994 = arith.index_cast %add3A_989 : i32 to index
            %get3A_995 = arith.constant 192 : index
            %get3A_996 = tpu.vector_load %get3A_993[%get3A_994, %get3A_995] {strides = array<i32>} : memref<128x256xf32, #tpu.memory_space<vmem>>, vector<16xf32>,
            %mul3A_997 = arith.mulf %get3A_996, %gather3A_452 : vector<16xf32>
            %add3A_998 = arith.addf %add3A_987, %mul3A_997 : vector<16xf32>
            %get3A_999 = arith.constant 0 : i32
            %get3A_1000 = arith.constant 0 : i32
            %get3A_1001 = tpu.memref_slice %arg9[%select_n3A_173, %get3A_999, %get3A_1000] : memref<2x128x256xf32, #tpu.memory_space<vmem>> -> memref<1x128x256xf32, #tpu.memory_space<vmem>>
            %get3A_1002 = tpu.memref_squeeze %get3A_1001 : memref<1x128x256xf32, #tpu.memory_space<vmem>> -> memref<128x256xf32, #tpu.memory_space<vmem>>
            %get3A_1003 = arith.index_cast %add3A_392 : i32 to index
            %get3A_1004 = arith.constant 208 : index
            %get3A_1005 = tpu.vector_load %get3A_1002[%get3A_1003, %get3A_1004] {strides = array<i32>} : memref<128x256xf32, #tpu.memory_space<vmem>>, vector<16xf32>,
            %mul3A_1006 = arith.mulf %get3A_1005, %gather3A_407 : vector<16xf32>
            %add3A_1007 = arith.addf %scan3A_387, %mul3A_1006 : vector<16xf32>
            %add3A_1008 = arith.constant 1 : i32
            %add3A_1009 = arith.addi %add3A_392, %add3A_1008 : i32
            %get3A_1010 = arith.constant 0 : i32
            %get3A_1011 = arith.constant 0 : i32
            %get3A_1012 = tpu.memref_slice %arg9[%select_n3A_173, %get3A_1010, %get3A_1011] : memref<2x128x256xf32, #tpu.memory_space<vmem>> -> memref<1x128x256xf32, #tpu.memory_space<vmem>>
            %get3A_1013 = tpu.memref_squeeze %get3A_1012 : memref<1x128x256xf32, #tpu.memory_space<vmem>> -> memref<128x256xf32, #tpu.memory_space<vmem>>
            %get3A_1014 = arith.index_cast %add3A_1009 : i32 to index
            %get3A_1015 = arith.constant 208 : index
            %get3A_1016 = tpu.vector_load %get3A_1013[%get3A_1014, %get3A_1015] {strides = array<i32>} : memref<128x256xf32, #tpu.memory_space<vmem>>, vector<16xf32>,
            %mul3A_1017 = arith.mulf %get3A_1016, %gather3A_422 : vector<16xf32>
            %add3A_1018 = arith.addf %add3A_1007, %mul3A_1017 : vector<16xf32>
            %add3A_1019 = arith.constant 2 : i32
            %add3A_1020 = arith.addi %add3A_392, %add3A_1019 : i32
            %get3A_1021 = arith.constant 0 : i32
            %get3A_1022 = arith.constant 0 : i32
            %get3A_1023 = tpu.memref_slice %arg9[%select_n3A_173, %get3A_1021, %get3A_1022] : memref<2x128x256xf32, #tpu.memory_space<vmem>> -> memref<1x128x256xf32, #tpu.memory_space<vmem>>
            %get3A_1024 = tpu.memref_squeeze %get3A_1023 : memref<1x128x256xf32, #tpu.memory_space<vmem>> -> memref<128x256xf32, #tpu.memory_space<vmem>>
            %get3A_1025 = arith.index_cast %add3A_1020 : i32 to index
            %get3A_1026 = arith.constant 208 : index
            %get3A_1027 = tpu.vector_load %get3A_1024[%get3A_1025, %get3A_1026] {strides = array<i32>} : memref<128x256xf32, #tpu.memory_space<vmem>>, vector<16xf32>,
            %mul3A_1028 = arith.mulf %get3A_1027, %gather3A_437 : vector<16xf32>
            %add3A_1029 = arith.addf %add3A_1018, %mul3A_1028 : vector<16xf32>
            %add3A_1030 = arith.constant 3 : i32
            %add3A_1031 = arith.addi %add3A_392, %add3A_1030 : i32
            %get3A_1032 = arith.constant 0 : i32
            %get3A_1033 = arith.constant 0 : i32
            %get3A_1034 = tpu.memref_slice %arg9[%select_n3A_173, %get3A_1032, %get3A_1033] : memref<2x128x256xf32, #tpu.memory_space<vmem>> -> memref<1x128x256xf32, #tpu.memory_space<vmem>>
            %get3A_1035 = tpu.memref_squeeze %get3A_1034 : memref<1x128x256xf32, #tpu.memory_space<vmem>> -> memref<128x256xf32, #tpu.memory_space<vmem>>
            %get3A_1036 = arith.index_cast %add3A_1031 : i32 to index
            %get3A_1037 = arith.constant 208 : index
            %get3A_1038 = tpu.vector_load %get3A_1035[%get3A_1036, %get3A_1037] {strides = array<i32>} : memref<128x256xf32, #tpu.memory_space<vmem>>, vector<16xf32>,
            %mul3A_1039 = arith.mulf %get3A_1038, %gather3A_452 : vector<16xf32>
            %add3A_1040 = arith.addf %add3A_1029, %mul3A_1039 : vector<16xf32>
            %get3A_1041 = arith.constant 0 : i32
            %get3A_1042 = arith.constant 0 : i32
            %get3A_1043 = tpu.memref_slice %arg9[%select_n3A_173, %get3A_1041, %get3A_1042] : memref<2x128x256xf32, #tpu.memory_space<vmem>> -> memref<1x128x256xf32, #tpu.memory_space<vmem>>
            %get3A_1044 = tpu.memref_squeeze %get3A_1043 : memref<1x128x256xf32, #tpu.memory_space<vmem>> -> memref<128x256xf32, #tpu.memory_space<vmem>>
            %get3A_1045 = arith.index_cast %add3A_392 : i32 to index
            %get3A_1046 = arith.constant 224 : index
            %get3A_1047 = tpu.vector_load %get3A_1044[%get3A_1045, %get3A_1046] {strides = array<i32>} : memref<128x256xf32, #tpu.memory_space<vmem>>, vector<16xf32>,
            %mul3A_1048 = arith.mulf %get3A_1047, %gather3A_407 : vector<16xf32>
            %add3A_1049 = arith.addf %scan3A_388, %mul3A_1048 : vector<16xf32>
            %add3A_1050 = arith.constant 1 : i32
            %add3A_1051 = arith.addi %add3A_392, %add3A_1050 : i32
            %get3A_1052 = arith.constant 0 : i32
            %get3A_1053 = arith.constant 0 : i32
            %get3A_1054 = tpu.memref_slice %arg9[%select_n3A_173, %get3A_1052, %get3A_1053] : memref<2x128x256xf32, #tpu.memory_space<vmem>> -> memref<1x128x256xf32, #tpu.memory_space<vmem>>
            %get3A_1055 = tpu.memref_squeeze %get3A_1054 : memref<1x128x256xf32, #tpu.memory_space<vmem>> -> memref<128x256xf32, #tpu.memory_space<vmem>>
            %get3A_1056 = arith.index_cast %add3A_1051 : i32 to index
            %get3A_1057 = arith.constant 224 : index
            %get3A_1058 = tpu.vector_load %get3A_1055[%get3A_1056, %get3A_1057] {strides = array<i32>} : memref<128x256xf32, #tpu.memory_space<vmem>>, vector<16xf32>,
            %mul3A_1059 = arith.mulf %get3A_1058, %gather3A_422 : vector<16xf32>
            %add3A_1060 = arith.addf %add3A_1049, %mul3A_1059 : vector<16xf32>
            %add3A_1061 = arith.constant 2 : i32
            %add3A_1062 = arith.addi %add3A_392, %add3A_1061 : i32
            %get3A_1063 = arith.constant 0 : i32
            %get3A_1064 = arith.constant 0 : i32
            %get3A_1065 = tpu.memref_slice %arg9[%select_n3A_173, %get3A_1063, %get3A_1064] : memref<2x128x256xf32, #tpu.memory_space<vmem>> -> memref<1x128x256xf32, #tpu.memory_space<vmem>>
            %get3A_1066 = tpu.memref_squeeze %get3A_1065 : memref<1x128x256xf32, #tpu.memory_space<vmem>> -> memref<128x256xf32, #tpu.memory_space<vmem>>
            %get3A_1067 = arith.index_cast %add3A_1062 : i32 to index
            %get3A_1068 = arith.constant 224 : index
            %get3A_1069 = tpu.vector_load %get3A_1066[%get3A_1067, %get3A_1068] {strides = array<i32>} : memref<128x256xf32, #tpu.memory_space<vmem>>, vector<16xf32>,
            %mul3A_1070 = arith.mulf %get3A_1069, %gather3A_437 : vector<16xf32>
            %add3A_1071 = arith.addf %add3A_1060, %mul3A_1070 : vector<16xf32>
            %add3A_1072 = arith.constant 3 : i32
            %add3A_1073 = arith.addi %add3A_392, %add3A_1072 : i32
            %get3A_1074 = arith.constant 0 : i32
            %get3A_1075 = arith.constant 0 : i32
            %get3A_1076 = tpu.memref_slice %arg9[%select_n3A_173, %get3A_1074, %get3A_1075] : memref<2x128x256xf32, #tpu.memory_space<vmem>> -> memref<1x128x256xf32, #tpu.memory_space<vmem>>
            %get3A_1077 = tpu.memref_squeeze %get3A_1076 : memref<1x128x256xf32, #tpu.memory_space<vmem>> -> memref<128x256xf32, #tpu.memory_space<vmem>>
            %get3A_1078 = arith.index_cast %add3A_1073 : i32 to index
            %get3A_1079 = arith.constant 224 : index
            %get3A_1080 = tpu.vector_load %get3A_1077[%get3A_1078, %get3A_1079] {strides = array<i32>} : memref<128x256xf32, #tpu.memory_space<vmem>>, vector<16xf32>,
            %mul3A_1081 = arith.mulf %get3A_1080, %gather3A_452 : vector<16xf32>
            %add3A_1082 = arith.addf %add3A_1071, %mul3A_1081 : vector<16xf32>
            %get3A_1083 = arith.constant 0 : i32
            %get3A_1084 = arith.constant 0 : i32
            %get3A_1085 = tpu.memref_slice %arg9[%select_n3A_173, %get3A_1083, %get3A_1084] : memref<2x128x256xf32, #tpu.memory_space<vmem>> -> memref<1x128x256xf32, #tpu.memory_space<vmem>>
            %get3A_1086 = tpu.memref_squeeze %get3A_1085 : memref<1x128x256xf32, #tpu.memory_space<vmem>> -> memref<128x256xf32, #tpu.memory_space<vmem>>
            %get3A_1087 = arith.index_cast %add3A_392 : i32 to index
            %get3A_1088 = arith.constant 240 : index
            %get3A_1089 = tpu.vector_load %get3A_1086[%get3A_1087, %get3A_1088] {strides = array<i32>} : memref<128x256xf32, #tpu.memory_space<vmem>>, vector<16xf32>,
            %mul3A_1090 = arith.mulf %get3A_1089, %gather3A_407 : vector<16xf32>
            %add3A_1091 = arith.addf %scan3A_389, %mul3A_1090 : vector<16xf32>
            %add3A_1092 = arith.constant 1 : i32
            %add3A_1093 = arith.addi %add3A_392, %add3A_1092 : i32
            %get3A_1094 = arith.constant 0 : i32
            %get3A_1095 = arith.constant 0 : i32
            %get3A_1096 = tpu.memref_slice %arg9[%select_n3A_173, %get3A_1094, %get3A_1095] : memref<2x128x256xf32, #tpu.memory_space<vmem>> -> memref<1x128x256xf32, #tpu.memory_space<vmem>>
            %get3A_1097 = tpu.memref_squeeze %get3A_1096 : memref<1x128x256xf32, #tpu.memory_space<vmem>> -> memref<128x256xf32, #tpu.memory_space<vmem>>
            %get3A_1098 = arith.index_cast %add3A_1093 : i32 to index
            %get3A_1099 = arith.constant 240 : index
            %get3A_1100 = tpu.vector_load %get3A_1097[%get3A_1098, %get3A_1099] {strides = array<i32>} : memref<128x256xf32, #tpu.memory_space<vmem>>, vector<16xf32>,
            %mul3A_1101 = arith.mulf %get3A_1100, %gather3A_422 : vector<16xf32>
            %add3A_1102 = arith.addf %add3A_1091, %mul3A_1101 : vector<16xf32>
            %add3A_1103 = arith.constant 2 : i32
            %add3A_1104 = arith.addi %add3A_392, %add3A_1103 : i32
            %get3A_1105 = arith.constant 0 : i32
            %get3A_1106 = arith.constant 0 : i32
            %get3A_1107 = tpu.memref_slice %arg9[%select_n3A_173, %get3A_1105, %get3A_1106] : memref<2x128x256xf32, #tpu.memory_space<vmem>> -> memref<1x128x256xf32, #tpu.memory_space<vmem>>
            %get3A_1108 = tpu.memref_squeeze %get3A_1107 : memref<1x128x256xf32, #tpu.memory_space<vmem>> -> memref<128x256xf32, #tpu.memory_space<vmem>>
            %get3A_1109 = arith.index_cast %add3A_1104 : i32 to index
            %get3A_1110 = arith.constant 240 : index
            %get3A_1111 = tpu.vector_load %get3A_1108[%get3A_1109, %get3A_1110] {strides = array<i32>} : memref<128x256xf32, #tpu.memory_space<vmem>>, vector<16xf32>,
            %mul3A_1112 = arith.mulf %get3A_1111, %gather3A_437 : vector<16xf32>
            %add3A_1113 = arith.addf %add3A_1102, %mul3A_1112 : vector<16xf32>
            %add3A_1114 = arith.constant 3 : i32
            %add3A_1115 = arith.addi %add3A_392, %add3A_1114 : i32
            %get3A_1116 = arith.constant 0 : i32
            %get3A_1117 = arith.constant 0 : i32
            %get3A_1118 = tpu.memref_slice %arg9[%select_n3A_173, %get3A_1116, %get3A_1117] : memref<2x128x256xf32, #tpu.memory_space<vmem>> -> memref<1x128x256xf32, #tpu.memory_space<vmem>>
            %get3A_1119 = tpu.memref_squeeze %get3A_1118 : memref<1x128x256xf32, #tpu.memory_space<vmem>> -> memref<128x256xf32, #tpu.memory_space<vmem>>
            %get3A_1120 = arith.index_cast %add3A_1115 : i32 to index
            %get3A_1121 = arith.constant 240 : index
            %get3A_1122 = tpu.vector_load %get3A_1119[%get3A_1120, %get3A_1121] {strides = array<i32>} : memref<128x256xf32, #tpu.memory_space<vmem>>, vector<16xf32>,
            %mul3A_1123 = arith.mulf %get3A_1122, %gather3A_452 : vector<16xf32>
            %add3A_1124 = arith.addf %add3A_1113, %mul3A_1123 : vector<16xf32>
            scf.yield %add3A_494, %add3A_536, %add3A_578, %add3A_620, %add3A_662, %add3A_704, %add3A_746, %add3A_788, %add3A_830, %add3A_872, %add3A_914, %add3A_956, %add3A_998, %add3A_1040, %add3A_1082, %add3A_1124 : vector<16xf32>, vector<16xf32>, vector<16xf32>, vector<16xf32>, vector<16xf32>, vector<16xf32>, vector<16xf32>, vector<16xf32>, vector<16xf32>, vector<16xf32>, vector<16xf32>, vector<16xf32>, vector<16xf32>, vector<16xf32>, vector<16xf32>, vector<16xf32>
          }
          %scan3A_287 = arith.constant 4 : i32
          %get3A_288 = arith.constant 0 : index
          %get3A_289 = tpu.vector_load %arg19[%get3A_288] {strides = array<i32>} : memref<256xf32, #tpu.memory_space<vmem>>, vector<16xf32>,
          %add3A_290 = arith.addf %get3A_289, %scan3A_286#0 : vector<16xf32>
          %swap3A_291 = arith.constant 0 : index
          %swap3A_292 = tpu.vector_load %arg19[%swap3A_291] {strides = array<i32>} : memref<256xf32, #tpu.memory_space<vmem>>, vector<16xf32>,
          tpu.vector_store %arg19[%swap3A_291], %add3A_290 {strides = array<i32>} : memref<256xf32, #tpu.memory_space<vmem>>, vector<16xf32>,
          %get3A_293 = arith.constant 16 : index
          %get3A_294 = tpu.vector_load %arg19[%get3A_293] {strides = array<i32>} : memref<256xf32, #tpu.memory_space<vmem>>, vector<16xf32>,
          %add3A_295 = arith.addf %get3A_294, %scan3A_286#1 : vector<16xf32>
          %swap3A_296 = arith.constant 16 : index
          %swap3A_297 = tpu.vector_load %arg19[%swap3A_296] {strides = array<i32>} : memref<256xf32, #tpu.memory_space<vmem>>, vector<16xf32>,
          tpu.vector_store %arg19[%swap3A_296], %add3A_295 {strides = array<i32>} : memref<256xf32, #tpu.memory_space<vmem>>, vector<16xf32>,
          %get3A_298 = arith.constant 32 : index
          %get3A_299 = tpu.vector_load %arg19[%get3A_298] {strides = array<i32>} : memref<256xf32, #tpu.memory_space<vmem>>, vector<16xf32>,
          %add3A_300 = arith.addf %get3A_299, %scan3A_286#2 : vector<16xf32>
          %swap3A_301 = arith.constant 32 : index
          %swap3A_302 = tpu.vector_load %arg19[%swap3A_301] {strides = array<i32>} : memref<256xf32, #tpu.memory_space<vmem>>, vector<16xf32>,
          tpu.vector_store %arg19[%swap3A_301], %add3A_300 {strides = array<i32>} : memref<256xf32, #tpu.memory_space<vmem>>, vector<16xf32>,
          %get3A_303 = arith.constant 48 : index
          %get3A_304 = tpu.vector_load %arg19[%get3A_303] {strides = array<i32>} : memref<256xf32, #tpu.memory_space<vmem>>, vector<16xf32>,
          %add3A_305 = arith.addf %get3A_304, %scan3A_286#3 : vector<16xf32>
          %swap3A_306 = arith.constant 48 : index
          %swap3A_307 = tpu.vector_load %arg19[%swap3A_306] {strides = array<i32>} : memref<256xf32, #tpu.memory_space<vmem>>, vector<16xf32>,
          tpu.vector_store %arg19[%swap3A_306], %add3A_305 {strides = array<i32>} : memref<256xf32, #tpu.memory_space<vmem>>, vector<16xf32>,
          %get3A_308 = arith.constant 64 : index
          %get3A_309 = tpu.vector_load %arg19[%get3A_308] {strides = array<i32>} : memref<256xf32, #tpu.memory_space<vmem>>, vector<16xf32>,
          %add3A_310 = arith.addf %get3A_309, %scan3A_286#4 : vector<16xf32>
          %swap3A_311 = arith.constant 64 : index
          %swap3A_312 = tpu.vector_load %arg19[%swap3A_311] {strides = array<i32>} : memref<256xf32, #tpu.memory_space<vmem>>, vector<16xf32>,
          tpu.vector_store %arg19[%swap3A_311], %add3A_310 {strides = array<i32>} : memref<256xf32, #tpu.memory_space<vmem>>, vector<16xf32>,
          %get3A_313 = arith.constant 80 : index
          %get3A_314 = tpu.vector_load %arg19[%get3A_313] {strides = array<i32>} : memref<256xf32, #tpu.memory_space<vmem>>, vector<16xf32>,
          %add3A_315 = arith.addf %get3A_314, %scan3A_286#5 : vector<16xf32>
          %swap3A_316 = arith.constant 80 : index
          %swap3A_317 = tpu.vector_load %arg19[%swap3A_316] {strides = array<i32>} : memref<256xf32, #tpu.memory_space<vmem>>, vector<16xf32>,
          tpu.vector_store %arg19[%swap3A_316], %add3A_315 {strides = array<i32>} : memref<256xf32, #tpu.memory_space<vmem>>, vector<16xf32>,
          %get3A_318 = arith.constant 96 : index
          %get3A_319 = tpu.vector_load %arg19[%get3A_318] {strides = array<i32>} : memref<256xf32, #tpu.memory_space<vmem>>, vector<16xf32>,
          %add3A_320 = arith.addf %get3A_319, %scan3A_286#6 : vector<16xf32>
          %swap3A_321 = arith.constant 96 : index
          %swap3A_322 = tpu.vector_load %arg19[%swap3A_321] {strides = array<i32>} : memref<256xf32, #tpu.memory_space<vmem>>, vector<16xf32>,
          tpu.vector_store %arg19[%swap3A_321], %add3A_320 {strides = array<i32>} : memref<256xf32, #tpu.memory_space<vmem>>, vector<16xf32>,
          %get3A_323 = arith.constant 112 : index
          %get3A_324 = tpu.vector_load %arg19[%get3A_323] {strides = array<i32>} : memref<256xf32, #tpu.memory_space<vmem>>, vector<16xf32>,
          %add3A_325 = arith.addf %get3A_324, %scan3A_286#7 : vector<16xf32>
          %swap3A_326 = arith.constant 112 : index
          %swap3A_327 = tpu.vector_load %arg19[%swap3A_326] {strides = array<i32>} : memref<256xf32, #tpu.memory_space<vmem>>, vector<16xf32>,
          tpu.vector_store %arg19[%swap3A_326], %add3A_325 {strides = array<i32>} : memref<256xf32, #tpu.memory_space<vmem>>, vector<16xf32>,
          %get3A_328 = arith.constant 128 : index
          %get3A_329 = tpu.vector_load %arg19[%get3A_328] {strides = array<i32>} : memref<256xf32, #tpu.memory_space<vmem>>, vector<16xf32>,
          %add3A_330 = arith.addf %get3A_329, %scan3A_286#8 : vector<16xf32>
          %swap3A_331 = arith.constant 128 : index
          %swap3A_332 = tpu.vector_load %arg19[%swap3A_331] {strides = array<i32>} : memref<256xf32, #tpu.memory_space<vmem>>, vector<16xf32>,
          tpu.vector_store %arg19[%swap3A_331], %add3A_330 {strides = array<i32>} : memref<256xf32, #tpu.memory_space<vmem>>, vector<16xf32>,
          %get3A_333 = arith.constant 144 : index
          %get3A_334 = tpu.vector_load %arg19[%get3A_333] {strides = array<i32>} : memref<256xf32, #tpu.memory_space<vmem>>, vector<16xf32>,
          %add3A_335 = arith.addf %get3A_334, %scan3A_286#9 : vector<16xf32>
          %swap3A_336 = arith.constant 144 : index
          %swap3A_337 = tpu.vector_load %arg19[%swap3A_336] {strides = array<i32>} : memref<256xf32, #tpu.memory_space<vmem>>, vector<16xf32>,
          tpu.vector_store %arg19[%swap3A_336], %add3A_335 {strides = array<i32>} : memref<256xf32, #tpu.memory_space<vmem>>, vector<16xf32>,
          %get3A_338 = arith.constant 160 : index
          %get3A_339 = tpu.vector_load %arg19[%get3A_338] {strides = array<i32>} : memref<256xf32, #tpu.memory_space<vmem>>, vector<16xf32>,
          %add3A_340 = arith.addf %get3A_339, %scan3A_286#10 : vector<16xf32>
          %swap3A_341 = arith.constant 160 : index
          %swap3A_342 = tpu.vector_load %arg19[%swap3A_341] {strides = array<i32>} : memref<256xf32, #tpu.memory_space<vmem>>, vector<16xf32>,
          tpu.vector_store %arg19[%swap3A_341], %add3A_340 {strides = array<i32>} : memref<256xf32, #tpu.memory_space<vmem>>, vector<16xf32>,
          %get3A_343 = arith.constant 176 : index
          %get3A_344 = tpu.vector_load %arg19[%get3A_343] {strides = array<i32>} : memref<256xf32, #tpu.memory_space<vmem>>, vector<16xf32>,
          %add3A_345 = arith.addf %get3A_344, %scan3A_286#11 : vector<16xf32>
          %swap3A_346 = arith.constant 176 : index
          %swap3A_347 = tpu.vector_load %arg19[%swap3A_346] {strides = array<i32>} : memref<256xf32, #tpu.memory_space<vmem>>, vector<16xf32>,
          tpu.vector_store %arg19[%swap3A_346], %add3A_345 {strides = array<i32>} : memref<256xf32, #tpu.memory_space<vmem>>, vector<16xf32>,
          %get3A_348 = arith.constant 192 : index
          %get3A_349 = tpu.vector_load %arg19[%get3A_348] {strides = array<i32>} : memref<256xf32, #tpu.memory_space<vmem>>, vector<16xf32>,
          %add3A_350 = arith.addf %get3A_349, %scan3A_286#12 : vector<16xf32>
          %swap3A_351 = arith.constant 192 : index
          %swap3A_352 = tpu.vector_load %arg19[%swap3A_351] {strides = array<i32>} : memref<256xf32, #tpu.memory_space<vmem>>, vector<16xf32>,
          tpu.vector_store %arg19[%swap3A_351], %add3A_350 {strides = array<i32>} : memref<256xf32, #tpu.memory_space<vmem>>, vector<16xf32>,
          %get3A_353 = arith.constant 208 : index
          %get3A_354 = tpu.vector_load %arg19[%get3A_353] {strides = array<i32>} : memref<256xf32, #tpu.memory_space<vmem>>, vector<16xf32>,
          %add3A_355 = arith.addf %get3A_354, %scan3A_286#13 : vector<16xf32>
          %swap3A_356 = arith.constant 208 : index
          %swap3A_357 = tpu.vector_load %arg19[%swap3A_356] {strides = array<i32>} : memref<256xf32, #tpu.memory_space<vmem>>, vector<16xf32>,
          tpu.vector_store %arg19[%swap3A_356], %add3A_355 {strides = array<i32>} : memref<256xf32, #tpu.memory_space<vmem>>, vector<16xf32>,
          %get3A_358 = arith.constant 224 : index
          %get3A_359 = tpu.vector_load %arg19[%get3A_358] {strides = array<i32>} : memref<256xf32, #tpu.memory_space<vmem>>, vector<16xf32>,
          %add3A_360 = arith.addf %get3A_359, %scan3A_286#14 : vector<16xf32>
          %swap3A_361 = arith.constant 224 : index
          %swap3A_362 = tpu.vector_load %arg19[%swap3A_361] {strides = array<i32>} : memref<256xf32, #tpu.memory_space<vmem>>, vector<16xf32>,
          tpu.vector_store %arg19[%swap3A_361], %add3A_360 {strides = array<i32>} : memref<256xf32, #tpu.memory_space<vmem>>, vector<16xf32>,
          %get3A_363 = arith.constant 240 : index
          %get3A_364 = tpu.vector_load %arg19[%get3A_363] {strides = array<i32>} : memref<256xf32, #tpu.memory_space<vmem>>, vector<16xf32>,
          %add3A_365 = arith.addf %get3A_364, %scan3A_286#15 : vector<16xf32>
          %swap3A_366 = arith.constant 240 : index
          %swap3A_367 = tpu.vector_load %arg19[%swap3A_366] {strides = array<i32>} : memref<256xf32, #tpu.memory_space<vmem>>, vector<16xf32>,
          tpu.vector_store %arg19[%swap3A_366], %add3A_365 {strides = array<i32>} : memref<256xf32, #tpu.memory_space<vmem>>, vector<16xf32>,
          %get3A_368 = arith.constant 0 : index
          %get3A_369 = tpu.vector_load %arg20[%get3A_368] {strides = array<i32>} : memref<16xf32, #tpu.memory_space<vmem>>, vector<16xf32>,
          %add3A_370 = arith.addf %get3A_369, %mul3A_277 : vector<16xf32>
          %swap3A_371 = arith.constant 0 : index
          %swap3A_372 = tpu.vector_load %arg20[%swap3A_371] {strides = array<i32>} : memref<16xf32, #tpu.memory_space<vmem>>, vector<16xf32>,
          tpu.vector_store %arg20[%swap3A_371], %add3A_370 {strides = array<i32>} : memref<16xf32, #tpu.memory_space<vmem>>, vector<16xf32>,
          scf.yield %scan3A_217 : i32
        }
        scf.yield %cond3A_281 : i32
      }
      %scan3A_215 = arith.constant 8 : i32
      scf.yield %scan3A_214 : i32
    }
    %while3A_146 = arith.constant 1 : i32
    %while3A_147 = scf.for %while3A_158 = %while3A_143 to %while3A_139 step %while3A_146 iter_args(%while3A_159 = %while3A_145) -> (i32)  : i32 {
      %jit3A_160 = arith.constant 2 : i32
      %eq3A = arith.constant 0 : i32
      %eq3A_161 = arith.cmpi eq, %jit3A_160, %eq3A : i32
      %jit3A_162 = arith.constant 1 : i32
      %select_n3A_163 = arith.select %eq3A_161, %jit3A_162, %jit3A_160 : i32
      %rem3A_164 = arith.remsi %while3A_158, %select_n3A_163 : i32
      %ne3A_165 = arith.constant 0 : i32
      %ne3A_166 = arith.cmpi ne, %rem3A_164, %ne3A_165 : i32
      %lt3A = arith.constant 0 : i32
      %lt3A_167 = arith.cmpi slt, %rem3A_164, %lt3A : i32
      %lt3A_168 = arith.constant 0 : i32
      %lt3A_169 = arith.cmpi slt, %select_n3A_163, %lt3A_168 : i32
      %ne3A_170 = arith.xori %lt3A_167, %lt3A_169 : i1
      %and3A_171 = arith.andi %ne3A_170, %ne3A_166 : i1
      %add3A_172 = arith.addi %rem3A_164, %select_n3A_163 : i32
      %select_n3A_173 = arith.select %and3A_171, %add3A_172, %rem3A_164 : i32
      %add3A_174 = arith.constant 1 : i32
      %add3A_175 = arith.addi %while3A_158, %add3A_174 : i32
      %lt3A_176 = arith.cmpi slt, %add3A_175, %max3A_97 : i32
      %eq3A_177 = arith.constant 0 : i32
      %eq3A_178 = arith.cmpi eq, %select_n3A_173, %eq3A_177 : i32
      %and3A_179 = arith.andi %lt3A_176, %eq3A_178 : i1
      %convert_element_type3A_180 = arith.extui %and3A_179 : i1 to i32
      %cond3A_181 = arith.constant 0 : i32
      %cond3A_182 = arith.cmpi ne, %convert_element_type3A_180, %cond3A_181 : i32
      scf.if %cond3A_182 {
        %add3A_216 = arith.constant 1 : i32
        %add3A_217 = arith.addi %while3A_158, %add3A_216 : i32
        %mul3A_218 = arith.constant 128 : i32
        %mul3A_219 = arith.muli %add3A_217, %mul3A_218 : i32
        %add3A_220 = arith.addi %mul3A_67, %mul3A_219 : i32
        %min3A_221 = arith.constant 99872 : i32
        %min3A_222 = arith.minsi %add3A_220, %min3A_221 : i32
        %dma_start3A = arith.constant 1 : i32
        %dma_start3A_223 = arith.constant 0 : i32
        %dma_start3A_224 = arith.constant 0 : i32
        %dma_start3A_225 = tpu.memref_slice %arg9[%dma_start3A, %dma_start3A_223, %dma_start3A_224] : memref<2x128x256xf32, #tpu.memory_space<vmem>> -> memref<1x128x256xf32, #tpu.memory_space<vmem>>
        %dma_start3A_226 = tpu.memref_squeeze %dma_start3A_225 : memref<1x128x256xf32, #tpu.memory_space<vmem>> -> memref<128x256xf32, #tpu.memory_space<vmem>>
        %dma_start3A_227 = arith.constant 0 : i32
        %dma_start3A_228 = tpu.memref_slice %arg2[%min3A_222, %dma_start3A_227] : memref<100000x256xf32, #tpu.memory_space<hbm>> -> memref<128x256xf32, #tpu.memory_space<hbm>>
        %dma_start3A_229 = arith.constant 0 : i32
        %dma_start3A_230 = arith.constant 0 : i32
        %dma_start3A_231 = tpu.memref_slice %arg9[%dma_start3A, %dma_start3A_229, %dma_start3A_230] : memref<2x128x256xf32, #tpu.memory_space<vmem>> -> memref<1x128x256xf32, #tpu.memory_space<vmem>>
        %dma_start3A_232 = tpu.memref_squeeze %dma_start3A_231 : memref<1x128x256xf32, #tpu.memory_space<vmem>> -> memref<128x256xf32, #tpu.memory_space<vmem>>
        %dma_start3A_233 = arith.constant 0 : i32
        %dma_start3A_234 = tpu.memref_slice %arg2[%min3A_222, %dma_start3A_233] : memref<100000x256xf32, #tpu.memory_space<hbm>> -> memref<128x256xf32, #tpu.memory_space<hbm>>
        tpu.enqueue_dma source(%dma_start3A_234 : memref<128x256xf32, #tpu.memory_space<hbm>>) target(%dma_start3A_232 : memref<128x256xf32, #tpu.memory_space<vmem>>) target_semaphore(%arg22 : memref<!tpu.dma_semaphore, #tpu.memory_space<semaphore_mem>>)
        %dma_start3A_235 = arith.constant 1 : i32
        %dma_start3A_236 = arith.constant 0 : i32
        %dma_start3A_237 = tpu.memref_slice %arg10[%dma_start3A_235, %dma_start3A_236] : memref<2x128xi32, #tpu.memory_space<vmem>> -> memref<1x128xi32, #tpu.memory_space<vmem>>
        %dma_start3A_238 = tpu.memref_squeeze %dma_start3A_237 : memref<1x128xi32, #tpu.memory_space<vmem>> -> memref<128xi32, #tpu.memory_space<vmem>>
        %dma_start3A_239 = tpu.memref_slice %arg3[%min3A_222] : memref<100000xi32, #tpu.memory_space<hbm>> -> memref<128xi32, #tpu.memory_space<hbm>>
        %dma_start3A_240 = arith.constant 0 : i32
        %dma_start3A_241 = tpu.memref_slice %arg10[%dma_start3A_235, %dma_start3A_240] : memref<2x128xi32, #tpu.memory_space<vmem>> -> memref<1x128xi32, #tpu.memory_space<vmem>>
        %dma_start3A_242 = tpu.memref_squeeze %dma_start3A_241 : memref<1x128xi32, #tpu.memory_space<vmem>> -> memref<128xi32, #tpu.memory_space<vmem>>
        %dma_start3A_243 = tpu.memref_slice %arg3[%min3A_222] : memref<100000xi32, #tpu.memory_space<hbm>> -> memref<128xi32, #tpu.memory_space<hbm>>
        tpu.enqueue_dma source(%dma_start3A_243 : memref<128xi32, #tpu.memory_space<hbm>>) target(%dma_start3A_242 : memref<128xi32, #tpu.memory_space<vmem>>) target_semaphore(%arg22 : memref<!tpu.dma_semaphore, #tpu.memory_space<semaphore_mem>>)
        %dma_start3A_244 = arith.constant 1 : i32
        %dma_start3A_245 = arith.constant 0 : i32
        %dma_start3A_246 = tpu.memref_slice %arg11[%dma_start3A_244, %dma_start3A_245] : memref<2x128xi32, #tpu.memory_space<vmem>> -> memref<1x128xi32, #tpu.memory_space<vmem>>
        %dma_start3A_247 = tpu.memref_squeeze %dma_start3A_246 : memref<1x128xi32, #tpu.memory_space<vmem>> -> memref<128xi32, #tpu.memory_space<vmem>>
        %dma_start3A_248 = tpu.memref_slice %arg4[%min3A_222] : memref<100000xi32, #tpu.memory_space<hbm>> -> memref<128xi32, #tpu.memory_space<hbm>>
        %dma_start3A_249 = arith.constant 0 : i32
        %dma_start3A_250 = tpu.memref_slice %arg11[%dma_start3A_244, %dma_start3A_249] : memref<2x128xi32, #tpu.memory_space<vmem>> -> memref<1x128xi32, #tpu.memory_space<vmem>>
        %dma_start3A_251 = tpu.memref_squeeze %dma_start3A_250 : memref<1x128xi32, #tpu.memory_space<vmem>> -> memref<128xi32, #tpu.memory_space<vmem>>
        %dma_start3A_252 = tpu.memref_slice %arg4[%min3A_222] : memref<100000xi32, #tpu.memory_space<hbm>> -> memref<128xi32, #tpu.memory_space<hbm>>
        tpu.enqueue_dma source(%dma_start3A_252 : memref<128xi32, #tpu.memory_space<hbm>>) target(%dma_start3A_251 : memref<128xi32, #tpu.memory_space<vmem>>) target_semaphore(%arg22 : memref<!tpu.dma_semaphore, #tpu.memory_space<semaphore_mem>>)
      } else {
      }
      %add3A_183 = arith.constant 1 : i32
      %add3A_184 = arith.addi %while3A_158, %add3A_183 : i32
      %lt3A_185 = arith.cmpi slt, %add3A_184, %max3A_97 : i32
      %eq3A_186 = arith.constant 1 : i32
      %eq3A_187 = arith.cmpi eq, %select_n3A_173, %eq3A_186 : i32
      %and3A_188 = arith.andi %lt3A_185, %eq3A_187 : i1
      %convert_element_type3A_189 = arith.extui %and3A_188 : i1 to i32
      %cond3A_190 = arith.constant 0 : i32
      %cond3A_191 = arith.cmpi ne, %convert_element_type3A_189, %cond3A_190 : i32
      scf.if %cond3A_191 {
        %add3A_216 = arith.constant 1 : i32
        %add3A_217 = arith.addi %while3A_158, %add3A_216 : i32
        %mul3A_218 = arith.constant 128 : i32
        %mul3A_219 = arith.muli %add3A_217, %mul3A_218 : i32
        %add3A_220 = arith.addi %mul3A_67, %mul3A_219 : i32
        %min3A_221 = arith.constant 99872 : i32
        %min3A_222 = arith.minsi %add3A_220, %min3A_221 : i32
        %dma_start3A = arith.constant 0 : i32
        %dma_start3A_223 = arith.constant 0 : i32
        %dma_start3A_224 = arith.constant 0 : i32
        %dma_start3A_225 = tpu.memref_slice %arg9[%dma_start3A, %dma_start3A_223, %dma_start3A_224] : memref<2x128x256xf32, #tpu.memory_space<vmem>> -> memref<1x128x256xf32, #tpu.memory_space<vmem>>
        %dma_start3A_226 = tpu.memref_squeeze %dma_start3A_225 : memref<1x128x256xf32, #tpu.memory_space<vmem>> -> memref<128x256xf32, #tpu.memory_space<vmem>>
        %dma_start3A_227 = arith.constant 0 : i32
        %dma_start3A_228 = tpu.memref_slice %arg2[%min3A_222, %dma_start3A_227] : memref<100000x256xf32, #tpu.memory_space<hbm>> -> memref<128x256xf32, #tpu.memory_space<hbm>>
        %dma_start3A_229 = arith.constant 0 : i32
        %dma_start3A_230 = arith.constant 0 : i32
        %dma_start3A_231 = tpu.memref_slice %arg9[%dma_start3A, %dma_start3A_229, %dma_start3A_230] : memref<2x128x256xf32, #tpu.memory_space<vmem>> -> memref<1x128x256xf32, #tpu.memory_space<vmem>>
        %dma_start3A_232 = tpu.memref_squeeze %dma_start3A_231 : memref<1x128x256xf32, #tpu.memory_space<vmem>> -> memref<128x256xf32, #tpu.memory_space<vmem>>
        %dma_start3A_233 = arith.constant 0 : i32
        %dma_start3A_234 = tpu.memref_slice %arg2[%min3A_222, %dma_start3A_233] : memref<100000x256xf32, #tpu.memory_space<hbm>> -> memref<128x256xf32, #tpu.memory_space<hbm>>
        tpu.enqueue_dma source(%dma_start3A_234 : memref<128x256xf32, #tpu.memory_space<hbm>>) target(%dma_start3A_232 : memref<128x256xf32, #tpu.memory_space<vmem>>) target_semaphore(%arg21 : memref<!tpu.dma_semaphore, #tpu.memory_space<semaphore_mem>>)
        %dma_start3A_235 = arith.constant 0 : i32
        %dma_start3A_236 = arith.constant 0 : i32
        %dma_start3A_237 = tpu.memref_slice %arg10[%dma_start3A_235, %dma_start3A_236] : memref<2x128xi32, #tpu.memory_space<vmem>> -> memref<1x128xi32, #tpu.memory_space<vmem>>
        %dma_start3A_238 = tpu.memref_squeeze %dma_start3A_237 : memref<1x128xi32, #tpu.memory_space<vmem>> -> memref<128xi32, #tpu.memory_space<vmem>>
        %dma_start3A_239 = tpu.memref_slice %arg3[%min3A_222] : memref<100000xi32, #tpu.memory_space<hbm>> -> memref<128xi32, #tpu.memory_space<hbm>>
        %dma_start3A_240 = arith.constant 0 : i32
        %dma_start3A_241 = tpu.memref_slice %arg10[%dma_start3A_235, %dma_start3A_240] : memref<2x128xi32, #tpu.memory_space<vmem>> -> memref<1x128xi32, #tpu.memory_space<vmem>>
        %dma_start3A_242 = tpu.memref_squeeze %dma_start3A_241 : memref<1x128xi32, #tpu.memory_space<vmem>> -> memref<128xi32, #tpu.memory_space<vmem>>
        %dma_start3A_243 = tpu.memref_slice %arg3[%min3A_222] : memref<100000xi32, #tpu.memory_space<hbm>> -> memref<128xi32, #tpu.memory_space<hbm>>
        tpu.enqueue_dma source(%dma_start3A_243 : memref<128xi32, #tpu.memory_space<hbm>>) target(%dma_start3A_242 : memref<128xi32, #tpu.memory_space<vmem>>) target_semaphore(%arg21 : memref<!tpu.dma_semaphore, #tpu.memory_space<semaphore_mem>>)
        %dma_start3A_244 = arith.constant 0 : i32
        %dma_start3A_245 = arith.constant 0 : i32
        %dma_start3A_246 = tpu.memref_slice %arg11[%dma_start3A_244, %dma_start3A_245] : memref<2x128xi32, #tpu.memory_space<vmem>> -> memref<1x128xi32, #tpu.memory_space<vmem>>
        %dma_start3A_247 = tpu.memref_squeeze %dma_start3A_246 : memref<1x128xi32, #tpu.memory_space<vmem>> -> memref<128xi32, #tpu.memory_space<vmem>>
        %dma_start3A_248 = tpu.memref_slice %arg4[%min3A_222] : memref<100000xi32, #tpu.memory_space<hbm>> -> memref<128xi32, #tpu.memory_space<hbm>>
        %dma_start3A_249 = arith.constant 0 : i32
        %dma_start3A_250 = tpu.memref_slice %arg11[%dma_start3A_244, %dma_start3A_249] : memref<2x128xi32, #tpu.memory_space<vmem>> -> memref<1x128xi32, #tpu.memory_space<vmem>>
        %dma_start3A_251 = tpu.memref_squeeze %dma_start3A_250 : memref<1x128xi32, #tpu.memory_space<vmem>> -> memref<128xi32, #tpu.memory_space<vmem>>
        %dma_start3A_252 = tpu.memref_slice %arg4[%min3A_222] : memref<100000xi32, #tpu.memory_space<hbm>> -> memref<128xi32, #tpu.memory_space<hbm>>
        tpu.enqueue_dma source(%dma_start3A_252 : memref<128xi32, #tpu.memory_space<hbm>>) target(%dma_start3A_251 : memref<128xi32, #tpu.memory_space<vmem>>) target_semaphore(%arg21 : memref<!tpu.dma_semaphore, #tpu.memory_space<semaphore_mem>>)
      } else {
      }
      %eq3A_192 = arith.constant 0 : i32
      %eq3A_193 = arith.cmpi eq, %select_n3A_173, %eq3A_192 : i32
      %convert_element_type3A_194 = arith.extui %eq3A_193 : i1 to i32
      %cond3A_195 = arith.constant 0 : i32
      %cond3A_196 = arith.cmpi ne, %convert_element_type3A_194, %cond3A_195 : i32
      scf.if %cond3A_196 {
        %mul3A_216 = arith.constant 128 : i32
        %mul3A_217 = arith.muli %while3A_158, %mul3A_216 : i32
        %add3A_218 = arith.addi %mul3A_67, %mul3A_217 : i32
        %min3A_219 = arith.constant 99872 : i32
        %min3A_220 = arith.minsi %add3A_218, %min3A_219 : i32
        %dma_wait3A = arith.constant 0 : i32
        %dma_wait3A_221 = arith.constant 0 : i32
        %dma_wait3A_222 = arith.constant 0 : i32
        %dma_wait3A_223 = tpu.memref_slice %arg9[%dma_wait3A, %dma_wait3A_221, %dma_wait3A_222] : memref<2x128x256xf32, #tpu.memory_space<vmem>> -> memref<1x128x256xf32, #tpu.memory_space<vmem>>
        %dma_wait3A_224 = tpu.memref_squeeze %dma_wait3A_223 : memref<1x128x256xf32, #tpu.memory_space<vmem>> -> memref<128x256xf32, #tpu.memory_space<vmem>>
        %dma_wait3A_225 = arith.constant 0 : i32
        %dma_wait3A_226 = tpu.memref_slice %arg2[%min3A_220, %dma_wait3A_225] : memref<100000x256xf32, #tpu.memory_space<hbm>> -> memref<128x256xf32, #tpu.memory_space<hbm>>
        %dma_wait3A_227 = arith.constant 0 : i32
        %dma_wait3A_228 = arith.constant 0 : i32
        %dma_wait3A_229 = tpu.memref_slice %arg9[%dma_wait3A, %dma_wait3A_227, %dma_wait3A_228] : memref<2x128x256xf32, #tpu.memory_space<vmem>> -> memref<1x128x256xf32, #tpu.memory_space<vmem>>
        %dma_wait3A_230 = tpu.memref_squeeze %dma_wait3A_229 : memref<1x128x256xf32, #tpu.memory_space<vmem>> -> memref<128x256xf32, #tpu.memory_space<vmem>>
        %dma_wait3A_231 = arith.constant 0 : i32
        %dma_wait3A_232 = tpu.memref_slice %arg2[%min3A_220, %dma_wait3A_231] : memref<100000x256xf32, #tpu.memory_space<hbm>> -> memref<128x256xf32, #tpu.memory_space<hbm>>
        tpu.wait_dma2 semaphore(%arg21 : memref<!tpu.dma_semaphore, #tpu.memory_space<semaphore_mem>>) src(%dma_wait3A_232 : memref<128x256xf32, #tpu.memory_space<hbm>>) dst(%dma_wait3A_230 : memref<128x256xf32, #tpu.memory_space<vmem>>)
        %dma_wait3A_233 = arith.constant 0 : i32
        %dma_wait3A_234 = arith.constant 0 : i32
        %dma_wait3A_235 = tpu.memref_slice %arg10[%dma_wait3A_233, %dma_wait3A_234] : memref<2x128xi32, #tpu.memory_space<vmem>> -> memref<1x128xi32, #tpu.memory_space<vmem>>
        %dma_wait3A_236 = tpu.memref_squeeze %dma_wait3A_235 : memref<1x128xi32, #tpu.memory_space<vmem>> -> memref<128xi32, #tpu.memory_space<vmem>>
        %dma_wait3A_237 = tpu.memref_slice %arg3[%min3A_220] : memref<100000xi32, #tpu.memory_space<hbm>> -> memref<128xi32, #tpu.memory_space<hbm>>
        %dma_wait3A_238 = arith.constant 0 : i32
        %dma_wait3A_239 = tpu.memref_slice %arg10[%dma_wait3A_233, %dma_wait3A_238] : memref<2x128xi32, #tpu.memory_space<vmem>> -> memref<1x128xi32, #tpu.memory_space<vmem>>
        %dma_wait3A_240 = tpu.memref_squeeze %dma_wait3A_239 : memref<1x128xi32, #tpu.memory_space<vmem>> -> memref<128xi32, #tpu.memory_space<vmem>>
        %dma_wait3A_241 = tpu.memref_slice %arg3[%min3A_220] : memref<100000xi32, #tpu.memory_space<hbm>> -> memref<128xi32, #tpu.memory_space<hbm>>
        tpu.wait_dma2 semaphore(%arg21 : memref<!tpu.dma_semaphore, #tpu.memory_space<semaphore_mem>>) src(%dma_wait3A_241 : memref<128xi32, #tpu.memory_space<hbm>>) dst(%dma_wait3A_240 : memref<128xi32, #tpu.memory_space<vmem>>)
        %dma_wait3A_242 = arith.constant 0 : i32
        %dma_wait3A_243 = arith.constant 0 : i32
        %dma_wait3A_244 = tpu.memref_slice %arg11[%dma_wait3A_242, %dma_wait3A_243] : memref<2x128xi32, #tpu.memory_space<vmem>> -> memref<1x128xi32, #tpu.memory_space<vmem>>
        %dma_wait3A_245 = tpu.memref_squeeze %dma_wait3A_244 : memref<1x128xi32, #tpu.memory_space<vmem>> -> memref<128xi32, #tpu.memory_space<vmem>>
        %dma_wait3A_246 = tpu.memref_slice %arg4[%min3A_220] : memref<100000xi32, #tpu.memory_space<hbm>> -> memref<128xi32, #tpu.memory_space<hbm>>
        %dma_wait3A_247 = arith.constant 0 : i32
        %dma_wait3A_248 = tpu.memref_slice %arg11[%dma_wait3A_242, %dma_wait3A_247] : memref<2x128xi32, #tpu.memory_space<vmem>> -> memref<1x128xi32, #tpu.memory_space<vmem>>
        %dma_wait3A_249 = tpu.memref_squeeze %dma_wait3A_248 : memref<1x128xi32, #tpu.memory_space<vmem>> -> memref<128xi32, #tpu.memory_space<vmem>>
        %dma_wait3A_250 = tpu.memref_slice %arg4[%min3A_220] : memref<100000xi32, #tpu.memory_space<hbm>> -> memref<128xi32, #tpu.memory_space<hbm>>
        tpu.wait_dma2 semaphore(%arg21 : memref<!tpu.dma_semaphore, #tpu.memory_space<semaphore_mem>>) src(%dma_wait3A_250 : memref<128xi32, #tpu.memory_space<hbm>>) dst(%dma_wait3A_249 : memref<128xi32, #tpu.memory_space<vmem>>)
      } else {
      }
      %eq3A_197 = arith.constant 1 : i32
      %eq3A_198 = arith.cmpi eq, %select_n3A_173, %eq3A_197 : i32
      %convert_element_type3A_199 = arith.extui %eq3A_198 : i1 to i32
      %cond3A_200 = arith.constant 0 : i32
      %cond3A_201 = arith.cmpi ne, %convert_element_type3A_199, %cond3A_200 : i32
      scf.if %cond3A_201 {
        %mul3A_216 = arith.constant 128 : i32
        %mul3A_217 = arith.muli %while3A_158, %mul3A_216 : i32
        %add3A_218 = arith.addi %mul3A_67, %mul3A_217 : i32
        %min3A_219 = arith.constant 99872 : i32
        %min3A_220 = arith.minsi %add3A_218, %min3A_219 : i32
        %dma_wait3A = arith.constant 1 : i32
        %dma_wait3A_221 = arith.constant 0 : i32
        %dma_wait3A_222 = arith.constant 0 : i32
        %dma_wait3A_223 = tpu.memref_slice %arg9[%dma_wait3A, %dma_wait3A_221, %dma_wait3A_222] : memref<2x128x256xf32, #tpu.memory_space<vmem>> -> memref<1x128x256xf32, #tpu.memory_space<vmem>>
        %dma_wait3A_224 = tpu.memref_squeeze %dma_wait3A_223 : memref<1x128x256xf32, #tpu.memory_space<vmem>> -> memref<128x256xf32, #tpu.memory_space<vmem>>
        %dma_wait3A_225 = arith.constant 0 : i32
        %dma_wait3A_226 = tpu.memref_slice %arg2[%min3A_220, %dma_wait3A_225] : memref<100000x256xf32, #tpu.memory_space<hbm>> -> memref<128x256xf32, #tpu.memory_space<hbm>>
        %dma_wait3A_227 = arith.constant 0 : i32
        %dma_wait3A_228 = arith.constant 0 : i32
        %dma_wait3A_229 = tpu.memref_slice %arg9[%dma_wait3A, %dma_wait3A_227, %dma_wait3A_228] : memref<2x128x256xf32, #tpu.memory_space<vmem>> -> memref<1x128x256xf32, #tpu.memory_space<vmem>>
        %dma_wait3A_230 = tpu.memref_squeeze %dma_wait3A_229 : memref<1x128x256xf32, #tpu.memory_space<vmem>> -> memref<128x256xf32, #tpu.memory_space<vmem>>
        %dma_wait3A_231 = arith.constant 0 : i32
        %dma_wait3A_232 = tpu.memref_slice %arg2[%min3A_220, %dma_wait3A_231] : memref<100000x256xf32, #tpu.memory_space<hbm>> -> memref<128x256xf32, #tpu.memory_space<hbm>>
        tpu.wait_dma2 semaphore(%arg22 : memref<!tpu.dma_semaphore, #tpu.memory_space<semaphore_mem>>) src(%dma_wait3A_232 : memref<128x256xf32, #tpu.memory_space<hbm>>) dst(%dma_wait3A_230 : memref<128x256xf32, #tpu.memory_space<vmem>>)
        %dma_wait3A_233 = arith.constant 1 : i32
        %dma_wait3A_234 = arith.constant 0 : i32
        %dma_wait3A_235 = tpu.memref_slice %arg10[%dma_wait3A_233, %dma_wait3A_234] : memref<2x128xi32, #tpu.memory_space<vmem>> -> memref<1x128xi32, #tpu.memory_space<vmem>>
        %dma_wait3A_236 = tpu.memref_squeeze %dma_wait3A_235 : memref<1x128xi32, #tpu.memory_space<vmem>> -> memref<128xi32, #tpu.memory_space<vmem>>
        %dma_wait3A_237 = tpu.memref_slice %arg3[%min3A_220] : memref<100000xi32, #tpu.memory_space<hbm>> -> memref<128xi32, #tpu.memory_space<hbm>>
        %dma_wait3A_238 = arith.constant 0 : i32
        %dma_wait3A_239 = tpu.memref_slice %arg10[%dma_wait3A_233, %dma_wait3A_238] : memref<2x128xi32, #tpu.memory_space<vmem>> -> memref<1x128xi32, #tpu.memory_space<vmem>>
        %dma_wait3A_240 = tpu.memref_squeeze %dma_wait3A_239 : memref<1x128xi32, #tpu.memory_space<vmem>> -> memref<128xi32, #tpu.memory_space<vmem>>
        %dma_wait3A_241 = tpu.memref_slice %arg3[%min3A_220] : memref<100000xi32, #tpu.memory_space<hbm>> -> memref<128xi32, #tpu.memory_space<hbm>>
        tpu.wait_dma2 semaphore(%arg22 : memref<!tpu.dma_semaphore, #tpu.memory_space<semaphore_mem>>) src(%dma_wait3A_241 : memref<128xi32, #tpu.memory_space<hbm>>) dst(%dma_wait3A_240 : memref<128xi32, #tpu.memory_space<vmem>>)
        %dma_wait3A_242 = arith.constant 1 : i32
        %dma_wait3A_243 = arith.constant 0 : i32
        %dma_wait3A_244 = tpu.memref_slice %arg11[%dma_wait3A_242, %dma_wait3A_243] : memref<2x128xi32, #tpu.memory_space<vmem>> -> memref<1x128xi32, #tpu.memory_space<vmem>>
        %dma_wait3A_245 = tpu.memref_squeeze %dma_wait3A_244 : memref<1x128xi32, #tpu.memory_space<vmem>> -> memref<128xi32, #tpu.memory_space<vmem>>
        %dma_wait3A_246 = tpu.memref_slice %arg4[%min3A_220] : memref<100000xi32, #tpu.memory_space<hbm>> -> memref<128xi32, #tpu.memory_space<hbm>>
        %dma_wait3A_247 = arith.constant 0 : i32
        %dma_wait3A_248 = tpu.memref_slice %arg11[%dma_wait3A_242, %dma_wait3A_247] : memref<2x128xi32, #tpu.memory_space<vmem>> -> memref<1x128xi32, #tpu.memory_space<vmem>>
        %dma_wait3A_249 = tpu.memref_squeeze %dma_wait3A_248 : memref<1x128xi32, #tpu.memory_space<vmem>> -> memref<128xi32, #tpu.memory_space<vmem>>
        %dma_wait3A_250 = tpu.memref_slice %arg4[%min3A_220] : memref<100000xi32, #tpu.memory_space<hbm>> -> memref<128xi32, #tpu.memory_space<hbm>>
        tpu.wait_dma2 semaphore(%arg22 : memref<!tpu.dma_semaphore, #tpu.memory_space<semaphore_mem>>) src(%dma_wait3A_250 : memref<128xi32, #tpu.memory_space<hbm>>) dst(%dma_wait3A_249 : memref<128xi32, #tpu.memory_space<vmem>>)
      } else {
      }
      %mul3A_202 = arith.constant 128 : i32
      %mul3A_203 = arith.muli %while3A_158, %mul3A_202 : i32
      %add3A_204 = arith.addi %mul3A_67, %mul3A_203 : i32
      %min3A = arith.constant 99872 : i32
      %min3A_205 = arith.minsi %add3A_204, %min3A : i32
      %mul3A_206 = arith.constant 128 : i32
      %mul3A_207 = arith.muli %while3A_158, %mul3A_206 : i32
      %add3A_208 = arith.addi %mul3A_67, %mul3A_207 : i32
      %max3A_209 = arith.maxsi %squeeze3A, %add3A_208 : i32
      %scan3A_210 = arith.constant 0 : i32
      %scan3A_211 = arith.constant 8 : i32
      %scan3A_212 = arith.addi %scan3A_210, %scan3A_211 : i32
      %scan3A_213 = arith.constant 1 : i32
      %scan3A_214 = scf.for %scan3A_216 = %scan3A_210 to %scan3A_212 step %scan3A_213 iter_args(%scan3A_217 = %while3A_159) -> (i32)  : i32 {
        %mul3A_218 = arith.constant 16 : i32
        %mul3A_219 = arith.muli %scan3A_216, %mul3A_218 : i32
        %get3A_220 = arith.constant 0 : i32
        %get3A_221 = tpu.memref_slice %arg10[%select_n3A_173, %get3A_220] : memref<2x128xi32, #tpu.memory_space<vmem>> -> memref<1x128xi32, #tpu.memory_space<vmem>>
        %get3A_222 = tpu.memref_squeeze %get3A_221 : memref<1x128xi32, #tpu.memory_space<vmem>> -> memref<128xi32, #tpu.memory_space<vmem>>
        %get3A_223 = arith.index_cast %mul3A_219 : i32 to index
        %get3A_224 = tpu.vector_load %get3A_222[%get3A_223] {strides = array<i32>} : memref<128xi32, #tpu.memory_space<vmem>>, vector<16xi32>,
        %get3A_225 = arith.constant 0 : i32
        %get3A_226 = tpu.memref_slice %arg11[%select_n3A_173, %get3A_225] : memref<2x128xi32, #tpu.memory_space<vmem>> -> memref<1x128xi32, #tpu.memory_space<vmem>>
        %get3A_227 = tpu.memref_squeeze %get3A_226 : memref<1x128xi32, #tpu.memory_space<vmem>> -> memref<128xi32, #tpu.memory_space<vmem>>
        %get3A_228 = arith.index_cast %mul3A_219 : i32 to index
        %get3A_229 = tpu.vector_load %get3A_227[%get3A_228] {strides = array<i32>} : memref<128xi32, #tpu.memory_space<vmem>>, vector<16xi32>,
        %add3A_230 = arith.addi %min3A_205, %mul3A_219 : i32
        %add3A_231 = vector.broadcast %add3A_230 : i32 to vector<16xi32>
        %add3A_232 = arith.addi %add3A_231, %iota3A : vector<16xi32>
        %ge3A_233 = vector.broadcast %max3A_209 : i32 to vector<16xi32>
        %ge3A_234 = arith.cmpi sge, %add3A_232, %ge3A_233 : vector<16xi32>
        %lt3A_235 = vector.broadcast %squeeze3A_49 : i32 to vector<16xi32>
        %lt3A_236 = arith.cmpi slt, %add3A_232, %lt3A_235 : vector<16xi32>
        %and3A_237 = arith.andi %ge3A_234, %lt3A_236 : vector<16xi1>
        %eq3A_238 = arith.constant 1 : i32
        %eq3A_239 = vector.broadcast %eq3A_238 : i32 to vector<16xi32>
        %eq3A_240 = arith.cmpi eq, %get3A_229, %eq3A_239 : vector<16xi32>
        %and3A_241 = arith.andi %and3A_237, %eq3A_240 : vector<16xi1>
        %jit3A_242 = arith.constant 1.000000e+00 : f32
        %jit3A_243 = arith.constant 0.000000e+00 : f32
        %broadcast_in_dim3A_244 = vector.broadcast %jit3A_242 : f32 to vector<16xf32>
        %broadcast_in_dim3A_245 = vector.broadcast %jit3A_243 : f32 to vector<16xf32>
        %select_n3A_246 = arith.select %and3A_241, %broadcast_in_dim3A_244, %broadcast_in_dim3A_245 : vector<16xi1>, vector<16xf32>
        %ne3A_247 = vector.broadcast %scan3A_217 : i32 to vector<16xi32>
        %ne3A_248 = arith.cmpi ne, %get3A_224, %ne3A_247 : vector<16xi32>
        %and3A_249 = arith.andi %ne3A_248, %and3A_237 : vector<16xi1>
        %reduce_or3A = arith.constant 1.000000e+00 : f32
        %reduce_or3A_250 = arith.constant 0.000000e+00 : f32
        %reduce_or3A_251 = vector.broadcast %reduce_or3A : f32 to vector<16xf32>
        %reduce_or3A_252 = vector.broadcast %reduce_or3A_250 : f32 to vector<16xf32>
        %reduce_or3A_253 = arith.select %and3A_249, %reduce_or3A_251, %reduce_or3A_252 : vector<16xi1>, vector<16xf32>
        %reduce_or3A_254 = arith.constant true
        %reduce_or3A_255 = vector.broadcast %reduce_or3A_254 : i1 to vector<16xi1>
        %reduce_or3A_256 = tpu.scan <max>, %reduce_or3A_253 masked %reduce_or3A_255 : vector<16xf32>, vector<16xi1> -> vector<16xf32>
        %reduce_or3A_257 = vector.extract %reduce_or3A_256[15] : f32 from vector<16xf32>
        %reduce_or3A_258 = arith.constant 0.000000e+00 : f32
        %reduce_or3A_259 = arith.cmpf ogt, %reduce_or3A_257, %reduce_or3A_258 : f32
        %scan3A_260 = arith.constant 0 : i32
        %scan3A_261 = arith.constant 8 : i32
        %scan3A_262 = arith.addi %scan3A_260, %scan3A_261 : i32
        %scan3A_263 = arith.constant 1 : i32
        %scan3A_264 = scf.for %scan3A_282 = %scan3A_260 to %scan3A_262 step %scan3A_263 iter_args(%scan3A_283 = %broadcast_in_dim3A_1) -> (vector<16xf32>)  : i32 {
          %mul3A_284 = arith.constant 2 : i32
          %mul3A_285 = arith.muli %mul3A_284, %scan3A_282 : i32
          %add3A_286 = arith.addi %mul3A_219, %mul3A_285 : i32
          %get3A_287 = arith.constant 0 : i32
          %get3A_288 = arith.constant 0 : i32
          %get3A_289 = tpu.memref_slice %arg9[%select_n3A_173, %get3A_287, %get3A_288] : memref<2x128x256xf32, #tpu.memory_space<vmem>> -> memref<1x128x256xf32, #tpu.memory_space<vmem>>
          %get3A_290 = tpu.memref_squeeze %get3A_289 : memref<1x128x256xf32, #tpu.memory_space<vmem>> -> memref<128x256xf32, #tpu.memory_space<vmem>>
          %get3A_291 = arith.index_cast %add3A_286 : i32 to index
          %get3A_292 = arith.constant 0 : index
          %get3A_293 = tpu.vector_load %get3A_290[%get3A_291, %get3A_292] {strides = array<i32>} : memref<128x256xf32, #tpu.memory_space<vmem>>, vector<16xf32>,
          %mul3A_294 = arith.mulf %get3A_293, %get3A_98 : vector<16xf32>
          %get3A_295 = arith.constant 0 : i32
          %get3A_296 = arith.constant 0 : i32
          %get3A_297 = tpu.memref_slice %arg9[%select_n3A_173, %get3A_295, %get3A_296] : memref<2x128x256xf32, #tpu.memory_space<vmem>> -> memref<1x128x256xf32, #tpu.memory_space<vmem>>
          %get3A_298 = tpu.memref_squeeze %get3A_297 : memref<1x128x256xf32, #tpu.memory_space<vmem>> -> memref<128x256xf32, #tpu.memory_space<vmem>>
          %get3A_299 = arith.index_cast %add3A_286 : i32 to index
          %get3A_300 = arith.constant 16 : index
          %get3A_301 = tpu.vector_load %get3A_298[%get3A_299, %get3A_300] {strides = array<i32>} : memref<128x256xf32, #tpu.memory_space<vmem>>, vector<16xf32>,
          %mul3A_302 = arith.mulf %get3A_301, %get3A_100 : vector<16xf32>
          %add3A_303 = arith.addf %mul3A_294, %mul3A_302 : vector<16xf32>
          %add3A_304 = arith.addf %broadcast_in_dim3A_1, %add3A_303 : vector<16xf32>
          %add3A_305 = arith.constant 1 : i32
          %add3A_306 = arith.addi %add3A_286, %add3A_305 : i32
          %get3A_307 = arith.constant 0 : i32
          %get3A_308 = arith.constant 0 : i32
          %get3A_309 = tpu.memref_slice %arg9[%select_n3A_173, %get3A_307, %get3A_308] : memref<2x128x256xf32, #tpu.memory_space<vmem>> -> memref<1x128x256xf32, #tpu.memory_space<vmem>>
          %get3A_310 = tpu.memref_squeeze %get3A_309 : memref<1x128x256xf32, #tpu.memory_space<vmem>> -> memref<128x256xf32, #tpu.memory_space<vmem>>
          %get3A_311 = arith.index_cast %add3A_306 : i32 to index
          %get3A_312 = arith.constant 0 : index
          %get3A_313 = tpu.vector_load %get3A_310[%get3A_311, %get3A_312] {strides = array<i32>} : memref<128x256xf32, #tpu.memory_space<vmem>>, vector<16xf32>,
          %mul3A_314 = arith.mulf %get3A_313, %get3A_98 : vector<16xf32>
          %add3A_315 = arith.constant 1 : i32
          %add3A_316 = arith.addi %add3A_286, %add3A_315 : i32
          %get3A_317 = arith.constant 0 : i32
          %get3A_318 = arith.constant 0 : i32
          %get3A_319 = tpu.memref_slice %arg9[%select_n3A_173, %get3A_317, %get3A_318] : memref<2x128x256xf32, #tpu.memory_space<vmem>> -> memref<1x128x256xf32, #tpu.memory_space<vmem>>
          %get3A_320 = tpu.memref_squeeze %get3A_319 : memref<1x128x256xf32, #tpu.memory_space<vmem>> -> memref<128x256xf32, #tpu.memory_space<vmem>>
          %get3A_321 = arith.index_cast %add3A_316 : i32 to index
          %get3A_322 = arith.constant 16 : index
          %get3A_323 = tpu.vector_load %get3A_320[%get3A_321, %get3A_322] {strides = array<i32>} : memref<128x256xf32, #tpu.memory_space<vmem>>, vector<16xf32>,
          %mul3A_324 = arith.mulf %get3A_323, %get3A_100 : vector<16xf32>
          %add3A_325 = arith.addf %mul3A_314, %mul3A_324 : vector<16xf32>
          %add3A_326 = arith.addf %broadcast_in_dim3A_1, %add3A_325 : vector<16xf32>
          %get3A_327 = arith.constant 0 : i32
          %get3A_328 = arith.constant 0 : i32
          %get3A_329 = tpu.memref_slice %arg9[%select_n3A_173, %get3A_327, %get3A_328] : memref<2x128x256xf32, #tpu.memory_space<vmem>> -> memref<1x128x256xf32, #tpu.memory_space<vmem>>
          %get3A_330 = tpu.memref_squeeze %get3A_329 : memref<1x128x256xf32, #tpu.memory_space<vmem>> -> memref<128x256xf32, #tpu.memory_space<vmem>>
          %get3A_331 = arith.index_cast %add3A_286 : i32 to index
          %get3A_332 = arith.constant 32 : index
          %get3A_333 = tpu.vector_load %get3A_330[%get3A_331, %get3A_332] {strides = array<i32>} : memref<128x256xf32, #tpu.memory_space<vmem>>, vector<16xf32>,
          %mul3A_334 = arith.mulf %get3A_333, %get3A_102 : vector<16xf32>
          %get3A_335 = arith.constant 0 : i32
          %get3A_336 = arith.constant 0 : i32
          %get3A_337 = tpu.memref_slice %arg9[%select_n3A_173, %get3A_335, %get3A_336] : memref<2x128x256xf32, #tpu.memory_space<vmem>> -> memref<1x128x256xf32, #tpu.memory_space<vmem>>
          %get3A_338 = tpu.memref_squeeze %get3A_337 : memref<1x128x256xf32, #tpu.memory_space<vmem>> -> memref<128x256xf32, #tpu.memory_space<vmem>>
          %get3A_339 = arith.index_cast %add3A_286 : i32 to index
          %get3A_340 = arith.constant 48 : index
          %get3A_341 = tpu.vector_load %get3A_338[%get3A_339, %get3A_340] {strides = array<i32>} : memref<128x256xf32, #tpu.memory_space<vmem>>, vector<16xf32>,
          %mul3A_342 = arith.mulf %get3A_341, %get3A_104 : vector<16xf32>
          %add3A_343 = arith.addf %mul3A_334, %mul3A_342 : vector<16xf32>
          %add3A_344 = arith.addf %add3A_304, %add3A_343 : vector<16xf32>
          %add3A_345 = arith.constant 1 : i32
          %add3A_346 = arith.addi %add3A_286, %add3A_345 : i32
          %get3A_347 = arith.constant 0 : i32
          %get3A_348 = arith.constant 0 : i32
          %get3A_349 = tpu.memref_slice %arg9[%select_n3A_173, %get3A_347, %get3A_348] : memref<2x128x256xf32, #tpu.memory_space<vmem>> -> memref<1x128x256xf32, #tpu.memory_space<vmem>>
          %get3A_350 = tpu.memref_squeeze %get3A_349 : memref<1x128x256xf32, #tpu.memory_space<vmem>> -> memref<128x256xf32, #tpu.memory_space<vmem>>
          %get3A_351 = arith.index_cast %add3A_346 : i32 to index
          %get3A_352 = arith.constant 32 : index
          %get3A_353 = tpu.vector_load %get3A_350[%get3A_351, %get3A_352] {strides = array<i32>} : memref<128x256xf32, #tpu.memory_space<vmem>>, vector<16xf32>,
          %mul3A_354 = arith.mulf %get3A_353, %get3A_102 : vector<16xf32>
          %add3A_355 = arith.constant 1 : i32
          %add3A_356 = arith.addi %add3A_286, %add3A_355 : i32
          %get3A_357 = arith.constant 0 : i32
          %get3A_358 = arith.constant 0 : i32
          %get3A_359 = tpu.memref_slice %arg9[%select_n3A_173, %get3A_357, %get3A_358] : memref<2x128x256xf32, #tpu.memory_space<vmem>> -> memref<1x128x256xf32, #tpu.memory_space<vmem>>
          %get3A_360 = tpu.memref_squeeze %get3A_359 : memref<1x128x256xf32, #tpu.memory_space<vmem>> -> memref<128x256xf32, #tpu.memory_space<vmem>>
          %get3A_361 = arith.index_cast %add3A_356 : i32 to index
          %get3A_362 = arith.constant 48 : index
          %get3A_363 = tpu.vector_load %get3A_360[%get3A_361, %get3A_362] {strides = array<i32>} : memref<128x256xf32, #tpu.memory_space<vmem>>, vector<16xf32>,
          %mul3A_364 = arith.mulf %get3A_363, %get3A_104 : vector<16xf32>
          %add3A_365 = arith.addf %mul3A_354, %mul3A_364 : vector<16xf32>
          %add3A_366 = arith.addf %add3A_326, %add3A_365 : vector<16xf32>
          %get3A_367 = arith.constant 0 : i32
          %get3A_368 = arith.constant 0 : i32
          %get3A_369 = tpu.memref_slice %arg9[%select_n3A_173, %get3A_367, %get3A_368] : memref<2x128x256xf32, #tpu.memory_space<vmem>> -> memref<1x128x256xf32, #tpu.memory_space<vmem>>
          %get3A_370 = tpu.memref_squeeze %get3A_369 : memref<1x128x256xf32, #tpu.memory_space<vmem>> -> memref<128x256xf32, #tpu.memory_space<vmem>>
          %get3A_371 = arith.index_cast %add3A_286 : i32 to index
          %get3A_372 = arith.constant 64 : index
          %get3A_373 = tpu.vector_load %get3A_370[%get3A_371, %get3A_372] {strides = array<i32>} : memref<128x256xf32, #tpu.memory_space<vmem>>, vector<16xf32>,
          %mul3A_374 = arith.mulf %get3A_373, %get3A_106 : vector<16xf32>
          %get3A_375 = arith.constant 0 : i32
          %get3A_376 = arith.constant 0 : i32
          %get3A_377 = tpu.memref_slice %arg9[%select_n3A_173, %get3A_375, %get3A_376] : memref<2x128x256xf32, #tpu.memory_space<vmem>> -> memref<1x128x256xf32, #tpu.memory_space<vmem>>
          %get3A_378 = tpu.memref_squeeze %get3A_377 : memref<1x128x256xf32, #tpu.memory_space<vmem>> -> memref<128x256xf32, #tpu.memory_space<vmem>>
          %get3A_379 = arith.index_cast %add3A_286 : i32 to index
          %get3A_380 = arith.constant 80 : index
          %get3A_381 = tpu.vector_load %get3A_378[%get3A_379, %get3A_380] {strides = array<i32>} : memref<128x256xf32, #tpu.memory_space<vmem>>, vector<16xf32>,
          %mul3A_382 = arith.mulf %get3A_381, %get3A_108 : vector<16xf32>
          %add3A_383 = arith.addf %mul3A_374, %mul3A_382 : vector<16xf32>
          %add3A_384 = arith.addf %add3A_344, %add3A_383 : vector<16xf32>
          %add3A_385 = arith.constant 1 : i32
          %add3A_386 = arith.addi %add3A_286, %add3A_385 : i32
          %get3A_387 = arith.constant 0 : i32
          %get3A_388 = arith.constant 0 : i32
          %get3A_389 = tpu.memref_slice %arg9[%select_n3A_173, %get3A_387, %get3A_388] : memref<2x128x256xf32, #tpu.memory_space<vmem>> -> memref<1x128x256xf32, #tpu.memory_space<vmem>>
          %get3A_390 = tpu.memref_squeeze %get3A_389 : memref<1x128x256xf32, #tpu.memory_space<vmem>> -> memref<128x256xf32, #tpu.memory_space<vmem>>
          %get3A_391 = arith.index_cast %add3A_386 : i32 to index
          %get3A_392 = arith.constant 64 : index
          %get3A_393 = tpu.vector_load %get3A_390[%get3A_391, %get3A_392] {strides = array<i32>} : memref<128x256xf32, #tpu.memory_space<vmem>>, vector<16xf32>,
          %mul3A_394 = arith.mulf %get3A_393, %get3A_106 : vector<16xf32>
          %add3A_395 = arith.constant 1 : i32
          %add3A_396 = arith.addi %add3A_286, %add3A_395 : i32
          %get3A_397 = arith.constant 0 : i32
          %get3A_398 = arith.constant 0 : i32
          %get3A_399 = tpu.memref_slice %arg9[%select_n3A_173, %get3A_397, %get3A_398] : memref<2x128x256xf32, #tpu.memory_space<vmem>> -> memref<1x128x256xf32, #tpu.memory_space<vmem>>
          %get3A_400 = tpu.memref_squeeze %get3A_399 : memref<1x128x256xf32, #tpu.memory_space<vmem>> -> memref<128x256xf32, #tpu.memory_space<vmem>>
          %get3A_401 = arith.index_cast %add3A_396 : i32 to index
          %get3A_402 = arith.constant 80 : index
          %get3A_403 = tpu.vector_load %get3A_400[%get3A_401, %get3A_402] {strides = array<i32>} : memref<128x256xf32, #tpu.memory_space<vmem>>, vector<16xf32>,
          %mul3A_404 = arith.mulf %get3A_403, %get3A_108 : vector<16xf32>
          %add3A_405 = arith.addf %mul3A_394, %mul3A_404 : vector<16xf32>
          %add3A_406 = arith.addf %add3A_366, %add3A_405 : vector<16xf32>
          %get3A_407 = arith.constant 0 : i32
          %get3A_408 = arith.constant 0 : i32
          %get3A_409 = tpu.memref_slice %arg9[%select_n3A_173, %get3A_407, %get3A_408] : memref<2x128x256xf32, #tpu.memory_space<vmem>> -> memref<1x128x256xf32, #tpu.memory_space<vmem>>
          %get3A_410 = tpu.memref_squeeze %get3A_409 : memref<1x128x256xf32, #tpu.memory_space<vmem>> -> memref<128x256xf32, #tpu.memory_space<vmem>>
          %get3A_411 = arith.index_cast %add3A_286 : i32 to index
          %get3A_412 = arith.constant 96 : index
          %get3A_413 = tpu.vector_load %get3A_410[%get3A_411, %get3A_412] {strides = array<i32>} : memref<128x256xf32, #tpu.memory_space<vmem>>, vector<16xf32>,
          %mul3A_414 = arith.mulf %get3A_413, %get3A_110 : vector<16xf32>
          %get3A_415 = arith.constant 0 : i32
          %get3A_416 = arith.constant 0 : i32
          %get3A_417 = tpu.memref_slice %arg9[%select_n3A_173, %get3A_415, %get3A_416] : memref<2x128x256xf32, #tpu.memory_space<vmem>> -> memref<1x128x256xf32, #tpu.memory_space<vmem>>
          %get3A_418 = tpu.memref_squeeze %get3A_417 : memref<1x128x256xf32, #tpu.memory_space<vmem>> -> memref<128x256xf32, #tpu.memory_space<vmem>>
          %get3A_419 = arith.index_cast %add3A_286 : i32 to index
          %get3A_420 = arith.constant 112 : index
          %get3A_421 = tpu.vector_load %get3A_418[%get3A_419, %get3A_420] {strides = array<i32>} : memref<128x256xf32, #tpu.memory_space<vmem>>, vector<16xf32>,
          %mul3A_422 = arith.mulf %get3A_421, %get3A_112 : vector<16xf32>
          %add3A_423 = arith.addf %mul3A_414, %mul3A_422 : vector<16xf32>
          %add3A_424 = arith.addf %add3A_384, %add3A_423 : vector<16xf32>
          %add3A_425 = arith.constant 1 : i32
          %add3A_426 = arith.addi %add3A_286, %add3A_425 : i32
          %get3A_427 = arith.constant 0 : i32
          %get3A_428 = arith.constant 0 : i32
          %get3A_429 = tpu.memref_slice %arg9[%select_n3A_173, %get3A_427, %get3A_428] : memref<2x128x256xf32, #tpu.memory_space<vmem>> -> memref<1x128x256xf32, #tpu.memory_space<vmem>>
          %get3A_430 = tpu.memref_squeeze %get3A_429 : memref<1x128x256xf32, #tpu.memory_space<vmem>> -> memref<128x256xf32, #tpu.memory_space<vmem>>
          %get3A_431 = arith.index_cast %add3A_426 : i32 to index
          %get3A_432 = arith.constant 96 : index
          %get3A_433 = tpu.vector_load %get3A_430[%get3A_431, %get3A_432] {strides = array<i32>} : memref<128x256xf32, #tpu.memory_space<vmem>>, vector<16xf32>,
          %mul3A_434 = arith.mulf %get3A_433, %get3A_110 : vector<16xf32>
          %add3A_435 = arith.constant 1 : i32
          %add3A_436 = arith.addi %add3A_286, %add3A_435 : i32
          %get3A_437 = arith.constant 0 : i32
          %get3A_438 = arith.constant 0 : i32
          %get3A_439 = tpu.memref_slice %arg9[%select_n3A_173, %get3A_437, %get3A_438] : memref<2x128x256xf32, #tpu.memory_space<vmem>> -> memref<1x128x256xf32, #tpu.memory_space<vmem>>
          %get3A_440 = tpu.memref_squeeze %get3A_439 : memref<1x128x256xf32, #tpu.memory_space<vmem>> -> memref<128x256xf32, #tpu.memory_space<vmem>>
          %get3A_441 = arith.index_cast %add3A_436 : i32 to index
          %get3A_442 = arith.constant 112 : index
          %get3A_443 = tpu.vector_load %get3A_440[%get3A_441, %get3A_442] {strides = array<i32>} : memref<128x256xf32, #tpu.memory_space<vmem>>, vector<16xf32>,
          %mul3A_444 = arith.mulf %get3A_443, %get3A_112 : vector<16xf32>
          %add3A_445 = arith.addf %mul3A_434, %mul3A_444 : vector<16xf32>
          %add3A_446 = arith.addf %add3A_406, %add3A_445 : vector<16xf32>
          %get3A_447 = arith.constant 0 : i32
          %get3A_448 = arith.constant 0 : i32
          %get3A_449 = tpu.memref_slice %arg9[%select_n3A_173, %get3A_447, %get3A_448] : memref<2x128x256xf32, #tpu.memory_space<vmem>> -> memref<1x128x256xf32, #tpu.memory_space<vmem>>
          %get3A_450 = tpu.memref_squeeze %get3A_449 : memref<1x128x256xf32, #tpu.memory_space<vmem>> -> memref<128x256xf32, #tpu.memory_space<vmem>>
          %get3A_451 = arith.index_cast %add3A_286 : i32 to index
          %get3A_452 = arith.constant 128 : index
          %get3A_453 = tpu.vector_load %get3A_450[%get3A_451, %get3A_452] {strides = array<i32>} : memref<128x256xf32, #tpu.memory_space<vmem>>, vector<16xf32>,
          %mul3A_454 = arith.mulf %get3A_453, %get3A_114 : vector<16xf32>
          %get3A_455 = arith.constant 0 : i32
          %get3A_456 = arith.constant 0 : i32
          %get3A_457 = tpu.memref_slice %arg9[%select_n3A_173, %get3A_455, %get3A_456] : memref<2x128x256xf32, #tpu.memory_space<vmem>> -> memref<1x128x256xf32, #tpu.memory_space<vmem>>
          %get3A_458 = tpu.memref_squeeze %get3A_457 : memref<1x128x256xf32, #tpu.memory_space<vmem>> -> memref<128x256xf32, #tpu.memory_space<vmem>>
          %get3A_459 = arith.index_cast %add3A_286 : i32 to index
          %get3A_460 = arith.constant 144 : index
          %get3A_461 = tpu.vector_load %get3A_458[%get3A_459, %get3A_460] {strides = array<i32>} : memref<128x256xf32, #tpu.memory_space<vmem>>, vector<16xf32>,
          %mul3A_462 = arith.mulf %get3A_461, %get3A_116 : vector<16xf32>
          %add3A_463 = arith.addf %mul3A_454, %mul3A_462 : vector<16xf32>
          %add3A_464 = arith.addf %add3A_424, %add3A_463 : vector<16xf32>
          %add3A_465 = arith.constant 1 : i32
          %add3A_466 = arith.addi %add3A_286, %add3A_465 : i32
          %get3A_467 = arith.constant 0 : i32
          %get3A_468 = arith.constant 0 : i32
          %get3A_469 = tpu.memref_slice %arg9[%select_n3A_173, %get3A_467, %get3A_468] : memref<2x128x256xf32, #tpu.memory_space<vmem>> -> memref<1x128x256xf32, #tpu.memory_space<vmem>>
          %get3A_470 = tpu.memref_squeeze %get3A_469 : memref<1x128x256xf32, #tpu.memory_space<vmem>> -> memref<128x256xf32, #tpu.memory_space<vmem>>
          %get3A_471 = arith.index_cast %add3A_466 : i32 to index
          %get3A_472 = arith.constant 128 : index
          %get3A_473 = tpu.vector_load %get3A_470[%get3A_471, %get3A_472] {strides = array<i32>} : memref<128x256xf32, #tpu.memory_space<vmem>>, vector<16xf32>,
          %mul3A_474 = arith.mulf %get3A_473, %get3A_114 : vector<16xf32>
          %add3A_475 = arith.constant 1 : i32
          %add3A_476 = arith.addi %add3A_286, %add3A_475 : i32
          %get3A_477 = arith.constant 0 : i32
          %get3A_478 = arith.constant 0 : i32
          %get3A_479 = tpu.memref_slice %arg9[%select_n3A_173, %get3A_477, %get3A_478] : memref<2x128x256xf32, #tpu.memory_space<vmem>> -> memref<1x128x256xf32, #tpu.memory_space<vmem>>
          %get3A_480 = tpu.memref_squeeze %get3A_479 : memref<1x128x256xf32, #tpu.memory_space<vmem>> -> memref<128x256xf32, #tpu.memory_space<vmem>>
          %get3A_481 = arith.index_cast %add3A_476 : i32 to index
          %get3A_482 = arith.constant 144 : index
          %get3A_483 = tpu.vector_load %get3A_480[%get3A_481, %get3A_482] {strides = array<i32>} : memref<128x256xf32, #tpu.memory_space<vmem>>, vector<16xf32>,
          %mul3A_484 = arith.mulf %get3A_483, %get3A_116 : vector<16xf32>
          %add3A_485 = arith.addf %mul3A_474, %mul3A_484 : vector<16xf32>
          %add3A_486 = arith.addf %add3A_446, %add3A_485 : vector<16xf32>
          %get3A_487 = arith.constant 0 : i32
          %get3A_488 = arith.constant 0 : i32
          %get3A_489 = tpu.memref_slice %arg9[%select_n3A_173, %get3A_487, %get3A_488] : memref<2x128x256xf32, #tpu.memory_space<vmem>> -> memref<1x128x256xf32, #tpu.memory_space<vmem>>
          %get3A_490 = tpu.memref_squeeze %get3A_489 : memref<1x128x256xf32, #tpu.memory_space<vmem>> -> memref<128x256xf32, #tpu.memory_space<vmem>>
          %get3A_491 = arith.index_cast %add3A_286 : i32 to index
          %get3A_492 = arith.constant 160 : index
          %get3A_493 = tpu.vector_load %get3A_490[%get3A_491, %get3A_492] {strides = array<i32>} : memref<128x256xf32, #tpu.memory_space<vmem>>, vector<16xf32>,
          %mul3A_494 = arith.mulf %get3A_493, %get3A_118 : vector<16xf32>
          %get3A_495 = arith.constant 0 : i32
          %get3A_496 = arith.constant 0 : i32
          %get3A_497 = tpu.memref_slice %arg9[%select_n3A_173, %get3A_495, %get3A_496] : memref<2x128x256xf32, #tpu.memory_space<vmem>> -> memref<1x128x256xf32, #tpu.memory_space<vmem>>
          %get3A_498 = tpu.memref_squeeze %get3A_497 : memref<1x128x256xf32, #tpu.memory_space<vmem>> -> memref<128x256xf32, #tpu.memory_space<vmem>>
          %get3A_499 = arith.index_cast %add3A_286 : i32 to index
          %get3A_500 = arith.constant 176 : index
          %get3A_501 = tpu.vector_load %get3A_498[%get3A_499, %get3A_500] {strides = array<i32>} : memref<128x256xf32, #tpu.memory_space<vmem>>, vector<16xf32>,
          %mul3A_502 = arith.mulf %get3A_501, %get3A_120 : vector<16xf32>
          %add3A_503 = arith.addf %mul3A_494, %mul3A_502 : vector<16xf32>
          %add3A_504 = arith.addf %add3A_464, %add3A_503 : vector<16xf32>
          %add3A_505 = arith.constant 1 : i32
          %add3A_506 = arith.addi %add3A_286, %add3A_505 : i32
          %get3A_507 = arith.constant 0 : i32
          %get3A_508 = arith.constant 0 : i32
          %get3A_509 = tpu.memref_slice %arg9[%select_n3A_173, %get3A_507, %get3A_508] : memref<2x128x256xf32, #tpu.memory_space<vmem>> -> memref<1x128x256xf32, #tpu.memory_space<vmem>>
          %get3A_510 = tpu.memref_squeeze %get3A_509 : memref<1x128x256xf32, #tpu.memory_space<vmem>> -> memref<128x256xf32, #tpu.memory_space<vmem>>
          %get3A_511 = arith.index_cast %add3A_506 : i32 to index
          %get3A_512 = arith.constant 160 : index
          %get3A_513 = tpu.vector_load %get3A_510[%get3A_511, %get3A_512] {strides = array<i32>} : memref<128x256xf32, #tpu.memory_space<vmem>>, vector<16xf32>,
          %mul3A_514 = arith.mulf %get3A_513, %get3A_118 : vector<16xf32>
          %add3A_515 = arith.constant 1 : i32
          %add3A_516 = arith.addi %add3A_286, %add3A_515 : i32
          %get3A_517 = arith.constant 0 : i32
          %get3A_518 = arith.constant 0 : i32
          %get3A_519 = tpu.memref_slice %arg9[%select_n3A_173, %get3A_517, %get3A_518] : memref<2x128x256xf32, #tpu.memory_space<vmem>> -> memref<1x128x256xf32, #tpu.memory_space<vmem>>
          %get3A_520 = tpu.memref_squeeze %get3A_519 : memref<1x128x256xf32, #tpu.memory_space<vmem>> -> memref<128x256xf32, #tpu.memory_space<vmem>>
          %get3A_521 = arith.index_cast %add3A_516 : i32 to index
          %get3A_522 = arith.constant 176 : index
          %get3A_523 = tpu.vector_load %get3A_520[%get3A_521, %get3A_522] {strides = array<i32>} : memref<128x256xf32, #tpu.memory_space<vmem>>, vector<16xf32>,
          %mul3A_524 = arith.mulf %get3A_523, %get3A_120 : vector<16xf32>
          %add3A_525 = arith.addf %mul3A_514, %mul3A_524 : vector<16xf32>
          %add3A_526 = arith.addf %add3A_486, %add3A_525 : vector<16xf32>
          %get3A_527 = arith.constant 0 : i32
          %get3A_528 = arith.constant 0 : i32
          %get3A_529 = tpu.memref_slice %arg9[%select_n3A_173, %get3A_527, %get3A_528] : memref<2x128x256xf32, #tpu.memory_space<vmem>> -> memref<1x128x256xf32, #tpu.memory_space<vmem>>
          %get3A_530 = tpu.memref_squeeze %get3A_529 : memref<1x128x256xf32, #tpu.memory_space<vmem>> -> memref<128x256xf32, #tpu.memory_space<vmem>>
          %get3A_531 = arith.index_cast %add3A_286 : i32 to index
          %get3A_532 = arith.constant 192 : index
          %get3A_533 = tpu.vector_load %get3A_530[%get3A_531, %get3A_532] {strides = array<i32>} : memref<128x256xf32, #tpu.memory_space<vmem>>, vector<16xf32>,
          %mul3A_534 = arith.mulf %get3A_533, %get3A_122 : vector<16xf32>
          %get3A_535 = arith.constant 0 : i32
          %get3A_536 = arith.constant 0 : i32
          %get3A_537 = tpu.memref_slice %arg9[%select_n3A_173, %get3A_535, %get3A_536] : memref<2x128x256xf32, #tpu.memory_space<vmem>> -> memref<1x128x256xf32, #tpu.memory_space<vmem>>
          %get3A_538 = tpu.memref_squeeze %get3A_537 : memref<1x128x256xf32, #tpu.memory_space<vmem>> -> memref<128x256xf32, #tpu.memory_space<vmem>>
          %get3A_539 = arith.index_cast %add3A_286 : i32 to index
          %get3A_540 = arith.constant 208 : index
          %get3A_541 = tpu.vector_load %get3A_538[%get3A_539, %get3A_540] {strides = array<i32>} : memref<128x256xf32, #tpu.memory_space<vmem>>, vector<16xf32>,
          %mul3A_542 = arith.mulf %get3A_541, %get3A_124 : vector<16xf32>
          %add3A_543 = arith.addf %mul3A_534, %mul3A_542 : vector<16xf32>
          %add3A_544 = arith.addf %add3A_504, %add3A_543 : vector<16xf32>
          %add3A_545 = arith.constant 1 : i32
          %add3A_546 = arith.addi %add3A_286, %add3A_545 : i32
          %get3A_547 = arith.constant 0 : i32
          %get3A_548 = arith.constant 0 : i32
          %get3A_549 = tpu.memref_slice %arg9[%select_n3A_173, %get3A_547, %get3A_548] : memref<2x128x256xf32, #tpu.memory_space<vmem>> -> memref<1x128x256xf32, #tpu.memory_space<vmem>>
          %get3A_550 = tpu.memref_squeeze %get3A_549 : memref<1x128x256xf32, #tpu.memory_space<vmem>> -> memref<128x256xf32, #tpu.memory_space<vmem>>
          %get3A_551 = arith.index_cast %add3A_546 : i32 to index
          %get3A_552 = arith.constant 192 : index
          %get3A_553 = tpu.vector_load %get3A_550[%get3A_551, %get3A_552] {strides = array<i32>} : memref<128x256xf32, #tpu.memory_space<vmem>>, vector<16xf32>,
          %mul3A_554 = arith.mulf %get3A_553, %get3A_122 : vector<16xf32>
          %add3A_555 = arith.constant 1 : i32
          %add3A_556 = arith.addi %add3A_286, %add3A_555 : i32
          %get3A_557 = arith.constant 0 : i32
          %get3A_558 = arith.constant 0 : i32
          %get3A_559 = tpu.memref_slice %arg9[%select_n3A_173, %get3A_557, %get3A_558] : memref<2x128x256xf32, #tpu.memory_space<vmem>> -> memref<1x128x256xf32, #tpu.memory_space<vmem>>
          %get3A_560 = tpu.memref_squeeze %get3A_559 : memref<1x128x256xf32, #tpu.memory_space<vmem>> -> memref<128x256xf32, #tpu.memory_space<vmem>>
          %get3A_561 = arith.index_cast %add3A_556 : i32 to index
          %get3A_562 = arith.constant 208 : index
          %get3A_563 = tpu.vector_load %get3A_560[%get3A_561, %get3A_562] {strides = array<i32>} : memref<128x256xf32, #tpu.memory_space<vmem>>, vector<16xf32>,
          %mul3A_564 = arith.mulf %get3A_563, %get3A_124 : vector<16xf32>
          %add3A_565 = arith.addf %mul3A_554, %mul3A_564 : vector<16xf32>
          %add3A_566 = arith.addf %add3A_526, %add3A_565 : vector<16xf32>
          %get3A_567 = arith.constant 0 : i32
          %get3A_568 = arith.constant 0 : i32
          %get3A_569 = tpu.memref_slice %arg9[%select_n3A_173, %get3A_567, %get3A_568] : memref<2x128x256xf32, #tpu.memory_space<vmem>> -> memref<1x128x256xf32, #tpu.memory_space<vmem>>
          %get3A_570 = tpu.memref_squeeze %get3A_569 : memref<1x128x256xf32, #tpu.memory_space<vmem>> -> memref<128x256xf32, #tpu.memory_space<vmem>>
          %get3A_571 = arith.index_cast %add3A_286 : i32 to index
          %get3A_572 = arith.constant 224 : index
          %get3A_573 = tpu.vector_load %get3A_570[%get3A_571, %get3A_572] {strides = array<i32>} : memref<128x256xf32, #tpu.memory_space<vmem>>, vector<16xf32>,
          %mul3A_574 = arith.mulf %get3A_573, %get3A_126 : vector<16xf32>
          %get3A_575 = arith.constant 0 : i32
          %get3A_576 = arith.constant 0 : i32
          %get3A_577 = tpu.memref_slice %arg9[%select_n3A_173, %get3A_575, %get3A_576] : memref<2x128x256xf32, #tpu.memory_space<vmem>> -> memref<1x128x256xf32, #tpu.memory_space<vmem>>
          %get3A_578 = tpu.memref_squeeze %get3A_577 : memref<1x128x256xf32, #tpu.memory_space<vmem>> -> memref<128x256xf32, #tpu.memory_space<vmem>>
          %get3A_579 = arith.index_cast %add3A_286 : i32 to index
          %get3A_580 = arith.constant 240 : index
          %get3A_581 = tpu.vector_load %get3A_578[%get3A_579, %get3A_580] {strides = array<i32>} : memref<128x256xf32, #tpu.memory_space<vmem>>, vector<16xf32>,
          %mul3A_582 = arith.mulf %get3A_581, %get3A_128 : vector<16xf32>
          %add3A_583 = arith.addf %mul3A_574, %mul3A_582 : vector<16xf32>
          %add3A_584 = arith.addf %add3A_544, %add3A_583 : vector<16xf32>
          %add3A_585 = arith.constant 1 : i32
          %add3A_586 = arith.addi %add3A_286, %add3A_585 : i32
          %get3A_587 = arith.constant 0 : i32
          %get3A_588 = arith.constant 0 : i32
          %get3A_589 = tpu.memref_slice %arg9[%select_n3A_173, %get3A_587, %get3A_588] : memref<2x128x256xf32, #tpu.memory_space<vmem>> -> memref<1x128x256xf32, #tpu.memory_space<vmem>>
          %get3A_590 = tpu.memref_squeeze %get3A_589 : memref<1x128x256xf32, #tpu.memory_space<vmem>> -> memref<128x256xf32, #tpu.memory_space<vmem>>
          %get3A_591 = arith.index_cast %add3A_586 : i32 to index
          %get3A_592 = arith.constant 224 : index
          %get3A_593 = tpu.vector_load %get3A_590[%get3A_591, %get3A_592] {strides = array<i32>} : memref<128x256xf32, #tpu.memory_space<vmem>>, vector<16xf32>,
          %mul3A_594 = arith.mulf %get3A_593, %get3A_126 : vector<16xf32>
          %add3A_595 = arith.constant 1 : i32
          %add3A_596 = arith.addi %add3A_286, %add3A_595 : i32
          %get3A_597 = arith.constant 0 : i32
          %get3A_598 = arith.constant 0 : i32
          %get3A_599 = tpu.memref_slice %arg9[%select_n3A_173, %get3A_597, %get3A_598] : memref<2x128x256xf32, #tpu.memory_space<vmem>> -> memref<1x128x256xf32, #tpu.memory_space<vmem>>
          %get3A_600 = tpu.memref_squeeze %get3A_599 : memref<1x128x256xf32, #tpu.memory_space<vmem>> -> memref<128x256xf32, #tpu.memory_space<vmem>>
          %get3A_601 = arith.index_cast %add3A_596 : i32 to index
          %get3A_602 = arith.constant 240 : index
          %get3A_603 = tpu.vector_load %get3A_600[%get3A_601, %get3A_602] {strides = array<i32>} : memref<128x256xf32, #tpu.memory_space<vmem>>, vector<16xf32>,
          %mul3A_604 = arith.mulf %get3A_603, %get3A_128 : vector<16xf32>
          %add3A_605 = arith.addf %mul3A_594, %mul3A_604 : vector<16xf32>
          %add3A_606 = arith.addf %add3A_566, %add3A_605 : vector<16xf32>
          %reduce_sum3A = arith.constant true
          %reduce_sum3A_607 = vector.broadcast %reduce_sum3A : i1 to vector<16xi1>
          %reduce_sum3A_608 = tpu.scan <sum>, %add3A_584 masked %reduce_sum3A_607 : vector<16xf32>, vector<16xi1> -> vector<16xf32>
          %reduce_sum3A_609 = vector.extract %reduce_sum3A_608[15] : f32 from vector<16xf32>
          %broadcast_in_dim3A_610 = vector.broadcast %reduce_sum3A_609 : f32 to vector<16xf32>
          %reduce_sum3A_611 = arith.constant true
          %reduce_sum3A_612 = vector.broadcast %reduce_sum3A_611 : i1 to vector<16xi1>
          %reduce_sum3A_613 = tpu.scan <sum>, %add3A_606 masked %reduce_sum3A_612 : vector<16xf32>, vector<16xi1> -> vector<16xf32>
          %reduce_sum3A_614 = vector.extract %reduce_sum3A_613[15] : f32 from vector<16xf32>
          %broadcast_in_dim3A_615 = vector.broadcast %reduce_sum3A_614 : f32 to vector<16xf32>
          %mul3A_616 = arith.constant 2 : i32
          %mul3A_617 = arith.muli %mul3A_616, %scan3A_282 : i32
          %eq3A_618 = vector.broadcast %mul3A_617 : i32 to vector<16xi32>
          %eq3A_619 = arith.cmpi eq, %iota3A, %eq3A_618 : vector<16xi32>
          %select_n3A_620 = arith.select %eq3A_619, %broadcast_in_dim3A_610, %scan3A_283 : vector<16xi1>, vector<16xf32>
          %mul3A_621 = arith.constant 2 : i32
          %mul3A_622 = arith.muli %mul3A_621, %scan3A_282 : i32
          %add3A_623 = arith.constant 1 : i32
          %add3A_624 = arith.addi %mul3A_622, %add3A_623 : i32
          %eq3A_625 = vector.broadcast %add3A_624 : i32 to vector<16xi32>
          %eq3A_626 = arith.cmpi eq, %iota3A, %eq3A_625 : vector<16xi32>
          %select_n3A_627 = arith.select %eq3A_626, %broadcast_in_dim3A_615, %select_n3A_620 : vector<16xi1>, vector<16xf32>
          scf.yield %select_n3A_627 : vector<16xf32>
        }
        %scan3A_265 = arith.constant 8 : i32
        %add3A_266 = vector.broadcast %squeeze3A_132 : f32 to vector<16xf32>
        %add3A_267 = arith.addf %scan3A_264, %add3A_266 : vector<16xf32>
        %neg3A = arith.constant 0.000000e+00 : f32
        %neg3A_268 = vector.broadcast %neg3A : f32 to vector<16xf32>
        %neg3A_269 = arith.subf %neg3A_268, %add3A_267 : vector<16xf32>
        %exp3A = math.exp %neg3A_269 : vector<16xf32>
        %add3A_270 = arith.constant 1.000000e+00 : f32
        %add3A_271 = vector.broadcast %add3A_270 : f32 to vector<16xf32>
        %add3A_272 = arith.addf %add3A_271, %exp3A : vector<16xf32>
        %div3A_273 = arith.constant 1.000000e+00 : f32
        %div3A_274 = vector.broadcast %div3A_273 : f32 to vector<16xf32>
        %div3A_275 = arith.divf %div3A_274, %add3A_272 : vector<16xf32>
        %exp3A_276 = math.exp %div3A_275 : vector<16xf32>
        %mul3A_277 = arith.mulf %exp3A_276, %select_n3A_246 : vector<16xf32>
        %convert_element_type3A_278 = arith.extui %reduce_or3A_259 : i1 to i32
        %cond3A_279 = arith.constant 0 : i32
        %cond3A_280 = arith.cmpi ne, %convert_element_type3A_278, %cond3A_279 : i32
        %cond3A_281 = scf.if %cond3A_280 -> (i32) {
          %sub3A_282 = arith.subi %scan3A_217, %mul3A_134 : i32
          %jit3A_283 = arith.constant 0 : i32
          %jit3A_284 = arith.constant 31 : i32
          %max3A_285 = arith.maxsi %jit3A_283, %sub3A_282 : i32
          %min3A_286 = arith.minsi %jit3A_284, %max3A_285 : i32
          %scan3A_287 = arith.constant 0 : i32
          %scan3A_288 = arith.constant 0 : i32
          %scan3A_289 = arith.constant 16 : i32
          %scan3A_290 = arith.addi %scan3A_288, %scan3A_289 : i32
          %scan3A_291 = arith.constant 1 : i32
          %scan3A_292 = scf.for %scan3A_308 = %scan3A_288 to %scan3A_290 step %scan3A_291 iter_args(%scan3A_309 = %scan3A_287) -> (i32)  : i32 {
            %mul3A_310 = arith.constant 16 : i32
            %mul3A_311 = arith.muli %scan3A_308, %mul3A_310 : i32
            %get3A_312 = arith.index_cast %mul3A_311 : i32 to index
            %get3A_313 = tpu.vector_load %arg19[%get3A_312] {strides = array<i32>} : memref<256xf32, #tpu.memory_space<vmem>>, vector<16xf32>,
            %mul3A_314 = arith.constant 16 : i32
            %mul3A_315 = arith.muli %scan3A_308, %mul3A_314 : i32
            %swap3A_316 = arith.index_cast %min3A_286 : i32 to index
            %swap3A_317 = arith.index_cast %mul3A_315 : i32 to index
            %swap3A_318 = tpu.vector_load %arg16[%swap3A_316, %swap3A_317] {strides = array<i32>} : memref<32x256xf32, #tpu.memory_space<vmem>>, vector<16xf32>,
            tpu.vector_store %arg16[%swap3A_316, %swap3A_317], %get3A_313 {strides = array<i32>} : memref<32x256xf32, #tpu.memory_space<vmem>>, vector<16xf32>,
            %scan3A_319 = arith.constant 0 : i32
            scf.yield %scan3A_319 : i32
          }
          %scan3A_293 = arith.constant 16 : i32
          %get3A_294 = arith.constant 0 : index
          %get3A_295 = tpu.vector_load %arg20[%get3A_294] {strides = array<i32>} : memref<16xf32, #tpu.memory_space<vmem>>, vector<16xf32>,
          %swap3A_296 = arith.index_cast %min3A_286 : i32 to index
          %swap3A_297 = arith.constant 0 : index
          %swap3A_298 = tpu.vector_load %arg17[%swap3A_296, %swap3A_297] {strides = array<i32>} : memref<32x16xf32, #tpu.memory_space<vmem>>, vector<16xf32>,
          tpu.vector_store %arg17[%swap3A_296, %swap3A_297], %get3A_295 {strides = array<i32>} : memref<32x16xf32, #tpu.memory_space<vmem>>, vector<16xf32>,
          %swap3A_299 = arith.index_cast %min3A_286 : i32 to index
          %swap3A_300 = arith.constant 0 : index
          %swap3A_301 = tpu.vector_load %arg18[%swap3A_299, %swap3A_300] {strides = array<i32>} : memref<32x16xf32, #tpu.memory_space<vmem>>, vector<16xf32>,
          tpu.vector_store %arg18[%swap3A_299, %swap3A_300], %broadcast_in_dim3A_3 {strides = array<i32>} : memref<32x16xf32, #tpu.memory_space<vmem>>, vector<16xf32>,
          %scan3A_302 = arith.constant 0 : i32
          %scan3A_303 = arith.constant 16 : i32
          %scan3A_304 = arith.addi %scan3A_302, %scan3A_303 : i32
          %scan3A_305 = arith.constant 1 : i32
          %scan3A_306 = scf.for %scan3A_308 = %scan3A_302 to %scan3A_304 step %scan3A_305 iter_args(%scan3A_309 = %scan3A_217) -> (i32)  : i32 {
            %add3A_310 = arith.addi %min3A_205, %mul3A_219 : i32
            %add3A_311 = arith.addi %add3A_310, %scan3A_308 : i32
            %ge3A_312 = arith.cmpi sge, %add3A_311, %max3A_209 : i32
            %lt3A_313 = arith.cmpi slt, %add3A_311, %squeeze3A_49 : i32
            %and3A_314 = arith.andi %ge3A_312, %lt3A_313 : i1
            %broadcast_in_dim3A_315 = vector.broadcast %scan3A_308 : i32 to vector<16xi32>
            %lt3A_316 = arith.constant 0 : i32
            %lt3A_317 = vector.broadcast %lt3A_316 : i32 to vector<16xi32>
            %lt3A_318 = arith.cmpi slt, %broadcast_in_dim3A_315, %lt3A_317 : vector<16xi32>
            %add3A_319 = arith.constant 16 : i32
            %add3A_320 = vector.broadcast %add3A_319 : i32 to vector<16xi32>
            %add3A_321 = arith.addi %broadcast_in_dim3A_315, %add3A_320 : vector<16xi32>
            %select_n3A_322 = arith.select %lt3A_318, %add3A_321, %broadcast_in_dim3A_315 : vector<16xi1>, vector<16xi32>
            %broadcast_in_dim3A_323 = vector.shape_cast %select_n3A_322 : vector<16xi32> to vector<16x1xi32>
            %gather3A_324 = vector.shape_cast %broadcast_in_dim3A_323 : vector<16x1xi32> to vector<16xi32>
            %gather3A_325 = tpu.dynamic_gather %get3A_224[%gather3A_324] in [0] : vector<16xi32>, vector<16xi32> -> vector<16xi32>
            %slice3A_326 = vector.extract_strided_slice %gather3A_325 {offsets = [0], sizes = [1], strides = [1]} : vector<16xi32> to vector<1xi32>
            %squeeze3A_327 = vector.extract %slice3A_326[0] : i32 from vector<1xi32>
            %sub3A_328 = arith.subi %squeeze3A_327, %mul3A_134 : i32
            %jit3A_329 = arith.constant 0 : i32
            %jit3A_330 = arith.constant 31 : i32
            %max3A_331 = arith.maxsi %jit3A_329, %sub3A_328 : i32
            %min3A_332 = arith.minsi %jit3A_330, %max3A_331 : i32
            %lt3A_333 = arith.constant 0 : i32
            %lt3A_334 = vector.broadcast %lt3A_333 : i32 to vector<16xi32>
            %lt3A_335 = arith.cmpi slt, %broadcast_in_dim3A_315, %lt3A_334 : vector<16xi32>
            %add3A_336 = arith.constant 16 : i32
            %add3A_337 = vector.broadcast %add3A_336 : i32 to vector<16xi32>
            %add3A_338 = arith.addi %broadcast_in_dim3A_315, %add3A_337 : vector<16xi32>
            %select_n3A_339 = arith.select %lt3A_335, %add3A_338, %broadcast_in_dim3A_315 : vector<16xi1>, vector<16xi32>
            %broadcast_in_dim3A_340 = vector.shape_cast %select_n3A_339 : vector<16xi32> to vector<16x1xi32>
            %gather3A_341 = vector.shape_cast %broadcast_in_dim3A_340 : vector<16x1xi32> to vector<16xi32>
            %gather3A_342 = tpu.dynamic_gather %mul3A_277[%gather3A_341] in [0] : vector<16xf32>, vector<16xi32> -> vector<16xf32>
            %get3A_343 = arith.constant 0 : index
            %get3A_344 = tpu.vector_load %arg20[%get3A_343] {strides = array<i32>} : memref<16xf32, #tpu.memory_space<vmem>>, vector<16xf32>,
            %eq3A_345 = vector.broadcast %scan3A_308 : i32 to vector<16xi32>
            %eq3A_346 = arith.cmpi eq, %iota3A, %eq3A_345 : vector<16xi32>
            %select_n3A_347 = arith.select %eq3A_346, %gather3A_342, %broadcast_in_dim3A_1 : vector<16xi1>, vector<16xf32>
            %add3A_348 = arith.addf %get3A_344, %select_n3A_347 : vector<16xf32>
            %swap3A_349 = arith.constant 0 : index
            %swap3A_350 = tpu.vector_load %arg20[%swap3A_349] {strides = array<i32>} : memref<16xf32, #tpu.memory_space<vmem>>, vector<16xf32>,
            tpu.vector_store %arg20[%swap3A_349], %add3A_348 {strides = array<i32>} : memref<16xf32, #tpu.memory_space<vmem>>, vector<16xf32>,
            %swap3A_351 = arith.index_cast %min3A_332 : i32 to index
            %swap3A_352 = arith.constant 0 : index
            %swap3A_353 = tpu.vector_load %arg17[%swap3A_351, %swap3A_352] {strides = array<i32>} : memref<32x16xf32, #tpu.memory_space<vmem>>, vector<16xf32>,
            tpu.vector_store %arg17[%swap3A_351, %swap3A_352], %add3A_348 {strides = array<i32>} : memref<32x16xf32, #tpu.memory_space<vmem>>, vector<16xf32>,
            %scan3A_354 = arith.constant 0 : i32
            %scan3A_355 = arith.constant 0 : i32
            %scan3A_356 = arith.constant 16 : i32
            %scan3A_357 = arith.addi %scan3A_355, %scan3A_356 : i32
            %scan3A_358 = arith.constant 1 : i32
            %scan3A_359 = scf.for %scan3A_365 = %scan3A_355 to %scan3A_357 step %scan3A_358 iter_args(%scan3A_366 = %scan3A_354) -> (i32)  : i32 {
              %mul3A_367 = arith.constant 16 : i32
              %mul3A_368 = arith.muli %scan3A_365, %mul3A_367 : i32
              %get3A_369 = arith.index_cast %mul3A_368 : i32 to index
              %get3A_370 = tpu.vector_load %arg19[%get3A_369] {strides = array<i32>} : memref<256xf32, #tpu.memory_space<vmem>>, vector<16xf32>,
              %add3A_371 = arith.addi %mul3A_219, %scan3A_308 : i32
              %mul3A_372 = arith.constant 16 : i32
              %mul3A_373 = arith.muli %scan3A_365, %mul3A_372 : i32
              %get3A_374 = arith.constant 0 : i32
              %get3A_375 = arith.constant 0 : i32
              %get3A_376 = tpu.memref_slice %arg9[%select_n3A_173, %get3A_374, %get3A_375] : memref<2x128x256xf32, #tpu.memory_space<vmem>> -> memref<1x128x256xf32, #tpu.memory_space<vmem>>
              %get3A_377 = tpu.memref_squeeze %get3A_376 : memref<1x128x256xf32, #tpu.memory_space<vmem>> -> memref<128x256xf32, #tpu.memory_space<vmem>>
              %get3A_378 = arith.index_cast %add3A_371 : i32 to index
              %get3A_379 = arith.index_cast %mul3A_373 : i32 to index
              %get3A_380 = tpu.vector_load %get3A_377[%get3A_378, %get3A_379] {strides = array<i32>} : memref<128x256xf32, #tpu.memory_space<vmem>>, vector<16xf32>,
              %mul3A_381 = arith.mulf %get3A_380, %gather3A_342 : vector<16xf32>
              %add3A_382 = arith.addf %get3A_370, %mul3A_381 : vector<16xf32>
              %mul3A_383 = arith.constant 16 : i32
              %mul3A_384 = arith.muli %scan3A_365, %mul3A_383 : i32
              %swap3A_385 = arith.index_cast %mul3A_384 : i32 to index
              %swap3A_386 = tpu.vector_load %arg19[%swap3A_385] {strides = array<i32>} : memref<256xf32, #tpu.memory_space<vmem>>, vector<16xf32>,
              tpu.vector_store %arg19[%swap3A_385], %add3A_382 {strides = array<i32>} : memref<256xf32, #tpu.memory_space<vmem>>, vector<16xf32>,
              %mul3A_387 = arith.constant 16 : i32
              %mul3A_388 = arith.muli %scan3A_365, %mul3A_387 : i32
              %swap3A_389 = arith.index_cast %min3A_332 : i32 to index
              %swap3A_390 = arith.index_cast %mul3A_388 : i32 to index
              %swap3A_391 = tpu.vector_load %arg16[%swap3A_389, %swap3A_390] {strides = array<i32>} : memref<32x256xf32, #tpu.memory_space<vmem>>, vector<16xf32>,
              tpu.vector_store %arg16[%swap3A_389, %swap3A_390], %add3A_382 {strides = array<i32>} : memref<32x256xf32, #tpu.memory_space<vmem>>, vector<16xf32>,
              %scan3A_392 = arith.constant 0 : i32
              scf.yield %scan3A_392 : i32
            }
            %scan3A_360 = arith.constant 16 : i32
            %swap3A_361 = arith.index_cast %min3A_332 : i32 to index
            %swap3A_362 = arith.constant 0 : index
            %swap3A_363 = tpu.vector_load %arg18[%swap3A_361, %swap3A_362] {strides = array<i32>} : memref<32x16xf32, #tpu.memory_space<vmem>>, vector<16xf32>,
            tpu.vector_store %arg18[%swap3A_361, %swap3A_362], %broadcast_in_dim3A_3 {strides = array<i32>} : memref<32x16xf32, #tpu.memory_space<vmem>>, vector<16xf32>,
            %select_n3A_364 = arith.select %and3A_314, %squeeze3A_327, %scan3A_309 : i32
            scf.yield %select_n3A_364 : i32
          }
          %scan3A_307 = arith.constant 16 : i32
          scf.yield %scan3A_306 : i32
        } else {
          %scan3A_282 = arith.constant 0 : i32
          %scan3A_283 = arith.constant 4 : i32
          %scan3A_284 = arith.addi %scan3A_282, %scan3A_283 : i32
          %scan3A_285 = arith.constant 1 : i32
          %scan3A_286:16 = scf.for %scan3A_373 = %scan3A_282 to %scan3A_284 step %scan3A_285 iter_args(%scan3A_374 = %broadcast_in_dim3A_1, %scan3A_375 = %broadcast_in_dim3A_1, %scan3A_376 = %broadcast_in_dim3A_1, %scan3A_377 = %broadcast_in_dim3A_1, %scan3A_378 = %broadcast_in_dim3A_1, %scan3A_379 = %broadcast_in_dim3A_1, %scan3A_380 = %broadcast_in_dim3A_1, %scan3A_381 = %broadcast_in_dim3A_1, %scan3A_382 = %broadcast_in_dim3A_1, %scan3A_383 = %broadcast_in_dim3A_1, %scan3A_384 = %broadcast_in_dim3A_1, %scan3A_385 = %broadcast_in_dim3A_1, %scan3A_386 = %broadcast_in_dim3A_1, %scan3A_387 = %broadcast_in_dim3A_1, %scan3A_388 = %broadcast_in_dim3A_1, %scan3A_389 = %broadcast_in_dim3A_1) -> (vector<16xf32>, vector<16xf32>, vector<16xf32>, vector<16xf32>, vector<16xf32>, vector<16xf32>, vector<16xf32>, vector<16xf32>, vector<16xf32>, vector<16xf32>, vector<16xf32>, vector<16xf32>, vector<16xf32>, vector<16xf32>, vector<16xf32>, vector<16xf32>)  : i32 {
            %mul3A_390 = arith.constant 4 : i32
            %mul3A_391 = arith.muli %mul3A_390, %scan3A_373 : i32
            %add3A_392 = arith.addi %mul3A_219, %mul3A_391 : i32
            %mul3A_393 = arith.constant 4 : i32
            %mul3A_394 = arith.muli %mul3A_393, %scan3A_373 : i32
            %add3A_395 = arith.constant 0 : i32
            %add3A_396 = arith.addi %mul3A_394, %add3A_395 : i32
            %broadcast_in_dim3A_397 = vector.broadcast %add3A_396 : i32 to vector<16xi32>
            %lt3A_398 = arith.constant 0 : i32
            %lt3A_399 = vector.broadcast %lt3A_398 : i32 to vector<16xi32>
            %lt3A_400 = arith.cmpi slt, %broadcast_in_dim3A_397, %lt3A_399 : vector<16xi32>
            %add3A_401 = arith.constant 16 : i32
            %add3A_402 = vector.broadcast %add3A_401 : i32 to vector<16xi32>
            %add3A_403 = arith.addi %broadcast_in_dim3A_397, %add3A_402 : vector<16xi32>
            %select_n3A_404 = arith.select %lt3A_400, %add3A_403, %broadcast_in_dim3A_397 : vector<16xi1>, vector<16xi32>
            %broadcast_in_dim3A_405 = vector.shape_cast %select_n3A_404 : vector<16xi32> to vector<16x1xi32>
            %gather3A_406 = vector.shape_cast %broadcast_in_dim3A_405 : vector<16x1xi32> to vector<16xi32>
            %gather3A_407 = tpu.dynamic_gather %mul3A_277[%gather3A_406] in [0] : vector<16xf32>, vector<16xi32> -> vector<16xf32>
            %mul3A_408 = arith.constant 4 : i32
            %mul3A_409 = arith.muli %mul3A_408, %scan3A_373 : i32
            %add3A_410 = arith.constant 1 : i32
            %add3A_411 = arith.addi %mul3A_409, %add3A_410 : i32
            %broadcast_in_dim3A_412 = vector.broadcast %add3A_411 : i32 to vector<16xi32>
            %lt3A_413 = arith.constant 0 : i32
            %lt3A_414 = vector.broadcast %lt3A_413 : i32 to vector<16xi32>
            %lt3A_415 = arith.cmpi slt, %broadcast_in_dim3A_412, %lt3A_414 : vector<16xi32>
            %add3A_416 = arith.constant 16 : i32
            %add3A_417 = vector.broadcast %add3A_416 : i32 to vector<16xi32>
            %add3A_418 = arith.addi %broadcast_in_dim3A_412, %add3A_417 : vector<16xi32>
            %select_n3A_419 = arith.select %lt3A_415, %add3A_418, %broadcast_in_dim3A_412 : vector<16xi1>, vector<16xi32>
            %broadcast_in_dim3A_420 = vector.shape_cast %select_n3A_419 : vector<16xi32> to vector<16x1xi32>
            %gather3A_421 = vector.shape_cast %broadcast_in_dim3A_420 : vector<16x1xi32> to vector<16xi32>
            %gather3A_422 = tpu.dynamic_gather %mul3A_277[%gather3A_421] in [0] : vector<16xf32>, vector<16xi32> -> vector<16xf32>
            %mul3A_423 = arith.constant 4 : i32
            %mul3A_424 = arith.muli %mul3A_423, %scan3A_373 : i32
            %add3A_425 = arith.constant 2 : i32
            %add3A_426 = arith.addi %mul3A_424, %add3A_425 : i32
            %broadcast_in_dim3A_427 = vector.broadcast %add3A_426 : i32 to vector<16xi32>
            %lt3A_428 = arith.constant 0 : i32
            %lt3A_429 = vector.broadcast %lt3A_428 : i32 to vector<16xi32>
            %lt3A_430 = arith.cmpi slt, %broadcast_in_dim3A_427, %lt3A_429 : vector<16xi32>
            %add3A_431 = arith.constant 16 : i32
            %add3A_432 = vector.broadcast %add3A_431 : i32 to vector<16xi32>
            %add3A_433 = arith.addi %broadcast_in_dim3A_427, %add3A_432 : vector<16xi32>
            %select_n3A_434 = arith.select %lt3A_430, %add3A_433, %broadcast_in_dim3A_427 : vector<16xi1>, vector<16xi32>
            %broadcast_in_dim3A_435 = vector.shape_cast %select_n3A_434 : vector<16xi32> to vector<16x1xi32>
            %gather3A_436 = vector.shape_cast %broadcast_in_dim3A_435 : vector<16x1xi32> to vector<16xi32>
            %gather3A_437 = tpu.dynamic_gather %mul3A_277[%gather3A_436] in [0] : vector<16xf32>, vector<16xi32> -> vector<16xf32>
            %mul3A_438 = arith.constant 4 : i32
            %mul3A_439 = arith.muli %mul3A_438, %scan3A_373 : i32
            %add3A_440 = arith.constant 3 : i32
            %add3A_441 = arith.addi %mul3A_439, %add3A_440 : i32
            %broadcast_in_dim3A_442 = vector.broadcast %add3A_441 : i32 to vector<16xi32>
            %lt3A_443 = arith.constant 0 : i32
            %lt3A_444 = vector.broadcast %lt3A_443 : i32 to vector<16xi32>
            %lt3A_445 = arith.cmpi slt, %broadcast_in_dim3A_442, %lt3A_444 : vector<16xi32>
            %add3A_446 = arith.constant 16 : i32
            %add3A_447 = vector.broadcast %add3A_446 : i32 to vector<16xi32>
            %add3A_448 = arith.addi %broadcast_in_dim3A_442, %add3A_447 : vector<16xi32>
            %select_n3A_449 = arith.select %lt3A_445, %add3A_448, %broadcast_in_dim3A_442 : vector<16xi1>, vector<16xi32>
            %broadcast_in_dim3A_450 = vector.shape_cast %select_n3A_449 : vector<16xi32> to vector<16x1xi32>
            %gather3A_451 = vector.shape_cast %broadcast_in_dim3A_450 : vector<16x1xi32> to vector<16xi32>
            %gather3A_452 = tpu.dynamic_gather %mul3A_277[%gather3A_451] in [0] : vector<16xf32>, vector<16xi32> -> vector<16xf32>
            %get3A_453 = arith.constant 0 : i32
            %get3A_454 = arith.constant 0 : i32
            %get3A_455 = tpu.memref_slice %arg9[%select_n3A_173, %get3A_453, %get3A_454] : memref<2x128x256xf32, #tpu.memory_space<vmem>> -> memref<1x128x256xf32, #tpu.memory_space<vmem>>
            %get3A_456 = tpu.memref_squeeze %get3A_455 : memref<1x128x256xf32, #tpu.memory_space<vmem>> -> memref<128x256xf32, #tpu.memory_space<vmem>>
            %get3A_457 = arith.index_cast %add3A_392 : i32 to index
            %get3A_458 = arith.constant 0 : index
            %get3A_459 = tpu.vector_load %get3A_456[%get3A_457, %get3A_458] {strides = array<i32>} : memref<128x256xf32, #tpu.memory_space<vmem>>, vector<16xf32>,
            %mul3A_460 = arith.mulf %get3A_459, %gather3A_407 : vector<16xf32>
            %add3A_461 = arith.addf %scan3A_374, %mul3A_460 : vector<16xf32>
            %add3A_462 = arith.constant 1 : i32
            %add3A_463 = arith.addi %add3A_392, %add3A_462 : i32
            %get3A_464 = arith.constant 0 : i32
            %get3A_465 = arith.constant 0 : i32
            %get3A_466 = tpu.memref_slice %arg9[%select_n3A_173, %get3A_464, %get3A_465] : memref<2x128x256xf32, #tpu.memory_space<vmem>> -> memref<1x128x256xf32, #tpu.memory_space<vmem>>
            %get3A_467 = tpu.memref_squeeze %get3A_466 : memref<1x128x256xf32, #tpu.memory_space<vmem>> -> memref<128x256xf32, #tpu.memory_space<vmem>>
            %get3A_468 = arith.index_cast %add3A_463 : i32 to index
            %get3A_469 = arith.constant 0 : index
            %get3A_470 = tpu.vector_load %get3A_467[%get3A_468, %get3A_469] {strides = array<i32>} : memref<128x256xf32, #tpu.memory_space<vmem>>, vector<16xf32>,
            %mul3A_471 = arith.mulf %get3A_470, %gather3A_422 : vector<16xf32>
            %add3A_472 = arith.addf %add3A_461, %mul3A_471 : vector<16xf32>
            %add3A_473 = arith.constant 2 : i32
            %add3A_474 = arith.addi %add3A_392, %add3A_473 : i32
            %get3A_475 = arith.constant 0 : i32
            %get3A_476 = arith.constant 0 : i32
            %get3A_477 = tpu.memref_slice %arg9[%select_n3A_173, %get3A_475, %get3A_476] : memref<2x128x256xf32, #tpu.memory_space<vmem>> -> memref<1x128x256xf32, #tpu.memory_space<vmem>>
            %get3A_478 = tpu.memref_squeeze %get3A_477 : memref<1x128x256xf32, #tpu.memory_space<vmem>> -> memref<128x256xf32, #tpu.memory_space<vmem>>
            %get3A_479 = arith.index_cast %add3A_474 : i32 to index
            %get3A_480 = arith.constant 0 : index
            %get3A_481 = tpu.vector_load %get3A_478[%get3A_479, %get3A_480] {strides = array<i32>} : memref<128x256xf32, #tpu.memory_space<vmem>>, vector<16xf32>,
            %mul3A_482 = arith.mulf %get3A_481, %gather3A_437 : vector<16xf32>
            %add3A_483 = arith.addf %add3A_472, %mul3A_482 : vector<16xf32>
            %add3A_484 = arith.constant 3 : i32
            %add3A_485 = arith.addi %add3A_392, %add3A_484 : i32
            %get3A_486 = arith.constant 0 : i32
            %get3A_487 = arith.constant 0 : i32
            %get3A_488 = tpu.memref_slice %arg9[%select_n3A_173, %get3A_486, %get3A_487] : memref<2x128x256xf32, #tpu.memory_space<vmem>> -> memref<1x128x256xf32, #tpu.memory_space<vmem>>
            %get3A_489 = tpu.memref_squeeze %get3A_488 : memref<1x128x256xf32, #tpu.memory_space<vmem>> -> memref<128x256xf32, #tpu.memory_space<vmem>>
            %get3A_490 = arith.index_cast %add3A_485 : i32 to index
            %get3A_491 = arith.constant 0 : index
            %get3A_492 = tpu.vector_load %get3A_489[%get3A_490, %get3A_491] {strides = array<i32>} : memref<128x256xf32, #tpu.memory_space<vmem>>, vector<16xf32>,
            %mul3A_493 = arith.mulf %get3A_492, %gather3A_452 : vector<16xf32>
            %add3A_494 = arith.addf %add3A_483, %mul3A_493 : vector<16xf32>
            %get3A_495 = arith.constant 0 : i32
            %get3A_496 = arith.constant 0 : i32
            %get3A_497 = tpu.memref_slice %arg9[%select_n3A_173, %get3A_495, %get3A_496] : memref<2x128x256xf32, #tpu.memory_space<vmem>> -> memref<1x128x256xf32, #tpu.memory_space<vmem>>
            %get3A_498 = tpu.memref_squeeze %get3A_497 : memref<1x128x256xf32, #tpu.memory_space<vmem>> -> memref<128x256xf32, #tpu.memory_space<vmem>>
            %get3A_499 = arith.index_cast %add3A_392 : i32 to index
            %get3A_500 = arith.constant 16 : index
            %get3A_501 = tpu.vector_load %get3A_498[%get3A_499, %get3A_500] {strides = array<i32>} : memref<128x256xf32, #tpu.memory_space<vmem>>, vector<16xf32>,
            %mul3A_502 = arith.mulf %get3A_501, %gather3A_407 : vector<16xf32>
            %add3A_503 = arith.addf %scan3A_375, %mul3A_502 : vector<16xf32>
            %add3A_504 = arith.constant 1 : i32
            %add3A_505 = arith.addi %add3A_392, %add3A_504 : i32
            %get3A_506 = arith.constant 0 : i32
            %get3A_507 = arith.constant 0 : i32
            %get3A_508 = tpu.memref_slice %arg9[%select_n3A_173, %get3A_506, %get3A_507] : memref<2x128x256xf32, #tpu.memory_space<vmem>> -> memref<1x128x256xf32, #tpu.memory_space<vmem>>
            %get3A_509 = tpu.memref_squeeze %get3A_508 : memref<1x128x256xf32, #tpu.memory_space<vmem>> -> memref<128x256xf32, #tpu.memory_space<vmem>>
            %get3A_510 = arith.index_cast %add3A_505 : i32 to index
            %get3A_511 = arith.constant 16 : index
            %get3A_512 = tpu.vector_load %get3A_509[%get3A_510, %get3A_511] {strides = array<i32>} : memref<128x256xf32, #tpu.memory_space<vmem>>, vector<16xf32>,
            %mul3A_513 = arith.mulf %get3A_512, %gather3A_422 : vector<16xf32>
            %add3A_514 = arith.addf %add3A_503, %mul3A_513 : vector<16xf32>
            %add3A_515 = arith.constant 2 : i32
            %add3A_516 = arith.addi %add3A_392, %add3A_515 : i32
            %get3A_517 = arith.constant 0 : i32
            %get3A_518 = arith.constant 0 : i32
            %get3A_519 = tpu.memref_slice %arg9[%select_n3A_173, %get3A_517, %get3A_518] : memref<2x128x256xf32, #tpu.memory_space<vmem>> -> memref<1x128x256xf32, #tpu.memory_space<vmem>>
            %get3A_520 = tpu.memref_squeeze %get3A_519 : memref<1x128x256xf32, #tpu.memory_space<vmem>> -> memref<128x256xf32, #tpu.memory_space<vmem>>
            %get3A_521 = arith.index_cast %add3A_516 : i32 to index
            %get3A_522 = arith.constant 16 : index
            %get3A_523 = tpu.vector_load %get3A_520[%get3A_521, %get3A_522] {strides = array<i32>} : memref<128x256xf32, #tpu.memory_space<vmem>>, vector<16xf32>,
            %mul3A_524 = arith.mulf %get3A_523, %gather3A_437 : vector<16xf32>
            %add3A_525 = arith.addf %add3A_514, %mul3A_524 : vector<16xf32>
            %add3A_526 = arith.constant 3 : i32
            %add3A_527 = arith.addi %add3A_392, %add3A_526 : i32
            %get3A_528 = arith.constant 0 : i32
            %get3A_529 = arith.constant 0 : i32
            %get3A_530 = tpu.memref_slice %arg9[%select_n3A_173, %get3A_528, %get3A_529] : memref<2x128x256xf32, #tpu.memory_space<vmem>> -> memref<1x128x256xf32, #tpu.memory_space<vmem>>
            %get3A_531 = tpu.memref_squeeze %get3A_530 : memref<1x128x256xf32, #tpu.memory_space<vmem>> -> memref<128x256xf32, #tpu.memory_space<vmem>>
            %get3A_532 = arith.index_cast %add3A_527 : i32 to index
            %get3A_533 = arith.constant 16 : index
            %get3A_534 = tpu.vector_load %get3A_531[%get3A_532, %get3A_533] {strides = array<i32>} : memref<128x256xf32, #tpu.memory_space<vmem>>, vector<16xf32>,
            %mul3A_535 = arith.mulf %get3A_534, %gather3A_452 : vector<16xf32>
            %add3A_536 = arith.addf %add3A_525, %mul3A_535 : vector<16xf32>
            %get3A_537 = arith.constant 0 : i32
            %get3A_538 = arith.constant 0 : i32
            %get3A_539 = tpu.memref_slice %arg9[%select_n3A_173, %get3A_537, %get3A_538] : memref<2x128x256xf32, #tpu.memory_space<vmem>> -> memref<1x128x256xf32, #tpu.memory_space<vmem>>
            %get3A_540 = tpu.memref_squeeze %get3A_539 : memref<1x128x256xf32, #tpu.memory_space<vmem>> -> memref<128x256xf32, #tpu.memory_space<vmem>>
            %get3A_541 = arith.index_cast %add3A_392 : i32 to index
            %get3A_542 = arith.constant 32 : index
            %get3A_543 = tpu.vector_load %get3A_540[%get3A_541, %get3A_542] {strides = array<i32>} : memref<128x256xf32, #tpu.memory_space<vmem>>, vector<16xf32>,
            %mul3A_544 = arith.mulf %get3A_543, %gather3A_407 : vector<16xf32>
            %add3A_545 = arith.addf %scan3A_376, %mul3A_544 : vector<16xf32>
            %add3A_546 = arith.constant 1 : i32
            %add3A_547 = arith.addi %add3A_392, %add3A_546 : i32
            %get3A_548 = arith.constant 0 : i32
            %get3A_549 = arith.constant 0 : i32
            %get3A_550 = tpu.memref_slice %arg9[%select_n3A_173, %get3A_548, %get3A_549] : memref<2x128x256xf32, #tpu.memory_space<vmem>> -> memref<1x128x256xf32, #tpu.memory_space<vmem>>
            %get3A_551 = tpu.memref_squeeze %get3A_550 : memref<1x128x256xf32, #tpu.memory_space<vmem>> -> memref<128x256xf32, #tpu.memory_space<vmem>>
            %get3A_552 = arith.index_cast %add3A_547 : i32 to index
            %get3A_553 = arith.constant 32 : index
            %get3A_554 = tpu.vector_load %get3A_551[%get3A_552, %get3A_553] {strides = array<i32>} : memref<128x256xf32, #tpu.memory_space<vmem>>, vector<16xf32>,
            %mul3A_555 = arith.mulf %get3A_554, %gather3A_422 : vector<16xf32>
            %add3A_556 = arith.addf %add3A_545, %mul3A_555 : vector<16xf32>
            %add3A_557 = arith.constant 2 : i32
            %add3A_558 = arith.addi %add3A_392, %add3A_557 : i32
            %get3A_559 = arith.constant 0 : i32
            %get3A_560 = arith.constant 0 : i32
            %get3A_561 = tpu.memref_slice %arg9[%select_n3A_173, %get3A_559, %get3A_560] : memref<2x128x256xf32, #tpu.memory_space<vmem>> -> memref<1x128x256xf32, #tpu.memory_space<vmem>>
            %get3A_562 = tpu.memref_squeeze %get3A_561 : memref<1x128x256xf32, #tpu.memory_space<vmem>> -> memref<128x256xf32, #tpu.memory_space<vmem>>
            %get3A_563 = arith.index_cast %add3A_558 : i32 to index
            %get3A_564 = arith.constant 32 : index
            %get3A_565 = tpu.vector_load %get3A_562[%get3A_563, %get3A_564] {strides = array<i32>} : memref<128x256xf32, #tpu.memory_space<vmem>>, vector<16xf32>,
            %mul3A_566 = arith.mulf %get3A_565, %gather3A_437 : vector<16xf32>
            %add3A_567 = arith.addf %add3A_556, %mul3A_566 : vector<16xf32>
            %add3A_568 = arith.constant 3 : i32
            %add3A_569 = arith.addi %add3A_392, %add3A_568 : i32
            %get3A_570 = arith.constant 0 : i32
            %get3A_571 = arith.constant 0 : i32
            %get3A_572 = tpu.memref_slice %arg9[%select_n3A_173, %get3A_570, %get3A_571] : memref<2x128x256xf32, #tpu.memory_space<vmem>> -> memref<1x128x256xf32, #tpu.memory_space<vmem>>
            %get3A_573 = tpu.memref_squeeze %get3A_572 : memref<1x128x256xf32, #tpu.memory_space<vmem>> -> memref<128x256xf32, #tpu.memory_space<vmem>>
            %get3A_574 = arith.index_cast %add3A_569 : i32 to index
            %get3A_575 = arith.constant 32 : index
            %get3A_576 = tpu.vector_load %get3A_573[%get3A_574, %get3A_575] {strides = array<i32>} : memref<128x256xf32, #tpu.memory_space<vmem>>, vector<16xf32>,
            %mul3A_577 = arith.mulf %get3A_576, %gather3A_452 : vector<16xf32>
            %add3A_578 = arith.addf %add3A_567, %mul3A_577 : vector<16xf32>
            %get3A_579 = arith.constant 0 : i32
            %get3A_580 = arith.constant 0 : i32
            %get3A_581 = tpu.memref_slice %arg9[%select_n3A_173, %get3A_579, %get3A_580] : memref<2x128x256xf32, #tpu.memory_space<vmem>> -> memref<1x128x256xf32, #tpu.memory_space<vmem>>
            %get3A_582 = tpu.memref_squeeze %get3A_581 : memref<1x128x256xf32, #tpu.memory_space<vmem>> -> memref<128x256xf32, #tpu.memory_space<vmem>>
            %get3A_583 = arith.index_cast %add3A_392 : i32 to index
            %get3A_584 = arith.constant 48 : index
            %get3A_585 = tpu.vector_load %get3A_582[%get3A_583, %get3A_584] {strides = array<i32>} : memref<128x256xf32, #tpu.memory_space<vmem>>, vector<16xf32>,
            %mul3A_586 = arith.mulf %get3A_585, %gather3A_407 : vector<16xf32>
            %add3A_587 = arith.addf %scan3A_377, %mul3A_586 : vector<16xf32>
            %add3A_588 = arith.constant 1 : i32
            %add3A_589 = arith.addi %add3A_392, %add3A_588 : i32
            %get3A_590 = arith.constant 0 : i32
            %get3A_591 = arith.constant 0 : i32
            %get3A_592 = tpu.memref_slice %arg9[%select_n3A_173, %get3A_590, %get3A_591] : memref<2x128x256xf32, #tpu.memory_space<vmem>> -> memref<1x128x256xf32, #tpu.memory_space<vmem>>
            %get3A_593 = tpu.memref_squeeze %get3A_592 : memref<1x128x256xf32, #tpu.memory_space<vmem>> -> memref<128x256xf32, #tpu.memory_space<vmem>>
            %get3A_594 = arith.index_cast %add3A_589 : i32 to index
            %get3A_595 = arith.constant 48 : index
            %get3A_596 = tpu.vector_load %get3A_593[%get3A_594, %get3A_595] {strides = array<i32>} : memref<128x256xf32, #tpu.memory_space<vmem>>, vector<16xf32>,
            %mul3A_597 = arith.mulf %get3A_596, %gather3A_422 : vector<16xf32>
            %add3A_598 = arith.addf %add3A_587, %mul3A_597 : vector<16xf32>
            %add3A_599 = arith.constant 2 : i32
            %add3A_600 = arith.addi %add3A_392, %add3A_599 : i32
            %get3A_601 = arith.constant 0 : i32
            %get3A_602 = arith.constant 0 : i32
            %get3A_603 = tpu.memref_slice %arg9[%select_n3A_173, %get3A_601, %get3A_602] : memref<2x128x256xf32, #tpu.memory_space<vmem>> -> memref<1x128x256xf32, #tpu.memory_space<vmem>>
            %get3A_604 = tpu.memref_squeeze %get3A_603 : memref<1x128x256xf32, #tpu.memory_space<vmem>> -> memref<128x256xf32, #tpu.memory_space<vmem>>
            %get3A_605 = arith.index_cast %add3A_600 : i32 to index
            %get3A_606 = arith.constant 48 : index
            %get3A_607 = tpu.vector_load %get3A_604[%get3A_605, %get3A_606] {strides = array<i32>} : memref<128x256xf32, #tpu.memory_space<vmem>>, vector<16xf32>,
            %mul3A_608 = arith.mulf %get3A_607, %gather3A_437 : vector<16xf32>
            %add3A_609 = arith.addf %add3A_598, %mul3A_608 : vector<16xf32>
            %add3A_610 = arith.constant 3 : i32
            %add3A_611 = arith.addi %add3A_392, %add3A_610 : i32
            %get3A_612 = arith.constant 0 : i32
            %get3A_613 = arith.constant 0 : i32
            %get3A_614 = tpu.memref_slice %arg9[%select_n3A_173, %get3A_612, %get3A_613] : memref<2x128x256xf32, #tpu.memory_space<vmem>> -> memref<1x128x256xf32, #tpu.memory_space<vmem>>
            %get3A_615 = tpu.memref_squeeze %get3A_614 : memref<1x128x256xf32, #tpu.memory_space<vmem>> -> memref<128x256xf32, #tpu.memory_space<vmem>>
            %get3A_616 = arith.index_cast %add3A_611 : i32 to index
            %get3A_617 = arith.constant 48 : index
            %get3A_618 = tpu.vector_load %get3A_615[%get3A_616, %get3A_617] {strides = array<i32>} : memref<128x256xf32, #tpu.memory_space<vmem>>, vector<16xf32>,
            %mul3A_619 = arith.mulf %get3A_618, %gather3A_452 : vector<16xf32>
            %add3A_620 = arith.addf %add3A_609, %mul3A_619 : vector<16xf32>
            %get3A_621 = arith.constant 0 : i32
            %get3A_622 = arith.constant 0 : i32
            %get3A_623 = tpu.memref_slice %arg9[%select_n3A_173, %get3A_621, %get3A_622] : memref<2x128x256xf32, #tpu.memory_space<vmem>> -> memref<1x128x256xf32, #tpu.memory_space<vmem>>
            %get3A_624 = tpu.memref_squeeze %get3A_623 : memref<1x128x256xf32, #tpu.memory_space<vmem>> -> memref<128x256xf32, #tpu.memory_space<vmem>>
            %get3A_625 = arith.index_cast %add3A_392 : i32 to index
            %get3A_626 = arith.constant 64 : index
            %get3A_627 = tpu.vector_load %get3A_624[%get3A_625, %get3A_626] {strides = array<i32>} : memref<128x256xf32, #tpu.memory_space<vmem>>, vector<16xf32>,
            %mul3A_628 = arith.mulf %get3A_627, %gather3A_407 : vector<16xf32>
            %add3A_629 = arith.addf %scan3A_378, %mul3A_628 : vector<16xf32>
            %add3A_630 = arith.constant 1 : i32
            %add3A_631 = arith.addi %add3A_392, %add3A_630 : i32
            %get3A_632 = arith.constant 0 : i32
            %get3A_633 = arith.constant 0 : i32
            %get3A_634 = tpu.memref_slice %arg9[%select_n3A_173, %get3A_632, %get3A_633] : memref<2x128x256xf32, #tpu.memory_space<vmem>> -> memref<1x128x256xf32, #tpu.memory_space<vmem>>
            %get3A_635 = tpu.memref_squeeze %get3A_634 : memref<1x128x256xf32, #tpu.memory_space<vmem>> -> memref<128x256xf32, #tpu.memory_space<vmem>>
            %get3A_636 = arith.index_cast %add3A_631 : i32 to index
            %get3A_637 = arith.constant 64 : index
            %get3A_638 = tpu.vector_load %get3A_635[%get3A_636, %get3A_637] {strides = array<i32>} : memref<128x256xf32, #tpu.memory_space<vmem>>, vector<16xf32>,
            %mul3A_639 = arith.mulf %get3A_638, %gather3A_422 : vector<16xf32>
            %add3A_640 = arith.addf %add3A_629, %mul3A_639 : vector<16xf32>
            %add3A_641 = arith.constant 2 : i32
            %add3A_642 = arith.addi %add3A_392, %add3A_641 : i32
            %get3A_643 = arith.constant 0 : i32
            %get3A_644 = arith.constant 0 : i32
            %get3A_645 = tpu.memref_slice %arg9[%select_n3A_173, %get3A_643, %get3A_644] : memref<2x128x256xf32, #tpu.memory_space<vmem>> -> memref<1x128x256xf32, #tpu.memory_space<vmem>>
            %get3A_646 = tpu.memref_squeeze %get3A_645 : memref<1x128x256xf32, #tpu.memory_space<vmem>> -> memref<128x256xf32, #tpu.memory_space<vmem>>
            %get3A_647 = arith.index_cast %add3A_642 : i32 to index
            %get3A_648 = arith.constant 64 : index
            %get3A_649 = tpu.vector_load %get3A_646[%get3A_647, %get3A_648] {strides = array<i32>} : memref<128x256xf32, #tpu.memory_space<vmem>>, vector<16xf32>,
            %mul3A_650 = arith.mulf %get3A_649, %gather3A_437 : vector<16xf32>
            %add3A_651 = arith.addf %add3A_640, %mul3A_650 : vector<16xf32>
            %add3A_652 = arith.constant 3 : i32
            %add3A_653 = arith.addi %add3A_392, %add3A_652 : i32
            %get3A_654 = arith.constant 0 : i32
            %get3A_655 = arith.constant 0 : i32
            %get3A_656 = tpu.memref_slice %arg9[%select_n3A_173, %get3A_654, %get3A_655] : memref<2x128x256xf32, #tpu.memory_space<vmem>> -> memref<1x128x256xf32, #tpu.memory_space<vmem>>
            %get3A_657 = tpu.memref_squeeze %get3A_656 : memref<1x128x256xf32, #tpu.memory_space<vmem>> -> memref<128x256xf32, #tpu.memory_space<vmem>>
            %get3A_658 = arith.index_cast %add3A_653 : i32 to index
            %get3A_659 = arith.constant 64 : index
            %get3A_660 = tpu.vector_load %get3A_657[%get3A_658, %get3A_659] {strides = array<i32>} : memref<128x256xf32, #tpu.memory_space<vmem>>, vector<16xf32>,
            %mul3A_661 = arith.mulf %get3A_660, %gather3A_452 : vector<16xf32>
            %add3A_662 = arith.addf %add3A_651, %mul3A_661 : vector<16xf32>
            %get3A_663 = arith.constant 0 : i32
            %get3A_664 = arith.constant 0 : i32
            %get3A_665 = tpu.memref_slice %arg9[%select_n3A_173, %get3A_663, %get3A_664] : memref<2x128x256xf32, #tpu.memory_space<vmem>> -> memref<1x128x256xf32, #tpu.memory_space<vmem>>
            %get3A_666 = tpu.memref_squeeze %get3A_665 : memref<1x128x256xf32, #tpu.memory_space<vmem>> -> memref<128x256xf32, #tpu.memory_space<vmem>>
            %get3A_667 = arith.index_cast %add3A_392 : i32 to index
            %get3A_668 = arith.constant 80 : index
            %get3A_669 = tpu.vector_load %get3A_666[%get3A_667, %get3A_668] {strides = array<i32>} : memref<128x256xf32, #tpu.memory_space<vmem>>, vector<16xf32>,
            %mul3A_670 = arith.mulf %get3A_669, %gather3A_407 : vector<16xf32>
            %add3A_671 = arith.addf %scan3A_379, %mul3A_670 : vector<16xf32>
            %add3A_672 = arith.constant 1 : i32
            %add3A_673 = arith.addi %add3A_392, %add3A_672 : i32
            %get3A_674 = arith.constant 0 : i32
            %get3A_675 = arith.constant 0 : i32
            %get3A_676 = tpu.memref_slice %arg9[%select_n3A_173, %get3A_674, %get3A_675] : memref<2x128x256xf32, #tpu.memory_space<vmem>> -> memref<1x128x256xf32, #tpu.memory_space<vmem>>
            %get3A_677 = tpu.memref_squeeze %get3A_676 : memref<1x128x256xf32, #tpu.memory_space<vmem>> -> memref<128x256xf32, #tpu.memory_space<vmem>>
            %get3A_678 = arith.index_cast %add3A_673 : i32 to index
            %get3A_679 = arith.constant 80 : index
            %get3A_680 = tpu.vector_load %get3A_677[%get3A_678, %get3A_679] {strides = array<i32>} : memref<128x256xf32, #tpu.memory_space<vmem>>, vector<16xf32>,
            %mul3A_681 = arith.mulf %get3A_680, %gather3A_422 : vector<16xf32>
            %add3A_682 = arith.addf %add3A_671, %mul3A_681 : vector<16xf32>
            %add3A_683 = arith.constant 2 : i32
            %add3A_684 = arith.addi %add3A_392, %add3A_683 : i32
            %get3A_685 = arith.constant 0 : i32
            %get3A_686 = arith.constant 0 : i32
            %get3A_687 = tpu.memref_slice %arg9[%select_n3A_173, %get3A_685, %get3A_686] : memref<2x128x256xf32, #tpu.memory_space<vmem>> -> memref<1x128x256xf32, #tpu.memory_space<vmem>>
            %get3A_688 = tpu.memref_squeeze %get3A_687 : memref<1x128x256xf32, #tpu.memory_space<vmem>> -> memref<128x256xf32, #tpu.memory_space<vmem>>
            %get3A_689 = arith.index_cast %add3A_684 : i32 to index
            %get3A_690 = arith.constant 80 : index
            %get3A_691 = tpu.vector_load %get3A_688[%get3A_689, %get3A_690] {strides = array<i32>} : memref<128x256xf32, #tpu.memory_space<vmem>>, vector<16xf32>,
            %mul3A_692 = arith.mulf %get3A_691, %gather3A_437 : vector<16xf32>
            %add3A_693 = arith.addf %add3A_682, %mul3A_692 : vector<16xf32>
            %add3A_694 = arith.constant 3 : i32
            %add3A_695 = arith.addi %add3A_392, %add3A_694 : i32
            %get3A_696 = arith.constant 0 : i32
            %get3A_697 = arith.constant 0 : i32
            %get3A_698 = tpu.memref_slice %arg9[%select_n3A_173, %get3A_696, %get3A_697] : memref<2x128x256xf32, #tpu.memory_space<vmem>> -> memref<1x128x256xf32, #tpu.memory_space<vmem>>
            %get3A_699 = tpu.memref_squeeze %get3A_698 : memref<1x128x256xf32, #tpu.memory_space<vmem>> -> memref<128x256xf32, #tpu.memory_space<vmem>>
            %get3A_700 = arith.index_cast %add3A_695 : i32 to index
            %get3A_701 = arith.constant 80 : index
            %get3A_702 = tpu.vector_load %get3A_699[%get3A_700, %get3A_701] {strides = array<i32>} : memref<128x256xf32, #tpu.memory_space<vmem>>, vector<16xf32>,
            %mul3A_703 = arith.mulf %get3A_702, %gather3A_452 : vector<16xf32>
            %add3A_704 = arith.addf %add3A_693, %mul3A_703 : vector<16xf32>
            %get3A_705 = arith.constant 0 : i32
            %get3A_706 = arith.constant 0 : i32
            %get3A_707 = tpu.memref_slice %arg9[%select_n3A_173, %get3A_705, %get3A_706] : memref<2x128x256xf32, #tpu.memory_space<vmem>> -> memref<1x128x256xf32, #tpu.memory_space<vmem>>
            %get3A_708 = tpu.memref_squeeze %get3A_707 : memref<1x128x256xf32, #tpu.memory_space<vmem>> -> memref<128x256xf32, #tpu.memory_space<vmem>>
            %get3A_709 = arith.index_cast %add3A_392 : i32 to index
            %get3A_710 = arith.constant 96 : index
            %get3A_711 = tpu.vector_load %get3A_708[%get3A_709, %get3A_710] {strides = array<i32>} : memref<128x256xf32, #tpu.memory_space<vmem>>, vector<16xf32>,
            %mul3A_712 = arith.mulf %get3A_711, %gather3A_407 : vector<16xf32>
            %add3A_713 = arith.addf %scan3A_380, %mul3A_712 : vector<16xf32>
            %add3A_714 = arith.constant 1 : i32
            %add3A_715 = arith.addi %add3A_392, %add3A_714 : i32
            %get3A_716 = arith.constant 0 : i32
            %get3A_717 = arith.constant 0 : i32
            %get3A_718 = tpu.memref_slice %arg9[%select_n3A_173, %get3A_716, %get3A_717] : memref<2x128x256xf32, #tpu.memory_space<vmem>> -> memref<1x128x256xf32, #tpu.memory_space<vmem>>
            %get3A_719 = tpu.memref_squeeze %get3A_718 : memref<1x128x256xf32, #tpu.memory_space<vmem>> -> memref<128x256xf32, #tpu.memory_space<vmem>>
            %get3A_720 = arith.index_cast %add3A_715 : i32 to index
            %get3A_721 = arith.constant 96 : index
            %get3A_722 = tpu.vector_load %get3A_719[%get3A_720, %get3A_721] {strides = array<i32>} : memref<128x256xf32, #tpu.memory_space<vmem>>, vector<16xf32>,
            %mul3A_723 = arith.mulf %get3A_722, %gather3A_422 : vector<16xf32>
            %add3A_724 = arith.addf %add3A_713, %mul3A_723 : vector<16xf32>
            %add3A_725 = arith.constant 2 : i32
            %add3A_726 = arith.addi %add3A_392, %add3A_725 : i32
            %get3A_727 = arith.constant 0 : i32
            %get3A_728 = arith.constant 0 : i32
            %get3A_729 = tpu.memref_slice %arg9[%select_n3A_173, %get3A_727, %get3A_728] : memref<2x128x256xf32, #tpu.memory_space<vmem>> -> memref<1x128x256xf32, #tpu.memory_space<vmem>>
            %get3A_730 = tpu.memref_squeeze %get3A_729 : memref<1x128x256xf32, #tpu.memory_space<vmem>> -> memref<128x256xf32, #tpu.memory_space<vmem>>
            %get3A_731 = arith.index_cast %add3A_726 : i32 to index
            %get3A_732 = arith.constant 96 : index
            %get3A_733 = tpu.vector_load %get3A_730[%get3A_731, %get3A_732] {strides = array<i32>} : memref<128x256xf32, #tpu.memory_space<vmem>>, vector<16xf32>,
            %mul3A_734 = arith.mulf %get3A_733, %gather3A_437 : vector<16xf32>
            %add3A_735 = arith.addf %add3A_724, %mul3A_734 : vector<16xf32>
            %add3A_736 = arith.constant 3 : i32
            %add3A_737 = arith.addi %add3A_392, %add3A_736 : i32
            %get3A_738 = arith.constant 0 : i32
            %get3A_739 = arith.constant 0 : i32
            %get3A_740 = tpu.memref_slice %arg9[%select_n3A_173, %get3A_738, %get3A_739] : memref<2x128x256xf32, #tpu.memory_space<vmem>> -> memref<1x128x256xf32, #tpu.memory_space<vmem>>
            %get3A_741 = tpu.memref_squeeze %get3A_740 : memref<1x128x256xf32, #tpu.memory_space<vmem>> -> memref<128x256xf32, #tpu.memory_space<vmem>>
            %get3A_742 = arith.index_cast %add3A_737 : i32 to index
            %get3A_743 = arith.constant 96 : index
            %get3A_744 = tpu.vector_load %get3A_741[%get3A_742, %get3A_743] {strides = array<i32>} : memref<128x256xf32, #tpu.memory_space<vmem>>, vector<16xf32>,
            %mul3A_745 = arith.mulf %get3A_744, %gather3A_452 : vector<16xf32>
            %add3A_746 = arith.addf %add3A_735, %mul3A_745 : vector<16xf32>
            %get3A_747 = arith.constant 0 : i32
            %get3A_748 = arith.constant 0 : i32
            %get3A_749 = tpu.memref_slice %arg9[%select_n3A_173, %get3A_747, %get3A_748] : memref<2x128x256xf32, #tpu.memory_space<vmem>> -> memref<1x128x256xf32, #tpu.memory_space<vmem>>
            %get3A_750 = tpu.memref_squeeze %get3A_749 : memref<1x128x256xf32, #tpu.memory_space<vmem>> -> memref<128x256xf32, #tpu.memory_space<vmem>>
            %get3A_751 = arith.index_cast %add3A_392 : i32 to index
            %get3A_752 = arith.constant 112 : index
            %get3A_753 = tpu.vector_load %get3A_750[%get3A_751, %get3A_752] {strides = array<i32>} : memref<128x256xf32, #tpu.memory_space<vmem>>, vector<16xf32>,
            %mul3A_754 = arith.mulf %get3A_753, %gather3A_407 : vector<16xf32>
            %add3A_755 = arith.addf %scan3A_381, %mul3A_754 : vector<16xf32>
            %add3A_756 = arith.constant 1 : i32
            %add3A_757 = arith.addi %add3A_392, %add3A_756 : i32
            %get3A_758 = arith.constant 0 : i32
            %get3A_759 = arith.constant 0 : i32
            %get3A_760 = tpu.memref_slice %arg9[%select_n3A_173, %get3A_758, %get3A_759] : memref<2x128x256xf32, #tpu.memory_space<vmem>> -> memref<1x128x256xf32, #tpu.memory_space<vmem>>
            %get3A_761 = tpu.memref_squeeze %get3A_760 : memref<1x128x256xf32, #tpu.memory_space<vmem>> -> memref<128x256xf32, #tpu.memory_space<vmem>>
            %get3A_762 = arith.index_cast %add3A_757 : i32 to index
            %get3A_763 = arith.constant 112 : index
            %get3A_764 = tpu.vector_load %get3A_761[%get3A_762, %get3A_763] {strides = array<i32>} : memref<128x256xf32, #tpu.memory_space<vmem>>, vector<16xf32>,
            %mul3A_765 = arith.mulf %get3A_764, %gather3A_422 : vector<16xf32>
            %add3A_766 = arith.addf %add3A_755, %mul3A_765 : vector<16xf32>
            %add3A_767 = arith.constant 2 : i32
            %add3A_768 = arith.addi %add3A_392, %add3A_767 : i32
            %get3A_769 = arith.constant 0 : i32
            %get3A_770 = arith.constant 0 : i32
            %get3A_771 = tpu.memref_slice %arg9[%select_n3A_173, %get3A_769, %get3A_770] : memref<2x128x256xf32, #tpu.memory_space<vmem>> -> memref<1x128x256xf32, #tpu.memory_space<vmem>>
            %get3A_772 = tpu.memref_squeeze %get3A_771 : memref<1x128x256xf32, #tpu.memory_space<vmem>> -> memref<128x256xf32, #tpu.memory_space<vmem>>
            %get3A_773 = arith.index_cast %add3A_768 : i32 to index
            %get3A_774 = arith.constant 112 : index
            %get3A_775 = tpu.vector_load %get3A_772[%get3A_773, %get3A_774] {strides = array<i32>} : memref<128x256xf32, #tpu.memory_space<vmem>>, vector<16xf32>,
            %mul3A_776 = arith.mulf %get3A_775, %gather3A_437 : vector<16xf32>
            %add3A_777 = arith.addf %add3A_766, %mul3A_776 : vector<16xf32>
            %add3A_778 = arith.constant 3 : i32
            %add3A_779 = arith.addi %add3A_392, %add3A_778 : i32
            %get3A_780 = arith.constant 0 : i32
            %get3A_781 = arith.constant 0 : i32
            %get3A_782 = tpu.memref_slice %arg9[%select_n3A_173, %get3A_780, %get3A_781] : memref<2x128x256xf32, #tpu.memory_space<vmem>> -> memref<1x128x256xf32, #tpu.memory_space<vmem>>
            %get3A_783 = tpu.memref_squeeze %get3A_782 : memref<1x128x256xf32, #tpu.memory_space<vmem>> -> memref<128x256xf32, #tpu.memory_space<vmem>>
            %get3A_784 = arith.index_cast %add3A_779 : i32 to index
            %get3A_785 = arith.constant 112 : index
            %get3A_786 = tpu.vector_load %get3A_783[%get3A_784, %get3A_785] {strides = array<i32>} : memref<128x256xf32, #tpu.memory_space<vmem>>, vector<16xf32>,
            %mul3A_787 = arith.mulf %get3A_786, %gather3A_452 : vector<16xf32>
            %add3A_788 = arith.addf %add3A_777, %mul3A_787 : vector<16xf32>
            %get3A_789 = arith.constant 0 : i32
            %get3A_790 = arith.constant 0 : i32
            %get3A_791 = tpu.memref_slice %arg9[%select_n3A_173, %get3A_789, %get3A_790] : memref<2x128x256xf32, #tpu.memory_space<vmem>> -> memref<1x128x256xf32, #tpu.memory_space<vmem>>
            %get3A_792 = tpu.memref_squeeze %get3A_791 : memref<1x128x256xf32, #tpu.memory_space<vmem>> -> memref<128x256xf32, #tpu.memory_space<vmem>>
            %get3A_793 = arith.index_cast %add3A_392 : i32 to index
            %get3A_794 = arith.constant 128 : index
            %get3A_795 = tpu.vector_load %get3A_792[%get3A_793, %get3A_794] {strides = array<i32>} : memref<128x256xf32, #tpu.memory_space<vmem>>, vector<16xf32>,
            %mul3A_796 = arith.mulf %get3A_795, %gather3A_407 : vector<16xf32>
            %add3A_797 = arith.addf %scan3A_382, %mul3A_796 : vector<16xf32>
            %add3A_798 = arith.constant 1 : i32
            %add3A_799 = arith.addi %add3A_392, %add3A_798 : i32
            %get3A_800 = arith.constant 0 : i32
            %get3A_801 = arith.constant 0 : i32
            %get3A_802 = tpu.memref_slice %arg9[%select_n3A_173, %get3A_800, %get3A_801] : memref<2x128x256xf32, #tpu.memory_space<vmem>> -> memref<1x128x256xf32, #tpu.memory_space<vmem>>
            %get3A_803 = tpu.memref_squeeze %get3A_802 : memref<1x128x256xf32, #tpu.memory_space<vmem>> -> memref<128x256xf32, #tpu.memory_space<vmem>>
            %get3A_804 = arith.index_cast %add3A_799 : i32 to index
            %get3A_805 = arith.constant 128 : index
            %get3A_806 = tpu.vector_load %get3A_803[%get3A_804, %get3A_805] {strides = array<i32>} : memref<128x256xf32, #tpu.memory_space<vmem>>, vector<16xf32>,
            %mul3A_807 = arith.mulf %get3A_806, %gather3A_422 : vector<16xf32>
            %add3A_808 = arith.addf %add3A_797, %mul3A_807 : vector<16xf32>
            %add3A_809 = arith.constant 2 : i32
            %add3A_810 = arith.addi %add3A_392, %add3A_809 : i32
            %get3A_811 = arith.constant 0 : i32
            %get3A_812 = arith.constant 0 : i32
            %get3A_813 = tpu.memref_slice %arg9[%select_n3A_173, %get3A_811, %get3A_812] : memref<2x128x256xf32, #tpu.memory_space<vmem>> -> memref<1x128x256xf32, #tpu.memory_space<vmem>>
            %get3A_814 = tpu.memref_squeeze %get3A_813 : memref<1x128x256xf32, #tpu.memory_space<vmem>> -> memref<128x256xf32, #tpu.memory_space<vmem>>
            %get3A_815 = arith.index_cast %add3A_810 : i32 to index
            %get3A_816 = arith.constant 128 : index
            %get3A_817 = tpu.vector_load %get3A_814[%get3A_815, %get3A_816] {strides = array<i32>} : memref<128x256xf32, #tpu.memory_space<vmem>>, vector<16xf32>,
            %mul3A_818 = arith.mulf %get3A_817, %gather3A_437 : vector<16xf32>
            %add3A_819 = arith.addf %add3A_808, %mul3A_818 : vector<16xf32>
            %add3A_820 = arith.constant 3 : i32
            %add3A_821 = arith.addi %add3A_392, %add3A_820 : i32
            %get3A_822 = arith.constant 0 : i32
            %get3A_823 = arith.constant 0 : i32
            %get3A_824 = tpu.memref_slice %arg9[%select_n3A_173, %get3A_822, %get3A_823] : memref<2x128x256xf32, #tpu.memory_space<vmem>> -> memref<1x128x256xf32, #tpu.memory_space<vmem>>
            %get3A_825 = tpu.memref_squeeze %get3A_824 : memref<1x128x256xf32, #tpu.memory_space<vmem>> -> memref<128x256xf32, #tpu.memory_space<vmem>>
            %get3A_826 = arith.index_cast %add3A_821 : i32 to index
            %get3A_827 = arith.constant 128 : index
            %get3A_828 = tpu.vector_load %get3A_825[%get3A_826, %get3A_827] {strides = array<i32>} : memref<128x256xf32, #tpu.memory_space<vmem>>, vector<16xf32>,
            %mul3A_829 = arith.mulf %get3A_828, %gather3A_452 : vector<16xf32>
            %add3A_830 = arith.addf %add3A_819, %mul3A_829 : vector<16xf32>
            %get3A_831 = arith.constant 0 : i32
            %get3A_832 = arith.constant 0 : i32
            %get3A_833 = tpu.memref_slice %arg9[%select_n3A_173, %get3A_831, %get3A_832] : memref<2x128x256xf32, #tpu.memory_space<vmem>> -> memref<1x128x256xf32, #tpu.memory_space<vmem>>
            %get3A_834 = tpu.memref_squeeze %get3A_833 : memref<1x128x256xf32, #tpu.memory_space<vmem>> -> memref<128x256xf32, #tpu.memory_space<vmem>>
            %get3A_835 = arith.index_cast %add3A_392 : i32 to index
            %get3A_836 = arith.constant 144 : index
            %get3A_837 = tpu.vector_load %get3A_834[%get3A_835, %get3A_836] {strides = array<i32>} : memref<128x256xf32, #tpu.memory_space<vmem>>, vector<16xf32>,
            %mul3A_838 = arith.mulf %get3A_837, %gather3A_407 : vector<16xf32>
            %add3A_839 = arith.addf %scan3A_383, %mul3A_838 : vector<16xf32>
            %add3A_840 = arith.constant 1 : i32
            %add3A_841 = arith.addi %add3A_392, %add3A_840 : i32
            %get3A_842 = arith.constant 0 : i32
            %get3A_843 = arith.constant 0 : i32
            %get3A_844 = tpu.memref_slice %arg9[%select_n3A_173, %get3A_842, %get3A_843] : memref<2x128x256xf32, #tpu.memory_space<vmem>> -> memref<1x128x256xf32, #tpu.memory_space<vmem>>
            %get3A_845 = tpu.memref_squeeze %get3A_844 : memref<1x128x256xf32, #tpu.memory_space<vmem>> -> memref<128x256xf32, #tpu.memory_space<vmem>>
            %get3A_846 = arith.index_cast %add3A_841 : i32 to index
            %get3A_847 = arith.constant 144 : index
            %get3A_848 = tpu.vector_load %get3A_845[%get3A_846, %get3A_847] {strides = array<i32>} : memref<128x256xf32, #tpu.memory_space<vmem>>, vector<16xf32>,
            %mul3A_849 = arith.mulf %get3A_848, %gather3A_422 : vector<16xf32>
            %add3A_850 = arith.addf %add3A_839, %mul3A_849 : vector<16xf32>
            %add3A_851 = arith.constant 2 : i32
            %add3A_852 = arith.addi %add3A_392, %add3A_851 : i32
            %get3A_853 = arith.constant 0 : i32
            %get3A_854 = arith.constant 0 : i32
            %get3A_855 = tpu.memref_slice %arg9[%select_n3A_173, %get3A_853, %get3A_854] : memref<2x128x256xf32, #tpu.memory_space<vmem>> -> memref<1x128x256xf32, #tpu.memory_space<vmem>>
            %get3A_856 = tpu.memref_squeeze %get3A_855 : memref<1x128x256xf32, #tpu.memory_space<vmem>> -> memref<128x256xf32, #tpu.memory_space<vmem>>
            %get3A_857 = arith.index_cast %add3A_852 : i32 to index
            %get3A_858 = arith.constant 144 : index
            %get3A_859 = tpu.vector_load %get3A_856[%get3A_857, %get3A_858] {strides = array<i32>} : memref<128x256xf32, #tpu.memory_space<vmem>>, vector<16xf32>,
            %mul3A_860 = arith.mulf %get3A_859, %gather3A_437 : vector<16xf32>
            %add3A_861 = arith.addf %add3A_850, %mul3A_860 : vector<16xf32>
            %add3A_862 = arith.constant 3 : i32
            %add3A_863 = arith.addi %add3A_392, %add3A_862 : i32
            %get3A_864 = arith.constant 0 : i32
            %get3A_865 = arith.constant 0 : i32
            %get3A_866 = tpu.memref_slice %arg9[%select_n3A_173, %get3A_864, %get3A_865] : memref<2x128x256xf32, #tpu.memory_space<vmem>> -> memref<1x128x256xf32, #tpu.memory_space<vmem>>
            %get3A_867 = tpu.memref_squeeze %get3A_866 : memref<1x128x256xf32, #tpu.memory_space<vmem>> -> memref<128x256xf32, #tpu.memory_space<vmem>>
            %get3A_868 = arith.index_cast %add3A_863 : i32 to index
            %get3A_869 = arith.constant 144 : index
            %get3A_870 = tpu.vector_load %get3A_867[%get3A_868, %get3A_869] {strides = array<i32>} : memref<128x256xf32, #tpu.memory_space<vmem>>, vector<16xf32>,
            %mul3A_871 = arith.mulf %get3A_870, %gather3A_452 : vector<16xf32>
            %add3A_872 = arith.addf %add3A_861, %mul3A_871 : vector<16xf32>
            %get3A_873 = arith.constant 0 : i32
            %get3A_874 = arith.constant 0 : i32
            %get3A_875 = tpu.memref_slice %arg9[%select_n3A_173, %get3A_873, %get3A_874] : memref<2x128x256xf32, #tpu.memory_space<vmem>> -> memref<1x128x256xf32, #tpu.memory_space<vmem>>
            %get3A_876 = tpu.memref_squeeze %get3A_875 : memref<1x128x256xf32, #tpu.memory_space<vmem>> -> memref<128x256xf32, #tpu.memory_space<vmem>>
            %get3A_877 = arith.index_cast %add3A_392 : i32 to index
            %get3A_878 = arith.constant 160 : index
            %get3A_879 = tpu.vector_load %get3A_876[%get3A_877, %get3A_878] {strides = array<i32>} : memref<128x256xf32, #tpu.memory_space<vmem>>, vector<16xf32>,
            %mul3A_880 = arith.mulf %get3A_879, %gather3A_407 : vector<16xf32>
            %add3A_881 = arith.addf %scan3A_384, %mul3A_880 : vector<16xf32>
            %add3A_882 = arith.constant 1 : i32
            %add3A_883 = arith.addi %add3A_392, %add3A_882 : i32
            %get3A_884 = arith.constant 0 : i32
            %get3A_885 = arith.constant 0 : i32
            %get3A_886 = tpu.memref_slice %arg9[%select_n3A_173, %get3A_884, %get3A_885] : memref<2x128x256xf32, #tpu.memory_space<vmem>> -> memref<1x128x256xf32, #tpu.memory_space<vmem>>
            %get3A_887 = tpu.memref_squeeze %get3A_886 : memref<1x128x256xf32, #tpu.memory_space<vmem>> -> memref<128x256xf32, #tpu.memory_space<vmem>>
            %get3A_888 = arith.index_cast %add3A_883 : i32 to index
            %get3A_889 = arith.constant 160 : index
            %get3A_890 = tpu.vector_load %get3A_887[%get3A_888, %get3A_889] {strides = array<i32>} : memref<128x256xf32, #tpu.memory_space<vmem>>, vector<16xf32>,
            %mul3A_891 = arith.mulf %get3A_890, %gather3A_422 : vector<16xf32>
            %add3A_892 = arith.addf %add3A_881, %mul3A_891 : vector<16xf32>
            %add3A_893 = arith.constant 2 : i32
            %add3A_894 = arith.addi %add3A_392, %add3A_893 : i32
            %get3A_895 = arith.constant 0 : i32
            %get3A_896 = arith.constant 0 : i32
            %get3A_897 = tpu.memref_slice %arg9[%select_n3A_173, %get3A_895, %get3A_896] : memref<2x128x256xf32, #tpu.memory_space<vmem>> -> memref<1x128x256xf32, #tpu.memory_space<vmem>>
            %get3A_898 = tpu.memref_squeeze %get3A_897 : memref<1x128x256xf32, #tpu.memory_space<vmem>> -> memref<128x256xf32, #tpu.memory_space<vmem>>
            %get3A_899 = arith.index_cast %add3A_894 : i32 to index
            %get3A_900 = arith.constant 160 : index
            %get3A_901 = tpu.vector_load %get3A_898[%get3A_899, %get3A_900] {strides = array<i32>} : memref<128x256xf32, #tpu.memory_space<vmem>>, vector<16xf32>,
            %mul3A_902 = arith.mulf %get3A_901, %gather3A_437 : vector<16xf32>
            %add3A_903 = arith.addf %add3A_892, %mul3A_902 : vector<16xf32>
            %add3A_904 = arith.constant 3 : i32
            %add3A_905 = arith.addi %add3A_392, %add3A_904 : i32
            %get3A_906 = arith.constant 0 : i32
            %get3A_907 = arith.constant 0 : i32
            %get3A_908 = tpu.memref_slice %arg9[%select_n3A_173, %get3A_906, %get3A_907] : memref<2x128x256xf32, #tpu.memory_space<vmem>> -> memref<1x128x256xf32, #tpu.memory_space<vmem>>
            %get3A_909 = tpu.memref_squeeze %get3A_908 : memref<1x128x256xf32, #tpu.memory_space<vmem>> -> memref<128x256xf32, #tpu.memory_space<vmem>>
            %get3A_910 = arith.index_cast %add3A_905 : i32 to index
            %get3A_911 = arith.constant 160 : index
            %get3A_912 = tpu.vector_load %get3A_909[%get3A_910, %get3A_911] {strides = array<i32>} : memref<128x256xf32, #tpu.memory_space<vmem>>, vector<16xf32>,
            %mul3A_913 = arith.mulf %get3A_912, %gather3A_452 : vector<16xf32>
            %add3A_914 = arith.addf %add3A_903, %mul3A_913 : vector<16xf32>
            %get3A_915 = arith.constant 0 : i32
            %get3A_916 = arith.constant 0 : i32
            %get3A_917 = tpu.memref_slice %arg9[%select_n3A_173, %get3A_915, %get3A_916] : memref<2x128x256xf32, #tpu.memory_space<vmem>> -> memref<1x128x256xf32, #tpu.memory_space<vmem>>
            %get3A_918 = tpu.memref_squeeze %get3A_917 : memref<1x128x256xf32, #tpu.memory_space<vmem>> -> memref<128x256xf32, #tpu.memory_space<vmem>>
            %get3A_919 = arith.index_cast %add3A_392 : i32 to index
            %get3A_920 = arith.constant 176 : index
            %get3A_921 = tpu.vector_load %get3A_918[%get3A_919, %get3A_920] {strides = array<i32>} : memref<128x256xf32, #tpu.memory_space<vmem>>, vector<16xf32>,
            %mul3A_922 = arith.mulf %get3A_921, %gather3A_407 : vector<16xf32>
            %add3A_923 = arith.addf %scan3A_385, %mul3A_922 : vector<16xf32>
            %add3A_924 = arith.constant 1 : i32
            %add3A_925 = arith.addi %add3A_392, %add3A_924 : i32
            %get3A_926 = arith.constant 0 : i32
            %get3A_927 = arith.constant 0 : i32
            %get3A_928 = tpu.memref_slice %arg9[%select_n3A_173, %get3A_926, %get3A_927] : memref<2x128x256xf32, #tpu.memory_space<vmem>> -> memref<1x128x256xf32, #tpu.memory_space<vmem>>
            %get3A_929 = tpu.memref_squeeze %get3A_928 : memref<1x128x256xf32, #tpu.memory_space<vmem>> -> memref<128x256xf32, #tpu.memory_space<vmem>>
            %get3A_930 = arith.index_cast %add3A_925 : i32 to index
            %get3A_931 = arith.constant 176 : index
            %get3A_932 = tpu.vector_load %get3A_929[%get3A_930, %get3A_931] {strides = array<i32>} : memref<128x256xf32, #tpu.memory_space<vmem>>, vector<16xf32>,
            %mul3A_933 = arith.mulf %get3A_932, %gather3A_422 : vector<16xf32>
            %add3A_934 = arith.addf %add3A_923, %mul3A_933 : vector<16xf32>
            %add3A_935 = arith.constant 2 : i32
            %add3A_936 = arith.addi %add3A_392, %add3A_935 : i32
            %get3A_937 = arith.constant 0 : i32
            %get3A_938 = arith.constant 0 : i32
            %get3A_939 = tpu.memref_slice %arg9[%select_n3A_173, %get3A_937, %get3A_938] : memref<2x128x256xf32, #tpu.memory_space<vmem>> -> memref<1x128x256xf32, #tpu.memory_space<vmem>>
            %get3A_940 = tpu.memref_squeeze %get3A_939 : memref<1x128x256xf32, #tpu.memory_space<vmem>> -> memref<128x256xf32, #tpu.memory_space<vmem>>
            %get3A_941 = arith.index_cast %add3A_936 : i32 to index
            %get3A_942 = arith.constant 176 : index
            %get3A_943 = tpu.vector_load %get3A_940[%get3A_941, %get3A_942] {strides = array<i32>} : memref<128x256xf32, #tpu.memory_space<vmem>>, vector<16xf32>,
            %mul3A_944 = arith.mulf %get3A_943, %gather3A_437 : vector<16xf32>
            %add3A_945 = arith.addf %add3A_934, %mul3A_944 : vector<16xf32>
            %add3A_946 = arith.constant 3 : i32
            %add3A_947 = arith.addi %add3A_392, %add3A_946 : i32
            %get3A_948 = arith.constant 0 : i32
            %get3A_949 = arith.constant 0 : i32
            %get3A_950 = tpu.memref_slice %arg9[%select_n3A_173, %get3A_948, %get3A_949] : memref<2x128x256xf32, #tpu.memory_space<vmem>> -> memref<1x128x256xf32, #tpu.memory_space<vmem>>
            %get3A_951 = tpu.memref_squeeze %get3A_950 : memref<1x128x256xf32, #tpu.memory_space<vmem>> -> memref<128x256xf32, #tpu.memory_space<vmem>>
            %get3A_952 = arith.index_cast %add3A_947 : i32 to index
            %get3A_953 = arith.constant 176 : index
            %get3A_954 = tpu.vector_load %get3A_951[%get3A_952, %get3A_953] {strides = array<i32>} : memref<128x256xf32, #tpu.memory_space<vmem>>, vector<16xf32>,
            %mul3A_955 = arith.mulf %get3A_954, %gather3A_452 : vector<16xf32>
            %add3A_956 = arith.addf %add3A_945, %mul3A_955 : vector<16xf32>
            %get3A_957 = arith.constant 0 : i32
            %get3A_958 = arith.constant 0 : i32
            %get3A_959 = tpu.memref_slice %arg9[%select_n3A_173, %get3A_957, %get3A_958] : memref<2x128x256xf32, #tpu.memory_space<vmem>> -> memref<1x128x256xf32, #tpu.memory_space<vmem>>
            %get3A_960 = tpu.memref_squeeze %get3A_959 : memref<1x128x256xf32, #tpu.memory_space<vmem>> -> memref<128x256xf32, #tpu.memory_space<vmem>>
            %get3A_961 = arith.index_cast %add3A_392 : i32 to index
            %get3A_962 = arith.constant 192 : index
            %get3A_963 = tpu.vector_load %get3A_960[%get3A_961, %get3A_962] {strides = array<i32>} : memref<128x256xf32, #tpu.memory_space<vmem>>, vector<16xf32>,
            %mul3A_964 = arith.mulf %get3A_963, %gather3A_407 : vector<16xf32>
            %add3A_965 = arith.addf %scan3A_386, %mul3A_964 : vector<16xf32>
            %add3A_966 = arith.constant 1 : i32
            %add3A_967 = arith.addi %add3A_392, %add3A_966 : i32
            %get3A_968 = arith.constant 0 : i32
            %get3A_969 = arith.constant 0 : i32
            %get3A_970 = tpu.memref_slice %arg9[%select_n3A_173, %get3A_968, %get3A_969] : memref<2x128x256xf32, #tpu.memory_space<vmem>> -> memref<1x128x256xf32, #tpu.memory_space<vmem>>
            %get3A_971 = tpu.memref_squeeze %get3A_970 : memref<1x128x256xf32, #tpu.memory_space<vmem>> -> memref<128x256xf32, #tpu.memory_space<vmem>>
            %get3A_972 = arith.index_cast %add3A_967 : i32 to index
            %get3A_973 = arith.constant 192 : index
            %get3A_974 = tpu.vector_load %get3A_971[%get3A_972, %get3A_973] {strides = array<i32>} : memref<128x256xf32, #tpu.memory_space<vmem>>, vector<16xf32>,
            %mul3A_975 = arith.mulf %get3A_974, %gather3A_422 : vector<16xf32>
            %add3A_976 = arith.addf %add3A_965, %mul3A_975 : vector<16xf32>
            %add3A_977 = arith.constant 2 : i32
            %add3A_978 = arith.addi %add3A_392, %add3A_977 : i32
            %get3A_979 = arith.constant 0 : i32
            %get3A_980 = arith.constant 0 : i32
            %get3A_981 = tpu.memref_slice %arg9[%select_n3A_173, %get3A_979, %get3A_980] : memref<2x128x256xf32, #tpu.memory_space<vmem>> -> memref<1x128x256xf32, #tpu.memory_space<vmem>>
            %get3A_982 = tpu.memref_squeeze %get3A_981 : memref<1x128x256xf32, #tpu.memory_space<vmem>> -> memref<128x256xf32, #tpu.memory_space<vmem>>
            %get3A_983 = arith.index_cast %add3A_978 : i32 to index
            %get3A_984 = arith.constant 192 : index
            %get3A_985 = tpu.vector_load %get3A_982[%get3A_983, %get3A_984] {strides = array<i32>} : memref<128x256xf32, #tpu.memory_space<vmem>>, vector<16xf32>,
            %mul3A_986 = arith.mulf %get3A_985, %gather3A_437 : vector<16xf32>
            %add3A_987 = arith.addf %add3A_976, %mul3A_986 : vector<16xf32>
            %add3A_988 = arith.constant 3 : i32
            %add3A_989 = arith.addi %add3A_392, %add3A_988 : i32
            %get3A_990 = arith.constant 0 : i32
            %get3A_991 = arith.constant 0 : i32
            %get3A_992 = tpu.memref_slice %arg9[%select_n3A_173, %get3A_990, %get3A_991] : memref<2x128x256xf32, #tpu.memory_space<vmem>> -> memref<1x128x256xf32, #tpu.memory_space<vmem>>
            %get3A_993 = tpu.memref_squeeze %get3A_992 : memref<1x128x256xf32, #tpu.memory_space<vmem>> -> memref<128x256xf32, #tpu.memory_space<vmem>>
            %get3A_994 = arith.index_cast %add3A_989 : i32 to index
            %get3A_995 = arith.constant 192 : index
            %get3A_996 = tpu.vector_load %get3A_993[%get3A_994, %get3A_995] {strides = array<i32>} : memref<128x256xf32, #tpu.memory_space<vmem>>, vector<16xf32>,
            %mul3A_997 = arith.mulf %get3A_996, %gather3A_452 : vector<16xf32>
            %add3A_998 = arith.addf %add3A_987, %mul3A_997 : vector<16xf32>
            %get3A_999 = arith.constant 0 : i32
            %get3A_1000 = arith.constant 0 : i32
            %get3A_1001 = tpu.memref_slice %arg9[%select_n3A_173, %get3A_999, %get3A_1000] : memref<2x128x256xf32, #tpu.memory_space<vmem>> -> memref<1x128x256xf32, #tpu.memory_space<vmem>>
            %get3A_1002 = tpu.memref_squeeze %get3A_1001 : memref<1x128x256xf32, #tpu.memory_space<vmem>> -> memref<128x256xf32, #tpu.memory_space<vmem>>
            %get3A_1003 = arith.index_cast %add3A_392 : i32 to index
            %get3A_1004 = arith.constant 208 : index
            %get3A_1005 = tpu.vector_load %get3A_1002[%get3A_1003, %get3A_1004] {strides = array<i32>} : memref<128x256xf32, #tpu.memory_space<vmem>>, vector<16xf32>,
            %mul3A_1006 = arith.mulf %get3A_1005, %gather3A_407 : vector<16xf32>
            %add3A_1007 = arith.addf %scan3A_387, %mul3A_1006 : vector<16xf32>
            %add3A_1008 = arith.constant 1 : i32
            %add3A_1009 = arith.addi %add3A_392, %add3A_1008 : i32
            %get3A_1010 = arith.constant 0 : i32
            %get3A_1011 = arith.constant 0 : i32
            %get3A_1012 = tpu.memref_slice %arg9[%select_n3A_173, %get3A_1010, %get3A_1011] : memref<2x128x256xf32, #tpu.memory_space<vmem>> -> memref<1x128x256xf32, #tpu.memory_space<vmem>>
            %get3A_1013 = tpu.memref_squeeze %get3A_1012 : memref<1x128x256xf32, #tpu.memory_space<vmem>> -> memref<128x256xf32, #tpu.memory_space<vmem>>
            %get3A_1014 = arith.index_cast %add3A_1009 : i32 to index
            %get3A_1015 = arith.constant 208 : index
            %get3A_1016 = tpu.vector_load %get3A_1013[%get3A_1014, %get3A_1015] {strides = array<i32>} : memref<128x256xf32, #tpu.memory_space<vmem>>, vector<16xf32>,
            %mul3A_1017 = arith.mulf %get3A_1016, %gather3A_422 : vector<16xf32>
            %add3A_1018 = arith.addf %add3A_1007, %mul3A_1017 : vector<16xf32>
            %add3A_1019 = arith.constant 2 : i32
            %add3A_1020 = arith.addi %add3A_392, %add3A_1019 : i32
            %get3A_1021 = arith.constant 0 : i32
            %get3A_1022 = arith.constant 0 : i32
            %get3A_1023 = tpu.memref_slice %arg9[%select_n3A_173, %get3A_1021, %get3A_1022] : memref<2x128x256xf32, #tpu.memory_space<vmem>> -> memref<1x128x256xf32, #tpu.memory_space<vmem>>
            %get3A_1024 = tpu.memref_squeeze %get3A_1023 : memref<1x128x256xf32, #tpu.memory_space<vmem>> -> memref<128x256xf32, #tpu.memory_space<vmem>>
            %get3A_1025 = arith.index_cast %add3A_1020 : i32 to index
            %get3A_1026 = arith.constant 208 : index
            %get3A_1027 = tpu.vector_load %get3A_1024[%get3A_1025, %get3A_1026] {strides = array<i32>} : memref<128x256xf32, #tpu.memory_space<vmem>>, vector<16xf32>,
            %mul3A_1028 = arith.mulf %get3A_1027, %gather3A_437 : vector<16xf32>
            %add3A_1029 = arith.addf %add3A_1018, %mul3A_1028 : vector<16xf32>
            %add3A_1030 = arith.constant 3 : i32
            %add3A_1031 = arith.addi %add3A_392, %add3A_1030 : i32
            %get3A_1032 = arith.constant 0 : i32
            %get3A_1033 = arith.constant 0 : i32
            %get3A_1034 = tpu.memref_slice %arg9[%select_n3A_173, %get3A_1032, %get3A_1033] : memref<2x128x256xf32, #tpu.memory_space<vmem>> -> memref<1x128x256xf32, #tpu.memory_space<vmem>>
            %get3A_1035 = tpu.memref_squeeze %get3A_1034 : memref<1x128x256xf32, #tpu.memory_space<vmem>> -> memref<128x256xf32, #tpu.memory_space<vmem>>
            %get3A_1036 = arith.index_cast %add3A_1031 : i32 to index
            %get3A_1037 = arith.constant 208 : index
            %get3A_1038 = tpu.vector_load %get3A_1035[%get3A_1036, %get3A_1037] {strides = array<i32>} : memref<128x256xf32, #tpu.memory_space<vmem>>, vector<16xf32>,
            %mul3A_1039 = arith.mulf %get3A_1038, %gather3A_452 : vector<16xf32>
            %add3A_1040 = arith.addf %add3A_1029, %mul3A_1039 : vector<16xf32>
            %get3A_1041 = arith.constant 0 : i32
            %get3A_1042 = arith.constant 0 : i32
            %get3A_1043 = tpu.memref_slice %arg9[%select_n3A_173, %get3A_1041, %get3A_1042] : memref<2x128x256xf32, #tpu.memory_space<vmem>> -> memref<1x128x256xf32, #tpu.memory_space<vmem>>
            %get3A_1044 = tpu.memref_squeeze %get3A_1043 : memref<1x128x256xf32, #tpu.memory_space<vmem>> -> memref<128x256xf32, #tpu.memory_space<vmem>>
            %get3A_1045 = arith.index_cast %add3A_392 : i32 to index
            %get3A_1046 = arith.constant 224 : index
            %get3A_1047 = tpu.vector_load %get3A_1044[%get3A_1045, %get3A_1046] {strides = array<i32>} : memref<128x256xf32, #tpu.memory_space<vmem>>, vector<16xf32>,
            %mul3A_1048 = arith.mulf %get3A_1047, %gather3A_407 : vector<16xf32>
            %add3A_1049 = arith.addf %scan3A_388, %mul3A_1048 : vector<16xf32>
            %add3A_1050 = arith.constant 1 : i32
            %add3A_1051 = arith.addi %add3A_392, %add3A_1050 : i32
            %get3A_1052 = arith.constant 0 : i32
            %get3A_1053 = arith.constant 0 : i32
            %get3A_1054 = tpu.memref_slice %arg9[%select_n3A_173, %get3A_1052, %get3A_1053] : memref<2x128x256xf32, #tpu.memory_space<vmem>> -> memref<1x128x256xf32, #tpu.memory_space<vmem>>
            %get3A_1055 = tpu.memref_squeeze %get3A_1054 : memref<1x128x256xf32, #tpu.memory_space<vmem>> -> memref<128x256xf32, #tpu.memory_space<vmem>>
            %get3A_1056 = arith.index_cast %add3A_1051 : i32 to index
            %get3A_1057 = arith.constant 224 : index
            %get3A_1058 = tpu.vector_load %get3A_1055[%get3A_1056, %get3A_1057] {strides = array<i32>} : memref<128x256xf32, #tpu.memory_space<vmem>>, vector<16xf32>,
            %mul3A_1059 = arith.mulf %get3A_1058, %gather3A_422 : vector<16xf32>
            %add3A_1060 = arith.addf %add3A_1049, %mul3A_1059 : vector<16xf32>
            %add3A_1061 = arith.constant 2 : i32
            %add3A_1062 = arith.addi %add3A_392, %add3A_1061 : i32
            %get3A_1063 = arith.constant 0 : i32
            %get3A_1064 = arith.constant 0 : i32
            %get3A_1065 = tpu.memref_slice %arg9[%select_n3A_173, %get3A_1063, %get3A_1064] : memref<2x128x256xf32, #tpu.memory_space<vmem>> -> memref<1x128x256xf32, #tpu.memory_space<vmem>>
            %get3A_1066 = tpu.memref_squeeze %get3A_1065 : memref<1x128x256xf32, #tpu.memory_space<vmem>> -> memref<128x256xf32, #tpu.memory_space<vmem>>
            %get3A_1067 = arith.index_cast %add3A_1062 : i32 to index
            %get3A_1068 = arith.constant 224 : index
            %get3A_1069 = tpu.vector_load %get3A_1066[%get3A_1067, %get3A_1068] {strides = array<i32>} : memref<128x256xf32, #tpu.memory_space<vmem>>, vector<16xf32>,
            %mul3A_1070 = arith.mulf %get3A_1069, %gather3A_437 : vector<16xf32>
            %add3A_1071 = arith.addf %add3A_1060, %mul3A_1070 : vector<16xf32>
            %add3A_1072 = arith.constant 3 : i32
            %add3A_1073 = arith.addi %add3A_392, %add3A_1072 : i32
            %get3A_1074 = arith.constant 0 : i32
            %get3A_1075 = arith.constant 0 : i32
            %get3A_1076 = tpu.memref_slice %arg9[%select_n3A_173, %get3A_1074, %get3A_1075] : memref<2x128x256xf32, #tpu.memory_space<vmem>> -> memref<1x128x256xf32, #tpu.memory_space<vmem>>
            %get3A_1077 = tpu.memref_squeeze %get3A_1076 : memref<1x128x256xf32, #tpu.memory_space<vmem>> -> memref<128x256xf32, #tpu.memory_space<vmem>>
            %get3A_1078 = arith.index_cast %add3A_1073 : i32 to index
            %get3A_1079 = arith.constant 224 : index
            %get3A_1080 = tpu.vector_load %get3A_1077[%get3A_1078, %get3A_1079] {strides = array<i32>} : memref<128x256xf32, #tpu.memory_space<vmem>>, vector<16xf32>,
            %mul3A_1081 = arith.mulf %get3A_1080, %gather3A_452 : vector<16xf32>
            %add3A_1082 = arith.addf %add3A_1071, %mul3A_1081 : vector<16xf32>
            %get3A_1083 = arith.constant 0 : i32
            %get3A_1084 = arith.constant 0 : i32
            %get3A_1085 = tpu.memref_slice %arg9[%select_n3A_173, %get3A_1083, %get3A_1084] : memref<2x128x256xf32, #tpu.memory_space<vmem>> -> memref<1x128x256xf32, #tpu.memory_space<vmem>>
            %get3A_1086 = tpu.memref_squeeze %get3A_1085 : memref<1x128x256xf32, #tpu.memory_space<vmem>> -> memref<128x256xf32, #tpu.memory_space<vmem>>
            %get3A_1087 = arith.index_cast %add3A_392 : i32 to index
            %get3A_1088 = arith.constant 240 : index
            %get3A_1089 = tpu.vector_load %get3A_1086[%get3A_1087, %get3A_1088] {strides = array<i32>} : memref<128x256xf32, #tpu.memory_space<vmem>>, vector<16xf32>,
            %mul3A_1090 = arith.mulf %get3A_1089, %gather3A_407 : vector<16xf32>
            %add3A_1091 = arith.addf %scan3A_389, %mul3A_1090 : vector<16xf32>
            %add3A_1092 = arith.constant 1 : i32
            %add3A_1093 = arith.addi %add3A_392, %add3A_1092 : i32
            %get3A_1094 = arith.constant 0 : i32
            %get3A_1095 = arith.constant 0 : i32
            %get3A_1096 = tpu.memref_slice %arg9[%select_n3A_173, %get3A_1094, %get3A_1095] : memref<2x128x256xf32, #tpu.memory_space<vmem>> -> memref<1x128x256xf32, #tpu.memory_space<vmem>>
            %get3A_1097 = tpu.memref_squeeze %get3A_1096 : memref<1x128x256xf32, #tpu.memory_space<vmem>> -> memref<128x256xf32, #tpu.memory_space<vmem>>
            %get3A_1098 = arith.index_cast %add3A_1093 : i32 to index
            %get3A_1099 = arith.constant 240 : index
            %get3A_1100 = tpu.vector_load %get3A_1097[%get3A_1098, %get3A_1099] {strides = array<i32>} : memref<128x256xf32, #tpu.memory_space<vmem>>, vector<16xf32>,
            %mul3A_1101 = arith.mulf %get3A_1100, %gather3A_422 : vector<16xf32>
            %add3A_1102 = arith.addf %add3A_1091, %mul3A_1101 : vector<16xf32>
            %add3A_1103 = arith.constant 2 : i32
            %add3A_1104 = arith.addi %add3A_392, %add3A_1103 : i32
            %get3A_1105 = arith.constant 0 : i32
            %get3A_1106 = arith.constant 0 : i32
            %get3A_1107 = tpu.memref_slice %arg9[%select_n3A_173, %get3A_1105, %get3A_1106] : memref<2x128x256xf32, #tpu.memory_space<vmem>> -> memref<1x128x256xf32, #tpu.memory_space<vmem>>
            %get3A_1108 = tpu.memref_squeeze %get3A_1107 : memref<1x128x256xf32, #tpu.memory_space<vmem>> -> memref<128x256xf32, #tpu.memory_space<vmem>>
            %get3A_1109 = arith.index_cast %add3A_1104 : i32 to index
            %get3A_1110 = arith.constant 240 : index
            %get3A_1111 = tpu.vector_load %get3A_1108[%get3A_1109, %get3A_1110] {strides = array<i32>} : memref<128x256xf32, #tpu.memory_space<vmem>>, vector<16xf32>,
            %mul3A_1112 = arith.mulf %get3A_1111, %gather3A_437 : vector<16xf32>
            %add3A_1113 = arith.addf %add3A_1102, %mul3A_1112 : vector<16xf32>
            %add3A_1114 = arith.constant 3 : i32
            %add3A_1115 = arith.addi %add3A_392, %add3A_1114 : i32
            %get3A_1116 = arith.constant 0 : i32
            %get3A_1117 = arith.constant 0 : i32
            %get3A_1118 = tpu.memref_slice %arg9[%select_n3A_173, %get3A_1116, %get3A_1117] : memref<2x128x256xf32, #tpu.memory_space<vmem>> -> memref<1x128x256xf32, #tpu.memory_space<vmem>>
            %get3A_1119 = tpu.memref_squeeze %get3A_1118 : memref<1x128x256xf32, #tpu.memory_space<vmem>> -> memref<128x256xf32, #tpu.memory_space<vmem>>
            %get3A_1120 = arith.index_cast %add3A_1115 : i32 to index
            %get3A_1121 = arith.constant 240 : index
            %get3A_1122 = tpu.vector_load %get3A_1119[%get3A_1120, %get3A_1121] {strides = array<i32>} : memref<128x256xf32, #tpu.memory_space<vmem>>, vector<16xf32>,
            %mul3A_1123 = arith.mulf %get3A_1122, %gather3A_452 : vector<16xf32>
            %add3A_1124 = arith.addf %add3A_1113, %mul3A_1123 : vector<16xf32>
            scf.yield %add3A_494, %add3A_536, %add3A_578, %add3A_620, %add3A_662, %add3A_704, %add3A_746, %add3A_788, %add3A_830, %add3A_872, %add3A_914, %add3A_956, %add3A_998, %add3A_1040, %add3A_1082, %add3A_1124 : vector<16xf32>, vector<16xf32>, vector<16xf32>, vector<16xf32>, vector<16xf32>, vector<16xf32>, vector<16xf32>, vector<16xf32>, vector<16xf32>, vector<16xf32>, vector<16xf32>, vector<16xf32>, vector<16xf32>, vector<16xf32>, vector<16xf32>, vector<16xf32>
          }
          %scan3A_287 = arith.constant 4 : i32
          %get3A_288 = arith.constant 0 : index
          %get3A_289 = tpu.vector_load %arg19[%get3A_288] {strides = array<i32>} : memref<256xf32, #tpu.memory_space<vmem>>, vector<16xf32>,
          %add3A_290 = arith.addf %get3A_289, %scan3A_286#0 : vector<16xf32>
          %swap3A_291 = arith.constant 0 : index
          %swap3A_292 = tpu.vector_load %arg19[%swap3A_291] {strides = array<i32>} : memref<256xf32, #tpu.memory_space<vmem>>, vector<16xf32>,
          tpu.vector_store %arg19[%swap3A_291], %add3A_290 {strides = array<i32>} : memref<256xf32, #tpu.memory_space<vmem>>, vector<16xf32>,
          %get3A_293 = arith.constant 16 : index
          %get3A_294 = tpu.vector_load %arg19[%get3A_293] {strides = array<i32>} : memref<256xf32, #tpu.memory_space<vmem>>, vector<16xf32>,
          %add3A_295 = arith.addf %get3A_294, %scan3A_286#1 : vector<16xf32>
          %swap3A_296 = arith.constant 16 : index
          %swap3A_297 = tpu.vector_load %arg19[%swap3A_296] {strides = array<i32>} : memref<256xf32, #tpu.memory_space<vmem>>, vector<16xf32>,
          tpu.vector_store %arg19[%swap3A_296], %add3A_295 {strides = array<i32>} : memref<256xf32, #tpu.memory_space<vmem>>, vector<16xf32>,
          %get3A_298 = arith.constant 32 : index
          %get3A_299 = tpu.vector_load %arg19[%get3A_298] {strides = array<i32>} : memref<256xf32, #tpu.memory_space<vmem>>, vector<16xf32>,
          %add3A_300 = arith.addf %get3A_299, %scan3A_286#2 : vector<16xf32>
          %swap3A_301 = arith.constant 32 : index
          %swap3A_302 = tpu.vector_load %arg19[%swap3A_301] {strides = array<i32>} : memref<256xf32, #tpu.memory_space<vmem>>, vector<16xf32>,
          tpu.vector_store %arg19[%swap3A_301], %add3A_300 {strides = array<i32>} : memref<256xf32, #tpu.memory_space<vmem>>, vector<16xf32>,
          %get3A_303 = arith.constant 48 : index
          %get3A_304 = tpu.vector_load %arg19[%get3A_303] {strides = array<i32>} : memref<256xf32, #tpu.memory_space<vmem>>, vector<16xf32>,
          %add3A_305 = arith.addf %get3A_304, %scan3A_286#3 : vector<16xf32>
          %swap3A_306 = arith.constant 48 : index
          %swap3A_307 = tpu.vector_load %arg19[%swap3A_306] {strides = array<i32>} : memref<256xf32, #tpu.memory_space<vmem>>, vector<16xf32>,
          tpu.vector_store %arg19[%swap3A_306], %add3A_305 {strides = array<i32>} : memref<256xf32, #tpu.memory_space<vmem>>, vector<16xf32>,
          %get3A_308 = arith.constant 64 : index
          %get3A_309 = tpu.vector_load %arg19[%get3A_308] {strides = array<i32>} : memref<256xf32, #tpu.memory_space<vmem>>, vector<16xf32>,
          %add3A_310 = arith.addf %get3A_309, %scan3A_286#4 : vector<16xf32>
          %swap3A_311 = arith.constant 64 : index
          %swap3A_312 = tpu.vector_load %arg19[%swap3A_311] {strides = array<i32>} : memref<256xf32, #tpu.memory_space<vmem>>, vector<16xf32>,
          tpu.vector_store %arg19[%swap3A_311], %add3A_310 {strides = array<i32>} : memref<256xf32, #tpu.memory_space<vmem>>, vector<16xf32>,
          %get3A_313 = arith.constant 80 : index
          %get3A_314 = tpu.vector_load %arg19[%get3A_313] {strides = array<i32>} : memref<256xf32, #tpu.memory_space<vmem>>, vector<16xf32>,
          %add3A_315 = arith.addf %get3A_314, %scan3A_286#5 : vector<16xf32>
          %swap3A_316 = arith.constant 80 : index
          %swap3A_317 = tpu.vector_load %arg19[%swap3A_316] {strides = array<i32>} : memref<256xf32, #tpu.memory_space<vmem>>, vector<16xf32>,
          tpu.vector_store %arg19[%swap3A_316], %add3A_315 {strides = array<i32>} : memref<256xf32, #tpu.memory_space<vmem>>, vector<16xf32>,
          %get3A_318 = arith.constant 96 : index
          %get3A_319 = tpu.vector_load %arg19[%get3A_318] {strides = array<i32>} : memref<256xf32, #tpu.memory_space<vmem>>, vector<16xf32>,
          %add3A_320 = arith.addf %get3A_319, %scan3A_286#6 : vector<16xf32>
          %swap3A_321 = arith.constant 96 : index
          %swap3A_322 = tpu.vector_load %arg19[%swap3A_321] {strides = array<i32>} : memref<256xf32, #tpu.memory_space<vmem>>, vector<16xf32>,
          tpu.vector_store %arg19[%swap3A_321], %add3A_320 {strides = array<i32>} : memref<256xf32, #tpu.memory_space<vmem>>, vector<16xf32>,
          %get3A_323 = arith.constant 112 : index
          %get3A_324 = tpu.vector_load %arg19[%get3A_323] {strides = array<i32>} : memref<256xf32, #tpu.memory_space<vmem>>, vector<16xf32>,
          %add3A_325 = arith.addf %get3A_324, %scan3A_286#7 : vector<16xf32>
          %swap3A_326 = arith.constant 112 : index
          %swap3A_327 = tpu.vector_load %arg19[%swap3A_326] {strides = array<i32>} : memref<256xf32, #tpu.memory_space<vmem>>, vector<16xf32>,
          tpu.vector_store %arg19[%swap3A_326], %add3A_325 {strides = array<i32>} : memref<256xf32, #tpu.memory_space<vmem>>, vector<16xf32>,
          %get3A_328 = arith.constant 128 : index
          %get3A_329 = tpu.vector_load %arg19[%get3A_328] {strides = array<i32>} : memref<256xf32, #tpu.memory_space<vmem>>, vector<16xf32>,
          %add3A_330 = arith.addf %get3A_329, %scan3A_286#8 : vector<16xf32>
          %swap3A_331 = arith.constant 128 : index
          %swap3A_332 = tpu.vector_load %arg19[%swap3A_331] {strides = array<i32>} : memref<256xf32, #tpu.memory_space<vmem>>, vector<16xf32>,
          tpu.vector_store %arg19[%swap3A_331], %add3A_330 {strides = array<i32>} : memref<256xf32, #tpu.memory_space<vmem>>, vector<16xf32>,
          %get3A_333 = arith.constant 144 : index
          %get3A_334 = tpu.vector_load %arg19[%get3A_333] {strides = array<i32>} : memref<256xf32, #tpu.memory_space<vmem>>, vector<16xf32>,
          %add3A_335 = arith.addf %get3A_334, %scan3A_286#9 : vector<16xf32>
          %swap3A_336 = arith.constant 144 : index
          %swap3A_337 = tpu.vector_load %arg19[%swap3A_336] {strides = array<i32>} : memref<256xf32, #tpu.memory_space<vmem>>, vector<16xf32>,
          tpu.vector_store %arg19[%swap3A_336], %add3A_335 {strides = array<i32>} : memref<256xf32, #tpu.memory_space<vmem>>, vector<16xf32>,
          %get3A_338 = arith.constant 160 : index
          %get3A_339 = tpu.vector_load %arg19[%get3A_338] {strides = array<i32>} : memref<256xf32, #tpu.memory_space<vmem>>, vector<16xf32>,
          %add3A_340 = arith.addf %get3A_339, %scan3A_286#10 : vector<16xf32>
          %swap3A_341 = arith.constant 160 : index
          %swap3A_342 = tpu.vector_load %arg19[%swap3A_341] {strides = array<i32>} : memref<256xf32, #tpu.memory_space<vmem>>, vector<16xf32>,
          tpu.vector_store %arg19[%swap3A_341], %add3A_340 {strides = array<i32>} : memref<256xf32, #tpu.memory_space<vmem>>, vector<16xf32>,
          %get3A_343 = arith.constant 176 : index
          %get3A_344 = tpu.vector_load %arg19[%get3A_343] {strides = array<i32>} : memref<256xf32, #tpu.memory_space<vmem>>, vector<16xf32>,
          %add3A_345 = arith.addf %get3A_344, %scan3A_286#11 : vector<16xf32>
          %swap3A_346 = arith.constant 176 : index
          %swap3A_347 = tpu.vector_load %arg19[%swap3A_346] {strides = array<i32>} : memref<256xf32, #tpu.memory_space<vmem>>, vector<16xf32>,
          tpu.vector_store %arg19[%swap3A_346], %add3A_345 {strides = array<i32>} : memref<256xf32, #tpu.memory_space<vmem>>, vector<16xf32>,
          %get3A_348 = arith.constant 192 : index
          %get3A_349 = tpu.vector_load %arg19[%get3A_348] {strides = array<i32>} : memref<256xf32, #tpu.memory_space<vmem>>, vector<16xf32>,
          %add3A_350 = arith.addf %get3A_349, %scan3A_286#12 : vector<16xf32>
          %swap3A_351 = arith.constant 192 : index
          %swap3A_352 = tpu.vector_load %arg19[%swap3A_351] {strides = array<i32>} : memref<256xf32, #tpu.memory_space<vmem>>, vector<16xf32>,
          tpu.vector_store %arg19[%swap3A_351], %add3A_350 {strides = array<i32>} : memref<256xf32, #tpu.memory_space<vmem>>, vector<16xf32>,
          %get3A_353 = arith.constant 208 : index
          %get3A_354 = tpu.vector_load %arg19[%get3A_353] {strides = array<i32>} : memref<256xf32, #tpu.memory_space<vmem>>, vector<16xf32>,
          %add3A_355 = arith.addf %get3A_354, %scan3A_286#13 : vector<16xf32>
          %swap3A_356 = arith.constant 208 : index
          %swap3A_357 = tpu.vector_load %arg19[%swap3A_356] {strides = array<i32>} : memref<256xf32, #tpu.memory_space<vmem>>, vector<16xf32>,
          tpu.vector_store %arg19[%swap3A_356], %add3A_355 {strides = array<i32>} : memref<256xf32, #tpu.memory_space<vmem>>, vector<16xf32>,
          %get3A_358 = arith.constant 224 : index
          %get3A_359 = tpu.vector_load %arg19[%get3A_358] {strides = array<i32>} : memref<256xf32, #tpu.memory_space<vmem>>, vector<16xf32>,
          %add3A_360 = arith.addf %get3A_359, %scan3A_286#14 : vector<16xf32>
          %swap3A_361 = arith.constant 224 : index
          %swap3A_362 = tpu.vector_load %arg19[%swap3A_361] {strides = array<i32>} : memref<256xf32, #tpu.memory_space<vmem>>, vector<16xf32>,
          tpu.vector_store %arg19[%swap3A_361], %add3A_360 {strides = array<i32>} : memref<256xf32, #tpu.memory_space<vmem>>, vector<16xf32>,
          %get3A_363 = arith.constant 240 : index
          %get3A_364 = tpu.vector_load %arg19[%get3A_363] {strides = array<i32>} : memref<256xf32, #tpu.memory_space<vmem>>, vector<16xf32>,
          %add3A_365 = arith.addf %get3A_364, %scan3A_286#15 : vector<16xf32>
          %swap3A_366 = arith.constant 240 : index
          %swap3A_367 = tpu.vector_load %arg19[%swap3A_366] {strides = array<i32>} : memref<256xf32, #tpu.memory_space<vmem>>, vector<16xf32>,
          tpu.vector_store %arg19[%swap3A_366], %add3A_365 {strides = array<i32>} : memref<256xf32, #tpu.memory_space<vmem>>, vector<16xf32>,
          %get3A_368 = arith.constant 0 : index
          %get3A_369 = tpu.vector_load %arg20[%get3A_368] {strides = array<i32>} : memref<16xf32, #tpu.memory_space<vmem>>, vector<16xf32>,
          %add3A_370 = arith.addf %get3A_369, %mul3A_277 : vector<16xf32>
          %swap3A_371 = arith.constant 0 : index
          %swap3A_372 = tpu.vector_load %arg20[%swap3A_371] {strides = array<i32>} : memref<16xf32, #tpu.memory_space<vmem>>, vector<16xf32>,
          tpu.vector_store %arg20[%swap3A_371], %add3A_370 {strides = array<i32>} : memref<16xf32, #tpu.memory_space<vmem>>, vector<16xf32>,
          scf.yield %scan3A_217 : i32
        }
        scf.yield %cond3A_281 : i32
      }
      %scan3A_215 = arith.constant 8 : i32
      scf.yield %scan3A_214 : i32
    }
    %ge3A = arith.constant 0 : i32
    %ge3A_148 = arith.cmpi sge, %while3A_147, %ge3A : i32
    %convert_element_type3A_149 = arith.extui %ge3A_148 : i1 to i32
    %cond3A_150 = arith.constant 0 : i32
    %cond3A_151 = arith.cmpi ne, %convert_element_type3A_149, %cond3A_150 : i32
    scf.if %cond3A_151 {
      %sub3A_158 = arith.subi %while3A_147, %mul3A_134 : i32
      %jit3A_159 = arith.constant 0 : i32
      %jit3A_160 = arith.constant 31 : i32
      %max3A_161 = arith.maxsi %jit3A_159, %sub3A_158 : i32
      %min3A = arith.minsi %jit3A_160, %max3A_161 : i32
      %scan3A_162 = arith.constant 0 : i32
      %scan3A_163 = arith.constant 0 : i32
      %scan3A_164 = arith.constant 16 : i32
      %scan3A_165 = arith.addi %scan3A_163, %scan3A_164 : i32
      %scan3A_166 = arith.constant 1 : i32
      %scan3A_167 = scf.for %scan3A_177 = %scan3A_163 to %scan3A_165 step %scan3A_166 iter_args(%scan3A_178 = %scan3A_162) -> (i32)  : i32 {
        %mul3A_179 = arith.constant 16 : i32
        %mul3A_180 = arith.muli %scan3A_177, %mul3A_179 : i32
        %get3A_181 = arith.index_cast %mul3A_180 : i32 to index
        %get3A_182 = tpu.vector_load %arg19[%get3A_181] {strides = array<i32>} : memref<256xf32, #tpu.memory_space<vmem>>, vector<16xf32>,
        %mul3A_183 = arith.constant 16 : i32
        %mul3A_184 = arith.muli %scan3A_177, %mul3A_183 : i32
        %swap3A_185 = arith.index_cast %min3A : i32 to index
        %swap3A_186 = arith.index_cast %mul3A_184 : i32 to index
        %swap3A_187 = tpu.vector_load %arg16[%swap3A_185, %swap3A_186] {strides = array<i32>} : memref<32x256xf32, #tpu.memory_space<vmem>>, vector<16xf32>,
        tpu.vector_store %arg16[%swap3A_185, %swap3A_186], %get3A_182 {strides = array<i32>} : memref<32x256xf32, #tpu.memory_space<vmem>>, vector<16xf32>,
        %scan3A_188 = arith.constant 0 : i32
        scf.yield %scan3A_188 : i32
      }
      %scan3A_168 = arith.constant 16 : i32
      %get3A_169 = arith.constant 0 : index
      %get3A_170 = tpu.vector_load %arg20[%get3A_169] {strides = array<i32>} : memref<16xf32, #tpu.memory_space<vmem>>, vector<16xf32>,
      %swap3A_171 = arith.index_cast %min3A : i32 to index
      %swap3A_172 = arith.constant 0 : index
      %swap3A_173 = tpu.vector_load %arg17[%swap3A_171, %swap3A_172] {strides = array<i32>} : memref<32x16xf32, #tpu.memory_space<vmem>>, vector<16xf32>,
      tpu.vector_store %arg17[%swap3A_171, %swap3A_172], %get3A_170 {strides = array<i32>} : memref<32x16xf32, #tpu.memory_space<vmem>>, vector<16xf32>,
      %swap3A_174 = arith.index_cast %min3A : i32 to index
      %swap3A_175 = arith.constant 0 : index
      %swap3A_176 = tpu.vector_load %arg18[%swap3A_174, %swap3A_175] {strides = array<i32>} : memref<32x16xf32, #tpu.memory_space<vmem>>, vector<16xf32>,
      tpu.vector_store %arg18[%swap3A_174, %swap3A_175], %broadcast_in_dim3A_3 {strides = array<i32>} : memref<32x16xf32, #tpu.memory_space<vmem>>, vector<16xf32>,
    } else {
    }
    %scan3A_152 = arith.constant 0 : i32
    %scan3A_153 = arith.constant 32 : i32
    %scan3A_154 = arith.addi %scan3A_152, %scan3A_153 : i32
    %scan3A_155 = arith.constant 1 : i32
    %scan3A_156:17 = scf.for %scan3A_158 = %scan3A_152 to %scan3A_154 step %scan3A_155 iter_args(%scan3A_159 = %broadcast_in_dim3A_1, %scan3A_160 = %broadcast_in_dim3A_1, %scan3A_161 = %broadcast_in_dim3A_1, %scan3A_162 = %broadcast_in_dim3A_1, %scan3A_163 = %broadcast_in_dim3A_1, %scan3A_164 = %broadcast_in_dim3A_1, %scan3A_165 = %broadcast_in_dim3A_1, %scan3A_166 = %broadcast_in_dim3A_1, %scan3A_167 = %broadcast_in_dim3A_1, %scan3A_168 = %broadcast_in_dim3A_1, %scan3A_169 = %broadcast_in_dim3A_1, %scan3A_170 = %broadcast_in_dim3A_1, %scan3A_171 = %broadcast_in_dim3A_1, %scan3A_172 = %broadcast_in_dim3A_1, %scan3A_173 = %broadcast_in_dim3A_1, %scan3A_174 = %broadcast_in_dim3A_1, %scan3A_175 = %broadcast_in_dim3A_1) -> (vector<16xf32>, vector<16xf32>, vector<16xf32>, vector<16xf32>, vector<16xf32>, vector<16xf32>, vector<16xf32>, vector<16xf32>, vector<16xf32>, vector<16xf32>, vector<16xf32>, vector<16xf32>, vector<16xf32>, vector<16xf32>, vector<16xf32>, vector<16xf32>, vector<16xf32>)  : i32 {
      %get3A_176 = arith.index_cast %scan3A_158 : i32 to index
      %get3A_177 = arith.constant 0 : index
      %get3A_178 = tpu.vector_load %arg18[%get3A_176, %get3A_177] {strides = array<i32>} : memref<32x16xf32, #tpu.memory_space<vmem>>, vector<16xf32>,
      %gt3A_179 = arith.constant 5.000000e-01 : f32
      %gt3A_180 = vector.broadcast %gt3A_179 : f32 to vector<16xf32>
      %gt3A_181 = arith.cmpf ogt, %get3A_178, %gt3A_180 : vector<16xf32>
      %get3A_182 = arith.index_cast %scan3A_158 : i32 to index
      %get3A_183 = arith.constant 0 : index
      %get3A_184 = tpu.vector_load %arg17[%get3A_182, %get3A_183] {strides = array<i32>} : memref<32x16xf32, #tpu.memory_space<vmem>>, vector<16xf32>,
      %select_n3A_185 = arith.select %gt3A_181, %get3A_184, %scan3A_159 : vector<16xi1>, vector<16xf32>
      %sub3A_186 = arith.subf %select_n3A_185, %scan3A_159 : vector<16xf32>
      %reduce_sum3A = arith.constant true
      %reduce_sum3A_187 = vector.broadcast %reduce_sum3A : i1 to vector<16xi1>
      %reduce_sum3A_188 = tpu.scan <sum>, %sub3A_186 masked %reduce_sum3A_187 : vector<16xf32>, vector<16xi1> -> vector<16xf32>
      %reduce_sum3A_189 = vector.extract %reduce_sum3A_188[15] : f32 from vector<16xf32>
      %broadcast_in_dim3A_190 = vector.broadcast %reduce_sum3A_189 : f32 to vector<16xf32>
      %gt3A_191 = arith.constant 0.000000e+00 : f32
      %gt3A_192 = vector.broadcast %gt3A_191 : f32 to vector<16xf32>
      %gt3A_193 = arith.cmpf ogt, %broadcast_in_dim3A_190, %gt3A_192 : vector<16xf32>
      %select_n3A_194 = arith.select %gt3A_193, %broadcast_in_dim3A_190, %broadcast_in_dim3A_3 : vector<16xi1>, vector<16xf32>
      %div3A_195 = arith.constant 1.000000e+00 : f32
      %div3A_196 = vector.broadcast %div3A_195 : f32 to vector<16xf32>
      %div3A_197 = arith.divf %div3A_196, %select_n3A_194 : vector<16xf32>
      %get3A_198 = arith.index_cast %scan3A_158 : i32 to index
      %get3A_199 = arith.constant 0 : index
      %get3A_200 = tpu.vector_load %arg16[%get3A_198, %get3A_199] {strides = array<i32>} : memref<32x256xf32, #tpu.memory_space<vmem>>, vector<16xf32>,
      %select_n3A_201 = arith.select %gt3A_181, %get3A_200, %scan3A_160 : vector<16xi1>, vector<16xf32>
      %sub3A_202 = arith.subf %select_n3A_201, %scan3A_160 : vector<16xf32>
      %mul3A_203 = arith.mulf %sub3A_202, %div3A_197 : vector<16xf32>
      %swap3A_204 = arith.index_cast %scan3A_158 : i32 to index
      %swap3A_205 = arith.constant 0 : index
      %swap3A_206 = tpu.vector_load %arg15[%swap3A_204, %swap3A_205] {strides = array<i32>} : memref<32x256xf32, #tpu.memory_space<vmem>>, vector<16xf32>,
      tpu.vector_store %arg15[%swap3A_204, %swap3A_205], %mul3A_203 {strides = array<i32>} : memref<32x256xf32, #tpu.memory_space<vmem>>, vector<16xf32>,
      %get3A_207 = arith.index_cast %scan3A_158 : i32 to index
      %get3A_208 = arith.constant 16 : index
      %get3A_209 = tpu.vector_load %arg16[%get3A_207, %get3A_208] {strides = array<i32>} : memref<32x256xf32, #tpu.memory_space<vmem>>, vector<16xf32>,
      %select_n3A_210 = arith.select %gt3A_181, %get3A_209, %scan3A_161 : vector<16xi1>, vector<16xf32>
      %sub3A_211 = arith.subf %select_n3A_210, %scan3A_161 : vector<16xf32>
      %mul3A_212 = arith.mulf %sub3A_211, %div3A_197 : vector<16xf32>
      %swap3A_213 = arith.index_cast %scan3A_158 : i32 to index
      %swap3A_214 = arith.constant 16 : index
      %swap3A_215 = tpu.vector_load %arg15[%swap3A_213, %swap3A_214] {strides = array<i32>} : memref<32x256xf32, #tpu.memory_space<vmem>>, vector<16xf32>,
      tpu.vector_store %arg15[%swap3A_213, %swap3A_214], %mul3A_212 {strides = array<i32>} : memref<32x256xf32, #tpu.memory_space<vmem>>, vector<16xf32>,
      %get3A_216 = arith.index_cast %scan3A_158 : i32 to index
      %get3A_217 = arith.constant 32 : index
      %get3A_218 = tpu.vector_load %arg16[%get3A_216, %get3A_217] {strides = array<i32>} : memref<32x256xf32, #tpu.memory_space<vmem>>, vector<16xf32>,
      %select_n3A_219 = arith.select %gt3A_181, %get3A_218, %scan3A_162 : vector<16xi1>, vector<16xf32>
      %sub3A_220 = arith.subf %select_n3A_219, %scan3A_162 : vector<16xf32>
      %mul3A_221 = arith.mulf %sub3A_220, %div3A_197 : vector<16xf32>
      %swap3A_222 = arith.index_cast %scan3A_158 : i32 to index
      %swap3A_223 = arith.constant 32 : index
      %swap3A_224 = tpu.vector_load %arg15[%swap3A_222, %swap3A_223] {strides = array<i32>} : memref<32x256xf32, #tpu.memory_space<vmem>>, vector<16xf32>,
      tpu.vector_store %arg15[%swap3A_222, %swap3A_223], %mul3A_221 {strides = array<i32>} : memref<32x256xf32, #tpu.memory_space<vmem>>, vector<16xf32>,
      %get3A_225 = arith.index_cast %scan3A_158 : i32 to index
      %get3A_226 = arith.constant 48 : index
      %get3A_227 = tpu.vector_load %arg16[%get3A_225, %get3A_226] {strides = array<i32>} : memref<32x256xf32, #tpu.memory_space<vmem>>, vector<16xf32>,
      %select_n3A_228 = arith.select %gt3A_181, %get3A_227, %scan3A_163 : vector<16xi1>, vector<16xf32>
      %sub3A_229 = arith.subf %select_n3A_228, %scan3A_163 : vector<16xf32>
      %mul3A_230 = arith.mulf %sub3A_229, %div3A_197 : vector<16xf32>
      %swap3A_231 = arith.index_cast %scan3A_158 : i32 to index
      %swap3A_232 = arith.constant 48 : index
      %swap3A_233 = tpu.vector_load %arg15[%swap3A_231, %swap3A_232] {strides = array<i32>} : memref<32x256xf32, #tpu.memory_space<vmem>>, vector<16xf32>,
      tpu.vector_store %arg15[%swap3A_231, %swap3A_232], %mul3A_230 {strides = array<i32>} : memref<32x256xf32, #tpu.memory_space<vmem>>, vector<16xf32>,
      %get3A_234 = arith.index_cast %scan3A_158 : i32 to index
      %get3A_235 = arith.constant 64 : index
      %get3A_236 = tpu.vector_load %arg16[%get3A_234, %get3A_235] {strides = array<i32>} : memref<32x256xf32, #tpu.memory_space<vmem>>, vector<16xf32>,
      %select_n3A_237 = arith.select %gt3A_181, %get3A_236, %scan3A_164 : vector<16xi1>, vector<16xf32>
      %sub3A_238 = arith.subf %select_n3A_237, %scan3A_164 : vector<16xf32>
      %mul3A_239 = arith.mulf %sub3A_238, %div3A_197 : vector<16xf32>
      %swap3A_240 = arith.index_cast %scan3A_158 : i32 to index
      %swap3A_241 = arith.constant 64 : index
      %swap3A_242 = tpu.vector_load %arg15[%swap3A_240, %swap3A_241] {strides = array<i32>} : memref<32x256xf32, #tpu.memory_space<vmem>>, vector<16xf32>,
      tpu.vector_store %arg15[%swap3A_240, %swap3A_241], %mul3A_239 {strides = array<i32>} : memref<32x256xf32, #tpu.memory_space<vmem>>, vector<16xf32>,
      %get3A_243 = arith.index_cast %scan3A_158 : i32 to index
      %get3A_244 = arith.constant 80 : index
      %get3A_245 = tpu.vector_load %arg16[%get3A_243, %get3A_244] {strides = array<i32>} : memref<32x256xf32, #tpu.memory_space<vmem>>, vector<16xf32>,
      %select_n3A_246 = arith.select %gt3A_181, %get3A_245, %scan3A_165 : vector<16xi1>, vector<16xf32>
      %sub3A_247 = arith.subf %select_n3A_246, %scan3A_165 : vector<16xf32>
      %mul3A_248 = arith.mulf %sub3A_247, %div3A_197 : vector<16xf32>
      %swap3A_249 = arith.index_cast %scan3A_158 : i32 to index
      %swap3A_250 = arith.constant 80 : index
      %swap3A_251 = tpu.vector_load %arg15[%swap3A_249, %swap3A_250] {strides = array<i32>} : memref<32x256xf32, #tpu.memory_space<vmem>>, vector<16xf32>,
      tpu.vector_store %arg15[%swap3A_249, %swap3A_250], %mul3A_248 {strides = array<i32>} : memref<32x256xf32, #tpu.memory_space<vmem>>, vector<16xf32>,
      %get3A_252 = arith.index_cast %scan3A_158 : i32 to index
      %get3A_253 = arith.constant 96 : index
      %get3A_254 = tpu.vector_load %arg16[%get3A_252, %get3A_253] {strides = array<i32>} : memref<32x256xf32, #tpu.memory_space<vmem>>, vector<16xf32>,
      %select_n3A_255 = arith.select %gt3A_181, %get3A_254, %scan3A_166 : vector<16xi1>, vector<16xf32>
      %sub3A_256 = arith.subf %select_n3A_255, %scan3A_166 : vector<16xf32>
      %mul3A_257 = arith.mulf %sub3A_256, %div3A_197 : vector<16xf32>
      %swap3A_258 = arith.index_cast %scan3A_158 : i32 to index
      %swap3A_259 = arith.constant 96 : index
      %swap3A_260 = tpu.vector_load %arg15[%swap3A_258, %swap3A_259] {strides = array<i32>} : memref<32x256xf32, #tpu.memory_space<vmem>>, vector<16xf32>,
      tpu.vector_store %arg15[%swap3A_258, %swap3A_259], %mul3A_257 {strides = array<i32>} : memref<32x256xf32, #tpu.memory_space<vmem>>, vector<16xf32>,
      %get3A_261 = arith.index_cast %scan3A_158 : i32 to index
      %get3A_262 = arith.constant 112 : index
      %get3A_263 = tpu.vector_load %arg16[%get3A_261, %get3A_262] {strides = array<i32>} : memref<32x256xf32, #tpu.memory_space<vmem>>, vector<16xf32>,
      %select_n3A_264 = arith.select %gt3A_181, %get3A_263, %scan3A_167 : vector<16xi1>, vector<16xf32>
      %sub3A_265 = arith.subf %select_n3A_264, %scan3A_167 : vector<16xf32>
      %mul3A_266 = arith.mulf %sub3A_265, %div3A_197 : vector<16xf32>
      %swap3A_267 = arith.index_cast %scan3A_158 : i32 to index
      %swap3A_268 = arith.constant 112 : index
      %swap3A_269 = tpu.vector_load %arg15[%swap3A_267, %swap3A_268] {strides = array<i32>} : memref<32x256xf32, #tpu.memory_space<vmem>>, vector<16xf32>,
      tpu.vector_store %arg15[%swap3A_267, %swap3A_268], %mul3A_266 {strides = array<i32>} : memref<32x256xf32, #tpu.memory_space<vmem>>, vector<16xf32>,
      %get3A_270 = arith.index_cast %scan3A_158 : i32 to index
      %get3A_271 = arith.constant 128 : index
      %get3A_272 = tpu.vector_load %arg16[%get3A_270, %get3A_271] {strides = array<i32>} : memref<32x256xf32, #tpu.memory_space<vmem>>, vector<16xf32>,
      %select_n3A_273 = arith.select %gt3A_181, %get3A_272, %scan3A_168 : vector<16xi1>, vector<16xf32>
      %sub3A_274 = arith.subf %select_n3A_273, %scan3A_168 : vector<16xf32>
      %mul3A_275 = arith.mulf %sub3A_274, %div3A_197 : vector<16xf32>
      %swap3A_276 = arith.index_cast %scan3A_158 : i32 to index
      %swap3A_277 = arith.constant 128 : index
      %swap3A_278 = tpu.vector_load %arg15[%swap3A_276, %swap3A_277] {strides = array<i32>} : memref<32x256xf32, #tpu.memory_space<vmem>>, vector<16xf32>,
      tpu.vector_store %arg15[%swap3A_276, %swap3A_277], %mul3A_275 {strides = array<i32>} : memref<32x256xf32, #tpu.memory_space<vmem>>, vector<16xf32>,
      %get3A_279 = arith.index_cast %scan3A_158 : i32 to index
      %get3A_280 = arith.constant 144 : index
      %get3A_281 = tpu.vector_load %arg16[%get3A_279, %get3A_280] {strides = array<i32>} : memref<32x256xf32, #tpu.memory_space<vmem>>, vector<16xf32>,
      %select_n3A_282 = arith.select %gt3A_181, %get3A_281, %scan3A_169 : vector<16xi1>, vector<16xf32>
      %sub3A_283 = arith.subf %select_n3A_282, %scan3A_169 : vector<16xf32>
      %mul3A_284 = arith.mulf %sub3A_283, %div3A_197 : vector<16xf32>
      %swap3A_285 = arith.index_cast %scan3A_158 : i32 to index
      %swap3A_286 = arith.constant 144 : index
      %swap3A_287 = tpu.vector_load %arg15[%swap3A_285, %swap3A_286] {strides = array<i32>} : memref<32x256xf32, #tpu.memory_space<vmem>>, vector<16xf32>,
      tpu.vector_store %arg15[%swap3A_285, %swap3A_286], %mul3A_284 {strides = array<i32>} : memref<32x256xf32, #tpu.memory_space<vmem>>, vector<16xf32>,
      %get3A_288 = arith.index_cast %scan3A_158 : i32 to index
      %get3A_289 = arith.constant 160 : index
      %get3A_290 = tpu.vector_load %arg16[%get3A_288, %get3A_289] {strides = array<i32>} : memref<32x256xf32, #tpu.memory_space<vmem>>, vector<16xf32>,
      %select_n3A_291 = arith.select %gt3A_181, %get3A_290, %scan3A_170 : vector<16xi1>, vector<16xf32>
      %sub3A_292 = arith.subf %select_n3A_291, %scan3A_170 : vector<16xf32>
      %mul3A_293 = arith.mulf %sub3A_292, %div3A_197 : vector<16xf32>
      %swap3A_294 = arith.index_cast %scan3A_158 : i32 to index
      %swap3A_295 = arith.constant 160 : index
      %swap3A_296 = tpu.vector_load %arg15[%swap3A_294, %swap3A_295] {strides = array<i32>} : memref<32x256xf32, #tpu.memory_space<vmem>>, vector<16xf32>,
      tpu.vector_store %arg15[%swap3A_294, %swap3A_295], %mul3A_293 {strides = array<i32>} : memref<32x256xf32, #tpu.memory_space<vmem>>, vector<16xf32>,
      %get3A_297 = arith.index_cast %scan3A_158 : i32 to index
      %get3A_298 = arith.constant 176 : index
      %get3A_299 = tpu.vector_load %arg16[%get3A_297, %get3A_298] {strides = array<i32>} : memref<32x256xf32, #tpu.memory_space<vmem>>, vector<16xf32>,
      %select_n3A_300 = arith.select %gt3A_181, %get3A_299, %scan3A_171 : vector<16xi1>, vector<16xf32>
      %sub3A_301 = arith.subf %select_n3A_300, %scan3A_171 : vector<16xf32>
      %mul3A_302 = arith.mulf %sub3A_301, %div3A_197 : vector<16xf32>
      %swap3A_303 = arith.index_cast %scan3A_158 : i32 to index
      %swap3A_304 = arith.constant 176 : index
      %swap3A_305 = tpu.vector_load %arg15[%swap3A_303, %swap3A_304] {strides = array<i32>} : memref<32x256xf32, #tpu.memory_space<vmem>>, vector<16xf32>,
      tpu.vector_store %arg15[%swap3A_303, %swap3A_304], %mul3A_302 {strides = array<i32>} : memref<32x256xf32, #tpu.memory_space<vmem>>, vector<16xf32>,
      %get3A_306 = arith.index_cast %scan3A_158 : i32 to index
      %get3A_307 = arith.constant 192 : index
      %get3A_308 = tpu.vector_load %arg16[%get3A_306, %get3A_307] {strides = array<i32>} : memref<32x256xf32, #tpu.memory_space<vmem>>, vector<16xf32>,
      %select_n3A_309 = arith.select %gt3A_181, %get3A_308, %scan3A_172 : vector<16xi1>, vector<16xf32>
      %sub3A_310 = arith.subf %select_n3A_309, %scan3A_172 : vector<16xf32>
      %mul3A_311 = arith.mulf %sub3A_310, %div3A_197 : vector<16xf32>
      %swap3A_312 = arith.index_cast %scan3A_158 : i32 to index
      %swap3A_313 = arith.constant 192 : index
      %swap3A_314 = tpu.vector_load %arg15[%swap3A_312, %swap3A_313] {strides = array<i32>} : memref<32x256xf32, #tpu.memory_space<vmem>>, vector<16xf32>,
      tpu.vector_store %arg15[%swap3A_312, %swap3A_313], %mul3A_311 {strides = array<i32>} : memref<32x256xf32, #tpu.memory_space<vmem>>, vector<16xf32>,
      %get3A_315 = arith.index_cast %scan3A_158 : i32 to index
      %get3A_316 = arith.constant 208 : index
      %get3A_317 = tpu.vector_load %arg16[%get3A_315, %get3A_316] {strides = array<i32>} : memref<32x256xf32, #tpu.memory_space<vmem>>, vector<16xf32>,
      %select_n3A_318 = arith.select %gt3A_181, %get3A_317, %scan3A_173 : vector<16xi1>, vector<16xf32>
      %sub3A_319 = arith.subf %select_n3A_318, %scan3A_173 : vector<16xf32>
      %mul3A_320 = arith.mulf %sub3A_319, %div3A_197 : vector<16xf32>
      %swap3A_321 = arith.index_cast %scan3A_158 : i32 to index
      %swap3A_322 = arith.constant 208 : index
      %swap3A_323 = tpu.vector_load %arg15[%swap3A_321, %swap3A_322] {strides = array<i32>} : memref<32x256xf32, #tpu.memory_space<vmem>>, vector<16xf32>,
      tpu.vector_store %arg15[%swap3A_321, %swap3A_322], %mul3A_320 {strides = array<i32>} : memref<32x256xf32, #tpu.memory_space<vmem>>, vector<16xf32>,
      %get3A_324 = arith.index_cast %scan3A_158 : i32 to index
      %get3A_325 = arith.constant 224 : index
      %get3A_326 = tpu.vector_load %arg16[%get3A_324, %get3A_325] {strides = array<i32>} : memref<32x256xf32, #tpu.memory_space<vmem>>, vector<16xf32>,
      %select_n3A_327 = arith.select %gt3A_181, %get3A_326, %scan3A_174 : vector<16xi1>, vector<16xf32>
      %sub3A_328 = arith.subf %select_n3A_327, %scan3A_174 : vector<16xf32>
      %mul3A_329 = arith.mulf %sub3A_328, %div3A_197 : vector<16xf32>
      %swap3A_330 = arith.index_cast %scan3A_158 : i32 to index
      %swap3A_331 = arith.constant 224 : index
      %swap3A_332 = tpu.vector_load %arg15[%swap3A_330, %swap3A_331] {strides = array<i32>} : memref<32x256xf32, #tpu.memory_space<vmem>>, vector<16xf32>,
      tpu.vector_store %arg15[%swap3A_330, %swap3A_331], %mul3A_329 {strides = array<i32>} : memref<32x256xf32, #tpu.memory_space<vmem>>, vector<16xf32>,
      %get3A_333 = arith.index_cast %scan3A_158 : i32 to index
      %get3A_334 = arith.constant 240 : index
      %get3A_335 = tpu.vector_load %arg16[%get3A_333, %get3A_334] {strides = array<i32>} : memref<32x256xf32, #tpu.memory_space<vmem>>, vector<16xf32>,
      %select_n3A_336 = arith.select %gt3A_181, %get3A_335, %scan3A_175 : vector<16xi1>, vector<16xf32>
      %sub3A_337 = arith.subf %select_n3A_336, %scan3A_175 : vector<16xf32>
      %mul3A_338 = arith.mulf %sub3A_337, %div3A_197 : vector<16xf32>
      %swap3A_339 = arith.index_cast %scan3A_158 : i32 to index
      %swap3A_340 = arith.constant 240 : index
      %swap3A_341 = tpu.vector_load %arg15[%swap3A_339, %swap3A_340] {strides = array<i32>} : memref<32x256xf32, #tpu.memory_space<vmem>>, vector<16xf32>,
      tpu.vector_store %arg15[%swap3A_339, %swap3A_340], %mul3A_338 {strides = array<i32>} : memref<32x256xf32, #tpu.memory_space<vmem>>, vector<16xf32>,
      scf.yield %select_n3A_185, %select_n3A_201, %select_n3A_210, %select_n3A_219, %select_n3A_228, %select_n3A_237, %select_n3A_246, %select_n3A_255, %select_n3A_264, %select_n3A_273, %select_n3A_282, %select_n3A_291, %select_n3A_300, %select_n3A_309, %select_n3A_318, %select_n3A_327, %select_n3A_336 : vector<16xf32>, vector<16xf32>, vector<16xf32>, vector<16xf32>, vector<16xf32>, vector<16xf32>, vector<16xf32>, vector<16xf32>, vector<16xf32>, vector<16xf32>, vector<16xf32>, vector<16xf32>, vector<16xf32>, vector<16xf32>, vector<16xf32>, vector<16xf32>, vector<16xf32>
    }
    %scan3A_157 = arith.constant 32 : i32
    "tpu.region"() ({
      %run_scoped3A = tpu.sem_alloc : memref<!tpu.dma_semaphore, #tpu.memory_space<semaphore_mem>>
      %dma_start3A = arith.constant 0 : i32
      %dma_start3A_158 = tpu.memref_slice %arg8[%mul3A_134, %dma_start3A] : memref<1024x256xf32, #tpu.memory_space<hbm>> -> memref<32x256xf32, #tpu.memory_space<hbm>>
      %dma_start3A_159 = arith.constant 0 : i32
      %dma_start3A_160 = tpu.memref_slice %arg8[%mul3A_134, %dma_start3A_159] : memref<1024x256xf32, #tpu.memory_space<hbm>> -> memref<32x256xf32, #tpu.memory_space<hbm>>
      tpu.enqueue_dma source(%arg15 : memref<32x256xf32, #tpu.memory_space<vmem>>) target(%dma_start3A_160 : memref<32x256xf32, #tpu.memory_space<hbm>>) target_semaphore(%run_scoped3A : memref<!tpu.dma_semaphore, #tpu.memory_space<semaphore_mem>>)
      %dma_wait3A = arith.constant 0 : i32
      %dma_wait3A_161 = tpu.memref_slice %arg8[%mul3A_134, %dma_wait3A] : memref<1024x256xf32, #tpu.memory_space<hbm>> -> memref<32x256xf32, #tpu.memory_space<hbm>>
      %dma_wait3A_162 = arith.constant 0 : i32
      %dma_wait3A_163 = tpu.memref_slice %arg8[%mul3A_134, %dma_wait3A_162] : memref<1024x256xf32, #tpu.memory_space<hbm>> -> memref<32x256xf32, #tpu.memory_space<hbm>>
      tpu.wait_dma2 semaphore(%run_scoped3A : memref<!tpu.dma_semaphore, #tpu.memory_space<semaphore_mem>>) src(%arg15 : memref<32x256xf32, #tpu.memory_space<vmem>>) dst(%dma_wait3A_163 : memref<32x256xf32, #tpu.memory_space<hbm>>)
      tpu.yield
    }) : () -> ()
    return
  }
}

</mosaic_0001>

<sc_bundles>
// kernel: kernel.3.cloned.1.call-start
scs
__scs_entry_jumppad:
0x0: {  	(pc) =	sbr.rel $0x88, $3  }
0x1: {  	(tag) =	ssettag $0x0;
	lr =	simm.s32 $0x1  }
0x2: {  	[smem:$0x3F9C] =	sst lr;
	_ =	strace $0xD0000000  }
0x3: {  	_ = 	snop  }
0x4: {  	_ = 	snop  }
0x5: {  	_ = 	snop  }
0x6: {  	_ = 	snop  }
0x7: {  	_ = 	snop  }
__scs_overlays_trampoline_lowered:
0x8: {  	[smem:$0x3FAB] =	sst s0  }
0x9: {  	[smem:$0x3FAC] =	sst s1  }
0xa: {  	[smem:$0x3FAD] =	sst s2  }
0xb: {  	[smem:$0x3FAE] =	sst s3  }
0xc: {  	[smem:$0x3FAF] =	sst s4  }
0xd: {  	[smem:$0x3FB0] =	sst s5  }
0xe: {  	[smem:$0x3FB1] =	sst s6  }
0xf: {  	[smem:$0x3FB2] =	sst s7  }
0x10: {  	[smem:$0x3FB3] =	sst s8  }
0x11: {  	[smem:$0x3FB4] =	sst s9;
	s0 =	simm.s32 @!p0 $0x0  }
0x12: {  	s1 =	sld [smem:$0x3F9A];
	s0 =	simm.s32 @p0 $0x1  }
0x13: {  	[smem:$0x3FB5] =	sst s0;
	s0 =	simm.s32 @!p1 $0x0  }
0x14: {  	s2 =	sld [smem:$0x3F99];
	s0 =	simm.s32 @p1 $0x1  }
0x15: {  	[smem:$0x3FB6] =	sst s0;
	s0 =	simm.s32 @!p2 $0x0  }
0x16: {  	s3 =	sld [smem:$0x3FDB];
	s0 =	simm.s32 @p2 $0x1  }
0x17: {  	s4 =	simm.s32 $0x1BF5;
	[smem:$0x3FB8] =	sst s0  }
0x18: {  	s0 =	sld [smem:$0x3F9B];
	_ =	swait.ge [sflag:s4], $0x0  }
0x19: {  	s7 =	sld [smem:$0x3F9C]  }
0x1a: {  	s8 =	sadd.s32 $0xFFFFE003, lr  }
0x1b: {  	s9 =	sadd.s32 $0xFFFFFEF7, lr;
	s5 =	simm.s32 $0xFFFFFFFF;
	p2 =	slt.u32 s8, $0xFFFFF086  }
0x1c: {  	p1 =	slt.u32 s9, $0xF7A;
	s5 =	simm.s32 @!p2 $0x0  }
0x1d: {  	s5 =	simm.s32 @p1 $0x1;
	p0 =	seq.s32 s7, s2  }
0x1e: {  	s7 =	smul.u32 @!p0 $0xF7A, s2;
	p2 =	seq.s32 @!p0 s5, $0x0  }
0x1f: {  	s9 =	smul.u32 $0xF7A, s1;
	s8 =	simm.s32 @!p0 $0x1BF5;
	p2 =	por !p2, p0  }
0x20: {  	[sflag:s8] =	ssyncset.s32 @!p0 $0xFFFFF086;
	s6 =	sadd.s32 @!p0 s3, s7;
	s7 =	simm.s32 @!p0 $0x108  }
0x21: {  	s3 =	sadd.s32 s3, s9;
	s6 =	sadd.s32 @!p0 $0x88, s6;
	s7 =	simm.s32 @p2 $0x1082  }
0x22: {  	[simem:s7], [sflag:s8] =	dma.local @!p0 [hbm:s6], $0xF7A  }
0x23: {  	s9 =	sor.u32 $0xD0000000, s2;
	s6 =	simm.s32 $0x108;
	_ =	swait.ge @!p0 [sflag:s8], $0x0  }
0x24: {  	s3 =	sadd.s32 $0x88, s3;
	s6 =	simm.s32 @!p1 $0x1082;
	[sflag:s4] =	ssyncset.s32 $0xFFFFF086  }
0x25: {  	[simem:s6], [sflag:s4] =	dma.local [hbm:s3], $0xF7A  }
0x26: {  	[smem:$0x3F9C] =	sst s1;
	(tag) =	ssettag s2;
	_ =	strace s9  }
0x27: {  	s1 =	sld [smem:$0x3FAC]  }
0x28: {  	s2 =	sld [smem:$0x3FAD]  }
0x29: {  	s4 =	sld [smem:$0x3FAF]  }
0x2a: {  	p0 =	seq.s32 s5, $0x0;
	s5 =	sld [smem:$0x3FB0]  }
0x2b: {  	s6 =	sld [smem:$0x3FB1]  }
0x2c: {  	s7 =	sld [smem:$0x3FB2]  }
0x2d: {  	s3 =	simm.s32 $0x108;
	s8 =	sld [smem:$0x3FB3]  }
0x2e: {  	s3 =	simm.s32 @!p0 $0x1082;
	s9 =	sld [smem:$0x3FB4]  }
0x2f: {  	lr =	sadd.s32 s0, s3;
	s0 =	sld [smem:$0x3FAB]  }
0x30: {  	s3 =	sld [smem:$0x3FAE]  }
0x31: {  	[smem:$0x3FB7] =	sst s10  }
0x32: {  	s10 =	sld [smem:$0x3FB5];
	_ =	sdelay $0x3  }
0x33: {  	p0 =	seq.s32 s10, $0x1;
	s10 =	sld [smem:$0x3FB7];
	_ =	sdelay $0x3  }
0x34: {  	[smem:$0x3FB7] =	sst s10  }
0x35: {  	s10 =	sld [smem:$0x3FB6];
	_ =	sdelay $0x3  }
0x36: {  	p1 =	seq.s32 s10, $0x1;
	s10 =	sld [smem:$0x3FB7];
	_ =	sdelay $0x3  }
0x37: {  	[smem:$0x3FB7] =	sst s10  }
0x38: {  	s10 =	sld [smem:$0x3FB8]  }
0x39: {  	_ = 	snop;
	(pc) =	sbr.ind lr, $3  }
0x3a: {  	_ = 	snop  }
0x3b: {  	_ = 	snop  }
0x3c: {  	p2 =	seq.s32 s10, $0x1;
	s10 =	sld [smem:$0x3FB7]  }
0x3d: {  	_ =	shalt  }
0x3e: {  	_ =	shalt  }
0x3f: {  	_ =	shalt  }
0x40: {  	_ =	shalt  }
0x41: {  	_ =	shalt  }
0x42: {  	_ =	shalt  }
0x43: {  	_ =	shalt  }
0x44: {  	_ =	shalt  }
0x45: {  	_ =	shalt  }
0x46: {  	_ =	shalt  }
0x47: {  	_ =	shalt  }
0x48: {  	_ =	shalt  }
0x49: {  	_ =	shalt  }
0x4a: {  	_ =	shalt  }
0x4b: {  	_ =	shalt  }
0x4c: {  	_ =	shalt  }
0x4d: {  	_ =	shalt  }
0x4e: {  	_ =	shalt  }
0x4f: {  	_ =	shalt  }
0x50: {  	_ =	shalt  }
0x51: {  	_ =	shalt  }
0x52: {  	_ =	shalt  }
0x53: {  	_ =	shalt  }
0x54: {  	_ =	shalt  }
0x55: {  	_ =	shalt  }
0x56: {  	_ =	shalt  }
0x57: {  	_ =	shalt  }
0x58: {  	_ =	shalt  }
0x59: {  	_ =	shalt  }
0x5a: {  	_ =	shalt  }
0x5b: {  	_ =	shalt  }
0x5c: {  	_ =	shalt  }
0x5d: {  	_ =	shalt  }
0x5e: {  	_ =	shalt  }
0x5f: {  	_ =	shalt  }
0x60: {  	_ =	shalt  }
0x61: {  	_ =	shalt  }
0x62: {  	_ =	shalt  }
0x63: {  	_ =	shalt  }
0x64: {  	_ =	shalt  }
0x65: {  	_ =	shalt  }
0x66: {  	_ =	shalt  }
0x67: {  	_ =	shalt  }
0x68: {  	_ =	shalt  }
0x69: {  	_ =	shalt  }
0x6a: {  	_ =	shalt  }
0x6b: {  	_ =	shalt  }
0x6c: {  	_ =	shalt  }
0x6d: {  	_ =	shalt  }
0x6e: {  	_ =	shalt  }
0x6f: {  	_ =	shalt  }
0x70: {  	_ =	shalt  }
0x71: {  	_ =	shalt  }
0x72: {  	_ =	shalt  }
0x73: {  	_ =	shalt  }
0x74: {  	_ =	shalt  }
0x75: {  	_ =	shalt  }
0x76: {  	_ =	shalt  }
0x77: {  	_ =	shalt  }
0x78: {  	_ =	shalt  }
0x79: {  	_ =	shalt  }
0x7a: {  	_ =	shalt  }
0x7b: {  	_ =	shalt  }
0x7c: {  	_ =	shalt  }
0x7d: {  	_ =	shalt  }
0x7e: {  	_ =	shalt  }
0x7f: {  	_ =	shalt  }
0x80: {  	_ =	shalt  }
0x81: {  	_ =	shalt  }
0x82: {  	_ =	shalt  }
0x83: {  	_ =	shalt  }
0x84: {  	_ =	shalt  }
0x85: {  	_ =	shalt  }
0x86: {  	_ =	shalt  }
0x87: {  	_ =	shalt  }
.Lfunc_end0:
.L_simem_size_0:
called_computation_lowered:
.L_overlay_start_0:
0x88: {  	s2 =	sld [smem:$0x3FD9]  }
0x89: {  	s3 =	sld [smem:$0x3FFE];
	_ =	sdelay $0x1  }
0x8a: {  	s1 =	srdreg.scid  }
0x8b: {  	s0 =	sand.u32 $0x1, s1  }
0x8c: {  	s17 =	sshll.u32 s0, $0xA;
	s2 =	sadd.s32 s3, s2  }
0x8d: {  	s2 =	sadd.s32 s2, s17  }
0x8e: {  	[smem:$0x3FC3] =	sst s2  }
0x8f: {  	_ = 	snop  }
0x90: {  	s2 =	sld [smem:$0x3FC9]  }
0x91: {  	s18 =	sld [smem:$0x3FC8]  }
0x92: {  	s4 =	sld [smem:$0x3FC7]  }
0x93: {  	s5 =	sld [smem:$0x3FC6]  }
0x94: {  	s6 =	sld [smem:$0x3FD0];
	(tm) =	ssettm $0x1  }
0x95: {  	s7 =	sld [smem:$0x3FFB];
	_ =	sdelay $0x3  }
0x96: {  	_ =	strace s7  }
0x97: {  	s7 =	sld [smem:$0x3FFC];
	_ =	sdelay $0x3  }
0x98: {  	_ =	strace s7  }
0x99: {  	s7 =	sld [smem:$0x3FFD];
	_ =	sdelay $0x3  }
0x9a: {  	_ =	strace s7  }
0x9b: {  	_ =	strace $0x8FFFFFFF  }
0x9c: {  	s19 =	sld [smem:$0x3FDB];
	_ =	sdelay $0x1  }
0x9d: {  	s8 =	simm.s32 $_scs_section_size  }
0x9e: {  	s9 =	simm.s32 $_size__tile_overlayer_lowered;
	s10 =	simm.s32 $_tile_overlayer_lowered  }
0x9f: {  	s22 =	simm.s32 $0x1BFF;
	s21 =	sshll.u32 s10, $0x1;
	s7 =	sadd.s32 s8, s19  }
0xa0: {  	s11 =	simm.s32 $0x0;
	s20 =	sshll.u32 s9, $0x1;
	s9 =	sadd.s32 s21, s7  }
0xa1: {  	[timem:s11], [sflag:s22] =	dma.local [hbm:s9], s20  }
0xa2: {  	_ =	swait.ge [sflag:s22], s20  }
0xa3: {  	s8 =	ssub.s32 $0x0, s20;
	[sflag:s22] =	ssyncset.done $0x0  }
0xa4: {  	[sflag:s22] =	ssyncadd.s32 s8;
	_ =	sdelay $0x1  }
0xa5: {  	s23 =	simm.s32 $0x1B8B  }
0xa6: {  	_ =	swait.ge [sflag:s23], $0x1  }
0xa7: {  	[sflag:s23] =	ssyncset.done $0x0  }
0xa8: {  	s25 =	simm.s32 $0x1B8E;
	s24 =	sld [smem:$0x3FFE];
	[sflag:s23] =	ssyncadd.s32 $0xFFFFFFFF  }
0xa9: {  	s26 =	simm.s32 $execute0_lowered;
	[smem:$0x3FD2] =	sst s25  }
0xaa: {  	s9 =	sshll.u32 s26, $0x1;
	_ =	strace $0x80000046;
	[dreg:$0x1] =	wrdreg $0xFFFFFFFF  }
0xab: {  	s28 =	simm.s32 $_size_execute0_lowered;
	s7 =	sadd.s32 s7, s9;
	[dreg:$0x0] =	wrdreg $0x0  }
0xac: {  	s9 =	sshll.u32 s28, $0x1;
	[dreg:$0x2] =	wrdreg s7  }
0xad: {  	[dreg:$0x3] =	wrdreg s9  }
0xae: {  	[dreg:$0x4] =	wrdreg $0xC0  }
0xaf: {  	_ =	task [dreg:s11], $0x5FFFF  }
0xb0: {  	[dreg:$0x1] =	wrdreg $0xFFFFFFFF  }
0xb1: {  	[dreg:$0x0] =	wrdreg $0x60  }
0xb2: {  	[dreg:$0x2] =	wrdreg s2  }
0xb3: {  	[dreg:$0x3] =	wrdreg s18  }
0xb4: {  	[dreg:$0x4] =	wrdreg s4  }
0xb5: {  	[dreg:$0x5] =	wrdreg s5  }
0xb6: {  	[dreg:$0x6] =	wrdreg s24  }
0xb7: {  	[dreg:$0x7] =	wrdreg s6  }
0xb8: {  	[dreg:$0x8] =	wrdreg $0x9  }
0xb9: {  	_ =	task.clear_ibuf [dreg:s11], $0x9FFFF;
	_ =	strace $0x90000046  }
0xba: {  	s29 =	simm.s32 $0x9;
	_ =	strace $0x80000048  }
0xbb: {  	_ =	swait.ge [sflag:s29], $0x1  }
0xbc: {  	[sflag:s29] =	ssyncadd.s32 $0xFFFFFFFF  }
0xbd: {  	_ =	strace $0x90000048  }
0xbe: {  	_ =	sfence  }
0xbf: {  	s30 =	sld [smem:$0x0];
	_ =	sdelay $0x2  }
0xc0: {  	s31 =	sshll.u32 s1, $0xD;
	s1 =	sshrl.u32 s1, $0x2  }
0xc1: {  	s3 =	sand.u32 $0x4000, s31;
	s1 =	sadd.s32 s1, s30  }
0xc2: {  	s0 =	sor.u32 s3, s0;
	s1 =	sshll.u32 s1, $0x11  }
0xc3: {  	s0 =	sor.u32 s1, s0  }
0xc4: {  	s0 =	sadd.s32 $0x8F2B, s0  }
0xc5: {  	[sflag:s0] =	ssyncadd.remote.s32 $0x1  }
0xc6: {  	_ =	sfence.sel $0xFFFF  }
0xc7: {  	[dreg:$0x0] =	wrdreg $0xFFFFFFFF;
	(pc) =	sbr.abs _section_cstart, $3  }
0xc8: {  	[dreg:$0x1] =	wrdreg $0xFFFFFFFF  }
0xc9: {  	_ =	task.clear_ibuf [dreg:s11], $0x2FFFF;
	_ =	strace $0x9FFFFFFF  }
0xca: {  	(tm) =	ssettm $0x7FFFFFFF  }
0xcb: {  	_ =	shalt  }
tec
execute0_lowered:
.L_overlay_start_1:
0x0: {  	(tag) =	ssettag $0x1  }
0x1: {  	s1 =	rddreg [dreg:$0x0]  }
0x2: {  	s2 =	rddreg [dreg:$0x1]  }
0x3: {  	s3 =	rddreg [dreg:$0x2]  }
0x4: {  	s0 =	rddreg [dreg:$0x4]  }
0x5: {  	s4 =	rddreg [dreg:$0x5]  }
0x6: {  	s11 =	simm.s32 $0x0;
	s5 =	srdreg.scid;
	s8 =	stileid.u32  }
0x7: {  	[smem:$0x7FF] =	sst s11;
	s5 =	sand.u32 $0x1, s5;
	s7 =	sadd.s32 $0xC00, s0  }
0x8: {  	s0 =	sadd.s32 $0xA00, s0;
	s6 =	ssub.s32 $0x2, s5;
	s5 =	sshll.u32 s5, $0x4  }
0x9: {  	_ =	strace $0x80000047;
	[dreg:$0x7] =	wrdreg s7;
	s5 =	sor.u32 s8, s5  }
0xa: {  	[dreg:$0x8] =	wrdreg s0;
	s28 =	sshrl.u32 s6, $0x1;
	s30 =	sshll.u32 s5, $0xA  }
0xb: {  	s29 =	ssub.s32 s6, s28;
	s31 =	sadd.s32 $0x1, s5;
	v0 =	vmov s5;
	s4 =	sadd.s32 s4, s30  }
0xc: {  	s12 =	simm.s32 $0x3;
	s0 =	smax.u32 s29, $0x1;
	[tilespmem:$0x1FFE0] =	vst v0;
	v63 =	vmov s31;
	[dreg:$0x9] =	wrdreg s4  }
0xd: {  	v51 =	vlaneseq.u32;
	v52 =	vimm.f32 $1.000000000e+00;
	s13 =	simm.s32 $0x0;
	s9 =	sshll.u32 s5, $0x5;
	[dreg:$0xa] =	wrdreg s0;
	[tilespmem:$0x1FFF0] =	vst v63  }
.LBB2_1:
0xe: {  	s0 =	rddreg [dreg:$0x3];
	s4 =	simm.s32 $0x10200  }
0xf: {  	[tilespmem:s4], [sflag:$0x3] =	stream.linear.gather [hbm4b:s0+s11], $0x100, $0x38;
	[tilespmem:$0x16580] =	vst v63  }
0x10: {  	_ =	swait.ge [sflag:s12], $0x100  }
0x11: {  	[sflag:s12] =	ssyncset.done $0x0  }
0x12: {  	s23 =	simm.s32 $0x10300;
	s22 =	rddreg [dreg:$0x7];
	[sflag:s12] =	ssyncadd.s32 $0xFFFFFF00  }
0x13: {  	[tilespmem:s23], [sflag:$0x3] =	stream.linear.gather [hbm4b:s22+s11], $0x80, $0x38;
	[tilespmem:$0x16580] =	vst v63  }
0x14: {  	_ =	swait.ge [sflag:s12], $0x80  }
0x15: {  	[sflag:s12] =	ssyncset.done $0x0  }
0x16: {  	s25 =	simm.s32 $0x10380;
	s24 =	rddreg [dreg:$0x8];
	[sflag:s12] =	ssyncadd.s32 $0xFFFFFF80  }
0x17: {  	[tilespmem:s25], [sflag:$0x3] =	stream.linear.gather [hbm4b:s24+s11], $0x80, $0x38;
	[tilespmem:$0x16580] =	vst v63  }
0x18: {  	_ =	swait.ge [sflag:s12], $0x80  }
0x19: {  	[sflag:s12] =	ssyncset.done $0x0  }
0x1a: {  	v0 =	vimm.f32 $0.0e+00;
	[sflag:s12] =	ssyncadd.s32 $0xFFFFFF80  }
0x1b: {  	[tilespmem:$0x15400] =	vst v0  }
0x1c: {  	[tilespmem:$0x15480] =	vst v0  }
0x1d: {  	[tilespmem:$0x15500] =	vst v0  }
0x1e: {  	[tilespmem:$0x15580] =	vst v0  }
0x1f: {  	[tilespmem:$0x15600] =	vst v0  }
0x20: {  	[tilespmem:$0x15680] =	vst v0  }
0x21: {  	[tilespmem:$0x15700] =	vst v0  }
0x22: {  	[tilespmem:$0x15780] =	vst v0  }
0x23: {  	[tilespmem:$0x15800] =	vst v0  }
0x24: {  	[tilespmem:$0x15880] =	vst v0  }
0x25: {  	[tilespmem:$0x15900] =	vst v0  }
0x26: {  	[tilespmem:$0x15980] =	vst v0  }
0x27: {  	[tilespmem:$0x15A00] =	vst v0  }
0x28: {  	[tilespmem:$0x15A80] =	vst v0  }
0x29: {  	[tilespmem:$0x15B00] =	vst v0  }
0x2a: {  	[tilespmem:$0x15B80] =	vst v0  }
0x2b: {  	[tilespmem:$0x15C00] =	vst v0  }
0x2c: {  	[tilespmem:$0x15C80] =	vst v0  }
0x2d: {  	[tilespmem:$0x15D00] =	vst v0  }
0x2e: {  	[tilespmem:$0x15D80] =	vst v0  }
0x2f: {  	[tilespmem:$0x15E00] =	vst v0  }
0x30: {  	[tilespmem:$0x15E80] =	vst v0  }
0x31: {  	[tilespmem:$0x15F00] =	vst v0  }
0x32: {  	[tilespmem:$0x15F80] =	vst v0  }
0x33: {  	[tilespmem:$0x16000] =	vst v0  }
0x34: {  	[tilespmem:$0x16080] =	vst v0  }
0x35: {  	[tilespmem:$0x16100] =	vst v0  }
0x36: {  	[tilespmem:$0x16180] =	vst v0  }
0x37: {  	[tilespmem:$0x16200] =	vst v0  }
0x38: {  	[tilespmem:$0x16280] =	vst v0  }
0x39: {  	[tilespmem:$0x16300] =	vst v0  }
0x3a: {  	[tilespmem:$0x16380] =	vst v0  }
0x3b: {  	[tilespmem:$0x16400] =	vst v0  }
0x3c: {  	[tilespmem:$0x16410] =	vst v0  }
0x3d: {  	[tilespmem:$0x16420] =	vst v0  }
0x3e: {  	[tilespmem:$0x16430] =	vst v0  }
0x3f: {  	[tilespmem:$0x16440] =	vst v0  }
0x40: {  	[tilespmem:$0x16450] =	vst v0  }
0x41: {  	[tilespmem:$0x16460] =	vst v0  }
0x42: {  	[tilespmem:$0x16470] =	vst v0  }
0x43: {  	[tilespmem:$0x16480] =	vst v0  }
0x44: {  	[tilespmem:$0x16490] =	vst v0  }
0x45: {  	[tilespmem:$0x164A0] =	vst v0  }
0x46: {  	[tilespmem:$0x164B0] =	vst v0  }
0x47: {  	[tilespmem:$0x164C0] =	vst v0  }
0x48: {  	[tilespmem:$0x164D0] =	vst v0  }
0x49: {  	[tilespmem:$0x164E0] =	vst v0  }
0x4a: {  	[tilespmem:$0x164F0] =	vst v0  }
0x4b: {  	[tilespmem:$0x16500] =	vst v0;
	v0 =	vld [tilespmem:$0x1FFE0];
	_ =	sdelay $0x7  }
0x4c: {  	v0 =	vld.idx.msk [tilespmem:v0+s25+$0x0], $0xffff;
	_ =	sdelay $0x4  }
0x4d: {  	(v2sf) =	vpush v0, $0x0;
	v0 =	vld [tilespmem:$0x1FFF0];
	_ =	sdelay $0x7  }
0x4e: {  	v0 =	vld.idx.msk [tilespmem:v0+s25+$0x0], $0xffff;
	_ =	sdelay $0x4  }
0x4f: {  	(v2sf) =	vpush v0, $0x0;
	_ =	sdelay $0x7  }
0x50: {  	s20 =	spop (v2sf)  }
0x51: {  	s26 =	sand.u32 $0x7F, s20  }
0x52: {  	s28 =	sshra.s32 s20, $0x1F;
	p0 =	slt.s32 s20, $0x1;
	p1 =	sne.s32 s26, $0x0  }
0x53: {  	s29 =	sshrl.u32 s28, $0x19;
	p0 =	por !p0, !p1  }
0x54: {  	s4 =	simm.s32 $0x1;
	s0 =	sadd.s32 s29, s20;
	p0 =	por !p0, !p0  }
0x55: {  	s0 =	sshra.s32 s0, $0x7;
	s4 =	simm.s32 @!p0 $0x0  }
0x56: {  	s21 =	ssub.s32 s0, s4  }
0x57: {  	s0 =	sshll.u32 s21, $0x7;
	s22 =	spop (v2sf)  }
0x58: {  	s30 =	ssub.s32 s22, s0  }
0x59: {  	s4 =	sadd.s32 $0x7F, s30  }
0x5a: {  	s5 =	sand.u32 $0x7F, s4  }
0x5b: {  	s31 =	sshra.s32 s4, $0x1F;
	p6 =	slt.s32 s4, $0x1;
	p5 =	sne.s32 s5, $0x0  }
0x5c: {  	s5 =	sshrl.u32 s31, $0x19;
	p0 =	por !p6, !p5  }
0x5d: {  	s4 =	sadd.s32 s5, s4;
	s5 =	simm.s32 $0x1;
	p0 =	por !p0, !p0  }
0x5e: {  	s4 =	sshra.s32 s4, $0x7;
	s5 =	simm.s32 @!p0 $0x0  }
0x5f: {  	s23 =	ssub.s32 s4, s5  }
0x60: {  	p0 =	slt.s32 s23, $0x1  }
.Ltmp0:
0x61: {  	_ = 	snop;
	(pc) =	sbr.rel @p0 .LBB2_22-.Ltmp0, $1  }
0x62: {  	_ =	sdelay $0x3  }
0x63: {  	v3 =	vld [tilespmem:$0x10200]  }
0x64: {  	v5 =	vld [tilespmem:$0x10210]  }
0x65: {  	v6 =	vld [tilespmem:$0x10220]  }
0x66: {  	v7 =	vld [tilespmem:$0x10230]  }
0x67: {  	v8 =	vld [tilespmem:$0x10240]  }
0x68: {  	v9 =	vld [tilespmem:$0x10250]  }
0x69: {  	v10 =	vld [tilespmem:$0x10260]  }
0x6a: {  	v11 =	vld [tilespmem:$0x10270]  }
0x6b: {  	v12 =	vld [tilespmem:$0x10280]  }
0x6c: {  	v13 =	vld [tilespmem:$0x10290]  }
0x6d: {  	v14 =	vld [tilespmem:$0x102A0]  }
0x6e: {  	v15 =	vld [tilespmem:$0x102B0]  }
0x6f: {  	v16 =	vld [tilespmem:$0x102C0];
	p0 =	slt.s32 s0, $0x18620  }
0x70: {  	v17 =	vld [tilespmem:$0x102D0];
	s0 =	simm.s32 @!p0 $0x18620  }
0x71: {  	v18 =	vld [tilespmem:$0x102E0];
	v47 =	vbroadcast v0, $0x0;
	s4 =	sshll.u32 s0, $0x5  }
0x72: {  	v19 =	vld [tilespmem:$0x102F0];
	s24 =	simm.s32 $0x0;
	s4 =	sadd.s32 s1, s4  }
0x73: {  	[tilespmem:$0x1FFD0] =	vst v47;
	v20 =	vld.msk [tilespmem:$0x10300 ss:$0x0], $0xffff;
	[tilespmem:s24], [sflag:$0x1] =	stream.linear.gather [hbm4b:s4+s24], $0x8000, $0x38  }
0x74: {  	[tilespmem:$0x1FEC0] =	vst v3  }
0x75: {  	[tilespmem:$0x1FED0] =	vst v5  }
0x76: {  	[tilespmem:$0x1FEE0] =	vst v6  }
0x77: {  	[tilespmem:$0x1FEF0] =	vst v7  }
0x78: {  	[tilespmem:$0x1FF00] =	vst v8  }
0x79: {  	[tilespmem:$0x1FF10] =	vst v9  }
0x7a: {  	[tilespmem:$0x1FF20] =	vst v10  }
0x7b: {  	[tilespmem:$0x1FF30] =	vst v11  }
0x7c: {  	[tilespmem:$0x1FF40] =	vst v12  }
0x7d: {  	[tilespmem:$0x1FF50] =	vst v13  }
0x7e: {  	[tilespmem:$0x1FF60] =	vst v14  }
0x7f: {  	[tilespmem:$0x1FF70] =	vst v15  }
0x80: {  	[tilespmem:$0x1FF80] =	vst v16  }
0x81: {  	[tilespmem:$0x1FF90] =	vst v17  }
.Ltmp1:
0x82: {  	s0 =	sshrl.u32 s0, $0x3;
	[tilespmem:$0x1FFA0] =	vst v18;
	(pc) =	sbr.rel .LBB2_4-.Ltmp1, $4  }
0x83: {  	[dreg:$0xb] =	wrdreg s13;
	s5 =	simm.s32 $0x10000;
	s30 =	sadd.s32 s2, s0;
	[tilespmem:$0x1FFB0] =	vst v19  }
0x84: {  	[tilespmem:s5], [sflag:$0x1] =	stream.linear.gather [hbm4b:s30+s24], $0x80, $0x38;
	[tilespmem:$0x16580] =	vst v63  }
0x85: {  	s31 =	simm.s32 $0x10100;
	s25 =	simm.s32 $0xFFFFFFFF;
	s0 =	sadd.s32 s3, s0;
	[tilespmem:$0x1FFC0] =	vst v20  }
0x86: {  	[tilespmem:s31], [sflag:$0x1] =	stream.linear.gather [hbm4b:s0+s24], $0x80, $0x38;
	[tilespmem:$0x16580] =	vst v63  }
.LBB2_3:
0x87: {  	p0 =	seq.s32 s24, s23  }
.Ltmp2:
0x88: {  	_ = 	snop;
	(pc) =	sbr.rel @p0 .LBB2_18-.Ltmp2, $1  }
0x89: {  	_ =	sdelay $0x3  }
.LBB2_4:
0x8a: {  	s4 =	smov.u32 s24;
	s24 =	sadd.s32 $0x1, s24  }
0x8b: {  	s0 =	sand.u32 $0x1, s4;
	p1 =	sle.s32 s23, s24  }
0x8c: {  	p2 =	sne.s32 @!p1 s0, $0x0  }
0x8d: {  	p0 =	por p2, p1  }
0x8e: {  	s5 =	sadd.s32 @!p0 s21, s24  }
0x8f: {  	s5 =	sshll.u32 @!p0 s5, $0x7  }
0x90: {  	p3 =	slt.s32 @!p0 s5, $0x18620  }
0x91: {  	p2 =	por @!p1 !p3, p2  }
0x92: {  	p2 =	por !p2, p1  }
0x93: {  	s5 =	simm.s32 @!p2 $0x18620  }
0x94: {  	s7 =	simm.s32 @!p0 $0x0;
	s6 =	sshll.u32 @!p0 s5, $0x5  }
0x95: {  	s8 =	simm.s32 @!p0 $0x8000;
	s5 =	sshrl.u32 @!p0 s5, $0x3;
	s6 =	sadd.s32 @!p0 s1, s6  }
0x96: {  	[tilespmem:s8], [sflag:$0x2] =	stream.linear.gather @!p0 [hbm4b:s6+s7], $0x8000, $0x38;
	[tilespmem:$0x16580] =	vst v63  }
0x97: {  	s6 =	sadd.s32 @!p0 s2, s5;
	s8 =	simm.s32 @!p0 $0x10080  }
0x98: {  	[tilespmem:s8], [sflag:$0x2] =	stream.linear.gather @!p0 [hbm4b:s6+s7], $0x80, $0x38;
	[tilespmem:$0x16580] =	vst v63  }
0x99: {  	s5 =	sadd.s32 @!p0 s3, s5;
	s6 =	simm.s32 @!p0 $0x10180  }
0x9a: {  	[tilespmem:s6], [sflag:$0x2] =	stream.linear.gather @!p0 [hbm4b:s5+s7], $0x80, $0x38;
	[tilespmem:$0x16580] =	vst v63  }
0x9b: {  	p0 =	seq.s32 s0, $0x1  }
0x9c: {  	p2 =	por !p0, p1  }
0x9d: {  	s5 =	sadd.s32 @!p2 s21, s24  }
0x9e: {  	s5 =	sshll.u32 @!p2 s5, $0x7  }
0x9f: {  	p3 =	slt.s32 @!p2 s5, $0x18620  }
0xa0: {  	p3 =	por @!p1 !p3, !p0  }
0xa1: {  	p1 =	por !p3, p1  }
0xa2: {  	s5 =	simm.s32 @!p1 $0x18620  }
0xa3: {  	s6 =	sshll.u32 @!p2 s5, $0x5  }
0xa4: {  	s7 =	simm.s32 @!p2 $0x0;
	s5 =	sshrl.u32 @!p2 s5, $0x3;
	s6 =	sadd.s32 @!p2 s1, s6  }
0xa5: {  	[tilespmem:s7], [sflag:$0x1] =	stream.linear.gather @!p2 [hbm4b:s6+s7], $0x8000, $0x38;
	[tilespmem:$0x16580] =	vst v63  }
0xa6: {  	s8 =	simm.s32 @!p2 $0x10000;
	s6 =	sadd.s32 @!p2 s2, s5  }
0xa7: {  	[tilespmem:s8], [sflag:$0x1] =	stream.linear.gather @!p2 [hbm4b:s6+s7], $0x80, $0x38;
	[tilespmem:$0x16580] =	vst v63  }
0xa8: {  	p1 =	sne.s32 s0, $0x0;
	s5 =	sadd.s32 @!p2 s3, s5;
	s6 =	simm.s32 @!p2 $0x10100  }
0xa9: {  	[tilespmem:s6], [sflag:$0x1] =	stream.linear.gather @!p2 [hbm4b:s5+s7], $0x80, $0x38;
	[tilespmem:$0x16580] =	vst v63  }
0xaa: {  	s5 =	simm.s32 @!p1 $0x1  }
0xab: {  	_ =	swait.ge @!p1 [sflag:s5], $0x8000  }
0xac: {  	[sflag:s5] =	ssyncset.done @!p1 $0x0  }
0xad: {  	[sflag:s5] =	ssyncadd.s32 @!p1 $0xFFFF8000  }
0xae: {  	_ =	swait.ge @!p1 [sflag:s5], $0x80  }
0xaf: {  	[sflag:s5] =	ssyncset.done @!p1 $0x0  }
0xb0: {  	[sflag:s5] =	ssyncadd.s32 @!p1 $0xFFFFFF80  }
0xb1: {  	_ =	swait.ge @!p1 [sflag:s5], $0x80  }
0xb2: {  	[sflag:s5] =	ssyncset.done @!p1 $0x0  }
0xb3: {  	[sflag:s5] =	ssyncadd.s32 @!p1 $0xFFFFFF80;
	s5 =	simm.s32 @p0 $0x2  }
0xb4: {  	_ =	swait.ge @p0 [sflag:s5], $0x8000  }
0xb5: {  	s4 =	sadd.s32 s21, s4;
	[sflag:s5] =	ssyncset.done @p0 $0x0  }
0xb6: {  	s26 =	sshll.u32 s4, $0x7;
	s18 =	sshll.u32 s0, $0x7;
	[sflag:s5] =	ssyncadd.s32 @p0 $0xFFFF8000  }
0xb7: {  	s29 =	sshll.u32 s0, $0xF;
	s28 =	smov.u32 s26;
	_ =	swait.ge @p0 [sflag:s5], $0x80  }
0xb8: {  	p2 =	sgt.s32 s20, s26;
	p1 =	slt.s32 s26, $0x18620;
	[sflag:s5] =	ssyncset.done @p0 $0x0  }
.Ltmp3:
0xb9: {  	v26 =	vmov s29;
	s26 =	smov.u32 @p2 s20;
	[sflag:s5] =	ssyncadd.s32 @p0 $0xFFFFFF80;
	(pc) =	sbr.rel .LBB2_5-.Ltmp3, $4  }
0xba: {  	s19 =	sor.u32 $0x10000, s18;
	v48 =	vmov s26;
	_ =	swait.ge @p0 [sflag:s5], $0x80  }
0xbb: {  	s4 =	sor.u32 $0x10100, s18;
	v49 =	vmov s19;
	[tilespmem:$0x1FE90] =	vst v48  }
0xbc: {  	s30 =	simm.s32 $0x0;
	v50 =	vmov s4;
	[sflag:s5] =	ssyncset.done @p0 $0x0;
	[tilespmem:$0x1FEA0] =	vst v49  }
0xbd: {  	s31 =	simm.s32 $0x0;
	s28 =	simm.s32 @!p1 $0x18620;
	[tilespmem:$0x1FEB0] =	vst v50;
	[sflag:s5] =	ssyncadd.s32 @p0 $0xFFFFFF80  }
.LBB2_17:
0xbe: {  	s31 =	sadd.s32 $0x1, s31  }
0xbf: {  	p0 =	seq.s32 s31, $0x8  }
.Ltmp4:
0xc0: {  	_ = 	snop;
	(pc) =	sbr.rel @p0 .LBB2_3-.Ltmp4, $2  }
0xc1: {  	_ =	sdelay $0x2  }
0xc2: {  	s30 =	sadd.s32 $0x1000, s30  }
.LBB2_5:
0xc3: {  	_ =	sdelay $0x2  }
0xc4: {  	s0 =	sshll.u32 s31, $0x4;
	s6 =	simm.s32 $0x0;
	s4 =	sand.u32 $0x7800, s30  }
0xc5: {  	v28 =	vld.idx.msk [tilespmem:v49+s0+$0x0 ss:$0x1], $0xffff;
	s5 =	sand.u32 $0x300, s6;
	s4 =	sadd.s32 s4, s29  }
0xc6: {  	v27 =	vld.idx.msk [tilespmem:v50+s0+$0x0 ss:$0x1], $0xffff;
	s4 =	sadd.s32 s5, s4  }
0xc7: {  	v0 =	vld [tilespmem:s4+$0x4E0]  }
0xc8: {  	v1 =	vld [tilespmem:s4+$0x4F0]  }
0xc9: {  	v2 =	vld [tilespmem:s4+$0x4C0]  }
0xca: {  	v4 =	vld [tilespmem:s4+$0x4D0]  }
0xcb: {  	v21 =	vld [tilespmem:s4+$0x4A0]  }
0xcc: {  	v22 =	vld [tilespmem:s4+$0x4B0]  }
0xcd: {  	v30 =	vld [tilespmem:s4+$0xC0]  }
0xce: {  	v31 =	vld [tilespmem:s4+$0xD0]  }
0xcf: {  	v32 =	vld [tilespmem:s4+$0xA0]  }
0xd0: {  	v33 =	vld [tilespmem:s4+$0xB0]  }
0xd1: {  	v34 =	vld [tilespmem:s4+$0x80]  }
0xd2: {  	v35 =	vld [tilespmem:s4+$0x90]  }
0xd3: {  	v37 =	vld [tilespmem:s4+$0x0]  }
0xd4: {  	v38 =	vld [tilespmem:s4+$0x10]  }
0xd5: {  	v36 =	vld [tilespmem:s4+$0x20]  }
0xd6: {  	v40 =	vld [tilespmem:s4+$0x30];
	v34 =	vmul.f32 v34, v3  }
0xd7: {  	v25 =	vld [tilespmem:s4+$0xE0];
	v35 =	vmul.f32 v35, v5;
	v32 =	vmul.f32 v32, v6  }
0xd8: {  	v41 =	vld [tilespmem:s4+$0x40];
	v33 =	vmul.f32 v33, v7;
	v37 =	vmul.f32 v37, v3  }
0xd9: {  	v42 =	vld [tilespmem:s4+$0x50];
	v38 =	vmul.f32 v38, v5;
	v0 =	vmul.f32 v0, v18  }
0xda: {  	v29 =	vld [tilespmem:s4+$0xF0];
	v30 =	vmul.f32 v30, v8;
	v31 =	vmul.f32 v31, v9  }
0xdb: {  	v23 =	vld [tilespmem:s4+$0x480];
	v36 =	vmul.f32 v36, v6;
	v40 =	vmul.f32 v40, v7  }
0xdc: {  	v24 =	vld [tilespmem:s4+$0x490];
	v44 =	vmul.f32 v2, v16;
	v45 =	vmul.f32 v1, v19  }
0xdd: {  	v60 =	vld [tilespmem:s4+$0x60];
	v21 =	vmul.f32 v21, v14;
	v53 =	vmul.f32 v41, v8;
	v34 =	vadd.f32 v35, v34  }
0xde: {  	v43 =	vld [tilespmem:s4+$0x70];
	v54 =	vmul.f32 v42, v9;
	v25 =	vmul.f32 v25, v10  }
0xdf: {  	v61 =	vld [tilespmem:s4+$0x400];
	v29 =	vmul.f32 v29, v11;
	v32 =	vadd.f32 v33, v32;
	v34 =	vadd.f32 $0.0e+00, v34  }
0xe0: {  	v62 =	vld [tilespmem:s4+$0x410];
	v4 =	vmul.f32 v4, v17;
	v23 =	vmul.f32 v23, v12;
	v37 =	vadd.f32 v38, v37  }
0xe1: {  	v63 =	vld [tilespmem:s4+$0x420];
	v22 =	vmul.f32 v22, v15;
	v1 =	vadd.f32 v31, v30;
	v32 =	vadd.f32 v32, v34  }
0xe2: {  	s12 =	sadd.s32 $0x200, s30;
	v46 =	vld [tilespmem:s4+$0x440];
	v24 =	vmul.f32 v24, v13;
	v31 =	vadd.f32 v40, v36;
	v30 =	vadd.f32 $0.0e+00, v37  }
0xe3: {  	s18 =	simm.s32 $0x100;
	s19 =	sand.u32 $0x7800, s12;
	v2 =	vld [tilespmem:s4+$0x430];
	v35 =	vmul.f32 v60, v10;
	v25 =	vadd.f32 v29, v25;
	v1 =	vadd.f32 v1, v32  }
0xe4: {  	s7 =	sand.u32 $0x300, s18;
	s5 =	sadd.s32 s19, s29;
	v55 =	vld [tilespmem:s4+$0x450];
	v29 =	vmul.f32 v43, v11;
	v37 =	vadd.f32 v54, v53;
	v30 =	vadd.f32 v31, v30  }
0xe5: {  	s17 =	sadd.s32 s7, s5;
	v56 =	vld [tilespmem:s4+$0x470];
	v59 =	vmul.f32 v62, v13;
	v23 =	vadd.f32 v24, v23;
	v25 =	vadd.f32 v25, v1  }
0xe6: {  	v39 =	vld [tilespmem:s17+$0x4E0];
	v33 =	vmul.f32 v61, v12;
	v29 =	vadd.f32 v29, v35;
	v30 =	vadd.f32 v37, v30  }
0xe7: {  	v24 =	vmul.f32 v63, v14;
	v21 =	vadd.f32 v22, v21;
	v31 =	vld [tilespmem:s4+$0x460];
	v23 =	vadd.f32 v23, v25  }
0xe8: {  	v57 =	vld [tilespmem:s17+$0x4F0];
	v2 =	vmul.f32 v2, v15;
	v29 =	vadd.f32 v29, v30;
	v30 =	vadd.f32 v59, v33  }
0xe9: {  	v58 =	vld [tilespmem:s17+$0x4C0];
	v4 =	vadd.f32 v4, v44;
	v32 =	vmul.f32 v55, v17;
	v21 =	vadd.f32 v21, v23  }
0xea: {  	v60 =	vld [tilespmem:s17+$0x4D0];
	v25 =	vmul.f32 v46, v16;
	v29 =	vadd.f32 v30, v29;
	v30 =	vadd.f32 v2, v24  }
0xeb: {  	v62 =	vmul.f32 v56, v19;
	v61 =	vld [tilespmem:s17+$0x4A0];
	v0 =	vadd.f32 v45, v0;
	v21 =	vadd.f32 v4, v21  }
0xec: {  	v22 =	vld [tilespmem:s17+$0x480];
	v31 =	vmul.f32 v31, v18;
	v29 =	vadd.f32 v30, v29;
	v30 =	vadd.f32 v32, v25  }
0xed: {  	v36 =	vld [tilespmem:s17+$0x90];
	v0 =	vadd.f32 v0, v21  }
0xee: {  	v35 =	vld [tilespmem:s17+$0x80];
	v29 =	vadd.f32 v30, v29;
	v30 =	vadd.f32 v62, v31  }
0xef: {  	v34 =	vld [tilespmem:s17+$0xA0];
	(xrf2) =	vadd.scan.msk.f32 $0xffff, v0  }
0xf0: {  	v1 =	vld [tilespmem:s17+$0x4B0];
	v63 =	vadd.f32 v30, v29  }
0xf1: {  	v2 =	vld [tilespmem:s17+$0x490]  }
0xf2: {  	v24 =	vld [tilespmem:s17+$0xE0];
	(xrf2) =	vadd.scan.msk.f32 $0xffff, v63  }
0xf3: {  	v23 =	vld [tilespmem:s17+$0xF0]  }
0xf4: {  	v33 =	vmul.f32 v60, v17;
	v25 =	vld [tilespmem:s17+$0xC0]  }
0xf5: {  	v32 =	vmul.f32 v58, v16;
	v4 =	vld [tilespmem:s17+$0xD0];
	v31 =	vmul.f32 v57, v19  }
0xf6: {  	s14 =	simm.s32 $0x4;
	s12 =	sadd.s32 $0x200, s12;
	s4 =	simm.s32 $0x2;
	v21 =	vld [tilespmem:s17+$0xB0];
	v30 =	vmul.f32 v39, v18;
	v29 =	vimm.f32 $0.0e+00;
	v0 =	vmul.f32 v61, v14  }
.LBB2_6:
0xf7: {  	s5 =	sand.u32 $0x7800, s12;
	p0 =	sne.s32 s14, $0xE;
	v37 =	vld [tilespmem:s17+$0x20];
	v22 =	vmul.f32 v22, v12;
	v1 =	vmul.f32 v1, v15;
	s18 =	sadd.s32 $0x100, s18  }
0xf8: {  	v24 =	vmul.f32 v24, v10;
	v2 =	vmul.f32 v2, v13;
	s7 =	sand.u32 $0x300, s18;
	s5 =	sadd.s32 s5, s29;
	v38 =	vld [tilespmem:s17+$0x0]  }
0xf9: {  	v25 =	vmul.f32 v25, v8;
	v23 =	vmul.f32 v23, v11;
	s16 =	sadd.s32 s7, s5;
	v39 =	vld [tilespmem:s17+$0x10];
	v40, _, _ =	vpop (xrf2)  }
0xfa: {  	v4 =	vmul.f32 v4, v9;
	v42 =	vmov s6;
	v34 =	vmul.f32 v34, v6;
	v41 =	vld [tilespmem:s16+$0x4E0]  }
0xfb: {  	vm0 =	veq.s32 v42, v51;
	s5 =	sadd.s32 $0x1, s6;
	s6 =	smov.u32 s4;
	s4 =	smov.u32 s14;
	v35 =	vmul.f32 v35, v3;
	v36 =	vmul.f32 v36, v5;
	v43 =	vld [tilespmem:s17+$0x30]  }
0xfc: {  	v21 =	vmul.f32 v21, v7;
	v44 =	vmov s5;
	v37 =	vmul.f32 v37, v6;
	v42 =	vld [tilespmem:s17+$0x40];
	v45, _, _ =	vpop (xrf2)  }
0xfd: {  	v38 =	vmul.f32 v38, v3;
	v35 =	vadd.f32 v36, v35;
	v36 =	vld [tilespmem:s17+$0x50];
	v45 =	vbroadcast v45, $0xF  }
0xfe: {  	v40 =	vbroadcast v40, $0xF;
	vm1 =	veq.s32 v44, v51;
	v39 =	vmul.f32 v39, v5;
	v46 =	vld [tilespmem:s17+$0x60]  }
0xff: {  	v21 =	vadd.f32 v21, v34;
	v35 =	vadd.f32 $0.0e+00, v35;
	v34 =	vld [tilespmem:s17+$0x70];
	v29 =	vsel vm0, v45, v29  }
0x100: {  	v38 =	vadd.f32 v39, v38;
	v39 =	vmul.f32 v43, v7;
	v43 =	vld [tilespmem:s17+$0x400];
	v29 =	vsel vm1, v40, v29  }
0x101: {  	v4 =	vadd.f32 v4, v25;
	v21 =	vadd.f32 v21, v35;
	v35 =	vmul.f32 v42, v8;
	v25 =	vld [tilespmem:s17+$0x410]  }
0x102: {  	v38 =	vadd.f32 $0.0e+00, v38;
	v37 =	vadd.f32 v39, v37;
	v36 =	vmul.f32 v36, v9;
	v39 =	vld [tilespmem:s17+$0x420]  }
0x103: {  	v23 =	vadd.f32 v23, v24;
	v4 =	vadd.f32 v4, v21;
	v21 =	vmul.f32 v46, v10;
	v24 =	vld [tilespmem:s17+$0x430]  }
0x104: {  	v37 =	vadd.f32 v37, v38;
	v35 =	vadd.f32 v36, v35;
	v34 =	vmul.f32 v34, v11;
	v36 =	vld [tilespmem:s17+$0x440]  }
0x105: {  	v2 =	vadd.f32 v2, v22;
	v4 =	vadd.f32 v23, v4;
	v23 =	vmul.f32 v43, v12;
	v22 =	vld [tilespmem:s17+$0x450]  }
0x106: {  	v35 =	vadd.f32 v35, v37;
	v21 =	vadd.f32 v34, v21;
	v25 =	vmul.f32 v25, v13;
	v34 =	vld [tilespmem:s17+$0x460]  }
0x107: {  	v0 =	vadd.f32 v1, v0;
	v2 =	vadd.f32 v2, v4;
	v4 =	vmul.f32 v39, v14;
	v37 =	vld [tilespmem:s17+$0x470];
	s17 =	smov.u32 s16  }
0x108: {  	v38 =	vld [tilespmem:s17+$0x4F0];
	v1 =	vadd.f32 v21, v35;
	v21 =	vadd.f32 v25, v23;
	v23 =	vmul.f32 v24, v15  }
0x109: {  	v24 =	vadd.f32 v33, v32;
	v39 =	vld [tilespmem:s17+$0x4C0];
	v0 =	vadd.f32 v0, v2;
	v2 =	vmul.f32 v36, v16  }
0x10a: {  	v33 =	vld [tilespmem:s17+$0x4D0];
	v21 =	vadd.f32 v21, v1;
	v4 =	vadd.f32 v23, v4;
	v22 =	vmul.f32 v22, v17  }
0x10b: {  	v40 =	vld [tilespmem:s17+$0x4A0];
	v0 =	vadd.f32 v24, v0;
	v23 =	vmul.f32 v34, v18;
	v24 =	vadd.f32 v31, v30  }
0x10c: {  	v1 =	vld [tilespmem:s17+$0x4B0];
	v4 =	vadd.f32 v4, v21;
	v21 =	vadd.f32 v22, v2;
	v25 =	vmul.f32 v37, v19  }
0x10d: {  	v22 =	vld [tilespmem:s17+$0x480];
	v0 =	vadd.f32 v24, v0  }
0x10e: {  	v2 =	vld [tilespmem:s17+$0x490];
	v4 =	vadd.f32 v21, v4;
	v21 =	vadd.f32 v25, v23  }
0x10f: {  	v24 =	vld [tilespmem:s17+$0xE0];
	(xrf2) =	vadd.scan.msk.f32 $0xffff, v0  }
0x110: {  	v23 =	vld [tilespmem:s17+$0xF0];
	v0 =	vadd.f32 v21, v4  }
0x111: {  	v25 =	vld [tilespmem:s17+$0xC0]  }
.Ltmp5:
0x112: {  	v4 =	vld [tilespmem:s17+$0xD0];
	(xrf2) =	vadd.scan.msk.f32 $0xffff, v0;
	(pc) =	sbr.rel @p0 .LBB2_6-.Ltmp5, $4  }
0x113: {  	v34 =	vld [tilespmem:s17+$0xA0]  }
0x114: {  	v30 =	vmul.f32 v41, v18;
	v21 =	vld [tilespmem:s17+$0xB0]  }
0x115: {  	v31 =	vmul.f32 v38, v19;
	v32 =	vmul.f32 v39, v16;
	v35 =	vld [tilespmem:s17+$0x80]  }
0x116: {  	s12 =	sadd.s32 $0x200, s12;
	s14 =	sadd.s32 $0x2, s14;
	v33 =	vmul.f32 v33, v17;
	v0 =	vmul.f32 v40, v14;
	v36 =	vld [tilespmem:s17+$0x90]  }
0x117: {  	v37 =	vld [tilespmem:s17+$0x0]  }
0x118: {  	v22 =	vmul.f32 v22, v12;
	v38 =	vld [tilespmem:s17+$0x10]  }
0x119: {  	v39 =	vld [tilespmem:s17+$0x20];
	v1 =	vmul.f32 v1, v15;
	v24 =	vmul.f32 v24, v10  }
0x11a: {  	v2 =	vmul.f32 v2, v13;
	v25 =	vmul.f32 v25, v8;
	v40 =	vld [tilespmem:s17+$0x30]  }
0x11b: {  	v23 =	vmul.f32 v23, v11;
	v41 =	vld [tilespmem:s17+$0x40];
	v4 =	vmul.f32 v4, v9  }
0x11c: {  	v42 =	vld [tilespmem:s17+$0x50];
	v35 =	vmul.f32 v35, v3;
	v36 =	vmul.f32 v36, v5  }
0x11d: {  	v43 =	vld [tilespmem:s17+$0x60];
	v37 =	vmul.f32 v37, v3;
	v38 =	vmul.f32 v38, v5  }
0x11e: {  	v46 =	vld [tilespmem:s17+$0x70];
	v34 =	vmul.f32 v34, v6;
	v21 =	vmul.f32 v21, v7;
	v35 =	vadd.f32 v36, v35  }
0x11f: {  	v56 =	vld [tilespmem:s17+$0x410];
	v39 =	vmul.f32 v39, v6;
	v53 =	vmul.f32 v40, v7;
	v37 =	vadd.f32 v38, v37  }
0x120: {  	v54 =	vld [tilespmem:s17+$0x400];
	v21 =	vadd.f32 v21, v34;
	v55 =	vmul.f32 v41, v8;
	v35 =	vadd.f32 $0.0e+00, v35  }
0x121: {  	v59 =	vld [tilespmem:s17+$0x430];
	v57 =	vmul.f32 v42, v9;
	v38 =	vadd.f32 v53, v39;
	v37 =	vadd.f32 $0.0e+00, v37  }
0x122: {  	v58 =	vld [tilespmem:s17+$0x420];
	v4 =	vadd.f32 v4, v25;
	v25 =	vmul.f32 v43, v10;
	v21 =	vadd.f32 v21, v35  }
0x123: {  	v60 =	vld [tilespmem:s17+$0x440];
	v36 =	vmul.f32 v46, v11;
	v34 =	vadd.f32 v57, v55;
	v37 =	vadd.f32 v38, v37  }
0x124: {  	v61 =	vmul.f32 v56, v13;
	v4 =	vadd.f32 v4, v21;
	v21 =	vadd.f32 v23, v24;
	v24 =	vld [tilespmem:s17+$0x450]  }
0x125: {  	v62 =	vld [tilespmem:s17+$0x460];
	v25 =	vadd.f32 v36, v25;
	v23 =	vmul.f32 v54, v12;
	v34 =	vadd.f32 v34, v37  }
0x126: {  	v2 =	vadd.f32 v2, v22;
	v22 =	vld [tilespmem:s17+$0x470];
	v63 =	vmul.f32 v59, v15;
	v4 =	vadd.f32 v21, v4  }
0x127: {  	v21 =	vmul.f32 v58, v14;
	v23 =	vadd.f32 v61, v23;
	v25 =	vadd.f32 v25, v34  }
0x128: {  	v0 =	vadd.f32 v1, v0;
	v1 =	vmul.f32 v60, v16;
	v2 =	vadd.f32 v2, v4  }
0x129: {  	v21 =	vadd.f32 v63, v21;
	v4 =	vadd.f32 v23, v25;
	v23 =	vmul.f32 v24, v17  }
0x12a: {  	v24 =	vmul.f32 v62, v18;
	v0 =	vadd.f32 v0, v2;
	v2 =	vadd.f32 v33, v32  }
0x12b: {  	v4 =	vadd.f32 v21, v4;
	v1 =	vadd.f32 v23, v1;
	v21 =	vmul.f32 v22, v19  }
0x12c: {  	v0 =	vadd.f32 v2, v0;
	v2 =	vadd.f32 v31, v30  }
0x12d: {  	v1 =	vadd.f32 v1, v4;
	v4 =	vadd.f32 v21, v24  }
0x12e: {  	v0 =	vadd.f32 v2, v0  }
0x12f: {  	v1 =	vadd.f32 v4, v1  }
0x130: {  	(xrf2) =	vadd.scan.msk.f32 $0xffff, v0  }
0x131: {  	(xrf2) =	vadd.scan.msk.f32 $0xffff, v1;
	_ =	sdelay $0x5  }
0x132: {  	s5 =	sadd.s32 $0x1, s6;
	v2 =	vmov s6;
	v0, _, _ =	vpop (xrf2)  }
0x133: {  	vm0 =	veq.s32 v2, v51;
	v2 =	vmov s5;
	v1, _, _ =	vpop (xrf2)  }
0x134: {  	v1 =	vbroadcast v1, $0xF  }
0x135: {  	v0 =	vbroadcast v0, $0xF;
	v4, _, _ =	vpop (xrf2)  }
0x136: {  	vm1 =	veq.s32 v2, v51;
	v1 =	vsel vm0, v1, v29;
	v2, _, _ =	vpop (xrf2)  }
0x137: {  	s18 =	sadd.s32 $0x1, s4;
	v0 =	vsel vm1, v0, v1;
	v1 =	vmov s4;
	v2 =	vbroadcast v2, $0xF  }
0x138: {  	vm10 =	veq.s32 v1, v51;
	v1 =	vmov s18;
	v4 =	vbroadcast v4, $0xF  }
0x139: {  	vm11 =	veq.s32 v1, v51;
	v0 =	vsel vm10, v2, v0  }
0x13a: {  	v0 =	vsel vm11, v4, v0  }
0x13b: {  	v0 =	vadd.f32 v0, v20;
	_ =	sdelay $0x1  }
0x13c: {  	v0 =	vsub.f32 $0.0e+00, v0;
	_ =	sdelay $0x1  }
0x13d: {  	v0 =	vmul.f32 $1.442695020e+00, v0;
	_ =	sdelay $0x1  }
0x13e: {  	(erf) = vpow2.f32 v0  }
0x13f: {  	s4 =	sadd.s32 s28, s0  }
0x140: {  	v0 =	vor.u32 s4, v51  }
0x141: {  	vm12 =	vge.s32 v0, v48;
	vm13 =	vlt.s32 v0, v47  }
0x142: {  	vm14 =	vne.s32 v28, s25;
	vm0 =	vmand vm12, vm13  }
0x143: {  	v29 =	vimm.f32 $0.0e+00;
	vm1 =	vmand vm0, vm14  }
0x144: {  	v0 =	vsel vm1, $0x3F800000, v29;
	_ =	sdelay $0x1  }
0x145: {  	(xrf0) =	vmax.scan.msk.f32 $0xffff, v0  }
0x146: {  	v0 =	vpop (erf)  }
0x147: {  	v0 =	vadd.f32 $1.000000000e+00, v0;
	_ =	sdelay $0x3  }
0x148: {  	(erf) = vrcp.f32 v0;
	v0, _, _ =	vpop (xrf0)  }
0x149: {  	(v2sf) =	vpush v0, $0xF;
	_ =	sdelay $0x7  }
0x14a: {  	v0 =	vpop (erf)  }
0x14b: {  	v0 =	vmul.f32 $1.442695020e+00, v0;
	_ =	sdelay $0x1  }
0x14c: {  	(erf) = vpow2.f32 v0;
	_ =	sdelay $0x3  }
0x14d: {  	s19 =	spop (v2sf)  }
0x14e: {  	p0 =	sgt.f32 s19, $0.0e+00  }
.Ltmp6:
0x14f: {  	_ = 	snop;
	(pc) =	sbr.rel @!p0 .LBB2_8-.Ltmp6, $4  }
0x150: {  	vm15 =	veq.s32 v27, $0x1  }
0x151: {  	vm0 =	vmand vm0, vm15  }
0x152: {  	v0 =	vsel vm0, $0x3F800000, v29;
	v1 =	vpop (erf)  }
0x153: {  	v27 =	vmul.f32 v1, v0  }
0x154: {  	s5 =	ssub.s32 s25, s9  }
0x155: {  	p0 =	sgt.s32 s5, $0x0  }
0x156: {  	s5 =	simm.s32 @!p0 $0x0  }
0x157: {  	s5 =	smin.u32 s5, $0x1F  }
0x158: {  	s17 =	simm.s32 $0x16400;
	s7 =	sshll.u32 s5, $0x8;
	s6 =	sshll.u32 s5, $0x7  }
0x159: {  	v0 =	vld [tilespmem:s17+$0x0];
	s7 =	sand.u32 $0x1800, s7;
	s8 =	sand.u32 $0x380, s6  }
0x15a: {  	s18 =	sor.u32 s8, s7;
	s7 =	simm.s32 $0x0  }
0x15b: {  	s8 =	sor.u32 $0x12400, s18;
	s19 =	sand.u32 $0x400, s7  }
0x15c: {  	s10 =	sand.u32 $0x70, s7;
	s5 =	sadd.s32 s19, s8  }
0x15d: {  	s5 =	sadd.s32 s10, s5  }
0x15e: {  	s11 =	simm.s32 $0x16410;
	s10 =	simm.s32 $0x10;
	[tilespmem:s5+$0x0] =	vst v0  }
.LBB2_12:
0x15f: {  	v0 =	vld [tilespmem:s11+$0x0];
	p0 =	sne.s32 s10, $0xF0;
	s5 =	smov.u32 s10;
	s10 =	sadd.s32 $0x10, s10  }
.Ltmp7:
0x160: {  	s7 =	sadd.s32 $0x80, s7;
	(pc) =	sbr.rel @p0 .LBB2_12-.Ltmp7, $4  }
0x161: {  	s12 =	sand.u32 $0x400, s7  }
0x162: {  	s5 =	sand.u32 $0x70, s5;
	s12 =	sadd.s32 s12, s8  }
0x163: {  	s5 =	sadd.s32 s5, s12  }
0x164: {  	s11 =	sadd.s32 $0x10, s11;
	[tilespmem:s5+$0x0] =	vst v0  }
0x165: {  	v0 =	vld [tilespmem:$0x16500];
	_ =	sdelay $0x3  }
0x166: {  	[tilespmem:s6+$0x15400] =	vst v52  }
0x167: {  	s12 =	simm.s32 $0x0;
	[tilespmem:s6+$0x14400] =	vst v0;
	s6 =	simm.s32 $0x0  }
.LBB2_14:
0x168: {  	v1 =	vmov s12  }
0x169: {  	v0 =	vperm.xlane v28, v1;
	_ =	sdelay $0x1  }
0x16a: {  	(v2sf) =	vpush v0, $0x0;
	_ =	sdelay $0xc  }
0x16b: {  	v2 =	vld [tilespmem:$0x16500];
	_ =	sdelay $0x1  }
0x16c: {  	s5 =	sadd.s32 s0, s12;
	v0 =	vperm.xlane v27, v1;
	s14 =	spop (v2sf)  }
0x16d: {  	vm0 =	veq.s32 v1, v51;
	s5 =	sshll.u32 s5, $0x8;
	s7 =	ssub.s32 s14, s9  }
0x16e: {  	s8 =	sshll.u32 s12, $0x7;
	s5 =	sand.u32 $0x7800, s5;
	v1 =	vnsel vm0, $0x0, v0;
	p0 =	sgt.s32 s7, $0x0  }
0x16f: {  	s8 =	sand.u32 $0x380, s8;
	s5 =	sadd.s32 s5, s29;
	v1 =	vadd.f32 v1, v2;
	s7 =	simm.s32 @!p0 $0x0  }
0x170: {  	s11 =	sand.u32 $0x400, s6;
	s17 =	sadd.s32 s8, s5;
	s7 =	smin.u32 s7, $0x1F  }
0x171: {  	s13 =	sand.u32 $0x70, s6;
	s8 =	sadd.s32 s11, s17;
	[tilespmem:$0x16500] =	vst v1;
	s16 =	sshll.u32 s7, $0x7  }
0x172: {  	s8 =	sadd.s32 s13, s8;
	[tilespmem:s16+$0x14400] =	vst v1  }
0x173: {  	v1 =	vld [tilespmem:s8+$0x0]  }
0x174: {  	s18 =	simm.s32 $0x16400  }
0x175: {  	v2 =	vld [tilespmem:s18+$0x0];
	_ =	sdelay $0x1  }
0x176: {  	s7 =	sshll.u32 s7, $0x8  }
0x177: {  	s7 =	sand.u32 $0x1800, s7;
	s15 =	sand.u32 $0x380, s16;
	v1 =	vmul.f32 v1, v0  }
0x178: {  	s7 =	sor.u32 s15, s7  }
0x179: {  	s19 =	simm.s32 $0x10;
	s10 =	simm.s32 $0x80;
	s7 =	sor.u32 $0x12400, s7;
	v1 =	vadd.f32 v1, v2  }
0x17a: {  	s15 =	sand.u32 $0x70, s19;
	s8 =	sand.u32 $0x400, s10;
	s19 =	sadd.s32 s11, s7  }
0x17b: {  	s5 =	sadd.s32 s8, s17;
	s11 =	simm.s32 $0x20;
	s13 =	sadd.s32 s13, s19;
	[tilespmem:s18+$0x0] =	vst v1  }
.LBB2_15:
0x17c: {  	p0 =	sne.s32 s11, $0xF0;
	s5 =	sadd.s32 s15, s5;
	[tilespmem:s13+$0x0] =	vst v1;
	s13 =	smov.u32 s15  }
0x17d: {  	v1 =	vld [tilespmem:s5+$0x0]  }
0x17e: {  	s18 =	sadd.s32 $0x10, s18  }
0x17f: {  	v2 =	vld [tilespmem:s18+$0x0];
	_ =	sdelay $0x2  }
.Ltmp8:
0x180: {  	v1 =	vmul.f32 v1, v0;
	(pc) =	sbr.rel @p0 .LBB2_15-.Ltmp8, $4  }
0x181: {  	_ = 	snop  }
0x182: {  	s10 =	sadd.s32 $0x80, s10;
	v1 =	vadd.f32 v1, v2  }
0x183: {  	s15 =	sand.u32 $0x70, s11;
	s19 =	sadd.s32 s8, s7;
	s8 =	sand.u32 $0x400, s10  }
0x184: {  	s11 =	sadd.s32 $0x10, s11;
	s13 =	sadd.s32 s13, s19;
	s5 =	sadd.s32 s8, s17;
	[tilespmem:s18+$0x0] =	vst v1  }
0x185: {  	s5 =	sadd.s32 s15, s5;
	[tilespmem:s13+$0x0] =	vst v1  }
0x186: {  	v1 =	vld [tilespmem:s5+$0x0]  }
0x187: {  	s17 =	sadd.s32 $0x10, s18  }
0x188: {  	v2 =	vld [tilespmem:s17+$0x0];
	_ =	sdelay $0x1  }
0x189: {  	s7 =	sadd.s32 s8, s7;
	s18 =	sor.u32 s4, s12;
	s12 =	sadd.s32 $0x1, s12  }
0x18a: {  	s19 =	sadd.s32 s15, s7;
	p0 =	slt.s32 s18, s22;
	s7 =	smov.u32 s25;
	v0 =	vmul.f32 v1, v0  }
0x18b: {  	s7 =	smov.u32 @p0 s14;
	p0 =	seq.s32 s12, $0x10  }
.Ltmp9:
0x18c: {  	v0 =	vadd.f32 v0, v2;
	(pc) =	sbr.rel @!p0 .LBB2_14-.Ltmp9, $4  }
.Ltmp10:
0x18d: {  	_ = 	snop;
	(pc) =	sbr.rel @p0 .LBB2_17-.Ltmp10, $4  }
0x18e: {  	[tilespmem:s17+$0x0] =	vst v0  }
0x18f: {  	p1 =	sge.s32 s18, s26;
	[tilespmem:s19+$0x0] =	vst v0  }
0x190: {  	s25 =	smov.u32 @p1 s7;
	[tilespmem:s16+$0x15400] =	vst v52  }
0x191: {  	_ = 	snop  }
.LBB2_8:
0x192: {  	s4 =	sadd.s32 $0x0, s30  }
0x193: {  	s0 =	simm.s32 $0x0;
	s5 =	sand.u32 $0x7800, s4  }
0x194: {  	s7 =	sand.u32 $0x200, s0;
	s5 =	sadd.s32 s5, s29  }
0x195: {  	s14 =	sadd.s32 s7, s5  }
0x196: {  	v0 =	vld [tilespmem:s14+$0x180]  }
0x197: {  	v1 =	vld [tilespmem:s14+$0x190]  }
0x198: {  	v2 =	vld [tilespmem:s14+$0x1A0]  }
0x199: {  	v4 =	vld [tilespmem:s14+$0x1B0]  }
0x19a: {  	v21 =	vld [tilespmem:s14+$0x1C0]  }
0x19b: {  	v22 =	vld [tilespmem:s14+$0x1D0]  }
0x19c: {  	v23 =	vld [tilespmem:s14+$0x1E0]  }
0x19d: {  	v24 =	vld [tilespmem:s14+$0x1F0]  }
0x19e: {  	v25 =	vld [tilespmem:s14+$0x100]  }
0x19f: {  	v32 =	vld [tilespmem:s14+$0x110]  }
0x1a0: {  	v33 =	vld [tilespmem:s14+$0x120]  }
0x1a1: {  	v34 =	vld [tilespmem:s14+$0x130]  }
0x1a2: {  	v35 =	vld [tilespmem:s14+$0x140]  }
0x1a3: {  	v36 =	vld [tilespmem:s14+$0x150]  }
0x1a4: {  	v37 =	vld [tilespmem:s14+$0x160]  }
0x1a5: {  	v38 =	vld [tilespmem:s14+$0x170]  }
0x1a6: {  	v39 =	vld [tilespmem:s14+$0x80]  }
0x1a7: {  	v44 =	vld [tilespmem:s14+$0x90]  }
0x1a8: {  	v45 =	vld [tilespmem:s14+$0xA0]  }
0x1a9: {  	s6 =	simm.s32 $0x3;
	v46 =	vld [tilespmem:s14+$0xB0]  }
0x1aa: {  	s18 =	simm.s32 $0x2;
	s19 =	simm.s32 $0x0;
	v28 =	vmov s6;
	v47 =	vld [tilespmem:s14+$0xC0]  }
0x1ab: {  	s8 =	simm.s32 $0x1;
	v30 =	vmov s18;
	v31 =	vmov s19;
	v28 =	vperm.xlane v27, v28;
	v48 =	vld [tilespmem:s14+$0xD0]  }
0x1ac: {  	v40 =	vmov s8;
	v30 =	vperm.xlane v27, v30;
	v49 =	vperm.xlane v27, v31;
	v50 =	vld [tilespmem:s14+$0xE0]  }
0x1ad: {  	v31 =	vperm.xlane v27, v40;
	v51 =	vld [tilespmem:s14+$0xF0];
	v62 =	vmul.f32 v0, v28  }
0x1ae: {  	p0 =	por $0x0, $0x0;
	s5 =	simm.s32 $0x1;
	v52 =	vld [tilespmem:s14+$0x0];
	v7 =	vmul.f32 v1, v28;
	v8 =	vmul.f32 v2, v28  }
0x1af: {  	s5 =	simm.s32 @!p0 $0x0;
	v9 =	vld [tilespmem:s14+$0x40];
	v6 =	vmul.f32 v4, v28;
	v42 =	vmul.f32 v21, v28  }
0x1b0: {  	v10 =	vld [tilespmem:s14+$0x50];
	s5 =	sshll.u32 s5, $0x9;
	v43 =	vmul.f32 v22, v28;
	v40 =	vmul.f32 v23, v28  }
0x1b1: {  	v53 =	vld [tilespmem:s14+$0x60];
	s12 =	sadd.s32 s5, s4;
	v41 =	vmul.f32 v24, v28;
	v23 =	vmul.f32 v25, v30  }
0x1b2: {  	v54 =	vld [tilespmem:s14+$0x70];
	s4 =	sor.u32 $0x400, s12;
	v24 =	vmul.f32 v32, v30;
	v18 =	vmul.f32 v33, v30  }
0x1b3: {  	s7 =	sor.u32 $0x410, s12;
	v55 =	vld.idx.msk [tilespmem:v26+s4+$0x0 ss:$0x1], $0xffff;
	v19 =	vmul.f32 v34, v30;
	v5 =	vmul.f32 v35, v30  }
0x1b4: {  	s8 =	sor.u32 $0x420, s12;
	v56 =	vld.idx.msk [tilespmem:v26+s7+$0x0 ss:$0x1], $0xffff;
	v3 =	vmul.f32 v36, v30;
	v37 =	vmul.f32 v37, v30  }
0x1b5: {  	s10 =	sor.u32 $0x430, s12;
	v12 =	vld.idx.msk [tilespmem:v26+s8+$0x0 ss:$0x1], $0xffff;
	v38 =	vmul.f32 v38, v30;
	v39 =	vmul.f32 v39, v31  }
0x1b6: {  	s11 =	sor.u32 $0x440, s12;
	v60 =	vld.idx.msk [tilespmem:v26+s10+$0x0 ss:$0x1], $0xffff;
	v44 =	vmul.f32 v44, v31;
	v45 =	vmul.f32 v45, v31  }
0x1b7: {  	s13 =	sor.u32 $0x450, s12;
	v61 =	vld.idx.msk [tilespmem:v26+s11+$0x0 ss:$0x1], $0xffff;
	v46 =	vmul.f32 v46, v31;
	v47 =	vmul.f32 v47, v31  }
0x1b8: {  	v13 =	vld.idx.msk [tilespmem:v26+s13+$0x0 ss:$0x1], $0xffff;
	v48 =	vmul.f32 v48, v31;
	v50 =	vmul.f32 v50, v31  }
0x1b9: {  	v21 =	vld [tilespmem:s14+$0x10];
	v11 =	vmul.f32 v51, v31;
	v52 =	vmul.f32 v52, v49  }
0x1ba: {  	v22 =	vld [tilespmem:s14+$0x20];
	v63 =	vmul.f32 v9, v49;
	v2 =	vmul.f32 v10, v49  }
0x1bb: {  	s18 =	sadd.s32 $0x180, s12;
	s15 =	sor.u32 $0x470, s12;
	v25 =	vld [tilespmem:s14+$0x30];
	v53 =	vmul.f32 v53, v49;
	v4 =	vmul.f32 v54, v49  }
0x1bc: {  	s16 =	sor.u32 $0x400, s18;
	v15 =	vld.idx.msk [tilespmem:v26+s15+$0x0 ss:$0x1], $0xffff;
	v52 =	vadd.f32 v52, v29;
	v2 =	vadd.f32 v2, v29;
	v57 =	vmul.f32 v55, v49  }
0x1bd: {  	s5 =	sor.u32 $0x430, s18;
	v0 =	vld.idx.msk [tilespmem:v26+s16+$0x0 ss:$0x1], $0xffff;
	v4 =	vadd.f32 v4, v29;
	v58 =	vmul.f32 v56, v49;
	v59 =	vmul.f32 v12, v49  }
0x1be: {  	s14 =	sor.u32 $0x460, s12;
	v17 =	vld.idx.msk [tilespmem:v26+s5+$0x0 ss:$0x1], $0xffff;
	v60 =	vmul.f32 v60, v49;
	v39 =	vadd.f32 v39, v52;
	v51 =	vmul.f32 v61, v49  }
0x1bf: {  	v14 =	vld.idx.msk [tilespmem:v26+s14+$0x0 ss:$0x1], $0xffff;
	v52 =	vmul.f32 v13, v49;
	v2 =	vadd.f32 v48, v2;
	v21 =	vmul.f32 v21, v49  }
0x1c0: {  	s17 =	sor.u32 $0x410, s18;
	v36 =	vadd.f32 v11, v4;
	v22 =	vmul.f32 v22, v49;
	v25 =	vmul.f32 v25, v49  }
0x1c1: {  	s19 =	sor.u32 $0x420, s18;
	v1 =	vld.idx.msk [tilespmem:v26+s17+$0x0 ss:$0x1], $0xffff;
	v56 =	vmul.f32 v15, v49;
	v23 =	vadd.f32 v23, v39;
	v21 =	vadd.f32 v21, v29  }
0x1c2: {  	s4 =	sadd.s32 $0x100, s12;
	v16 =	vld.idx.msk [tilespmem:v26+s19+$0x0 ss:$0x1], $0xffff;
	s12 =	sadd.s32 $0x80, s12;
	v61 =	vmul.f32 v0, v28;
	v22 =	vadd.f32 v22, v29;
	v25 =	vadd.f32 v25, v29  }
0x1c3: {  	s16 =	sor.u32 $0x430, s12;
	v0 =	vmul.f32 v17, v28;
	v48 =	vadd.f32 v3, v2;
	v21 =	vadd.f32 v44, v21  }
0x1c4: {  	s7 =	sor.u32 $0x440, s18;
	v4 =	vld.idx.msk [tilespmem:v26+s16+$0x0 ss:$0x1], $0xffff;
	v54 =	vmul.f32 v14, v49;
	v22 =	vadd.f32 v45, v22;
	v25 =	vadd.f32 v46, v25  }
0x1c5: {  	s8 =	sor.u32 $0x450, s18;
	v39 =	vimm.f32 $0.0e+00;
	v35 =	vadd.f32 v62, v23;
	v21 =	vadd.f32 v24, v21;
	v24 =	vld.idx.msk [tilespmem:v26+s7+$0x0 ss:$0x1], $0xffff  }
0x1c6: {  	s10 =	sor.u32 $0x400, s4;
	v62 =	vmul.f32 v1, v28;
	v22 =	vadd.f32 v18, v22;
	v25 =	vadd.f32 v19, v25;
	v18 =	vld.idx.msk [tilespmem:v26+s8+$0x0 ss:$0x1], $0xffff  }
0x1c7: {  	s11 =	sor.u32 $0x410, s4;
	v1 =	vadd.f32 v63, v29;
	v63 =	vmul.f32 v16, v28;
	v34 =	vadd.f32 v7, v21;
	v21 =	vld.idx.msk [tilespmem:v26+s10+$0x0 ss:$0x1], $0xffff  }
0x1c8: {  	s19 =	sor.u32 $0x430, s4;
	v23 =	vadd.f32 v53, v29;
	v46 =	vimm.f32 $0.0e+00;
	v32 =	vadd.f32 v6, v25;
	v25 =	vld.idx.msk [tilespmem:v26+s11+$0x0 ss:$0x1], $0xffff  }
0x1c9: {  	s14 =	sor.u32 $0x410, s12;
	v2 =	vld.idx.msk [tilespmem:v26+s19+$0x0 ss:$0x1], $0xffff;
	v45 =	vimm.f32 $0.0e+00;
	v44 =	vimm.f32 $0.0e+00;
	v1 =	vadd.f32 v47, v1  }
0x1ca: {  	s13 =	sor.u32 $0x400, s12;
	v19 =	vadd.f32 v50, v23;
	v23 =	vld.idx.msk [tilespmem:v26+s14+$0x0 ss:$0x1], $0xffff;
	v50 =	vadd.f32 v38, v36;
	v38 =	vimm.f32 $0.0e+00  }
0x1cb: {  	s15 =	sor.u32 $0x420, s12;
	v36 =	vimm.f32 $0.0e+00;
	v47 =	vadd.f32 v5, v1;
	v33 =	vadd.f32 v8, v22;
	v22 =	vld.idx.msk [tilespmem:v26+s13+$0x0 ss:$0x1], $0xffff  }
0x1cc: {  	s17 =	sor.u32 $0x420, s4;
	v49 =	vadd.f32 v37, v19;
	v53 =	vmul.f32 v24, v28;
	v55 =	vmul.f32 v18, v28;
	v24 =	vld.idx.msk [tilespmem:v26+s15+$0x0 ss:$0x1], $0xffff  }
0x1cd: {  	[tilespmem:$0x1FE80] =	vst v27;
	s7 =	sor.u32 $0x440, s4;
	v37 =	vimm.f32 $0.0e+00;
	v21 =	vmul.f32 v21, v30;
	v1 =	vmul.f32 v25, v30;
	v25 =	vld.idx.msk [tilespmem:v26+s17+$0x0 ss:$0x1], $0xffff;
	s17 =	simm.s32 $0x400  }
.LBB2_9:
0x1ce: {  	v11 =	vld.idx.msk [tilespmem:v26+s7+$0x0 ss:$0x1], $0xffff  }
0x1cf: {  	s5 =	sor.u32 $0x450, s4;
	v3 =	vld [tilespmem:$0x1FE80]  }
0x1d0: {  	s11 =	sor.u32 $0x440, s12;
	v12 =	vld.idx.msk [tilespmem:v26+s5+$0x0 ss:$0x1], $0xffff  }
0x1d1: {  	s13 =	sor.u32 $0x450, s12;
	s19 =	sadd.s32 s17, s30;
	v14 =	vld.idx.msk [tilespmem:v26+s11+$0x0 ss:$0x1], $0xffff  }
0x1d2: {  	s14 =	sor.u32 $0x460, s12;
	s0 =	sadd.s32 $0x200, s0;
	v15 =	vld.idx.msk [tilespmem:v26+s13+$0x0 ss:$0x1], $0xffff;
	s8 =	sand.u32 $0x7800, s19  }
0x1d3: {  	s15 =	sor.u32 $0x470, s12;
	v16 =	vld.idx.msk [tilespmem:v26+s14+$0x0 ss:$0x1], $0xffff;
	s11 =	sand.u32 $0x200, s0;
	s5 =	sadd.s32 s8, s29  }
0x1d4: {  	s16 =	sor.u32 $0x460, s4;
	s7 =	sor.u32 $0x470, s4;
	v17 =	vld.idx.msk [tilespmem:v26+s15+$0x0 ss:$0x1], $0xffff;
	s4 =	sadd.s32 s11, s5  }
0x1d5: {  	v19 =	vld [tilespmem:s4+$0x190]  }
0x1d6: {  	v8 =	vld [tilespmem:s4+$0x1A0]  }
0x1d7: {  	v9 =	vld [tilespmem:s4+$0x1B0]  }
0x1d8: {  	v37 =	vadd.f32 v51, v37;
	v39 =	vadd.f32 v52, v39;
	v51 =	vld [tilespmem:s4+$0x150]  }
0x1d9: {  	v29 =	vadd.f32 v57, v29;
	v13 =	vadd.f32 v58, v46;
	v23 =	vmul.f32 v23, v31;
	v52 =	vld [tilespmem:s4+$0x160]  }
0x1da: {  	v45 =	vadd.f32 v59, v45;
	v38 =	vadd.f32 v54, v38;
	v24 =	vmul.f32 v24, v31;
	v54 =	vld [tilespmem:s4+$0x80]  }
0x1db: {  	v44 =	vadd.f32 v60, v44;
	v22 =	vmul.f32 v22, v31;
	v7 =	vld [tilespmem:s4+$0x10];
	v23 =	vadd.f32 v23, v13  }
0x1dc: {  	v4 =	vmul.f32 v4, v31;
	v25 =	vmul.f32 v25, v30;
	v24 =	vadd.f32 v24, v45;
	v13 =	vld [tilespmem:s4+$0xA0]  }
0x1dd: {  	p0 =	por !p0, !p0;
	s5 =	simm.s32 $0x1;
	v22 =	vadd.f32 v22, v29;
	v1 =	vadd.f32 v1, v23;
	v23 =	vld.idx.msk [tilespmem:v26+s16+$0x0 ss:$0x1], $0xffff  }
0x1de: {  	v2 =	vmul.f32 v2, v30;
	s5 =	simm.s32 @!p0 $0x0;
	v4 =	vadd.f32 v4, v44;
	v24 =	vadd.f32 v25, v24;
	v25 =	vld.idx.msk [tilespmem:v26+s7+$0x0 ss:$0x1], $0xffff  }
0x1df: {  	s5 =	sshll.u32 s5, $0x9;
	v18 =	vmul.f32 v16, v31;
	v21 =	vadd.f32 v21, v22;
	v22 =	vmul.f32 v11, v30;
	v11 =	vld [tilespmem:s4+$0x1C0]  }
0x1e0: {  	s12 =	sadd.s32 s5, s19;
	v2 =	vadd.f32 v2, v4;
	v4 =	vmul.f32 v12, v30;
	v12 =	vld [tilespmem:s4+$0x90]  }
0x1e1: {  	s10 =	sor.u32 $0x460, s18;
	s13 =	sor.u32 $0x470, s18;
	s18 =	sor.u32 $0x410, s12;
	v10 =	vadd.f32 v18, v38;
	v18 =	vld [tilespmem:s4+$0xE0]  }
0x1e2: {  	s19 =	sor.u32 $0x420, s12;
	v58 =	vld.idx.msk [tilespmem:v26+s18+$0x0 ss:$0x1], $0xffff  }
0x1e3: {  	s5 =	sor.u32 $0x430, s12;
	v59 =	vld.idx.msk [tilespmem:v26+s19+$0x0 ss:$0x1], $0xffff  }
0x1e4: {  	s16 =	sor.u32 $0x400, s12;
	v60 =	vld.idx.msk [tilespmem:v26+s5+$0x0 ss:$0x1], $0xffff  }
0x1e5: {  	v57 =	vld.idx.msk [tilespmem:v26+s16+$0x0 ss:$0x1], $0xffff  }
0x1e6: {  	v29 =	vadd.f32 v61, v21;
	v21 =	vld.idx.msk [tilespmem:v26+s10+$0x0 ss:$0x1], $0xffff  }
0x1e7: {  	v44 =	vadd.f32 v0, v2;
	v2 =	vld.idx.msk [tilespmem:v26+s13+$0x0 ss:$0x1], $0xffff  }
0x1e8: {  	s6 =	sadd.s32 $0x4, s6;
	v46 =	vadd.f32 v62, v1;
	v1 =	vmul.f32 v14, v31;
	v45 =	vadd.f32 v63, v24;
	v24 =	vld [tilespmem:s4+$0x180]  }
0x1e9: {  	v36 =	vadd.f32 v56, v36;
	s8 =	sadd.s32 $0xFFFFFFFE, s6;
	v0 =	vmul.f32 v15, v31;
	v31 =	vmul.f32 v17, v31;
	v14 =	vld [tilespmem:s4+$0xB0]  }
0x1ea: {  	v16 =	vmov s8;
	v15 =	vld [tilespmem:s4+$0xC0];
	v1 =	vadd.f32 v1, v37  }
0x1eb: {  	s14 =	sadd.s32 $0xFFFFFFFF, s6;
	s7 =	sor.u32 $0x440, s12;
	s18 =	sadd.s32 $0x180, s12;
	v17 =	vld [tilespmem:s4+$0xD0];
	v0 =	vadd.f32 v0, v39;
	v31 =	vadd.f32 v31, v36;
	v23 =	vmul.f32 v23, v30  }
0x1ec: {  	v63 =	vld.idx.msk [tilespmem:v26+s7+$0x0 ss:$0x1], $0xffff;
	s13 =	sor.u32 $0x400, s18;
	v25 =	vmul.f32 v25, v30;
	v30 =	vmov s14;
	v1 =	vadd.f32 v22, v1  }
0x1ed: {  	v20 =	vld.idx.msk [tilespmem:v26+s13+$0x0 ss:$0x1], $0xffff;
	s14 =	sor.u32 $0x410, s18;
	v0 =	vadd.f32 v4, v0;
	v30 =	vperm.xlane v3, v30;
	v4 =	vmul.f32 v21, v28  }
0x1ee: {  	s15 =	sadd.s32 $0xFFFFFFFD, s6;
	v27 =	vld.idx.msk [tilespmem:v26+s14+$0x0 ss:$0x1], $0xffff;
	v22 =	vadd.f32 v23, v10;
	v2 =	vmul.f32 v2, v28;
	v28 =	vmov s6  }
0x1ef: {  	v21 =	vld [tilespmem:s4+$0x1D0];
	v23 =	vadd.f32 v25, v31;
	v31 =	vmov s15;
	v28 =	vperm.xlane v3, v28  }
0x1f0: {  	v25 =	vld [tilespmem:s4+$0x1E0];
	v61 =	vperm.xlane v3, v31;
	v31 =	vperm.xlane v3, v16  }
0x1f1: {  	v47 =	vadd.f32 v42, v47;
	v10 =	vld [tilespmem:s4+$0x40];
	v24 =	vmul.f32 v24, v28;
	v62 =	vmul.f32 v19, v28  }
0x1f2: {  	v39 =	vadd.f32 v55, v0;
	v0 =	vld [tilespmem:s4+$0x1F0];
	v5 =	vmul.f32 v8, v28;
	v6 =	vmul.f32 v9, v28  }
0x1f3: {  	v37 =	vadd.f32 v53, v1;
	v1 =	vld [tilespmem:s4+$0x100];
	v42 =	vmul.f32 v11, v28;
	v11 =	vmul.f32 v51, v30  }
0x1f4: {  	v53 =	vld [tilespmem:s4+$0x170];
	v55 =	vmul.f32 v13, v31;
	v56 =	vmul.f32 v14, v31  }
0x1f5: {  	v3 =	vld [tilespmem:s4+$0x0];
	v13 =	vmul.f32 v17, v31;
	v14 =	vmul.f32 v18, v31  }
0x1f6: {  	v36 =	vadd.f32 v2, v23;
	v2 =	vld [tilespmem:s4+$0x110];
	v7 =	vmul.f32 v7, v61;
	v57 =	vmul.f32 v57, v61  }
0x1f7: {  	v38 =	vadd.f32 v4, v22;
	v4 =	vld [tilespmem:s4+$0x120];
	v58 =	vmul.f32 v58, v61;
	v59 =	vmul.f32 v59, v61  }
0x1f8: {  	v48 =	vadd.f32 v43, v48;
	v23 =	vld [tilespmem:s4+$0x140];
	v60 =	vmul.f32 v60, v61;
	v43 =	vmul.f32 v21, v28  }
0x1f9: {  	v49 =	vadd.f32 v40, v49;
	v19 =	vld [tilespmem:s4+$0xF0];
	v40 =	vmul.f32 v25, v28;
	v10 =	vmul.f32 v10, v61  }
0x1fa: {  	v50 =	vadd.f32 v41, v50;
	v8 =	vld [tilespmem:s4+$0x20];
	v41 =	vmul.f32 v0, v28;
	v0 =	vmul.f32 v1, v30  }
0x1fb: {  	v9 =	vld [tilespmem:s4+$0x30];
	v1 =	vmul.f32 v52, v30;
	v52 =	vmul.f32 v54, v31  }
0x1fc: {  	s8 =	sor.u32 $0x450, s12;
	v51 =	vld [tilespmem:s4+$0x60];
	v3 =	vmul.f32 v3, v61;
	v25 =	vmul.f32 v2, v30  }
0x1fd: {  	v16 =	vld.idx.msk [tilespmem:v26+s8+$0x0 ss:$0x1], $0xffff;
	v4 =	vmul.f32 v4, v30;
	v21 =	vmul.f32 v23, v30  }
0x1fe: {  	v54 =	vld [tilespmem:s4+$0x70];
	v2 =	vmul.f32 v53, v30;
	v53 =	vmul.f32 v12, v31  }
0x1ff: {  	v22 =	vld [tilespmem:s4+$0x130];
	v7 =	vadd.f32 v7, v34;
	v12 =	vmul.f32 v15, v31;
	v8 =	vmul.f32 v8, v61  }
0x200: {  	s11 =	sor.u32 $0x470, s12;
	v23 =	vld [tilespmem:s4+$0x50];
	v15 =	vmul.f32 v19, v31;
	v9 =	vmul.f32 v9, v61;
	v3 =	vadd.f32 v3, v35  }
0x201: {  	s15 =	sor.u32 $0x420, s18;
	v17 =	vmul.f32 v51, v61;
	v19 =	vld.idx.msk [tilespmem:v26+s11+$0x0 ss:$0x1], $0xffff;
	v7 =	vadd.f32 v53, v7;
	v8 =	vadd.f32 v8, v33  }
0x202: {  	s7 =	sor.u32 $0x450, s18;
	v53 =	vld.idx.msk [tilespmem:v26+s15+$0x0 ss:$0x1], $0xffff;
	v9 =	vadd.f32 v9, v32;
	v3 =	vadd.f32 v52, v3;
	v52 =	vmul.f32 v16, v61  }
0x203: {  	s10 =	sor.u32 $0x460, s12;
	v16 =	vld.idx.msk [tilespmem:v26+s7+$0x0 ss:$0x1], $0xffff;
	v17 =	vadd.f32 v17, v49;
	v18 =	vmul.f32 v54, v61;
	v8 =	vadd.f32 v55, v8  }
0x204: {  	s16 =	sor.u32 $0x430, s18;
	v22 =	vmul.f32 v22, v30;
	v54 =	vld.idx.msk [tilespmem:v26+s10+$0x0 ss:$0x1], $0xffff;
	v9 =	vadd.f32 v56, v9;
	v0 =	vadd.f32 v0, v3  }
0x205: {  	s19 =	sor.u32 $0x440, s18;
	s4 =	sadd.s32 $0x100, s12;
	v51 =	vmul.f32 v63, v61;
	v55 =	vld.idx.msk [tilespmem:v26+s16+$0x0 ss:$0x1], $0xffff;
	v3 =	vadd.f32 v25, v7;
	v18 =	vadd.f32 v18, v50  }
0x206: {  	v23 =	vmul.f32 v23, v61;
	v7 =	vld.idx.msk [tilespmem:v26+s19+$0x0 ss:$0x1], $0xffff;
	s16 =	sor.u32 $0x420, s4;
	v4 =	vadd.f32 v4, v8;
	v8 =	vadd.f32 v22, v9  }
0x207: {  	s8 =	sor.u32 $0x400, s4;
	v56 =	vmul.f32 v19, v61;
	v25 =	vld.idx.msk [tilespmem:v26+s16+$0x0 ss:$0x1], $0xffff;
	v35 =	vadd.f32 v24, v0;
	v34 =	vadd.f32 v62, v3  }
0x208: {  	s12 =	sadd.s32 $0x80, s12;
	s10 =	sor.u32 $0x410, s4;
	v3 =	vld.idx.msk [tilespmem:v26+s8+$0x0 ss:$0x1], $0xffff;
	v62 =	vmul.f32 v27, v28;
	v63 =	vmul.f32 v53, v28;
	v19 =	vadd.f32 v15, v18  }
0x209: {  	p1 =	sne.s32 s17, $0xC00;
	s11 =	sor.u32 $0x400, s12;
	v54 =	vmul.f32 v54, v61;
	v33 =	vadd.f32 v5, v4;
	v5 =	vld.idx.msk [tilespmem:v26+s10+$0x0 ss:$0x1], $0xffff;
	v4 =	vadd.f32 v10, v47  }
.Ltmp11:
0x20a: {  	s14 =	sor.u32 $0x420, s12;
	v22 =	vld.idx.msk [tilespmem:v26+s11+$0x0 ss:$0x1], $0xffff;
	v61 =	vmul.f32 v20, v28;
	v32 =	vadd.f32 v6, v8;
	v6 =	vadd.f32 v23, v48;
	(pc) =	sbr.rel @p1 .LBB2_9-.Ltmp11, $4  }
0x20b: {  	s13 =	sor.u32 $0x410, s12;
	v24 =	vld.idx.msk [tilespmem:v26+s14+$0x0 ss:$0x1], $0xffff;
	v53 =	vmul.f32 v7, v28;
	v7 =	vadd.f32 v14, v17;
	v12 =	vadd.f32 v12, v4  }
0x20c: {  	s19 =	sor.u32 $0x430, s4;
	v23 =	vld.idx.msk [tilespmem:v26+s13+$0x0 ss:$0x1], $0xffff;
	v0 =	vmul.f32 v55, v28;
	v50 =	vadd.f32 v2, v19;
	v6 =	vadd.f32 v13, v6  }
0x20d: {  	s15 =	sor.u32 $0x430, s12;
	v55 =	vmul.f32 v16, v28;
	v2 =	vld.idx.msk [tilespmem:v26+s19+$0x0 ss:$0x1], $0xffff;
	v49 =	vadd.f32 v1, v7;
	v47 =	vadd.f32 v21, v12  }
0x20e: {  	s17 =	sadd.s32 $0x400, s17;
	s7 =	sor.u32 $0x440, s4;
	v4 =	vld.idx.msk [tilespmem:v26+s15+$0x0 ss:$0x1], $0xffff;
	v48 =	vadd.f32 v11, v6;
	v21 =	vmul.f32 v3, v30;
	v1 =	vmul.f32 v5, v30  }
0x20f: {  	_ =	sdelay $0x3  }
0x210: {  	v3 =	vld.idx.msk [tilespmem:v26+s7+$0x0 ss:$0x1], $0xffff  }
0x211: {  	v27 =	vld [tilespmem:$0x16450]  }
0x212: {  	v7 =	vadd.f32 v42, v47;
	v47 =	vld [tilespmem:$0x1FFD0]  }
0x213: {  	v10 =	vadd.f32 v40, v49;
	v49 =	vld [tilespmem:$0x1FEA0]  }
0x214: {  	s0 =	sor.u32 $0x450, s4;
	v11 =	vadd.f32 v41, v50;
	v50 =	vld [tilespmem:$0x1FEB0]  }
0x215: {  	s5 =	sor.u32 $0x440, s12;
	v5 =	vld.idx.msk [tilespmem:v26+s0+$0x0 ss:$0x1], $0xffff  }
0x216: {  	s11 =	sor.u32 $0x450, s12;
	v6 =	vld.idx.msk [tilespmem:v26+s5+$0x0 ss:$0x1], $0xffff  }
0x217: {  	s13 =	sor.u32 $0x460, s12;
	v9 =	vld.idx.msk [tilespmem:v26+s11+$0x0 ss:$0x1], $0xffff  }
0x218: {  	s14 =	sor.u32 $0x470, s12;
	v12 =	vld.idx.msk [tilespmem:v26+s13+$0x0 ss:$0x1], $0xffff  }
0x219: {  	v13 =	vadd.f32 v57, v29;
	s15 =	sor.u32 $0x460, s4;
	v15 =	vld.idx.msk [tilespmem:v26+s14+$0x0 ss:$0x1], $0xffff  }
0x21a: {  	v14 =	vadd.f32 v58, v46;
	v16 =	vmul.f32 v22, v31;
	v18 =	vadd.f32 v59, v45;
	v19 =	vld.idx.msk [tilespmem:v26+s15+$0x0 ss:$0x1], $0xffff  }
0x21b: {  	v22 =	vadd.f32 v60, v44;
	v20 =	vmul.f32 v24, v31;
	v24 =	vld [tilespmem:$0x16440];
	v17 =	vmul.f32 v23, v31  }
0x21c: {  	s16 =	sor.u32 $0x470, s4;
	v8 =	vadd.f32 v43, v48;
	v48 =	vld [tilespmem:$0x1FE90];
	v13 =	vadd.f32 v16, v13;
	v16 =	vmul.f32 v25, v30  }
0x21d: {  	s19 =	sor.u32 $0x470, s18;
	v23 =	vld.idx.msk [tilespmem:v26+s16+$0x0 ss:$0x1], $0xffff;
	v18 =	vadd.f32 v20, v18;
	v4 =	vmul.f32 v4, v31;
	v14 =	vadd.f32 v17, v14  }
0x21e: {  	s17 =	sor.u32 $0x460, s18;
	v20 =	vld.idx.msk [tilespmem:v26+s19+$0x0 ss:$0x1], $0xffff;
	v13 =	vadd.f32 v21, v13;
	v21 =	vadd.f32 v51, v37  }
0x21f: {  	v17 =	vld.idx.msk [tilespmem:v26+s17+$0x0 ss:$0x1], $0xffff;
	v16 =	vadd.f32 v16, v18;
	v4 =	vadd.f32 v4, v22  }
0x220: {  	v2 =	vmul.f32 v2, v30;
	v1 =	vadd.f32 v1, v14;
	v14 =	vld [tilespmem:$0x16400];
	v22 =	vadd.f32 v52, v39  }
0x221: {  	v6 =	vmul.f32 v6, v31;
	v7 =	vadd.f32 v24, v7;
	v16 =	vadd.f32 v63, v16;
	v63 =	vld [tilespmem:$0x16460]  }
0x222: {  	v18 =	vld [tilespmem:$0x16420];
	v9 =	vmul.f32 v9, v31;
	v2 =	vadd.f32 v2, v4;
	v1 =	vadd.f32 v62, v1  }
0x223: {  	v3 =	vmul.f32 v3, v30;
	v4 =	vld [tilespmem:$0x16410];
	v62 =	vadd.f32 v56, v36;
	v6 =	vadd.f32 v6, v21  }
0x224: {  	v5 =	vmul.f32 v5, v30;
	v9 =	vadd.f32 v9, v22;
	[tilespmem:$0x16440] =	vst v7;
	v7 =	vld [tilespmem:$0x164B0];
	v0 =	vadd.f32 v0, v2  }
0x225: {  	v15 =	vmul.f32 v15, v31;
	v2 =	vld [tilespmem:$0x16430];
	v3 =	vadd.f32 v3, v6;
	v14 =	vadd.f32 v14, v35  }
0x226: {  	v5 =	vadd.f32 v5, v9;
	v9 =	vld [tilespmem:$0x164C0];
	v6 =	vadd.f32 v63, v10  }
0x227: {  	v15 =	vadd.f32 v15, v62;
	v10 =	vmul.f32 v23, v30;
	[tilespmem:$0x16400] =	vst v14;
	v14 =	vadd.f32 v18, v33;
	v18 =	vld [tilespmem:$0x16470]  }
0x228: {  	v4 =	vadd.f32 v4, v34;
	[tilespmem:$0x16460] =	vst v6;
	v6 =	vld [tilespmem:$0x164D0]  }
0x229: {  	v10 =	vadd.f32 v10, v15;
	v15 =	vld [tilespmem:$0x1FF70]  }
0x22a: {  	v3 =	vadd.f32 v53, v3;
	[tilespmem:$0x16410] =	vst v4;
	v4 =	vld [tilespmem:$0x16480]  }
0x22b: {  	v25 =	vadd.f32 v54, v38;
	v2 =	vadd.f32 v2, v32;
	[tilespmem:$0x16420] =	vst v14;
	v14 =	vld [tilespmem:$0x16490]  }
0x22c: {  	v5 =	vadd.f32 v55, v5;
	v3 =	vadd.f32 v9, v3;
	v9 =	vld [tilespmem:$0x1FF10]  }
0x22d: {  	v12 =	vmul.f32 v12, v31;
	v0 =	vadd.f32 v7, v0;
	[tilespmem:$0x16430] =	vst v2;
	v2 =	vadd.f32 v27, v8;
	v8 =	vld [tilespmem:$0x164A0]  }
0x22e: {  	[tilespmem:$0x164C0] =	vst v3;
	v3 =	vld [tilespmem:$0x1FEC0]  }
0x22f: {  	v19 =	vmul.f32 v19, v30;
	v12 =	vadd.f32 v12, v25;
	[tilespmem:$0x164B0] =	vst v0;
	v0 =	vadd.f32 v6, v5;
	v5 =	vld [tilespmem:$0x1FED0]  }
0x230: {  	[tilespmem:$0x16450] =	vst v2;
	v2 =	vadd.f32 v18, v11;
	v6 =	vld [tilespmem:$0x1FEE0]  }
0x231: {  	v11 =	vadd.f32 v19, v12;
	v12 =	vmul.f32 v17, v28;
	v17 =	vld [tilespmem:$0x1FF90]  }
0x232: {  	v13 =	vadd.f32 v61, v13;
	[tilespmem:$0x16470] =	vst v2;
	v2 =	vld [tilespmem:$0x164E0]  }
0x233: {  	v18 =	vld [tilespmem:$0x1FFA0]  }
0x234: {  	v19 =	vld [tilespmem:$0x1FFB0];
	v4 =	vadd.f32 v4, v13  }
0x235: {  	v1 =	vadd.f32 v14, v1;
	v14 =	vld [tilespmem:$0x1FF60];
	v7 =	vadd.f32 v12, v11  }
0x236: {  	v13 =	vmul.f32 v20, v28;
	v20 =	vld [tilespmem:$0x1FFC0]  }
0x237: {  	[tilespmem:$0x16480] =	vst v4;
	v4 =	vadd.f32 v8, v16;
	v8 =	vld [tilespmem:$0x164F0];
	v2 =	vadd.f32 v2, v7  }
0x238: {  	[tilespmem:$0x16490] =	vst v1;
	v1 =	vld [tilespmem:$0x16500]  }
0x239: {  	[tilespmem:$0x164E0] =	vst v2;
	v2 =	vld [tilespmem:$0x1FE80]  }
0x23a: {  	v11 =	vld [tilespmem:$0x1FF30]  }
0x23b: {  	v12 =	vld [tilespmem:$0x1FF40];
	[tilespmem:$0x164A0] =	vst v4;
	v4 =	vadd.f32 v13, v10  }
.Ltmp12:
0x23c: {  	v10 =	vld [tilespmem:$0x1FF20];
	(pc) =	sbr.rel .LBB2_17-.Ltmp12, $4  }
0x23d: {  	[tilespmem:$0x164D0] =	vst v0;
	v13 =	vld [tilespmem:$0x1FF50];
	v0 =	vadd.f32 v8, v4  }
0x23e: {  	v8 =	vld [tilespmem:$0x1FF00];
	v1 =	vadd.f32 v1, v2  }
0x23f: {  	v16 =	vld [tilespmem:$0x1FF80];
	[tilespmem:$0x164F0] =	vst v0  }
0x240: {  	v51 =	vlaneseq.u32;
	v52 =	vimm.f32 $1.000000000e+00;
	v7 =	vld [tilespmem:$0x1FEF0];
	[tilespmem:$0x16500] =	vst v1  }
.LBB2_18:
0x241: {  	p0 =	slt.s32 s25, $0x0  }
.Ltmp13:
0x242: {  	_ = 	snop;
	(pc) =	sbr.rel @p0 .LBB2_22-.Ltmp13, $2  }
0x243: {  	_ =	sdelay $0x2  }
0x244: {  	s11 =	simm.s32 $0x0;
	s12 =	simm.s32 $0x3;
	s13 =	rddreg [dreg:$0xb]  }
0x245: {  	s0 =	ssub.s32 s25, s9  }
0x246: {  	p0 =	sgt.s32 s0, $0x0  }
0x247: {  	s0 =	simm.s32 @!p0 $0x0  }
0x248: {  	s0 =	smin.u32 s0, $0x1F  }
0x249: {  	s5 =	simm.s32 $0x16400;
	s4 =	sshll.u32 s0, $0x8;
	s0 =	sshll.u32 s0, $0x7  }
0x24a: {  	v0 =	vld [tilespmem:s5+$0x0];
	s4 =	sand.u32 $0x1800, s4;
	s6 =	sand.u32 $0x380, s0  }
0x24b: {  	s30 =	sor.u32 s6, s4;
	s4 =	simm.s32 $0x0  }
0x24c: {  	s6 =	sor.u32 $0x12400, s30;
	s31 =	sand.u32 $0x400, s4  }
0x24d: {  	s7 =	sand.u32 $0x70, s4;
	s5 =	sadd.s32 s31, s6  }
0x24e: {  	s5 =	sadd.s32 s7, s5  }
0x24f: {  	s8 =	simm.s32 $0x16410;
	s7 =	simm.s32 $0x10;
	[tilespmem:s5+$0x0] =	vst v0  }
.LBB2_20:
0x250: {  	v0 =	vld [tilespmem:s8+$0x0];
	p0 =	sne.s32 s7, $0xF0;
	s5 =	smov.u32 s7;
	s7 =	sadd.s32 $0x10, s7  }
.Ltmp14:
0x251: {  	s4 =	sadd.s32 $0x80, s4;
	(pc) =	sbr.rel @p0 .LBB2_20-.Ltmp14, $4  }
0x252: {  	s10 =	sand.u32 $0x400, s4  }
0x253: {  	s5 =	sand.u32 $0x70, s5;
	s10 =	sadd.s32 s10, s6  }
0x254: {  	s5 =	sadd.s32 s5, s10  }
0x255: {  	s8 =	sadd.s32 $0x10, s8;
	[tilespmem:s5+$0x0] =	vst v0  }
0x256: {  	v0 =	vld [tilespmem:$0x16500];
	_ =	sdelay $0x3  }
0x257: {  	[tilespmem:s0+$0x15400] =	vst v52  }
0x258: {  	[tilespmem:s0+$0x14400] =	vst v0  }
.LBB2_22:
0x259: {  	v31 =	vimm.f32 $0.0e+00  }
0x25a: {  	v22 =	vimm.f32 $0.0e+00;
	v19 =	vimm.f32 $0.0e+00;
	v36 =	vimm.f32 $0.0e+00  }
0x25b: {  	v26 =	vimm.f32 $0.0e+00;
	v20 =	vimm.f32 $0.0e+00;
	v29 =	vimm.f32 $0.0e+00  }
0x25c: {  	s4 =	simm.s32 $0x0;
	v35 =	vimm.f32 $0.0e+00;
	v21 =	vimm.f32 $0.0e+00;
	v33 =	vimm.f32 $0.0e+00  }
0x25d: {  	v18 =	vimm.f32 $0.0e+00;
	v16 =	vimm.f32 $0.0e+00;
	v30 =	vimm.f32 $0.0e+00;
	s6 =	simm.s32 $0x15400;
	s0 =	sand.u32 $0x1800, s4;
	s5 =	sand.u32 $0x380, s4  }
0x25e: {  	v34 =	vimm.f32 $0.0e+00;
	v15 =	vimm.f32 $0.0e+00;
	v32 =	vimm.f32 $0.0e+00;
	v4 =	vld [tilespmem:s6+$0x0];
	s0 =	sor.u32 s5, s0  }
0x25f: {  	v13 =	vimm.f32 $0.0e+00;
	v11 =	vimm.f32 $0.0e+00;
	v28 =	vimm.f32 $0.0e+00;
	v39 =	vld [tilespmem:s0+$0x12400]  }
0x260: {  	v27 =	vimm.f32 $0.0e+00;
	v10 =	vimm.f32 $0.0e+00;
	v25 =	vimm.f32 $0.0e+00;
	v41 =	vld [tilespmem:s0+$0x12420]  }
0x261: {  	v9 =	vimm.f32 $0.0e+00;
	v8 =	vimm.f32 $0.0e+00;
	v24 =	vimm.f32 $0.0e+00;
	v40 =	vld [tilespmem:s0+$0x12430]  }
0x262: {  	v23 =	vimm.f32 $0.0e+00;
	v6 =	vimm.f32 $0.0e+00;
	v17 =	vimm.f32 $0.0e+00;
	v1 =	vld [tilespmem:s0+$0x12440]  }
0x263: {  	v7 =	vimm.f32 $0.0e+00;
	v5 =	vimm.f32 $0.0e+00;
	v12 =	vimm.f32 $0.0e+00;
	v0 =	vld [tilespmem:s0+$0x12450]  }
0x264: {  	s17 =	simm.s32 $0x14400;
	s18 =	simm.s32 $0x80;
	v14 =	vimm.f32 $0.0e+00;
	v38 =	vimm.f32 $0.0e+00;
	v37 =	vimm.f32 $0.0e+00;
	v2 =	vld [tilespmem:s0+$0x12460]  }
.LBB2_23:
0x265: {  	p0 =	sne.s32 s18, $0xF80;
	v3 =	vld [tilespmem:s17+$0x0]  }
0x266: {  	v42 =	vld [tilespmem:s0+$0x12470]  }
0x267: {  	v43 =	vld [tilespmem:s0+$0x12800]  }
0x268: {  	v44 =	vld [tilespmem:s0+$0x12810]  }
0x269: {  	vm0 =	vgt.f32 v4, $5.000000000e-01;
	v4 =	vld [tilespmem:s0+$0x12820]  }
0x26a: {  	v31 =	vsel vm0, v3, v31;
	v22 =	vsel vm0, v39, v22;
	v19 =	vsel vm0, v41, v19;
	v3 =	vld [tilespmem:s0+$0x12830]  }
0x26b: {  	v20 =	vsel vm0, v40, v20;
	v39 =	vsub.f32 v31, v36;
	v41 =	vsub.f32 v22, v26;
	v40 =	vld [tilespmem:s0+$0x12840];
	v36 =	vmovc v31  }
0x26c: {  	v21 =	vsel vm0, v1, v21;
	v45 =	vsub.f32 v19, v29;
	v46 =	vsub.f32 v20, v35;
	v26 =	vmovc v22;
	v1 =	vld [tilespmem:s0+$0x12850]  }
0x26d: {  	v18 =	vsel vm0, v0, v18;
	v16 =	vsel vm0, v2, v16;
	v47 =	vsub.f32 v21, v33;
	v0 =	vld [tilespmem:s0+$0x12860];
	(xrf2) =	vadd.scan.msk.f32 $0xffff, v39  }
0x26e: {  	v2 =	vsub.f32 v18, v30;
	v15 =	vsel vm0, v42, v15;
	v29 =	vmovc v19;
	v39 =	vsub.f32 v16, v34;
	v42 =	vld [tilespmem:s0+$0x12870]  }
0x26f: {  	v35 =	vmovc v20;
	v48 =	vsub.f32 v15, v32;
	v13 =	vsel vm0, v43, v13;
	v11 =	vsel vm0, v44, v11  }
0x270: {  	v33 =	vmovc v21;
	v43 =	vsub.f32 v13, v28;
	v44 =	vsub.f32 v11, v27;
	v10 =	vsel vm0, v4, v10  }
0x271: {  	v30 =	vmovc v18;
	v4 =	vsub.f32 v10, v25;
	v9 =	vsel vm0, v3, v9;
	v8 =	vsel vm0, v40, v8  }
0x272: {  	v34 =	vmovc v16;
	v3 =	vsub.f32 v9, v24;
	v40 =	vsub.f32 v8, v23;
	v6 =	vsel vm0, v1, v6  }
0x273: {  	v32 =	vmovc v15;
	v1 =	vsub.f32 v6, v17;
	v7 =	vsel vm0, v0, v7;
	v5 =	vsel vm0, v42, v5  }
0x274: {  	v28 =	vmovc v13;
	v27 =	vmovc v11;
	v25 =	vmov v10;
	v0 =	vsub.f32 v7, v12;
	v42 =	vsub.f32 v5, v14  }
0x275: {  	v24 =	vmovc v9;
	v23 =	vmovc v8;
	v17 =	vmov v6;
	v12 =	vmov v7;
	v14 =	vmov v5;
	_ =	sdelay $0x1  }
0x276: {  	v49, _, _ =	vpop (xrf2)  }
0x277: {  	v49 =	vbroadcast v49, $0xF;
	_ =	sdelay $0x1  }
0x278: {  	vm1 =	vgt.f32 v49, $0.0e+00  }
0x279: {  	v49 =	vnsel vm1, $0x3F800000, v49  }
0x27a: {  	(erf) = vrcp.f32 v49;
	_ =	sdelay $0x1  }
0x27b: {  	v49 =	vld [tilespmem:s0+$0x12410];
	_ =	sdelay $0x4  }
0x27c: {  	v38 =	vsel vm0, v49, v38  }
0x27d: {  	v49 =	vsub.f32 v38, v37;
	v37 =	vmov v38  }
0x27e: {  	v50 =	vpop (erf)  }
0x27f: {  	v41 =	vmul.f32 v50, v41;
	v49 =	vmul.f32 v50, v49  }
0x280: {  	v45 =	vmul.f32 v50, v45;
	v46 =	vmul.f32 v46, v50  }
0x281: {  	v47 =	vmul.f32 v47, v50;
	v2 =	vmul.f32 v2, v50;
	[tilespmem:s0+$0x10410] =	vst v49  }
0x282: {  	v39 =	vmul.f32 v39, v50;
	[tilespmem:s0+$0x10400] =	vst v41;
	v41 =	vmul.f32 v48, v50  }
0x283: {  	v43 =	vmul.f32 v43, v50;
	v44 =	vmul.f32 v44, v50;
	[tilespmem:s0+$0x10420] =	vst v45  }
0x284: {  	v4 =	vmul.f32 v4, v50;
	v3 =	vmul.f32 v3, v50;
	[tilespmem:s0+$0x10430] =	vst v46  }
0x285: {  	v45 =	vmul.f32 v40, v50;
	v46 =	vmul.f32 v1, v50;
	[tilespmem:s0+$0x10440] =	vst v47  }
0x286: {  	v42 =	vmul.f32 v42, v50;
	[tilespmem:s0+$0x10450] =	vst v2;
	v2 =	vmul.f32 v0, v50  }
0x287: {  	[tilespmem:s0+$0x10460] =	vst v39  }
0x288: {  	s4 =	sadd.s32 $0x100, s4;
	[tilespmem:s0+$0x10470] =	vst v41  }
0x289: {  	s7 =	sand.u32 $0x380, s18;
	s5 =	sand.u32 $0x1800, s4;
	[tilespmem:s0+$0x10800] =	vst v43  }
0x28a: {  	s5 =	sor.u32 s7, s5;
	[tilespmem:s0+$0x10810] =	vst v44  }
0x28b: {  	v39 =	vld [tilespmem:s5+$0x12400];
	[tilespmem:s0+$0x10820] =	vst v4  }
0x28c: {  	v41 =	vld [tilespmem:s5+$0x12420];
	[tilespmem:s0+$0x10830] =	vst v3  }
.Ltmp15:
0x28d: {  	v40 =	vld [tilespmem:s5+$0x12430];
	[tilespmem:s0+$0x10840] =	vst v45;
	(pc) =	sbr.rel @p0 .LBB2_23-.Ltmp15, $4  }
0x28e: {  	v1 =	vld [tilespmem:s5+$0x12440];
	[tilespmem:s0+$0x10850] =	vst v46  }
0x28f: {  	v0 =	vld [tilespmem:s5+$0x12450];
	[tilespmem:s0+$0x10860] =	vst v2  }
0x290: {  	s6 =	sadd.s32 $0x80, s6;
	v2 =	vld [tilespmem:s5+$0x12460];
	[tilespmem:s0+$0x10870] =	vst v42;
	s0 =	smov.u32 s5  }
0x291: {  	s18 =	sadd.s32 $0x80, s18;
	s17 =	sadd.s32 $0x80, s17;
	v4 =	vld [tilespmem:s6+$0x0]  }
0x292: {  	v3 =	vld [tilespmem:s17+$0x0];
	_ =	sdelay $0x3  }
0x293: {  	vm0 =	vgt.f32 v4, $5.000000000e-01  }
0x294: {  	v3 =	vsel vm0, v3, v31  }
0x295: {  	v3 =	vsub.f32 v3, v36;
	_ =	sdelay $0x1  }
0x296: {  	(xrf2) =	vadd.scan.msk.f32 $0xffff, v3;
	_ =	sdelay $0x9  }
0x297: {  	v3, _, _ =	vpop (xrf2)  }
0x298: {  	v3 =	vbroadcast v3, $0xF;
	_ =	sdelay $0x1  }
0x299: {  	vm1 =	vgt.f32 v3, $0.0e+00  }
0x29a: {  	v3 =	vnsel vm1, $0x3F800000, v3  }
0x29b: {  	(erf) = vrcp.f32 v3;
	_ =	sdelay $0x1  }
0x29c: {  	v58 =	vld [tilespmem:s0+$0x12410];
	_ =	sdelay $0x4  }
0x29d: {  	v3 =	vsel vm0, v58, v38  }
0x29e: {  	v59 =	vld [tilespmem:s0+$0x12470];
	v22 =	vsel vm0, v39, v22;
	v3 =	vsub.f32 v3, v37  }
0x29f: {  	v60 =	vld [tilespmem:s0+$0x12800];
	v19 =	vsel vm0, v41, v19;
	v20 =	vsel vm0, v40, v20;
	v22 =	vsub.f32 v22, v26;
	v37 =	vpop (erf)  }
0x2a0: {  	v61 =	vld [tilespmem:s0+$0x12810];
	v1 =	vsel vm0, v1, v21;
	v19 =	vsub.f32 v19, v29;
	v3 =	vmul.f32 v37, v3  }
0x2a1: {  	v41 =	vld [tilespmem:s0+$0x12860];
	v0 =	vsel vm0, v0, v18;
	v20 =	vsub.f32 v20, v35;
	v22 =	vmul.f32 v37, v22  }
0x2a2: {  	v42 =	vld [tilespmem:s0+$0x12820];
	v2 =	vsel vm0, v2, v16;
	v1 =	vsub.f32 v1, v33;
	v45 =	vmul.f32 v37, v19;
	[tilespmem:s0+$0x10410] =	vst v3  }
0x2a3: {  	v43 =	vld [tilespmem:s0+$0x12830];
	v4 =	vsel vm0, v59, v15;
	v0 =	vsub.f32 v0, v30;
	v46 =	vmul.f32 v20, v37;
	[tilespmem:s0+$0x10400] =	vst v22  }
0x2a4: {  	v63 =	vld [tilespmem:s0+$0x12850];
	v13 =	vsel vm0, v60, v13;
	v2 =	vsub.f32 v2, v34;
	v1 =	vmul.f32 v1, v37;
	[tilespmem:s0+$0x10420] =	vst v45  }
0x2a5: {  	v62 =	vld [tilespmem:s0+$0x12840];
	v47 =	vsel vm0, v61, v11;
	v4 =	vsub.f32 v4, v32;
	v0 =	vmul.f32 v0, v37;
	[tilespmem:s0+$0x10430] =	vst v46  }
0x2a6: {  	v48 =	vsub.f32 v13, v28;
	v58 =	vsel vm0, v41, v7;
	v2 =	vmul.f32 v2, v37;
	[tilespmem:s0+$0x10440] =	vst v1  }
0x2a7: {  	v44 =	vld [tilespmem:s0+$0x12870];
	v50 =	vsel vm0, v42, v10;
	v60 =	vsub.f32 v58, v12;
	v4 =	vmul.f32 v4, v37;
	[tilespmem:s0+$0x10450] =	vst v0  }
0x2a8: {  	v54 =	vsel vm0, v43, v9;
	v49 =	vsub.f32 v47, v27;
	v55 =	vmul.f32 v48, v37;
	[tilespmem:s0+$0x10460] =	vst v2  }
0x2a9: {  	v57 =	vsel vm0, v63, v6;
	v53 =	vsub.f32 v50, v25;
	v63 =	vmul.f32 v60, v37;
	[tilespmem:s0+$0x10470] =	vst v4  }
0x2aa: {  	v56 =	vsel vm0, v62, v8;
	v3 =	vsub.f32 v54, v24;
	v1 =	vmul.f32 v49, v37;
	[tilespmem:s0+$0x10800] =	vst v55  }
0x2ab: {  	v2 =	vsub.f32 v56, v23;
	v0 =	vmul.f32 v53, v37;
	[tilespmem:s0+$0x10860] =	vst v63  }
0x2ac: {  	v59 =	vsel vm0, v44, v5;
	v4 =	vsub.f32 v57, v17;
	v3 =	vmul.f32 v3, v37;
	[tilespmem:s0+$0x10810] =	vst v1  }
0x2ad: {  	v61 =	vsub.f32 v59, v14;
	v2 =	vmul.f32 v2, v37;
	[tilespmem:s0+$0x10820] =	vst v0  }
0x2ae: {  	v62 =	vmul.f32 v4, v37;
	[tilespmem:s0+$0x10830] =	vst v3  }
0x2af: {  	v0 =	vmul.f32 v61, v37;
	[tilespmem:s0+$0x10840] =	vst v2  }
0x2b0: {  	[tilespmem:s0+$0x10850] =	vst v62  }
0x2b1: {  	s30 =	rddreg [dreg:$0x9];
	s4 =	simm.s32 $0x10400;
	[tilespmem:s0+$0x10870] =	vst v0  }
0x2b2: {  	[hbm4b:s30+s11] =	stream.linear.scatter [tilespmem:s4], [sflag:$0x3], $0x2000, $0x38;
	[tilespmem:$0x16580] =	vst v63  }
0x2b3: {  	_ =	swait.ge [sflag:s12], $0x2000  }
0x2b4: {  	s13 =	sadd.s32 $0x1, s13;
	s31 =	rddreg [dreg:$0xa]  }
0x2b5: {  	p0 =	sne.s32 s13, s31  }
.Ltmp16:
0x2b6: {  	_ = 	snop;
	(pc) =	sbr.rel @p0 .LBB2_1-.Ltmp16, $3  }
0x2b7: {  	_ =	sdelay $0x1  }
0x2b8: {  	[sflag:s12] =	ssyncset.done $0x0  }
0x2b9: {  	[sflag:s12] =	ssyncadd.s32 $0xFFFFE000  }
0x2ba: {  	_ =	sfence.sel $0x180000  }
0x2bb: {  	[bflag:$0x0] =	sbarrier.arrive $0xFFFF  }
0x2bc: {  	_ =	strace $0x90000047  }
0x2bd: {  	s0 =	stileid.u32;
	[bflag:$0x2] =	sbarrier.arrive $0xFFFF  }
0x2be: {  	p0 =	sne.s32 s0, $0x0;
	s0 =	rddreg [dreg:$0x6]  }
0x2bf: {  	s0 =	sadd.s32 @!p0 $0x100000, s0  }
0x2c0: {  	[sflag:s0] =	ssyncadd.tile.s32 @!p0 $0x1;
	_ =	shalt  }
.Lfunc_end2:
_tile_overlayer_lowered:
.L_overlay_start_2:
0x2c1: {  	(tag) =	ssettag $0x2  }
0x2c2: {  	s0 =	rddreg [dreg:$0x0];
	s2 =	stileid.u32  }
0x2c3: {  	s1 =	rddreg [dreg:$0x1];
	p0 =	sne.s32 s2, $0x0  }
0x2c4: {  	s3 =	rddreg [dreg:$0x2];
	[bflag:$0x3] =	sbarrier.arrive $0xFFFF;
	s2 =	simm.s32 @!p0 $0x1C03  }
0x2c5: {  	[timem:s3], [sflag:s2] =	dma.local @!p0 [hbm:s0], s1  }
0x2c6: {  	s0 =	simm.s32 @!p0 $0x3  }
0x2c7: {  	_ =	swait.ge @!p0 [sflag:s0], s1  }
0x2c8: {  	s1 =	ssub.s32 @!p0 $0x0, s1;
	[sflag:s0] =	ssyncset.done @!p0 $0x0  }
0x2c9: {  	[sflag:s0] =	ssyncadd.s32 @!p0 s1  }
0x2ca: {  	[bflag:$0x3] =	sbarrier.arrive $0xFFFF  }
0x2cb: {  	_ =	shalt  }

</sc_bundles>
